<compile_context>
chip_gen: v7x
topology: tpu7x:2x2x1
jax: 0.10.2.dev20260603
libtpu: 0.0.44.dev20260713+nightly
codegen_flags: <defaults>
</compile_context>

<pallas_src>
import functools

import jax
import jax.numpy as jnp
from jax import lax
from jax.experimental import pallas as pl
from jax.experimental.pallas import tpu as pltpu
from jax.experimental.pallas import tpu_sc as plsc

N = 10000
E = 320000
D = 128
H = 128

NC = 2
NS = 16
NW = NC * NS
LANES = 16

RB = 1000
NB = N // RB

E_PER_TILE32 = E // NW
E_PER_TILE16 = E // NS
ROWS_PER_TILE = N // NS
K1 = 125
NCHUNK1 = E_PER_TILE16 // K1
NBUF = 5

_mesh = plsc.VectorSubcoreMesh(core_axis_name="c", subcore_axis_name="s")


def _deg_body(dst_hbm, zeros_hbm, out_hbm, idx_v, deg_v):
    c = lax.axis_index("c")
    s = lax.axis_index("s")
    wid = s * NC + c
    base = wid * E_PER_TILE32
    pltpu.sync_copy(zeros_hbm, deg_v)
    pltpu.sync_copy(dst_hbm.at[pl.ds(base, E_PER_TILE32)], idx_v)
    ones = jnp.full((LANES,), 1.0, dtype=jnp.float32)

    def body(i, _):
        idx = idx_v[pl.ds(i * LANES, LANES)]
        plsc.addupdate_scatter(deg_v, [idx], ones)
        return 0

    lax.fori_loop(0, E_PER_TILE32 // LANES, body, 0)
    pltpu.sync_copy(deg_v, out_hbm.at[wid])


@functools.partial(
    pl.kernel,
    out_type=jax.ShapeDtypeStruct((NW, N), jnp.float32),
    mesh=_mesh,
    scratch_types=[
        pltpu.VMEM((E_PER_TILE32,), jnp.int32),
        pltpu.VMEM((N,), jnp.float32),
    ],
    compiler_params=pltpu.CompilerParams(needs_layout_passes=False, use_tc_tiling_on_sc=False),
)
def _deg_kernel(dst_hbm, zeros_hbm, out_hbm, idx_v, deg_v):
    _deg_body(dst_hbm, zeros_hbm, out_hbm, idx_v, deg_v)


def _agg_body(hs_hbm, srcoff_hbm, dst_hbm, out_hbm, sidx_v, didx_v, rows_v,
              agg_s, sem_g, sem_s):
    c = lax.axis_index("c")
    s = lax.axis_index("s")
    pltpu.sync_copy(srcoff_hbm.at[c, s], sidx_v)
    pltpu.sync_copy(dst_hbm.at[s], didx_v)
    r0 = s * ROWS_PER_TILE
    pltpu.sync_copy(hs_hbm.at[pl.ds(c * N + r0, ROWS_PER_TILE)],
                    agg_s.at[pl.ds(r0, ROWS_PER_TILE)])
    plsc.subcore_barrier()

    for b in range(NBUF):
        pltpu.async_copy(hs_hbm.at[sidx_v.at[b]], rows_v.at[b], sem_g[b])

    def body(i, _):
        jbase = i * NBUF
        for b in range(NBUF):
            j = jbase + b
            pltpu.make_async_copy(hs_hbm.at[sidx_v.at[j]], rows_v.at[b],
                                  sem_g[b]).wait()
            pltpu.async_copy(rows_v.at[b], agg_s.at[didx_v.at[j]], sem_s[b],
                             add=True)
        for b in range(NBUF):
            j = jbase + b
            jn = j + NBUF

            @pl.when(jn < NCHUNK1)
            def _():
                pltpu.make_async_copy(rows_v.at[b], agg_s.at[didx_v.at[j]],
                                      sem_s[b]).wait()
                pltpu.async_copy(hs_hbm.at[sidx_v.at[jn]], rows_v.at[b],
                                 sem_g[b])

        return 0

    lax.fori_loop(0, NCHUNK1 // NBUF, body, 0)
    for b in range(NBUF):
        pltpu.make_async_copy(rows_v.at[b], agg_s.at[didx_v.at[0]],
                              sem_s[b]).wait()
    plsc.subcore_barrier()
    pltpu.sync_copy(agg_s.at[pl.ds(r0, ROWS_PER_TILE)],
                    out_hbm.at[pl.ds(c * N + r0, ROWS_PER_TILE)])


@functools.partial(
    pl.kernel,
    out_type=jax.ShapeDtypeStruct((2 * N, 64), jnp.float32),
    mesh=_mesh,
    scratch_types=[
        pltpu.VMEM((NCHUNK1, K1), jnp.int32),
        pltpu.VMEM((NCHUNK1, K1), jnp.int32),
        pltpu.VMEM((NBUF, K1, 64), jnp.float32),
        pltpu.VMEM_SHARED((N, 64), jnp.float32),
        [pltpu.SemaphoreType.DMA] * NBUF,
        [pltpu.SemaphoreType.DMA] * NBUF,
    ],
    compiler_params=pltpu.CompilerParams(needs_layout_passes=False, use_tc_tiling_on_sc=False),
)
def _agg_kernel(hs_hbm, srcoff_hbm, dst_hbm, out_hbm, sidx_v, didx_v, rows_v,
                agg_s, sem_g, sem_s):
    _agg_body(hs_hbm, srcoff_hbm, dst_hbm, out_hbm, sidx_v, didx_v, rows_v,
              agg_s, sem_g, sem_s)


NPAD = 10240
STRIP = NPAD // NW


def _aggz_body(zs_hbm, src_hbm, dst_hbm, zeros_hbm, dinv_hbm, cb_hbm, out_hbm,
               zs_v, sidx_v, didx_v, acc_v, blk_v, dinv_v, cb_v, out_v,
               stage_s):
    c = lax.axis_index("c")
    s = lax.axis_index("s")
    ebase = s * E_PER_TILE16
    pltpu.sync_copy(zeros_hbm, acc_v)
    pltpu.sync_copy(zs_hbm, zs_v)
    pltpu.sync_copy(src_hbm.at[pl.ds(ebase, E_PER_TILE16)], sidx_v)
    pltpu.sync_copy(dst_hbm.at[pl.ds(ebase, E_PER_TILE16)], didx_v)

    def body(i, _):
        sl = pl.ds(i * LANES, LANES)
        vals = plsc.load_gather(zs_v, [sidx_v[sl]])
        plsc.addupdate_scatter(acc_v, [didx_v[sl]], vals)
        return 0

    lax.fori_loop(0, E_PER_TILE16 // LANES, body, 0)
    pltpu.sync_copy(acc_v, stage_s.at[s])
    plsc.subcore_barrier()

    r0 = c * (NPAD // 2) + s * STRIP
    pltpu.sync_copy(stage_s.at[:, pl.ds(r0, STRIP)], blk_v)
    pltpu.sync_copy(dinv_hbm.at[pl.ds(r0, STRIP)], dinv_v)
    pltpu.sync_copy(cb_hbm.at[pl.ds(0, LANES)], cb_v)
    cb = cb_v[...]
    for g in range(STRIP // LANES):
        gl = pl.ds(g * LANES, LANES)
        tot = zs_v[pl.ds(r0 + g * LANES, LANES)]
        for t in range(NS):
            tot = tot + blk_v[t, gl]
        out_v[gl] = tot * dinv_v[gl] + cb
    pltpu.sync_copy(out_v, out_hbm.at[pl.ds(r0, STRIP)])


@functools.partial(
    pl.kernel,
    out_type=jax.ShapeDtypeStruct((NPAD,), jnp.float32),
    mesh=_mesh,
    scratch_types=[
        pltpu.VMEM((NPAD,), jnp.float32),
        pltpu.VMEM((E_PER_TILE16,), jnp.int32),
        pltpu.VMEM((E_PER_TILE16,), jnp.int32),
        pltpu.VMEM((NPAD,), jnp.float32),
        pltpu.VMEM((NS, STRIP), jnp.float32),
        pltpu.VMEM((STRIP,), jnp.float32),
        pltpu.VMEM((LANES,), jnp.float32),
        pltpu.VMEM((STRIP,), jnp.float32),
        pltpu.VMEM_SHARED((NS, NPAD), jnp.float32),
    ],
    compiler_params=pltpu.CompilerParams(needs_layout_passes=False, use_tc_tiling_on_sc=False),
)
def _aggz_kernel(zs_hbm, src_hbm, dst_hbm, zeros_hbm, dinv_hbm, cb_hbm,
                 out_hbm, zs_v, sidx_v, didx_v, acc_v, blk_v, dinv_v, cb_v,
                 out_v, stage_s):
    _aggz_body(zs_hbm, src_hbm, dst_hbm, zeros_hbm, dinv_hbm, cb_hbm, out_hbm,
               zs_v, sidx_v, didx_v, acc_v, blk_v, dinv_v, cb_v, out_v,
               stage_s)


def _tc1_body(x_ref, w1_ref, part_ref, hs_ref, dinv_ref):
    deg = jnp.sum(part_ref[0], axis=0) + 1.0
    dinv = lax.rsqrt(deg)
    y = jnp.dot(x_ref[0], w1_ref[0], preferred_element_type=jnp.float32)
    hs_ref[...] = y * dinv[:, None]
    dinv_ref[0, 0, :] = dinv


def _tc1(x3, w1, parts3):
    return pl.pallas_call(
        _tc1_body,
        grid=(NB, 2),
        in_specs=[
            pl.BlockSpec((1, RB, D), lambda i, h: (i, 0, 0)),
            pl.BlockSpec((1, D, 64), lambda i, h: (h, 0, 0)),
            pl.BlockSpec((1, NW, RB), lambda i, h: (i, 0, 0)),
        ],
        out_specs=[
            pl.BlockSpec((RB, 64), lambda i, h: (h * NB + i, 0)),
            pl.BlockSpec((1, 1, RB), lambda i, h: (i, 0, 0)),
        ],
        out_shape=[
            jax.ShapeDtypeStruct((2 * N, 64), jnp.float32),
            jax.ShapeDtypeStruct((NB, 1, RB), jnp.float32),
        ],
    )(x3, w1, parts3)


def _tc2_body(a0_ref, a1_ref, dinv_ref, b1_ref, w2_ref, wo_ref, b2_ref,
              bout_ref, zs_ref, cb_ref):
    dinv = dinv_ref[0, 0, :]
    b1 = b1_ref[...]
    h0 = jnp.maximum(a0_ref[...] * dinv[:, None] + b1[None, :64], 0.0)
    h1 = jnp.maximum(a1_ref[...] * dinv[:, None] + b1[None, 64:], 0.0)
    wo = wo_ref[...][:, 0]
    w2o = jnp.sum(w2_ref[...] * wo[None, :], axis=1)
    z = (jnp.sum(h0 * w2o[None, :64], axis=1)
         + jnp.sum(h1 * w2o[None, 64:], axis=1))
    zs_ref[0, 0, :] = z * dinv
    cb = jnp.sum(b2_ref[...] * wo) + bout_ref[0]
    cb_ref[...] = jnp.full((H,), cb, dtype=jnp.float32)


def _tc2(agg, dinv2, b1, w2, wout, b2, bout):
    return pl.pallas_call(
        _tc2_body,
        grid=(NB,),
        in_specs=[
            pl.BlockSpec((RB, 64), lambda i: (i, 0)),
            pl.BlockSpec((RB, 64), lambda i: (NB + i, 0)),
            pl.BlockSpec((1, 1, RB), lambda i: (i, 0, 0)),
            pl.BlockSpec((H,), lambda i: (0,)),
            pl.BlockSpec((H, H), lambda i: (0, 0)),
            pl.BlockSpec((H, 1), lambda i: (0, 0)),
            pl.BlockSpec((H,), lambda i: (0,)),
            pl.BlockSpec((1,), lambda i: (0,)),
        ],
        out_specs=[
            pl.BlockSpec((1, 1, RB), lambda i: (i, 0, 0)),
            pl.BlockSpec((H,), lambda i: (0,)),
        ],
        out_shape=[
            jax.ShapeDtypeStruct((NB, 1, RB), jnp.float32),
            jax.ShapeDtypeStruct((H,), jnp.float32),
        ],
    )(agg, agg, dinv2, b1, w2, wout, b2, bout)


@jax.jit
def kernel(x, edge_index, W1, b1, W2, b2, Wout, bout):
    src = edge_index[0].astype(jnp.int32)
    dst = edge_index[1].astype(jnp.int32)
    srcoff = jnp.stack([src, src + N])
    zeros_n = jnp.zeros((N,), jnp.float32)

    w1s = jnp.transpose(W1.reshape(D, 2, 64), (1, 0, 2))
    deg_parts = _deg_kernel(dst, zeros_n)
    hs, dinv2 = _tc1(x.reshape(NB, RB, D), w1s,
                     deg_parts.reshape(NW, NB, RB).transpose(1, 0, 2))
    agg = _agg_kernel(hs, srcoff.reshape(2, NS, NCHUNK1, K1),
                      dst.reshape(NS, NCHUNK1, K1))
    zs2, cb_arr = _tc2(agg, dinv2, b1, W2, Wout, b2, bout)
    pad = jnp.zeros((NPAD - N,), jnp.float32)
    zs_pad = jnp.concatenate([zs2.reshape(N), pad])
    dinv_pad = jnp.concatenate([dinv2.reshape(N), pad])
    zeros_p = jnp.zeros((NPAD,), jnp.float32)
    out_pad = _aggz_kernel(zs_pad, src, dst, zeros_p, dinv_pad, cb_arr)
    return out_pad[:N]

# --- scband reference (transcript-rebuilt; emitter-appended) ---
"""Pipeline reference for scband-two-gcn-30193620091066 (READ-ONLY COPY).

The authoritative reference and input builder live on the scoring server;
editing this copy changes nothing except your own understanding.
"""

import jax, jax.numpy as jnp
import numpy as np

N_NODES = 10000
N_EDGES = 320000
D_IN = 128
H = 128


def gcn_conv(x, edge_index, W, b, num_nodes):
    src = edge_index[0]
    dst = edge_index[1]
    loop = jnp.arange(num_nodes, dtype=edge_index.dtype)
    src = jnp.concatenate([src, loop])
    dst = jnp.concatenate([dst, loop])
    deg = jnp.zeros((num_nodes,), dtype=x.dtype).at[dst].add(1.0)
    dinv = jnp.where(deg > 0, 1.0 / jnp.sqrt(deg), 0.0)
    norm = dinv[src] * dinv[dst]
    h = x @ W
    msgs = h[src] * norm[:, None]
    out = jnp.zeros((num_nodes, h.shape[1]), dtype=h.dtype).at[dst].add(msgs)
    return out + b


def setup_inputs(seed: int = 0) -> dict:
    key = jax.random.key(seed)
    k_x, k_ei, k_w1, k_w2, k_wo = jax.random.split(key, 5)
    x = jax.random.normal(k_x, (N_NODES, D_IN), dtype=jnp.float32)
    edge_index = jax.random.randint(k_ei, (2, N_EDGES), 0, N_NODES, dtype=jnp.int64)
    s1 = 1.0 / np.sqrt(D_IN)
    s2 = 1.0 / np.sqrt(H)
    W1 = jax.random.uniform(k_w1, (D_IN, H), dtype=jnp.float32, minval=-s1, maxval=s1)
    b1 = jnp.zeros((H,), dtype=jnp.float32)
    W2 = jax.random.uniform(k_w2, (H, H), dtype=jnp.float32, minval=-s2, maxval=s2)
    b2 = jnp.zeros((H,), dtype=jnp.float32)
    Wout = jax.random.uniform(k_wo, (H, 1), dtype=jnp.float32, minval=-s2, maxval=s2)
    bout = jnp.zeros((1,), dtype=jnp.float32)
    return {"x": x, "edge_index": edge_index, "W1": W1, "b1": b1, "W2": W2, "b2": b2, "Wout": Wout, "bout": bout}


def reference(x, edge_index, W1, b1, W2, b2, Wout, bout):
    h = jax.nn.relu(gcn_conv(x, edge_index, W1, b1, N_NODES))
    h = gcn_conv(h, edge_index, W2, b2, N_NODES)
    out = h @ Wout + bout
    return out.squeeze(-1)

if __name__ == "__main__":
    import jax
    _d = setup_inputs()
    print(jax.jit(kernel)(*tuple(_d.values())))

</pallas_src>

<mosaic_0001>
#map = affine_map<(d0, d1) -> (0)>
#map1 = affine_map<(d0, d1) -> (0, 0)>
module attributes {stable_mosaic.version = 14 : i64} {
  func.func @_deg_kernel(%arg0: i32, %arg1: i32, %arg2: memref<320000xi32, #tpu.memory_space<hbm>>, %arg3: memref<10000xf32, #tpu.memory_space<hbm>>, %arg4: memref<32x10000xf32, #tpu.memory_space<hbm>>, %arg5: memref<10000xi32, #tpu.memory_space<vmem>>, %arg6: memref<10000xf32, #tpu.memory_space<vmem>>) attributes {dimension_semantics = [#tpu.dimension_semantics<core_parallel>, #tpu.dimension_semantics<subcore_parallel>], iteration_bounds = array<i64: 2, 16>, scalar_prefetch = 0 : i64, scratch_operands = 2 : i64, tpu.core_type = #tpu.core_type<sc_vector_subcore>, window_params = [{transform_indices = #map}, {transform_indices = #map}, {transform_indices = #map1}]} {
    %mul3A = arith.constant 2 : i32
    %mul3A_0 = arith.muli %arg1, %mul3A : i32
    %add3A = arith.addi %mul3A_0, %arg0 : i32
    %mul3A_1 = arith.constant 10000 : i32
    %mul3A_2 = arith.muli %add3A, %mul3A_1 : i32
    "tpu.region"() ({
      %run_scoped3A = tpu.sem_alloc : memref<!tpu.dma_semaphore, #tpu.memory_space<semaphore_mem>>
      tpu.enqueue_dma source(%arg3 : memref<10000xf32, #tpu.memory_space<hbm>>) target(%arg6 : memref<10000xf32, #tpu.memory_space<vmem>>) target_semaphore(%run_scoped3A : memref<!tpu.dma_semaphore, #tpu.memory_space<semaphore_mem>>)
      tpu.wait_dma2 semaphore(%run_scoped3A : memref<!tpu.dma_semaphore, #tpu.memory_space<semaphore_mem>>) src(%arg3 : memref<10000xf32, #tpu.memory_space<hbm>>) dst(%arg6 : memref<10000xf32, #tpu.memory_space<vmem>>)
      tpu.yield
    }) : () -> ()
    "tpu.region"() ({
      %run_scoped3A = tpu.sem_alloc : memref<!tpu.dma_semaphore, #tpu.memory_space<semaphore_mem>>
      %dma_start3A = tpu.memref_slice %arg2[%mul3A_2] : memref<320000xi32, #tpu.memory_space<hbm>> -> memref<10000xi32, #tpu.memory_space<hbm>>
      %dma_start3A_10 = tpu.memref_slice %arg2[%mul3A_2] : memref<320000xi32, #tpu.memory_space<hbm>> -> memref<10000xi32, #tpu.memory_space<hbm>>
      tpu.enqueue_dma source(%dma_start3A_10 : memref<10000xi32, #tpu.memory_space<hbm>>) target(%arg5 : memref<10000xi32, #tpu.memory_space<vmem>>) target_semaphore(%run_scoped3A : memref<!tpu.dma_semaphore, #tpu.memory_space<semaphore_mem>>)
      %dma_wait3A = tpu.memref_slice %arg2[%mul3A_2] : memref<320000xi32, #tpu.memory_space<hbm>> -> memref<10000xi32, #tpu.memory_space<hbm>>
      %dma_wait3A_11 = tpu.memref_slice %arg2[%mul3A_2] : memref<320000xi32, #tpu.memory_space<hbm>> -> memref<10000xi32, #tpu.memory_space<hbm>>
      tpu.wait_dma2 semaphore(%run_scoped3A : memref<!tpu.dma_semaphore, #tpu.memory_space<semaphore_mem>>) src(%dma_wait3A_11 : memref<10000xi32, #tpu.memory_space<hbm>>) dst(%arg5 : memref<10000xi32, #tpu.memory_space<vmem>>)
      tpu.yield
    }) : () -> ()
    %broadcast_in_dim3A = arith.constant 1.000000e+00 : f32
    %broadcast_in_dim3A_3 = vector.broadcast %broadcast_in_dim3A : f32 to vector<16xf32>
    %scan3A = arith.constant 0 : i32
    %scan3A_4 = arith.constant 0 : i32
    %scan3A_5 = arith.constant 625 : i32
    %scan3A_6 = arith.addi %scan3A_4, %scan3A_5 : i32
    %scan3A_7 = arith.constant 1 : i32
    %scan3A_8 = scf.for %scan3A_10 = %scan3A_4 to %scan3A_6 step %scan3A_7 iter_args(%scan3A_11 = %scan3A) -> (i32)  : i32 {
      %mul3A_12 = arith.constant 16 : i32
      %mul3A_13 = arith.muli %scan3A_10, %mul3A_12 : i32
      %get3A = arith.index_cast %mul3A_13 : i32 to index
      %get3A_14 = tpu.vector_load %arg5[%get3A] {strides = array<i32>} : memref<10000xi32, #tpu.memory_space<vmem>>, vector<16xi32>,
      tpu.vector_store_idx %arg6[%get3A_14], %broadcast_in_dim3A_3 {add = true} : memref<10000xf32, #tpu.memory_space<vmem>>[vector<16xi32>], vector<16xf32>,
      %scan3A_15 = arith.constant 0 : i32
      scf.yield %scan3A_15 : i32
    }
    %scan3A_9 = arith.constant 625 : i32
    "tpu.region"() ({
      %run_scoped3A = tpu.sem_alloc : memref<!tpu.dma_semaphore, #tpu.memory_space<semaphore_mem>>
      %dma_start3A = arith.constant 0 : i32
      %dma_start3A_10 = tpu.memref_slice %arg4[%add3A, %dma_start3A] : memref<32x10000xf32, #tpu.memory_space<hbm>> -> memref<1x10000xf32, #tpu.memory_space<hbm>>
      %dma_start3A_11 = tpu.memref_squeeze %dma_start3A_10 : memref<1x10000xf32, #tpu.memory_space<hbm>> -> memref<10000xf32, #tpu.memory_space<hbm>>
      %dma_start3A_12 = arith.constant 0 : i32
      %dma_start3A_13 = tpu.memref_slice %arg4[%add3A, %dma_start3A_12] : memref<32x10000xf32, #tpu.memory_space<hbm>> -> memref<1x10000xf32, #tpu.memory_space<hbm>>
      %dma_start3A_14 = tpu.memref_squeeze %dma_start3A_13 : memref<1x10000xf32, #tpu.memory_space<hbm>> -> memref<10000xf32, #tpu.memory_space<hbm>>
      tpu.enqueue_dma source(%arg6 : memref<10000xf32, #tpu.memory_space<vmem>>) target(%dma_start3A_14 : memref<10000xf32, #tpu.memory_space<hbm>>) target_semaphore(%run_scoped3A : memref<!tpu.dma_semaphore, #tpu.memory_space<semaphore_mem>>)
      %dma_wait3A = arith.constant 0 : i32
      %dma_wait3A_15 = tpu.memref_slice %arg4[%add3A, %dma_wait3A] : memref<32x10000xf32, #tpu.memory_space<hbm>> -> memref<1x10000xf32, #tpu.memory_space<hbm>>
      %dma_wait3A_16 = tpu.memref_squeeze %dma_wait3A_15 : memref<1x10000xf32, #tpu.memory_space<hbm>> -> memref<10000xf32, #tpu.memory_space<hbm>>
      %dma_wait3A_17 = arith.constant 0 : i32
      %dma_wait3A_18 = tpu.memref_slice %arg4[%add3A, %dma_wait3A_17] : memref<32x10000xf32, #tpu.memory_space<hbm>> -> memref<1x10000xf32, #tpu.memory_space<hbm>>
      %dma_wait3A_19 = tpu.memref_squeeze %dma_wait3A_18 : memref<1x10000xf32, #tpu.memory_space<hbm>> -> memref<10000xf32, #tpu.memory_space<hbm>>
      tpu.wait_dma2 semaphore(%run_scoped3A : memref<!tpu.dma_semaphore, #tpu.memory_space<semaphore_mem>>) src(%arg6 : memref<10000xf32, #tpu.memory_space<vmem>>) dst(%dma_wait3A_19 : memref<10000xf32, #tpu.memory_space<hbm>>)
      tpu.yield
    }) : () -> ()
    return
  }
}

#map = affine_map<(d0, d1) -> (0)>
module attributes {stable_mosaic.version = 14 : i64} {
  func.func @_aggz_kernel(%arg0: i32, %arg1: i32, %arg2: memref<10240xf32, #tpu.memory_space<hbm>>, %arg3: memref<320000xi32, #tpu.memory_space<hbm>>, %arg4: memref<320000xi32, #tpu.memory_space<hbm>>, %arg5: memref<10240xf32, #tpu.memory_space<hbm>>, %arg6: memref<10240xf32, #tpu.memory_space<hbm>>, %arg7: memref<128xf32, #tpu.memory_space<hbm>>, %arg8: memref<10240xf32, #tpu.memory_space<hbm>>, %arg9: memref<10240xf32, #tpu.memory_space<vmem>>, %arg10: memref<20000xi32, #tpu.memory_space<vmem>>, %arg11: memref<20000xi32, #tpu.memory_space<vmem>>, %arg12: memref<10240xf32, #tpu.memory_space<vmem>>, %arg13: memref<16x320xf32, #tpu.memory_space<vmem>>, %arg14: memref<320xf32, #tpu.memory_space<vmem>>, %arg15: memref<16xf32, #tpu.memory_space<vmem>>, %arg16: memref<320xf32, #tpu.memory_space<vmem>>, %arg17: memref<16x10240xf32, #tpu.memory_space<vmem_shared>>) attributes {dimension_semantics = [#tpu.dimension_semantics<core_parallel>, #tpu.dimension_semantics<subcore_parallel>], iteration_bounds = array<i64: 2, 16>, scalar_prefetch = 0 : i64, scratch_operands = 9 : i64, tpu.core_type = #tpu.core_type<sc_vector_subcore>, window_params = [{transform_indices = #map}, {transform_indices = #map}, {transform_indices = #map}, {transform_indices = #map}, {transform_indices = #map}, {transform_indices = #map}, {transform_indices = #map}]} {
    %mul3A = arith.constant 20000 : i32
    %mul3A_0 = arith.muli %arg1, %mul3A : i32
    "tpu.region"() ({
      %run_scoped3A = tpu.sem_alloc : memref<!tpu.dma_semaphore, #tpu.memory_space<semaphore_mem>>
      tpu.enqueue_dma source(%arg5 : memref<10240xf32, #tpu.memory_space<hbm>>) target(%arg12 : memref<10240xf32, #tpu.memory_space<vmem>>) target_semaphore(%run_scoped3A : memref<!tpu.dma_semaphore, #tpu.memory_space<semaphore_mem>>)
      tpu.wait_dma2 semaphore(%run_scoped3A : memref<!tpu.dma_semaphore, #tpu.memory_space<semaphore_mem>>) src(%arg5 : memref<10240xf32, #tpu.memory_space<hbm>>) dst(%arg12 : memref<10240xf32, #tpu.memory_space<vmem>>)
      tpu.yield
    }) : () -> ()
    "tpu.region"() ({
      %run_scoped3A = tpu.sem_alloc : memref<!tpu.dma_semaphore, #tpu.memory_space<semaphore_mem>>
      tpu.enqueue_dma source(%arg2 : memref<10240xf32, #tpu.memory_space<hbm>>) target(%arg9 : memref<10240xf32, #tpu.memory_space<vmem>>) target_semaphore(%run_scoped3A : memref<!tpu.dma_semaphore, #tpu.memory_space<semaphore_mem>>)
      tpu.wait_dma2 semaphore(%run_scoped3A : memref<!tpu.dma_semaphore, #tpu.memory_space<semaphore_mem>>) src(%arg2 : memref<10240xf32, #tpu.memory_space<hbm>>) dst(%arg9 : memref<10240xf32, #tpu.memory_space<vmem>>)
      tpu.yield
    }) : () -> ()
    "tpu.region"() ({
      %run_scoped3A = tpu.sem_alloc : memref<!tpu.dma_semaphore, #tpu.memory_space<semaphore_mem>>
      %dma_start3A = tpu.memref_slice %arg3[%mul3A_0] : memref<320000xi32, #tpu.memory_space<hbm>> -> memref<20000xi32, #tpu.memory_space<hbm>>
      %dma_start3A_1811 = tpu.memref_slice %arg3[%mul3A_0] : memref<320000xi32, #tpu.memory_space<hbm>> -> memref<20000xi32, #tpu.memory_space<hbm>>
      tpu.enqueue_dma source(%dma_start3A_1811 : memref<20000xi32, #tpu.memory_space<hbm>>) target(%arg10 : memref<20000xi32, #tpu.memory_space<vmem>>) target_semaphore(%run_scoped3A : memref<!tpu.dma_semaphore, #tpu.memory_space<semaphore_mem>>)
      %dma_wait3A = tpu.memref_slice %arg3[%mul3A_0] : memref<320000xi32, #tpu.memory_space<hbm>> -> memref<20000xi32, #tpu.memory_space<hbm>>
      %dma_wait3A_1812 = tpu.memref_slice %arg3[%mul3A_0] : memref<320000xi32, #tpu.memory_space<hbm>> -> memref<20000xi32, #tpu.memory_space<hbm>>
      tpu.wait_dma2 semaphore(%run_scoped3A : memref<!tpu.dma_semaphore, #tpu.memory_space<semaphore_mem>>) src(%dma_wait3A_1812 : memref<20000xi32, #tpu.memory_space<hbm>>) dst(%arg10 : memref<20000xi32, #tpu.memory_space<vmem>>)
      tpu.yield
    }) : () -> ()
    "tpu.region"() ({
      %run_scoped3A = tpu.sem_alloc : memref<!tpu.dma_semaphore, #tpu.memory_space<semaphore_mem>>
      %dma_start3A = tpu.memref_slice %arg4[%mul3A_0] : memref<320000xi32, #tpu.memory_space<hbm>> -> memref<20000xi32, #tpu.memory_space<hbm>>
      %dma_start3A_1811 = tpu.memref_slice %arg4[%mul3A_0] : memref<320000xi32, #tpu.memory_space<hbm>> -> memref<20000xi32, #tpu.memory_space<hbm>>
      tpu.enqueue_dma source(%dma_start3A_1811 : memref<20000xi32, #tpu.memory_space<hbm>>) target(%arg11 : memref<20000xi32, #tpu.memory_space<vmem>>) target_semaphore(%run_scoped3A : memref<!tpu.dma_semaphore, #tpu.memory_space<semaphore_mem>>)
      %dma_wait3A = tpu.memref_slice %arg4[%mul3A_0] : memref<320000xi32, #tpu.memory_space<hbm>> -> memref<20000xi32, #tpu.memory_space<hbm>>
      %dma_wait3A_1812 = tpu.memref_slice %arg4[%mul3A_0] : memref<320000xi32, #tpu.memory_space<hbm>> -> memref<20000xi32, #tpu.memory_space<hbm>>
      tpu.wait_dma2 semaphore(%run_scoped3A : memref<!tpu.dma_semaphore, #tpu.memory_space<semaphore_mem>>) src(%dma_wait3A_1812 : memref<20000xi32, #tpu.memory_space<hbm>>) dst(%arg11 : memref<20000xi32, #tpu.memory_space<vmem>>)
      tpu.yield
    }) : () -> ()
    %scan3A = arith.constant 0 : i32
    %scan3A_1 = arith.constant 0 : i32
    %scan3A_2 = arith.constant 1250 : i32
    %scan3A_3 = arith.addi %scan3A_1, %scan3A_2 : i32
    %scan3A_4 = arith.constant 1 : i32
    %scan3A_5 = scf.for %scan3A_1811 = %scan3A_1 to %scan3A_3 step %scan3A_4 iter_args(%scan3A_1812 = %scan3A) -> (i32)  : i32 {
      %mul3A_1813 = arith.constant 16 : i32
      %mul3A_1814 = arith.muli %scan3A_1811, %mul3A_1813 : i32
      %get3A_1815 = arith.index_cast %mul3A_1814 : i32 to index
      %get3A_1816 = tpu.vector_load %arg10[%get3A_1815] {strides = array<i32>} : memref<20000xi32, #tpu.memory_space<vmem>>, vector<16xi32>,
      %gather3A = tpu.vector_load_idx %arg9[%get3A_1816] : memref<10240xf32, #tpu.memory_space<vmem>>[vector<16xi32>], vector<16xf32>,
      %get3A_1817 = arith.index_cast %mul3A_1814 : i32 to index
      %get3A_1818 = tpu.vector_load %arg11[%get3A_1817] {strides = array<i32>} : memref<20000xi32, #tpu.memory_space<vmem>>, vector<16xi32>,
      tpu.vector_store_idx %arg12[%get3A_1818], %gather3A {add = true} : memref<10240xf32, #tpu.memory_space<vmem>>[vector<16xi32>], vector<16xf32>,
      %scan3A_1819 = arith.constant 0 : i32
      scf.yield %scan3A_1819 : i32
    }
    %scan3A_6 = arith.constant 1250 : i32
    "tpu.region"() ({
      %run_scoped3A = tpu.sem_alloc : memref<!tpu.dma_semaphore, #tpu.memory_space<semaphore_mem>>
      %dma_start3A = arith.constant 0 : i32
      %dma_start3A_1811 = tpu.memref_slice %arg17[%arg1, %dma_start3A] : memref<16x10240xf32, #tpu.memory_space<vmem_shared>> -> memref<1x10240xf32, #tpu.memory_space<vmem_shared>>
      %dma_start3A_1812 = tpu.memref_squeeze %dma_start3A_1811 : memref<1x10240xf32, #tpu.memory_space<vmem_shared>> -> memref<10240xf32, #tpu.memory_space<vmem_shared>>
      %dma_start3A_1813 = arith.constant 0 : i32
      %dma_start3A_1814 = tpu.memref_slice %arg17[%arg1, %dma_start3A_1813] : memref<16x10240xf32, #tpu.memory_space<vmem_shared>> -> memref<1x10240xf32, #tpu.memory_space<vmem_shared>>
      %dma_start3A_1815 = tpu.memref_squeeze %dma_start3A_1814 : memref<1x10240xf32, #tpu.memory_space<vmem_shared>> -> memref<10240xf32, #tpu.memory_space<vmem_shared>>
      tpu.enqueue_dma source(%arg12 : memref<10240xf32, #tpu.memory_space<vmem>>) target(%dma_start3A_1815 : memref<10240xf32, #tpu.memory_space<vmem_shared>>) target_semaphore(%run_scoped3A : memref<!tpu.dma_semaphore, #tpu.memory_space<semaphore_mem>>)
      %dma_wait3A = arith.constant 0 : i32
      %dma_wait3A_1816 = tpu.memref_slice %arg17[%arg1, %dma_wait3A] : memref<16x10240xf32, #tpu.memory_space<vmem_shared>> -> memref<1x10240xf32, #tpu.memory_space<vmem_shared>>
      %dma_wait3A_1817 = tpu.memref_squeeze %dma_wait3A_1816 : memref<1x10240xf32, #tpu.memory_space<vmem_shared>> -> memref<10240xf32, #tpu.memory_space<vmem_shared>>
      %dma_wait3A_1818 = arith.constant 0 : i32
      %dma_wait3A_1819 = tpu.memref_slice %arg17[%arg1, %dma_wait3A_1818] : memref<16x10240xf32, #tpu.memory_space<vmem_shared>> -> memref<1x10240xf32, #tpu.memory_space<vmem_shared>>
      %dma_wait3A_1820 = tpu.memref_squeeze %dma_wait3A_1819 : memref<1x10240xf32, #tpu.memory_space<vmem_shared>> -> memref<10240xf32, #tpu.memory_space<vmem_shared>>
      tpu.wait_dma2 semaphore(%run_scoped3A : memref<!tpu.dma_semaphore, #tpu.memory_space<semaphore_mem>>) src(%arg12 : memref<10240xf32, #tpu.memory_space<vmem>>) dst(%dma_wait3A_1820 : memref<10240xf32, #tpu.memory_space<vmem_shared>>)
      tpu.yield
    }) : () -> ()
    %barrier3A = arith.constant 0 : index
    tpu.barrier barrier_id(%barrier3A)
    %mul3A_7 = arith.constant 5120 : i32
    %mul3A_8 = arith.muli %arg0, %mul3A_7 : i32
    %mul3A_9 = arith.constant 320 : i32
    %mul3A_10 = arith.muli %arg1, %mul3A_9 : i32
    %add3A = arith.addi %mul3A_8, %mul3A_10 : i32
    "tpu.region"() ({
      %run_scoped3A = tpu.sem_alloc : memref<!tpu.dma_semaphore, #tpu.memory_space<semaphore_mem>>
      %dma_start3A = arith.constant 0 : i32
      %dma_start3A_1811 = tpu.memref_slice %arg17[%dma_start3A, %add3A] : memref<16x10240xf32, #tpu.memory_space<vmem_shared>> -> memref<16x320xf32, #tpu.memory_space<vmem_shared>>
      %dma_start3A_1812 = arith.constant 0 : i32
      %dma_start3A_1813 = tpu.memref_slice %arg17[%dma_start3A_1812, %add3A] : memref<16x10240xf32, #tpu.memory_space<vmem_shared>> -> memref<16x320xf32, #tpu.memory_space<vmem_shared>>
      tpu.enqueue_dma source(%dma_start3A_1813 : memref<16x320xf32, #tpu.memory_space<vmem_shared>>) target(%arg13 : memref<16x320xf32, #tpu.memory_space<vmem>>) target_semaphore(%run_scoped3A : memref<!tpu.dma_semaphore, #tpu.memory_space<semaphore_mem>>)
      %dma_wait3A = arith.constant 0 : i32
      %dma_wait3A_1814 = tpu.memref_slice %arg17[%dma_wait3A, %add3A] : memref<16x10240xf32, #tpu.memory_space<vmem_shared>> -> memref<16x320xf32, #tpu.memory_space<vmem_shared>>
      %dma_wait3A_1815 = arith.constant 0 : i32
      %dma_wait3A_1816 = tpu.memref_slice %arg17[%dma_wait3A_1815, %add3A] : memref<16x10240xf32, #tpu.memory_space<vmem_shared>> -> memref<16x320xf32, #tpu.memory_space<vmem_shared>>
      tpu.wait_dma2 semaphore(%run_scoped3A : memref<!tpu.dma_semaphore, #tpu.memory_space<semaphore_mem>>) src(%dma_wait3A_1816 : memref<16x320xf32, #tpu.memory_space<vmem_shared>>) dst(%arg13 : memref<16x320xf32, #tpu.memory_space<vmem>>)
      tpu.yield
    }) : () -> ()
    "tpu.region"() ({
      %run_scoped3A = tpu.sem_alloc : memref<!tpu.dma_semaphore, #tpu.memory_space<semaphore_mem>>
      %dma_start3A = tpu.memref_slice %arg6[%add3A] : memref<10240xf32, #tpu.memory_space<hbm>> -> memref<320xf32, #tpu.memory_space<hbm>>
      %dma_start3A_1811 = tpu.memref_slice %arg6[%add3A] : memref<10240xf32, #tpu.memory_space<hbm>> -> memref<320xf32, #tpu.memory_space<hbm>>
      tpu.enqueue_dma source(%dma_start3A_1811 : memref<320xf32, #tpu.memory_space<hbm>>) target(%arg14 : memref<320xf32, #tpu.memory_space<vmem>>) target_semaphore(%run_scoped3A : memref<!tpu.dma_semaphore, #tpu.memory_space<semaphore_mem>>)
      %dma_wait3A = tpu.memref_slice %arg6[%add3A] : memref<10240xf32, #tpu.memory_space<hbm>> -> memref<320xf32, #tpu.memory_space<hbm>>
      %dma_wait3A_1812 = tpu.memref_slice %arg6[%add3A] : memref<10240xf32, #tpu.memory_space<hbm>> -> memref<320xf32, #tpu.memory_space<hbm>>
      tpu.wait_dma2 semaphore(%run_scoped3A : memref<!tpu.dma_semaphore, #tpu.memory_space<semaphore_mem>>) src(%dma_wait3A_1812 : memref<320xf32, #tpu.memory_space<hbm>>) dst(%arg14 : memref<320xf32, #tpu.memory_space<vmem>>)
      tpu.yield
    }) : () -> ()
    "tpu.region"() ({
      %run_scoped3A = tpu.sem_alloc : memref<!tpu.dma_semaphore, #tpu.memory_space<semaphore_mem>>
      %dma_start3A = arith.constant 0 : i32
      %dma_start3A_1811 = tpu.memref_slice %arg7[%dma_start3A] : memref<128xf32, #tpu.memory_space<hbm>> -> memref<16xf32, #tpu.memory_space<hbm>>
      %dma_start3A_1812 = arith.constant 0 : i32
      %dma_start3A_1813 = tpu.memref_slice %arg7[%dma_start3A_1812] : memref<128xf32, #tpu.memory_space<hbm>> -> memref<16xf32, #tpu.memory_space<hbm>>
      tpu.enqueue_dma source(%dma_start3A_1813 : memref<16xf32, #tpu.memory_space<hbm>>) target(%arg15 : memref<16xf32, #tpu.memory_space<vmem>>) target_semaphore(%run_scoped3A : memref<!tpu.dma_semaphore, #tpu.memory_space<semaphore_mem>>)
      %dma_wait3A = arith.constant 0 : i32
      %dma_wait3A_1814 = tpu.memref_slice %arg7[%dma_wait3A] : memref<128xf32, #tpu.memory_space<hbm>> -> memref<16xf32, #tpu.memory_space<hbm>>
      %dma_wait3A_1815 = arith.constant 0 : i32
      %dma_wait3A_1816 = tpu.memref_slice %arg7[%dma_wait3A_1815] : memref<128xf32, #tpu.memory_space<hbm>> -> memref<16xf32, #tpu.memory_space<hbm>>
      tpu.wait_dma2 semaphore(%run_scoped3A : memref<!tpu.dma_semaphore, #tpu.memory_space<semaphore_mem>>) src(%dma_wait3A_1816 : memref<16xf32, #tpu.memory_space<hbm>>) dst(%arg15 : memref<16xf32, #tpu.memory_space<vmem>>)
      tpu.yield
    }) : () -> ()
    %get3A = arith.constant 0 : index
    %get3A_11 = tpu.vector_load %arg15[%get3A] {strides = array<i32>} : memref<16xf32, #tpu.memory_space<vmem>>, vector<16xf32>,
    %add3A_12 = arith.constant 0 : i32
    %add3A_13 = arith.addi %add3A, %add3A_12 : i32
    %get3A_14 = arith.index_cast %add3A_13 : i32 to index
    %get3A_15 = tpu.vector_load %arg9[%get3A_14] {strides = array<i32>} : memref<10240xf32, #tpu.memory_space<vmem>>, vector<16xf32>,
    %get3A_16 = arith.constant 0 : i32
    %get3A_17 = arith.index_cast %get3A_16 : i32 to index
    %get3A_18 = arith.constant 0 : index
    %get3A_19 = tpu.vector_load %arg13[%get3A_17, %get3A_18] {strides = array<i32>} : memref<16x320xf32, #tpu.memory_space<vmem>>, vector<16xf32>,
    %add3A_20 = arith.addf %get3A_15, %get3A_19 : vector<16xf32>
    %get3A_21 = arith.constant 1 : i32
    %get3A_22 = arith.index_cast %get3A_21 : i32 to index
    %get3A_23 = arith.constant 0 : index
    %get3A_24 = tpu.vector_load %arg13[%get3A_22, %get3A_23] {strides = array<i32>} : memref<16x320xf32, #tpu.memory_space<vmem>>, vector<16xf32>,
    %add3A_25 = arith.addf %add3A_20, %get3A_24 : vector<16xf32>
    %get3A_26 = arith.constant 2 : i32
    %get3A_27 = arith.index_cast %get3A_26 : i32 to index
    %get3A_28 = arith.constant 0 : index
    %get3A_29 = tpu.vector_load %arg13[%get3A_27, %get3A_28] {strides = array<i32>} : memref<16x320xf32, #tpu.memory_space<vmem>>, vector<16xf32>,
    %add3A_30 = arith.addf %add3A_25, %get3A_29 : vector<16xf32>
    %get3A_31 = arith.constant 3 : i32
    %get3A_32 = arith.index_cast %get3A_31 : i32 to index
    %get3A_33 = arith.constant 0 : index
    %get3A_34 = tpu.vector_load %arg13[%get3A_32, %get3A_33] {strides = array<i32>} : memref<16x320xf32, #tpu.memory_space<vmem>>, vector<16xf32>,
    %add3A_35 = arith.addf %add3A_30, %get3A_34 : vector<16xf32>
    %get3A_36 = arith.constant 4 : i32
    %get3A_37 = arith.index_cast %get3A_36 : i32 to index
    %get3A_38 = arith.constant 0 : index
    %get3A_39 = tpu.vector_load %arg13[%get3A_37, %get3A_38] {strides = array<i32>} : memref<16x320xf32, #tpu.memory_space<vmem>>, vector<16xf32>,
    %add3A_40 = arith.addf %add3A_35, %get3A_39 : vector<16xf32>
    %get3A_41 = arith.constant 5 : i32
    %get3A_42 = arith.index_cast %get3A_41 : i32 to index
    %get3A_43 = arith.constant 0 : index
    %get3A_44 = tpu.vector_load %arg13[%get3A_42, %get3A_43] {strides = array<i32>} : memref<16x320xf32, #tpu.memory_space<vmem>>, vector<16xf32>,
    %add3A_45 = arith.addf %add3A_40, %get3A_44 : vector<16xf32>
    %get3A_46 = arith.constant 6 : i32
    %get3A_47 = arith.index_cast %get3A_46 : i32 to index
    %get3A_48 = arith.constant 0 : index
    %get3A_49 = tpu.vector_load %arg13[%get3A_47, %get3A_48] {strides = array<i32>} : memref<16x320xf32, #tpu.memory_space<vmem>>, vector<16xf32>,
    %add3A_50 = arith.addf %add3A_45, %get3A_49 : vector<16xf32>
    %get3A_51 = arith.constant 7 : i32
    %get3A_52 = arith.index_cast %get3A_51 : i32 to index
    %get3A_53 = arith.constant 0 : index
    %get3A_54 = tpu.vector_load %arg13[%get3A_52, %get3A_53] {strides = array<i32>} : memref<16x320xf32, #tpu.memory_space<vmem>>, vector<16xf32>,
    %add3A_55 = arith.addf %add3A_50, %get3A_54 : vector<16xf32>
    %get3A_56 = arith.constant 8 : i32
    %get3A_57 = arith.index_cast %get3A_56 : i32 to index
    %get3A_58 = arith.constant 0 : index
    %get3A_59 = tpu.vector_load %arg13[%get3A_57, %get3A_58] {strides = array<i32>} : memref<16x320xf32, #tpu.memory_space<vmem>>, vector<16xf32>,
    %add3A_60 = arith.addf %add3A_55, %get3A_59 : vector<16xf32>
    %get3A_61 = arith.constant 9 : i32
    %get3A_62 = arith.index_cast %get3A_61 : i32 to index
    %get3A_63 = arith.constant 0 : index
    %get3A_64 = tpu.vector_load %arg13[%get3A_62, %get3A_63] {strides = array<i32>} : memref<16x320xf32, #tpu.memory_space<vmem>>, vector<16xf32>,
    %add3A_65 = arith.addf %add3A_60, %get3A_64 : vector<16xf32>
    %get3A_66 = arith.constant 10 : i32
    %get3A_67 = arith.index_cast %get3A_66 : i32 to index
    %get3A_68 = arith.constant 0 : index
    %get3A_69 = tpu.vector_load %arg13[%get3A_67, %get3A_68] {strides = array<i32>} : memref<16x320xf32, #tpu.memory_space<vmem>>, vector<16xf32>,
    %add3A_70 = arith.addf %add3A_65, %get3A_69 : vector<16xf32>
    %get3A_71 = arith.constant 11 : i32
    %get3A_72 = arith.index_cast %get3A_71 : i32 to index
    %get3A_73 = arith.constant 0 : index
    %get3A_74 = tpu.vector_load %arg13[%get3A_72, %get3A_73] {strides = array<i32>} : memref<16x320xf32, #tpu.memory_space<vmem>>, vector<16xf32>,
    %add3A_75 = arith.addf %add3A_70, %get3A_74 : vector<16xf32>
    %get3A_76 = arith.constant 12 : i32
    %get3A_77 = arith.index_cast %get3A_76 : i32 to index
    %get3A_78 = arith.constant 0 : index
    %get3A_79 = tpu.vector_load %arg13[%get3A_77, %get3A_78] {strides = array<i32>} : memref<16x320xf32, #tpu.memory_space<vmem>>, vector<16xf32>,
    %add3A_80 = arith.addf %add3A_75, %get3A_79 : vector<16xf32>
    %get3A_81 = arith.constant 13 : i32
    %get3A_82 = arith.index_cast %get3A_81 : i32 to index
    %get3A_83 = arith.constant 0 : index
    %get3A_84 = tpu.vector_load %arg13[%get3A_82, %get3A_83] {strides = array<i32>} : memref<16x320xf32, #tpu.memory_space<vmem>>, vector<16xf32>,
    %add3A_85 = arith.addf %add3A_80, %get3A_84 : vector<16xf32>
    %get3A_86 = arith.constant 14 : i32
    %get3A_87 = arith.index_cast %get3A_86 : i32 to index
    %get3A_88 = arith.constant 0 : index
    %get3A_89 = tpu.vector_load %arg13[%get3A_87, %get3A_88] {strides = array<i32>} : memref<16x320xf32, #tpu.memory_space<vmem>>, vector<16xf32>,
    %add3A_90 = arith.addf %add3A_85, %get3A_89 : vector<16xf32>
    %get3A_91 = arith.constant 15 : i32
    %get3A_92 = arith.index_cast %get3A_91 : i32 to index
    %get3A_93 = arith.constant 0 : index
    %get3A_94 = tpu.vector_load %arg13[%get3A_92, %get3A_93] {strides = array<i32>} : memref<16x320xf32, #tpu.memory_space<vmem>>, vector<16xf32>,
    %add3A_95 = arith.addf %add3A_90, %get3A_94 : vector<16xf32>
    %get3A_96 = arith.constant 0 : index
    %get3A_97 = tpu.vector_load %arg14[%get3A_96] {strides = array<i32>} : memref<320xf32, #tpu.memory_space<vmem>>, vector<16xf32>,
    %mul3A_98 = arith.mulf %add3A_95, %get3A_97 : vector<16xf32>
    %add3A_99 = arith.addf %mul3A_98, %get3A_11 : vector<16xf32>
    %swap3A = arith.constant 0 : index
    %swap3A_100 = tpu.vector_load %arg16[%swap3A] {strides = array<i32>} : memref<320xf32, #tpu.memory_space<vmem>>, vector<16xf32>,
    tpu.vector_store %arg16[%swap3A], %add3A_99 {strides = array<i32>} : memref<320xf32, #tpu.memory_space<vmem>>, vector<16xf32>,
    %add3A_101 = arith.constant 16 : i32
    %add3A_102 = arith.addi %add3A, %add3A_101 : i32
    %get3A_103 = arith.index_cast %add3A_102 : i32 to index
    %get3A_104 = tpu.vector_load %arg9[%get3A_103] {strides = array<i32>} : memref<10240xf32, #tpu.memory_space<vmem>>, vector<16xf32>,
    %get3A_105 = arith.constant 0 : i32
    %get3A_106 = arith.index_cast %get3A_105 : i32 to index
    %get3A_107 = arith.constant 16 : index
    %get3A_108 = tpu.vector_load %arg13[%get3A_106, %get3A_107] {strides = array<i32>} : memref<16x320xf32, #tpu.memory_space<vmem>>, vector<16xf32>,
    %add3A_109 = arith.addf %get3A_104, %get3A_108 : vector<16xf32>
    %get3A_110 = arith.constant 1 : i32
    %get3A_111 = arith.index_cast %get3A_110 : i32 to index
    %get3A_112 = arith.constant 16 : index
    %get3A_113 = tpu.vector_load %arg13[%get3A_111, %get3A_112] {strides = array<i32>} : memref<16x320xf32, #tpu.memory_space<vmem>>, vector<16xf32>,
    %add3A_114 = arith.addf %add3A_109, %get3A_113 : vector<16xf32>
    %get3A_115 = arith.constant 2 : i32
    %get3A_116 = arith.index_cast %get3A_115 : i32 to index
    %get3A_117 = arith.constant 16 : index
    %get3A_118 = tpu.vector_load %arg13[%get3A_116, %get3A_117] {strides = array<i32>} : memref<16x320xf32, #tpu.memory_space<vmem>>, vector<16xf32>,
    %add3A_119 = arith.addf %add3A_114, %get3A_118 : vector<16xf32>
    %get3A_120 = arith.constant 3 : i32
    %get3A_121 = arith.index_cast %get3A_120 : i32 to index
    %get3A_122 = arith.constant 16 : index
    %get3A_123 = tpu.vector_load %arg13[%get3A_121, %get3A_122] {strides = array<i32>} : memref<16x320xf32, #tpu.memory_space<vmem>>, vector<16xf32>,
    %add3A_124 = arith.addf %add3A_119, %get3A_123 : vector<16xf32>
    %get3A_125 = arith.constant 4 : i32
    %get3A_126 = arith.index_cast %get3A_125 : i32 to index
    %get3A_127 = arith.constant 16 : index
    %get3A_128 = tpu.vector_load %arg13[%get3A_126, %get3A_127] {strides = array<i32>} : memref<16x320xf32, #tpu.memory_space<vmem>>, vector<16xf32>,
    %add3A_129 = arith.addf %add3A_124, %get3A_128 : vector<16xf32>
    %get3A_130 = arith.constant 5 : i32
    %get3A_131 = arith.index_cast %get3A_130 : i32 to index
    %get3A_132 = arith.constant 16 : index
    %get3A_133 = tpu.vector_load %arg13[%get3A_131, %get3A_132] {strides = array<i32>} : memref<16x320xf32, #tpu.memory_space<vmem>>, vector<16xf32>,
    %add3A_134 = arith.addf %add3A_129, %get3A_133 : vector<16xf32>
    %get3A_135 = arith.constant 6 : i32
    %get3A_136 = arith.index_cast %get3A_135 : i32 to index
    %get3A_137 = arith.constant 16 : index
    %get3A_138 = tpu.vector_load %arg13[%get3A_136, %get3A_137] {strides = array<i32>} : memref<16x320xf32, #tpu.memory_space<vmem>>, vector<16xf32>,
    %add3A_139 = arith.addf %add3A_134, %get3A_138 : vector<16xf32>
    %get3A_140 = arith.constant 7 : i32
    %get3A_141 = arith.index_cast %get3A_140 : i32 to index
    %get3A_142 = arith.constant 16 : index
    %get3A_143 = tpu.vector_load %arg13[%get3A_141, %get3A_142] {strides = array<i32>} : memref<16x320xf32, #tpu.memory_space<vmem>>, vector<16xf32>,
    %add3A_144 = arith.addf %add3A_139, %get3A_143 : vector<16xf32>
    %get3A_145 = arith.constant 8 : i32
    %get3A_146 = arith.index_cast %get3A_145 : i32 to index
    %get3A_147 = arith.constant 16 : index
    %get3A_148 = tpu.vector_load %arg13[%get3A_146, %get3A_147] {strides = array<i32>} : memref<16x320xf32, #tpu.memory_space<vmem>>, vector<16xf32>,
    %add3A_149 = arith.addf %add3A_144, %get3A_148 : vector<16xf32>
    %get3A_150 = arith.constant 9 : i32
    %get3A_151 = arith.index_cast %get3A_150 : i32 to index
    %get3A_152 = arith.constant 16 : index
    %get3A_153 = tpu.vector_load %arg13[%get3A_151, %get3A_152] {strides = array<i32>} : memref<16x320xf32, #tpu.memory_space<vmem>>, vector<16xf32>,
    %add3A_154 = arith.addf %add3A_149, %get3A_153 : vector<16xf32>
    %get3A_155 = arith.constant 10 : i32
    %get3A_156 = arith.index_cast %get3A_155 : i32 to index
    %get3A_157 = arith.constant 16 : index
    %get3A_158 = tpu.vector_load %arg13[%get3A_156, %get3A_157] {strides = array<i32>} : memref<16x320xf32, #tpu.memory_space<vmem>>, vector<16xf32>,
    %add3A_159 = arith.addf %add3A_154, %get3A_158 : vector<16xf32>
    %get3A_160 = arith.constant 11 : i32
    %get3A_161 = arith.index_cast %get3A_160 : i32 to index
    %get3A_162 = arith.constant 16 : index
    %get3A_163 = tpu.vector_load %arg13[%get3A_161, %get3A_162] {strides = array<i32>} : memref<16x320xf32, #tpu.memory_space<vmem>>, vector<16xf32>,
    %add3A_164 = arith.addf %add3A_159, %get3A_163 : vector<16xf32>
    %get3A_165 = arith.constant 12 : i32
    %get3A_166 = arith.index_cast %get3A_165 : i32 to index
    %get3A_167 = arith.constant 16 : index
    %get3A_168 = tpu.vector_load %arg13[%get3A_166, %get3A_167] {strides = array<i32>} : memref<16x320xf32, #tpu.memory_space<vmem>>, vector<16xf32>,
    %add3A_169 = arith.addf %add3A_164, %get3A_168 : vector<16xf32>
    %get3A_170 = arith.constant 13 : i32
    %get3A_171 = arith.index_cast %get3A_170 : i32 to index
    %get3A_172 = arith.constant 16 : index
    %get3A_173 = tpu.vector_load %arg13[%get3A_171, %get3A_172] {strides = array<i32>} : memref<16x320xf32, #tpu.memory_space<vmem>>, vector<16xf32>,
    %add3A_174 = arith.addf %add3A_169, %get3A_173 : vector<16xf32>
    %get3A_175 = arith.constant 14 : i32
    %get3A_176 = arith.index_cast %get3A_175 : i32 to index
    %get3A_177 = arith.constant 16 : index
    %get3A_178 = tpu.vector_load %arg13[%get3A_176, %get3A_177] {strides = array<i32>} : memref<16x320xf32, #tpu.memory_space<vmem>>, vector<16xf32>,
    %add3A_179 = arith.addf %add3A_174, %get3A_178 : vector<16xf32>
    %get3A_180 = arith.constant 15 : i32
    %get3A_181 = arith.index_cast %get3A_180 : i32 to index
    %get3A_182 = arith.constant 16 : index
    %get3A_183 = tpu.vector_load %arg13[%get3A_181, %get3A_182] {strides = array<i32>} : memref<16x320xf32, #tpu.memory_space<vmem>>, vector<16xf32>,
    %add3A_184 = arith.addf %add3A_179, %get3A_183 : vector<16xf32>
    %get3A_185 = arith.constant 16 : index
    %get3A_186 = tpu.vector_load %arg14[%get3A_185] {strides = array<i32>} : memref<320xf32, #tpu.memory_space<vmem>>, vector<16xf32>,
    %mul3A_187 = arith.mulf %add3A_184, %get3A_186 : vector<16xf32>
    %add3A_188 = arith.addf %mul3A_187, %get3A_11 : vector<16xf32>
    %swap3A_189 = arith.constant 16 : index
    %swap3A_190 = tpu.vector_load %arg16[%swap3A_189] {strides = array<i32>} : memref<320xf32, #tpu.memory_space<vmem>>, vector<16xf32>,
    tpu.vector_store %arg16[%swap3A_189], %add3A_188 {strides = array<i32>} : memref<320xf32, #tpu.memory_space<vmem>>, vector<16xf32>,
    %add3A_191 = arith.constant 32 : i32
    %add3A_192 = arith.addi %add3A, %add3A_191 : i32
    %get3A_193 = arith.index_cast %add3A_192 : i32 to index
    %get3A_194 = tpu.vector_load %arg9[%get3A_193] {strides = array<i32>} : memref<10240xf32, #tpu.memory_space<vmem>>, vector<16xf32>,
    %get3A_195 = arith.constant 0 : i32
    %get3A_196 = arith.index_cast %get3A_195 : i32 to index
    %get3A_197 = arith.constant 32 : index
    %get3A_198 = tpu.vector_load %arg13[%get3A_196, %get3A_197] {strides = array<i32>} : memref<16x320xf32, #tpu.memory_space<vmem>>, vector<16xf32>,
    %add3A_199 = arith.addf %get3A_194, %get3A_198 : vector<16xf32>
    %get3A_200 = arith.constant 1 : i32
    %get3A_201 = arith.index_cast %get3A_200 : i32 to index
    %get3A_202 = arith.constant 32 : index
    %get3A_203 = tpu.vector_load %arg13[%get3A_201, %get3A_202] {strides = array<i32>} : memref<16x320xf32, #tpu.memory_space<vmem>>, vector<16xf32>,
    %add3A_204 = arith.addf %add3A_199, %get3A_203 : vector<16xf32>
    %get3A_205 = arith.constant 2 : i32
    %get3A_206 = arith.index_cast %get3A_205 : i32 to index
    %get3A_207 = arith.constant 32 : index
    %get3A_208 = tpu.vector_load %arg13[%get3A_206, %get3A_207] {strides = array<i32>} : memref<16x320xf32, #tpu.memory_space<vmem>>, vector<16xf32>,
    %add3A_209 = arith.addf %add3A_204, %get3A_208 : vector<16xf32>
    %get3A_210 = arith.constant 3 : i32
    %get3A_211 = arith.index_cast %get3A_210 : i32 to index
    %get3A_212 = arith.constant 32 : index
    %get3A_213 = tpu.vector_load %arg13[%get3A_211, %get3A_212] {strides = array<i32>} : memref<16x320xf32, #tpu.memory_space<vmem>>, vector<16xf32>,
    %add3A_214 = arith.addf %add3A_209, %get3A_213 : vector<16xf32>
    %get3A_215 = arith.constant 4 : i32
    %get3A_216 = arith.index_cast %get3A_215 : i32 to index
    %get3A_217 = arith.constant 32 : index
    %get3A_218 = tpu.vector_load %arg13[%get3A_216, %get3A_217] {strides = array<i32>} : memref<16x320xf32, #tpu.memory_space<vmem>>, vector<16xf32>,
    %add3A_219 = arith.addf %add3A_214, %get3A_218 : vector<16xf32>
    %get3A_220 = arith.constant 5 : i32
    %get3A_221 = arith.index_cast %get3A_220 : i32 to index
    %get3A_222 = arith.constant 32 : index
    %get3A_223 = tpu.vector_load %arg13[%get3A_221, %get3A_222] {strides = array<i32>} : memref<16x320xf32, #tpu.memory_space<vmem>>, vector<16xf32>,
    %add3A_224 = arith.addf %add3A_219, %get3A_223 : vector<16xf32>
    %get3A_225 = arith.constant 6 : i32
    %get3A_226 = arith.index_cast %get3A_225 : i32 to index
    %get3A_227 = arith.constant 32 : index
    %get3A_228 = tpu.vector_load %arg13[%get3A_226, %get3A_227] {strides = array<i32>} : memref<16x320xf32, #tpu.memory_space<vmem>>, vector<16xf32>,
    %add3A_229 = arith.addf %add3A_224, %get3A_228 : vector<16xf32>
    %get3A_230 = arith.constant 7 : i32
    %get3A_231 = arith.index_cast %get3A_230 : i32 to index
    %get3A_232 = arith.constant 32 : index
    %get3A_233 = tpu.vector_load %arg13[%get3A_231, %get3A_232] {strides = array<i32>} : memref<16x320xf32, #tpu.memory_space<vmem>>, vector<16xf32>,
    %add3A_234 = arith.addf %add3A_229, %get3A_233 : vector<16xf32>
    %get3A_235 = arith.constant 8 : i32
    %get3A_236 = arith.index_cast %get3A_235 : i32 to index
    %get3A_237 = arith.constant 32 : index
    %get3A_238 = tpu.vector_load %arg13[%get3A_236, %get3A_237] {strides = array<i32>} : memref<16x320xf32, #tpu.memory_space<vmem>>, vector<16xf32>,
    %add3A_239 = arith.addf %add3A_234, %get3A_238 : vector<16xf32>
    %get3A_240 = arith.constant 9 : i32
    %get3A_241 = arith.index_cast %get3A_240 : i32 to index
    %get3A_242 = arith.constant 32 : index
    %get3A_243 = tpu.vector_load %arg13[%get3A_241, %get3A_242] {strides = array<i32>} : memref<16x320xf32, #tpu.memory_space<vmem>>, vector<16xf32>,
    %add3A_244 = arith.addf %add3A_239, %get3A_243 : vector<16xf32>
    %get3A_245 = arith.constant 10 : i32
    %get3A_246 = arith.index_cast %get3A_245 : i32 to index
    %get3A_247 = arith.constant 32 : index
    %get3A_248 = tpu.vector_load %arg13[%get3A_246, %get3A_247] {strides = array<i32>} : memref<16x320xf32, #tpu.memory_space<vmem>>, vector<16xf32>,
    %add3A_249 = arith.addf %add3A_244, %get3A_248 : vector<16xf32>
    %get3A_250 = arith.constant 11 : i32
    %get3A_251 = arith.index_cast %get3A_250 : i32 to index
    %get3A_252 = arith.constant 32 : index
    %get3A_253 = tpu.vector_load %arg13[%get3A_251, %get3A_252] {strides = array<i32>} : memref<16x320xf32, #tpu.memory_space<vmem>>, vector<16xf32>,
    %add3A_254 = arith.addf %add3A_249, %get3A_253 : vector<16xf32>
    %get3A_255 = arith.constant 12 : i32
    %get3A_256 = arith.index_cast %get3A_255 : i32 to index
    %get3A_257 = arith.constant 32 : index
    %get3A_258 = tpu.vector_load %arg13[%get3A_256, %get3A_257] {strides = array<i32>} : memref<16x320xf32, #tpu.memory_space<vmem>>, vector<16xf32>,
    %add3A_259 = arith.addf %add3A_254, %get3A_258 : vector<16xf32>
    %get3A_260 = arith.constant 13 : i32
    %get3A_261 = arith.index_cast %get3A_260 : i32 to index
    %get3A_262 = arith.constant 32 : index
    %get3A_263 = tpu.vector_load %arg13[%get3A_261, %get3A_262] {strides = array<i32>} : memref<16x320xf32, #tpu.memory_space<vmem>>, vector<16xf32>,
    %add3A_264 = arith.addf %add3A_259, %get3A_263 : vector<16xf32>
    %get3A_265 = arith.constant 14 : i32
    %get3A_266 = arith.index_cast %get3A_265 : i32 to index
    %get3A_267 = arith.constant 32 : index
    %get3A_268 = tpu.vector_load %arg13[%get3A_266, %get3A_267] {strides = array<i32>} : memref<16x320xf32, #tpu.memory_space<vmem>>, vector<16xf32>,
    %add3A_269 = arith.addf %add3A_264, %get3A_268 : vector<16xf32>
    %get3A_270 = arith.constant 15 : i32
    %get3A_271 = arith.index_cast %get3A_270 : i32 to index
    %get3A_272 = arith.constant 32 : index
    %get3A_273 = tpu.vector_load %arg13[%get3A_271, %get3A_272] {strides = array<i32>} : memref<16x320xf32, #tpu.memory_space<vmem>>, vector<16xf32>,
    %add3A_274 = arith.addf %add3A_269, %get3A_273 : vector<16xf32>
    %get3A_275 = arith.constant 32 : index
    %get3A_276 = tpu.vector_load %arg14[%get3A_275] {strides = array<i32>} : memref<320xf32, #tpu.memory_space<vmem>>, vector<16xf32>,
    %mul3A_277 = arith.mulf %add3A_274, %get3A_276 : vector<16xf32>
    %add3A_278 = arith.addf %mul3A_277, %get3A_11 : vector<16xf32>
    %swap3A_279 = arith.constant 32 : index
    %swap3A_280 = tpu.vector_load %arg16[%swap3A_279] {strides = array<i32>} : memref<320xf32, #tpu.memory_space<vmem>>, vector<16xf32>,
    tpu.vector_store %arg16[%swap3A_279], %add3A_278 {strides = array<i32>} : memref<320xf32, #tpu.memory_space<vmem>>, vector<16xf32>,
    %add3A_281 = arith.constant 48 : i32
    %add3A_282 = arith.addi %add3A, %add3A_281 : i32
    %get3A_283 = arith.index_cast %add3A_282 : i32 to index
    %get3A_284 = tpu.vector_load %arg9[%get3A_283] {strides = array<i32>} : memref<10240xf32, #tpu.memory_space<vmem>>, vector<16xf32>,
    %get3A_285 = arith.constant 0 : i32
    %get3A_286 = arith.index_cast %get3A_285 : i32 to index
    %get3A_287 = arith.constant 48 : index
    %get3A_288 = tpu.vector_load %arg13[%get3A_286, %get3A_287] {strides = array<i32>} : memref<16x320xf32, #tpu.memory_space<vmem>>, vector<16xf32>,
    %add3A_289 = arith.addf %get3A_284, %get3A_288 : vector<16xf32>
    %get3A_290 = arith.constant 1 : i32
    %get3A_291 = arith.index_cast %get3A_290 : i32 to index
    %get3A_292 = arith.constant 48 : index
    %get3A_293 = tpu.vector_load %arg13[%get3A_291, %get3A_292] {strides = array<i32>} : memref<16x320xf32, #tpu.memory_space<vmem>>, vector<16xf32>,
    %add3A_294 = arith.addf %add3A_289, %get3A_293 : vector<16xf32>
    %get3A_295 = arith.constant 2 : i32
    %get3A_296 = arith.index_cast %get3A_295 : i32 to index
    %get3A_297 = arith.constant 48 : index
    %get3A_298 = tpu.vector_load %arg13[%get3A_296, %get3A_297] {strides = array<i32>} : memref<16x320xf32, #tpu.memory_space<vmem>>, vector<16xf32>,
    %add3A_299 = arith.addf %add3A_294, %get3A_298 : vector<16xf32>
    %get3A_300 = arith.constant 3 : i32
    %get3A_301 = arith.index_cast %get3A_300 : i32 to index
    %get3A_302 = arith.constant 48 : index
    %get3A_303 = tpu.vector_load %arg13[%get3A_301, %get3A_302] {strides = array<i32>} : memref<16x320xf32, #tpu.memory_space<vmem>>, vector<16xf32>,
    %add3A_304 = arith.addf %add3A_299, %get3A_303 : vector<16xf32>
    %get3A_305 = arith.constant 4 : i32
    %get3A_306 = arith.index_cast %get3A_305 : i32 to index
    %get3A_307 = arith.constant 48 : index
    %get3A_308 = tpu.vector_load %arg13[%get3A_306, %get3A_307] {strides = array<i32>} : memref<16x320xf32, #tpu.memory_space<vmem>>, vector<16xf32>,
    %add3A_309 = arith.addf %add3A_304, %get3A_308 : vector<16xf32>
    %get3A_310 = arith.constant 5 : i32
    %get3A_311 = arith.index_cast %get3A_310 : i32 to index
    %get3A_312 = arith.constant 48 : index
    %get3A_313 = tpu.vector_load %arg13[%get3A_311, %get3A_312] {strides = array<i32>} : memref<16x320xf32, #tpu.memory_space<vmem>>, vector<16xf32>,
    %add3A_314 = arith.addf %add3A_309, %get3A_313 : vector<16xf32>
    %get3A_315 = arith.constant 6 : i32
    %get3A_316 = arith.index_cast %get3A_315 : i32 to index
    %get3A_317 = arith.constant 48 : index
    %get3A_318 = tpu.vector_load %arg13[%get3A_316, %get3A_317] {strides = array<i32>} : memref<16x320xf32, #tpu.memory_space<vmem>>, vector<16xf32>,
    %add3A_319 = arith.addf %add3A_314, %get3A_318 : vector<16xf32>
    %get3A_320 = arith.constant 7 : i32
    %get3A_321 = arith.index_cast %get3A_320 : i32 to index
    %get3A_322 = arith.constant 48 : index
    %get3A_323 = tpu.vector_load %arg13[%get3A_321, %get3A_322] {strides = array<i32>} : memref<16x320xf32, #tpu.memory_space<vmem>>, vector<16xf32>,
    %add3A_324 = arith.addf %add3A_319, %get3A_323 : vector<16xf32>
    %get3A_325 = arith.constant 8 : i32
    %get3A_326 = arith.index_cast %get3A_325 : i32 to index
    %get3A_327 = arith.constant 48 : index
    %get3A_328 = tpu.vector_load %arg13[%get3A_326, %get3A_327] {strides = array<i32>} : memref<16x320xf32, #tpu.memory_space<vmem>>, vector<16xf32>,
    %add3A_329 = arith.addf %add3A_324, %get3A_328 : vector<16xf32>
    %get3A_330 = arith.constant 9 : i32
    %get3A_331 = arith.index_cast %get3A_330 : i32 to index
    %get3A_332 = arith.constant 48 : index
    %get3A_333 = tpu.vector_load %arg13[%get3A_331, %get3A_332] {strides = array<i32>} : memref<16x320xf32, #tpu.memory_space<vmem>>, vector<16xf32>,
    %add3A_334 = arith.addf %add3A_329, %get3A_333 : vector<16xf32>
    %get3A_335 = arith.constant 10 : i32
    %get3A_336 = arith.index_cast %get3A_335 : i32 to index
    %get3A_337 = arith.constant 48 : index
    %get3A_338 = tpu.vector_load %arg13[%get3A_336, %get3A_337] {strides = array<i32>} : memref<16x320xf32, #tpu.memory_space<vmem>>, vector<16xf32>,
    %add3A_339 = arith.addf %add3A_334, %get3A_338 : vector<16xf32>
    %get3A_340 = arith.constant 11 : i32
    %get3A_341 = arith.index_cast %get3A_340 : i32 to index
    %get3A_342 = arith.constant 48 : index
    %get3A_343 = tpu.vector_load %arg13[%get3A_341, %get3A_342] {strides = array<i32>} : memref<16x320xf32, #tpu.memory_space<vmem>>, vector<16xf32>,
    %add3A_344 = arith.addf %add3A_339, %get3A_343 : vector<16xf32>
    %get3A_345 = arith.constant 12 : i32
    %get3A_346 = arith.index_cast %get3A_345 : i32 to index
    %get3A_347 = arith.constant 48 : index
    %get3A_348 = tpu.vector_load %arg13[%get3A_346, %get3A_347] {strides = array<i32>} : memref<16x320xf32, #tpu.memory_space<vmem>>, vector<16xf32>,
    %add3A_349 = arith.addf %add3A_344, %get3A_348 : vector<16xf32>
    %get3A_350 = arith.constant 13 : i32
    %get3A_351 = arith.index_cast %get3A_350 : i32 to index
    %get3A_352 = arith.constant 48 : index
    %get3A_353 = tpu.vector_load %arg13[%get3A_351, %get3A_352] {strides = array<i32>} : memref<16x320xf32, #tpu.memory_space<vmem>>, vector<16xf32>,
    %add3A_354 = arith.addf %add3A_349, %get3A_353 : vector<16xf32>
    %get3A_355 = arith.constant 14 : i32
    %get3A_356 = arith.index_cast %get3A_355 : i32 to index
    %get3A_357 = arith.constant 48 : index
    %get3A_358 = tpu.vector_load %arg13[%get3A_356, %get3A_357] {strides = array<i32>} : memref<16x320xf32, #tpu.memory_space<vmem>>, vector<16xf32>,
    %add3A_359 = arith.addf %add3A_354, %get3A_358 : vector<16xf32>
    %get3A_360 = arith.constant 15 : i32
    %get3A_361 = arith.index_cast %get3A_360 : i32 to index
    %get3A_362 = arith.constant 48 : index
    %get3A_363 = tpu.vector_load %arg13[%get3A_361, %get3A_362] {strides = array<i32>} : memref<16x320xf32, #tpu.memory_space<vmem>>, vector<16xf32>,
    %add3A_364 = arith.addf %add3A_359, %get3A_363 : vector<16xf32>
    %get3A_365 = arith.constant 48 : index
    %get3A_366 = tpu.vector_load %arg14[%get3A_365] {strides = array<i32>} : memref<320xf32, #tpu.memory_space<vmem>>, vector<16xf32>,
    %mul3A_367 = arith.mulf %add3A_364, %get3A_366 : vector<16xf32>
    %add3A_368 = arith.addf %mul3A_367, %get3A_11 : vector<16xf32>
    %swap3A_369 = arith.constant 48 : index
    %swap3A_370 = tpu.vector_load %arg16[%swap3A_369] {strides = array<i32>} : memref<320xf32, #tpu.memory_space<vmem>>, vector<16xf32>,
    tpu.vector_store %arg16[%swap3A_369], %add3A_368 {strides = array<i32>} : memref<320xf32, #tpu.memory_space<vmem>>, vector<16xf32>,
    %add3A_371 = arith.constant 64 : i32
    %add3A_372 = arith.addi %add3A, %add3A_371 : i32
    %get3A_373 = arith.index_cast %add3A_372 : i32 to index
    %get3A_374 = tpu.vector_load %arg9[%get3A_373] {strides = array<i32>} : memref<10240xf32, #tpu.memory_space<vmem>>, vector<16xf32>,
    %get3A_375 = arith.constant 0 : i32
    %get3A_376 = arith.index_cast %get3A_375 : i32 to index
    %get3A_377 = arith.constant 64 : index
    %get3A_378 = tpu.vector_load %arg13[%get3A_376, %get3A_377] {strides = array<i32>} : memref<16x320xf32, #tpu.memory_space<vmem>>, vector<16xf32>,
    %add3A_379 = arith.addf %get3A_374, %get3A_378 : vector<16xf32>
    %get3A_380 = arith.constant 1 : i32
    %get3A_381 = arith.index_cast %get3A_380 : i32 to index
    %get3A_382 = arith.constant 64 : index
    %get3A_383 = tpu.vector_load %arg13[%get3A_381, %get3A_382] {strides = array<i32>} : memref<16x320xf32, #tpu.memory_space<vmem>>, vector<16xf32>,
    %add3A_384 = arith.addf %add3A_379, %get3A_383 : vector<16xf32>
    %get3A_385 = arith.constant 2 : i32
    %get3A_386 = arith.index_cast %get3A_385 : i32 to index
    %get3A_387 = arith.constant 64 : index
    %get3A_388 = tpu.vector_load %arg13[%get3A_386, %get3A_387] {strides = array<i32>} : memref<16x320xf32, #tpu.memory_space<vmem>>, vector<16xf32>,
    %add3A_389 = arith.addf %add3A_384, %get3A_388 : vector<16xf32>
    %get3A_390 = arith.constant 3 : i32
    %get3A_391 = arith.index_cast %get3A_390 : i32 to index
    %get3A_392 = arith.constant 64 : index
    %get3A_393 = tpu.vector_load %arg13[%get3A_391, %get3A_392] {strides = array<i32>} : memref<16x320xf32, #tpu.memory_space<vmem>>, vector<16xf32>,
    %add3A_394 = arith.addf %add3A_389, %get3A_393 : vector<16xf32>
    %get3A_395 = arith.constant 4 : i32
    %get3A_396 = arith.index_cast %get3A_395 : i32 to index
    %get3A_397 = arith.constant 64 : index
    %get3A_398 = tpu.vector_load %arg13[%get3A_396, %get3A_397] {strides = array<i32>} : memref<16x320xf32, #tpu.memory_space<vmem>>, vector<16xf32>,
    %add3A_399 = arith.addf %add3A_394, %get3A_398 : vector<16xf32>
    %get3A_400 = arith.constant 5 : i32
    %get3A_401 = arith.index_cast %get3A_400 : i32 to index
    %get3A_402 = arith.constant 64 : index
    %get3A_403 = tpu.vector_load %arg13[%get3A_401, %get3A_402] {strides = array<i32>} : memref<16x320xf32, #tpu.memory_space<vmem>>, vector<16xf32>,
    %add3A_404 = arith.addf %add3A_399, %get3A_403 : vector<16xf32>
    %get3A_405 = arith.constant 6 : i32
    %get3A_406 = arith.index_cast %get3A_405 : i32 to index
    %get3A_407 = arith.constant 64 : index
    %get3A_408 = tpu.vector_load %arg13[%get3A_406, %get3A_407] {strides = array<i32>} : memref<16x320xf32, #tpu.memory_space<vmem>>, vector<16xf32>,
    %add3A_409 = arith.addf %add3A_404, %get3A_408 : vector<16xf32>
    %get3A_410 = arith.constant 7 : i32
    %get3A_411 = arith.index_cast %get3A_410 : i32 to index
    %get3A_412 = arith.constant 64 : index
    %get3A_413 = tpu.vector_load %arg13[%get3A_411, %get3A_412] {strides = array<i32>} : memref<16x320xf32, #tpu.memory_space<vmem>>, vector<16xf32>,
    %add3A_414 = arith.addf %add3A_409, %get3A_413 : vector<16xf32>
    %get3A_415 = arith.constant 8 : i32
    %get3A_416 = arith.index_cast %get3A_415 : i32 to index
    %get3A_417 = arith.constant 64 : index
    %get3A_418 = tpu.vector_load %arg13[%get3A_416, %get3A_417] {strides = array<i32>} : memref<16x320xf32, #tpu.memory_space<vmem>>, vector<16xf32>,
    %add3A_419 = arith.addf %add3A_414, %get3A_418 : vector<16xf32>
    %get3A_420 = arith.constant 9 : i32
    %get3A_421 = arith.index_cast %get3A_420 : i32 to index
    %get3A_422 = arith.constant 64 : index
    %get3A_423 = tpu.vector_load %arg13[%get3A_421, %get3A_422] {strides = array<i32>} : memref<16x320xf32, #tpu.memory_space<vmem>>, vector<16xf32>,
    %add3A_424 = arith.addf %add3A_419, %get3A_423 : vector<16xf32>
    %get3A_425 = arith.constant 10 : i32
    %get3A_426 = arith.index_cast %get3A_425 : i32 to index
    %get3A_427 = arith.constant 64 : index
    %get3A_428 = tpu.vector_load %arg13[%get3A_426, %get3A_427] {strides = array<i32>} : memref<16x320xf32, #tpu.memory_space<vmem>>, vector<16xf32>,
    %add3A_429 = arith.addf %add3A_424, %get3A_428 : vector<16xf32>
    %get3A_430 = arith.constant 11 : i32
    %get3A_431 = arith.index_cast %get3A_430 : i32 to index
    %get3A_432 = arith.constant 64 : index
    %get3A_433 = tpu.vector_load %arg13[%get3A_431, %get3A_432] {strides = array<i32>} : memref<16x320xf32, #tpu.memory_space<vmem>>, vector<16xf32>,
    %add3A_434 = arith.addf %add3A_429, %get3A_433 : vector<16xf32>
    %get3A_435 = arith.constant 12 : i32
    %get3A_436 = arith.index_cast %get3A_435 : i32 to index
    %get3A_437 = arith.constant 64 : index
    %get3A_438 = tpu.vector_load %arg13[%get3A_436, %get3A_437] {strides = array<i32>} : memref<16x320xf32, #tpu.memory_space<vmem>>, vector<16xf32>,
    %add3A_439 = arith.addf %add3A_434, %get3A_438 : vector<16xf32>
    %get3A_440 = arith.constant 13 : i32
    %get3A_441 = arith.index_cast %get3A_440 : i32 to index
    %get3A_442 = arith.constant 64 : index
    %get3A_443 = tpu.vector_load %arg13[%get3A_441, %get3A_442] {strides = array<i32>} : memref<16x320xf32, #tpu.memory_space<vmem>>, vector<16xf32>,
    %add3A_444 = arith.addf %add3A_439, %get3A_443 : vector<16xf32>
    %get3A_445 = arith.constant 14 : i32
    %get3A_446 = arith.index_cast %get3A_445 : i32 to index
    %get3A_447 = arith.constant 64 : index
    %get3A_448 = tpu.vector_load %arg13[%get3A_446, %get3A_447] {strides = array<i32>} : memref<16x320xf32, #tpu.memory_space<vmem>>, vector<16xf32>,
    %add3A_449 = arith.addf %add3A_444, %get3A_448 : vector<16xf32>
    %get3A_450 = arith.constant 15 : i32
    %get3A_451 = arith.index_cast %get3A_450 : i32 to index
    %get3A_452 = arith.constant 64 : index
    %get3A_453 = tpu.vector_load %arg13[%get3A_451, %get3A_452] {strides = array<i32>} : memref<16x320xf32, #tpu.memory_space<vmem>>, vector<16xf32>,
    %add3A_454 = arith.addf %add3A_449, %get3A_453 : vector<16xf32>
    %get3A_455 = arith.constant 64 : index
    %get3A_456 = tpu.vector_load %arg14[%get3A_455] {strides = array<i32>} : memref<320xf32, #tpu.memory_space<vmem>>, vector<16xf32>,
    %mul3A_457 = arith.mulf %add3A_454, %get3A_456 : vector<16xf32>
    %add3A_458 = arith.addf %mul3A_457, %get3A_11 : vector<16xf32>
    %swap3A_459 = arith.constant 64 : index
    %swap3A_460 = tpu.vector_load %arg16[%swap3A_459] {strides = array<i32>} : memref<320xf32, #tpu.memory_space<vmem>>, vector<16xf32>,
    tpu.vector_store %arg16[%swap3A_459], %add3A_458 {strides = array<i32>} : memref<320xf32, #tpu.memory_space<vmem>>, vector<16xf32>,
    %add3A_461 = arith.constant 80 : i32
    %add3A_462 = arith.addi %add3A, %add3A_461 : i32
    %get3A_463 = arith.index_cast %add3A_462 : i32 to index
    %get3A_464 = tpu.vector_load %arg9[%get3A_463] {strides = array<i32>} : memref<10240xf32, #tpu.memory_space<vmem>>, vector<16xf32>,
    %get3A_465 = arith.constant 0 : i32
    %get3A_466 = arith.index_cast %get3A_465 : i32 to index
    %get3A_467 = arith.constant 80 : index
    %get3A_468 = tpu.vector_load %arg13[%get3A_466, %get3A_467] {strides = array<i32>} : memref<16x320xf32, #tpu.memory_space<vmem>>, vector<16xf32>,
    %add3A_469 = arith.addf %get3A_464, %get3A_468 : vector<16xf32>
    %get3A_470 = arith.constant 1 : i32
    %get3A_471 = arith.index_cast %get3A_470 : i32 to index
    %get3A_472 = arith.constant 80 : index
    %get3A_473 = tpu.vector_load %arg13[%get3A_471, %get3A_472] {strides = array<i32>} : memref<16x320xf32, #tpu.memory_space<vmem>>, vector<16xf32>,
    %add3A_474 = arith.addf %add3A_469, %get3A_473 : vector<16xf32>
    %get3A_475 = arith.constant 2 : i32
    %get3A_476 = arith.index_cast %get3A_475 : i32 to index
    %get3A_477 = arith.constant 80 : index
    %get3A_478 = tpu.vector_load %arg13[%get3A_476, %get3A_477] {strides = array<i32>} : memref<16x320xf32, #tpu.memory_space<vmem>>, vector<16xf32>,
    %add3A_479 = arith.addf %add3A_474, %get3A_478 : vector<16xf32>
    %get3A_480 = arith.constant 3 : i32
    %get3A_481 = arith.index_cast %get3A_480 : i32 to index
    %get3A_482 = arith.constant 80 : index
    %get3A_483 = tpu.vector_load %arg13[%get3A_481, %get3A_482] {strides = array<i32>} : memref<16x320xf32, #tpu.memory_space<vmem>>, vector<16xf32>,
    %add3A_484 = arith.addf %add3A_479, %get3A_483 : vector<16xf32>
    %get3A_485 = arith.constant 4 : i32
    %get3A_486 = arith.index_cast %get3A_485 : i32 to index
    %get3A_487 = arith.constant 80 : index
    %get3A_488 = tpu.vector_load %arg13[%get3A_486, %get3A_487] {strides = array<i32>} : memref<16x320xf32, #tpu.memory_space<vmem>>, vector<16xf32>,
    %add3A_489 = arith.addf %add3A_484, %get3A_488 : vector<16xf32>
    %get3A_490 = arith.constant 5 : i32
    %get3A_491 = arith.index_cast %get3A_490 : i32 to index
    %get3A_492 = arith.constant 80 : index
    %get3A_493 = tpu.vector_load %arg13[%get3A_491, %get3A_492] {strides = array<i32>} : memref<16x320xf32, #tpu.memory_space<vmem>>, vector<16xf32>,
    %add3A_494 = arith.addf %add3A_489, %get3A_493 : vector<16xf32>
    %get3A_495 = arith.constant 6 : i32
    %get3A_496 = arith.index_cast %get3A_495 : i32 to index
    %get3A_497 = arith.constant 80 : index
    %get3A_498 = tpu.vector_load %arg13[%get3A_496, %get3A_497] {strides = array<i32>} : memref<16x320xf32, #tpu.memory_space<vmem>>, vector<16xf32>,
    %add3A_499 = arith.addf %add3A_494, %get3A_498 : vector<16xf32>
    %get3A_500 = arith.constant 7 : i32
    %get3A_501 = arith.index_cast %get3A_500 : i32 to index
    %get3A_502 = arith.constant 80 : index
    %get3A_503 = tpu.vector_load %arg13[%get3A_501, %get3A_502] {strides = array<i32>} : memref<16x320xf32, #tpu.memory_space<vmem>>, vector<16xf32>,
    %add3A_504 = arith.addf %add3A_499, %get3A_503 : vector<16xf32>
    %get3A_505 = arith.constant 8 : i32
    %get3A_506 = arith.index_cast %get3A_505 : i32 to index
    %get3A_507 = arith.constant 80 : index
    %get3A_508 = tpu.vector_load %arg13[%get3A_506, %get3A_507] {strides = array<i32>} : memref<16x320xf32, #tpu.memory_space<vmem>>, vector<16xf32>,
    %add3A_509 = arith.addf %add3A_504, %get3A_508 : vector<16xf32>
    %get3A_510 = arith.constant 9 : i32
    %get3A_511 = arith.index_cast %get3A_510 : i32 to index
    %get3A_512 = arith.constant 80 : index
    %get3A_513 = tpu.vector_load %arg13[%get3A_511, %get3A_512] {strides = array<i32>} : memref<16x320xf32, #tpu.memory_space<vmem>>, vector<16xf32>,
    %add3A_514 = arith.addf %add3A_509, %get3A_513 : vector<16xf32>
    %get3A_515 = arith.constant 10 : i32
    %get3A_516 = arith.index_cast %get3A_515 : i32 to index
    %get3A_517 = arith.constant 80 : index
    %get3A_518 = tpu.vector_load %arg13[%get3A_516, %get3A_517] {strides = array<i32>} : memref<16x320xf32, #tpu.memory_space<vmem>>, vector<16xf32>,
    %add3A_519 = arith.addf %add3A_514, %get3A_518 : vector<16xf32>
    %get3A_520 = arith.constant 11 : i32
    %get3A_521 = arith.index_cast %get3A_520 : i32 to index
    %get3A_522 = arith.constant 80 : index
    %get3A_523 = tpu.vector_load %arg13[%get3A_521, %get3A_522] {strides = array<i32>} : memref<16x320xf32, #tpu.memory_space<vmem>>, vector<16xf32>,
    %add3A_524 = arith.addf %add3A_519, %get3A_523 : vector<16xf32>
    %get3A_525 = arith.constant 12 : i32
    %get3A_526 = arith.index_cast %get3A_525 : i32 to index
    %get3A_527 = arith.constant 80 : index
    %get3A_528 = tpu.vector_load %arg13[%get3A_526, %get3A_527] {strides = array<i32>} : memref<16x320xf32, #tpu.memory_space<vmem>>, vector<16xf32>,
    %add3A_529 = arith.addf %add3A_524, %get3A_528 : vector<16xf32>
    %get3A_530 = arith.constant 13 : i32
    %get3A_531 = arith.index_cast %get3A_530 : i32 to index
    %get3A_532 = arith.constant 80 : index
    %get3A_533 = tpu.vector_load %arg13[%get3A_531, %get3A_532] {strides = array<i32>} : memref<16x320xf32, #tpu.memory_space<vmem>>, vector<16xf32>,
    %add3A_534 = arith.addf %add3A_529, %get3A_533 : vector<16xf32>
    %get3A_535 = arith.constant 14 : i32
    %get3A_536 = arith.index_cast %get3A_535 : i32 to index
    %get3A_537 = arith.constant 80 : index
    %get3A_538 = tpu.vector_load %arg13[%get3A_536, %get3A_537] {strides = array<i32>} : memref<16x320xf32, #tpu.memory_space<vmem>>, vector<16xf32>,
    %add3A_539 = arith.addf %add3A_534, %get3A_538 : vector<16xf32>
    %get3A_540 = arith.constant 15 : i32
    %get3A_541 = arith.index_cast %get3A_540 : i32 to index
    %get3A_542 = arith.constant 80 : index
    %get3A_543 = tpu.vector_load %arg13[%get3A_541, %get3A_542] {strides = array<i32>} : memref<16x320xf32, #tpu.memory_space<vmem>>, vector<16xf32>,
    %add3A_544 = arith.addf %add3A_539, %get3A_543 : vector<16xf32>
    %get3A_545 = arith.constant 80 : index
    %get3A_546 = tpu.vector_load %arg14[%get3A_545] {strides = array<i32>} : memref<320xf32, #tpu.memory_space<vmem>>, vector<16xf32>,
    %mul3A_547 = arith.mulf %add3A_544, %get3A_546 : vector<16xf32>
    %add3A_548 = arith.addf %mul3A_547, %get3A_11 : vector<16xf32>
    %swap3A_549 = arith.constant 80 : index
    %swap3A_550 = tpu.vector_load %arg16[%swap3A_549] {strides = array<i32>} : memref<320xf32, #tpu.memory_space<vmem>>, vector<16xf32>,
    tpu.vector_store %arg16[%swap3A_549], %add3A_548 {strides = array<i32>} : memref<320xf32, #tpu.memory_space<vmem>>, vector<16xf32>,
    %add3A_551 = arith.constant 96 : i32
    %add3A_552 = arith.addi %add3A, %add3A_551 : i32
    %get3A_553 = arith.index_cast %add3A_552 : i32 to index
    %get3A_554 = tpu.vector_load %arg9[%get3A_553] {strides = array<i32>} : memref<10240xf32, #tpu.memory_space<vmem>>, vector<16xf32>,
    %get3A_555 = arith.constant 0 : i32
    %get3A_556 = arith.index_cast %get3A_555 : i32 to index
    %get3A_557 = arith.constant 96 : index
    %get3A_558 = tpu.vector_load %arg13[%get3A_556, %get3A_557] {strides = array<i32>} : memref<16x320xf32, #tpu.memory_space<vmem>>, vector<16xf32>,
    %add3A_559 = arith.addf %get3A_554, %get3A_558 : vector<16xf32>
    %get3A_560 = arith.constant 1 : i32
    %get3A_561 = arith.index_cast %get3A_560 : i32 to index
    %get3A_562 = arith.constant 96 : index
    %get3A_563 = tpu.vector_load %arg13[%get3A_561, %get3A_562] {strides = array<i32>} : memref<16x320xf32, #tpu.memory_space<vmem>>, vector<16xf32>,
    %add3A_564 = arith.addf %add3A_559, %get3A_563 : vector<16xf32>
    %get3A_565 = arith.constant 2 : i32
    %get3A_566 = arith.index_cast %get3A_565 : i32 to index
    %get3A_567 = arith.constant 96 : index
    %get3A_568 = tpu.vector_load %arg13[%get3A_566, %get3A_567] {strides = array<i32>} : memref<16x320xf32, #tpu.memory_space<vmem>>, vector<16xf32>,
    %add3A_569 = arith.addf %add3A_564, %get3A_568 : vector<16xf32>
    %get3A_570 = arith.constant 3 : i32
    %get3A_571 = arith.index_cast %get3A_570 : i32 to index
    %get3A_572 = arith.constant 96 : index
    %get3A_573 = tpu.vector_load %arg13[%get3A_571, %get3A_572] {strides = array<i32>} : memref<16x320xf32, #tpu.memory_space<vmem>>, vector<16xf32>,
    %add3A_574 = arith.addf %add3A_569, %get3A_573 : vector<16xf32>
    %get3A_575 = arith.constant 4 : i32
    %get3A_576 = arith.index_cast %get3A_575 : i32 to index
    %get3A_577 = arith.constant 96 : index
    %get3A_578 = tpu.vector_load %arg13[%get3A_576, %get3A_577] {strides = array<i32>} : memref<16x320xf32, #tpu.memory_space<vmem>>, vector<16xf32>,
    %add3A_579 = arith.addf %add3A_574, %get3A_578 : vector<16xf32>
    %get3A_580 = arith.constant 5 : i32
    %get3A_581 = arith.index_cast %get3A_580 : i32 to index
    %get3A_582 = arith.constant 96 : index
    %get3A_583 = tpu.vector_load %arg13[%get3A_581, %get3A_582] {strides = array<i32>} : memref<16x320xf32, #tpu.memory_space<vmem>>, vector<16xf32>,
    %add3A_584 = arith.addf %add3A_579, %get3A_583 : vector<16xf32>
    %get3A_585 = arith.constant 6 : i32
    %get3A_586 = arith.index_cast %get3A_585 : i32 to index
    %get3A_587 = arith.constant 96 : index
    %get3A_588 = tpu.vector_load %arg13[%get3A_586, %get3A_587] {strides = array<i32>} : memref<16x320xf32, #tpu.memory_space<vmem>>, vector<16xf32>,
    %add3A_589 = arith.addf %add3A_584, %get3A_588 : vector<16xf32>
    %get3A_590 = arith.constant 7 : i32
    %get3A_591 = arith.index_cast %get3A_590 : i32 to index
    %get3A_592 = arith.constant 96 : index
    %get3A_593 = tpu.vector_load %arg13[%get3A_591, %get3A_592] {strides = array<i32>} : memref<16x320xf32, #tpu.memory_space<vmem>>, vector<16xf32>,
    %add3A_594 = arith.addf %add3A_589, %get3A_593 : vector<16xf32>
    %get3A_595 = arith.constant 8 : i32
    %get3A_596 = arith.index_cast %get3A_595 : i32 to index
    %get3A_597 = arith.constant 96 : index
    %get3A_598 = tpu.vector_load %arg13[%get3A_596, %get3A_597] {strides = array<i32>} : memref<16x320xf32, #tpu.memory_space<vmem>>, vector<16xf32>,
    %add3A_599 = arith.addf %add3A_594, %get3A_598 : vector<16xf32>
    %get3A_600 = arith.constant 9 : i32
    %get3A_601 = arith.index_cast %get3A_600 : i32 to index
    %get3A_602 = arith.constant 96 : index
    %get3A_603 = tpu.vector_load %arg13[%get3A_601, %get3A_602] {strides = array<i32>} : memref<16x320xf32, #tpu.memory_space<vmem>>, vector<16xf32>,
    %add3A_604 = arith.addf %add3A_599, %get3A_603 : vector<16xf32>
    %get3A_605 = arith.constant 10 : i32
    %get3A_606 = arith.index_cast %get3A_605 : i32 to index
    %get3A_607 = arith.constant 96 : index
    %get3A_608 = tpu.vector_load %arg13[%get3A_606, %get3A_607] {strides = array<i32>} : memref<16x320xf32, #tpu.memory_space<vmem>>, vector<16xf32>,
    %add3A_609 = arith.addf %add3A_604, %get3A_608 : vector<16xf32>
    %get3A_610 = arith.constant 11 : i32
    %get3A_611 = arith.index_cast %get3A_610 : i32 to index
    %get3A_612 = arith.constant 96 : index
    %get3A_613 = tpu.vector_load %arg13[%get3A_611, %get3A_612] {strides = array<i32>} : memref<16x320xf32, #tpu.memory_space<vmem>>, vector<16xf32>,
    %add3A_614 = arith.addf %add3A_609, %get3A_613 : vector<16xf32>
    %get3A_615 = arith.constant 12 : i32
    %get3A_616 = arith.index_cast %get3A_615 : i32 to index
    %get3A_617 = arith.constant 96 : index
    %get3A_618 = tpu.vector_load %arg13[%get3A_616, %get3A_617] {strides = array<i32>} : memref<16x320xf32, #tpu.memory_space<vmem>>, vector<16xf32>,
    %add3A_619 = arith.addf %add3A_614, %get3A_618 : vector<16xf32>
    %get3A_620 = arith.constant 13 : i32
    %get3A_621 = arith.index_cast %get3A_620 : i32 to index
    %get3A_622 = arith.constant 96 : index
    %get3A_623 = tpu.vector_load %arg13[%get3A_621, %get3A_622] {strides = array<i32>} : memref<16x320xf32, #tpu.memory_space<vmem>>, vector<16xf32>,
    %add3A_624 = arith.addf %add3A_619, %get3A_623 : vector<16xf32>
    %get3A_625 = arith.constant 14 : i32
    %get3A_626 = arith.index_cast %get3A_625 : i32 to index
    %get3A_627 = arith.constant 96 : index
    %get3A_628 = tpu.vector_load %arg13[%get3A_626, %get3A_627] {strides = array<i32>} : memref<16x320xf32, #tpu.memory_space<vmem>>, vector<16xf32>,
    %add3A_629 = arith.addf %add3A_624, %get3A_628 : vector<16xf32>
    %get3A_630 = arith.constant 15 : i32
    %get3A_631 = arith.index_cast %get3A_630 : i32 to index
    %get3A_632 = arith.constant 96 : index
    %get3A_633 = tpu.vector_load %arg13[%get3A_631, %get3A_632] {strides = array<i32>} : memref<16x320xf32, #tpu.memory_space<vmem>>, vector<16xf32>,
    %add3A_634 = arith.addf %add3A_629, %get3A_633 : vector<16xf32>
    %get3A_635 = arith.constant 96 : index
    %get3A_636 = tpu.vector_load %arg14[%get3A_635] {strides = array<i32>} : memref<320xf32, #tpu.memory_space<vmem>>, vector<16xf32>,
    %mul3A_637 = arith.mulf %add3A_634, %get3A_636 : vector<16xf32>
    %add3A_638 = arith.addf %mul3A_637, %get3A_11 : vector<16xf32>
    %swap3A_639 = arith.constant 96 : index
    %swap3A_640 = tpu.vector_load %arg16[%swap3A_639] {strides = array<i32>} : memref<320xf32, #tpu.memory_space<vmem>>, vector<16xf32>,
    tpu.vector_store %arg16[%swap3A_639], %add3A_638 {strides = array<i32>} : memref<320xf32, #tpu.memory_space<vmem>>, vector<16xf32>,
    %add3A_641 = arith.constant 112 : i32
    %add3A_642 = arith.addi %add3A, %add3A_641 : i32
    %get3A_643 = arith.index_cast %add3A_642 : i32 to index
    %get3A_644 = tpu.vector_load %arg9[%get3A_643] {strides = array<i32>} : memref<10240xf32, #tpu.memory_space<vmem>>, vector<16xf32>,
    %get3A_645 = arith.constant 0 : i32
    %get3A_646 = arith.index_cast %get3A_645 : i32 to index
    %get3A_647 = arith.constant 112 : index
    %get3A_648 = tpu.vector_load %arg13[%get3A_646, %get3A_647] {strides = array<i32>} : memref<16x320xf32, #tpu.memory_space<vmem>>, vector<16xf32>,
    %add3A_649 = arith.addf %get3A_644, %get3A_648 : vector<16xf32>
    %get3A_650 = arith.constant 1 : i32
    %get3A_651 = arith.index_cast %get3A_650 : i32 to index
    %get3A_652 = arith.constant 112 : index
    %get3A_653 = tpu.vector_load %arg13[%get3A_651, %get3A_652] {strides = array<i32>} : memref<16x320xf32, #tpu.memory_space<vmem>>, vector<16xf32>,
    %add3A_654 = arith.addf %add3A_649, %get3A_653 : vector<16xf32>
    %get3A_655 = arith.constant 2 : i32
    %get3A_656 = arith.index_cast %get3A_655 : i32 to index
    %get3A_657 = arith.constant 112 : index
    %get3A_658 = tpu.vector_load %arg13[%get3A_656, %get3A_657] {strides = array<i32>} : memref<16x320xf32, #tpu.memory_space<vmem>>, vector<16xf32>,
    %add3A_659 = arith.addf %add3A_654, %get3A_658 : vector<16xf32>
    %get3A_660 = arith.constant 3 : i32
    %get3A_661 = arith.index_cast %get3A_660 : i32 to index
    %get3A_662 = arith.constant 112 : index
    %get3A_663 = tpu.vector_load %arg13[%get3A_661, %get3A_662] {strides = array<i32>} : memref<16x320xf32, #tpu.memory_space<vmem>>, vector<16xf32>,
    %add3A_664 = arith.addf %add3A_659, %get3A_663 : vector<16xf32>
    %get3A_665 = arith.constant 4 : i32
    %get3A_666 = arith.index_cast %get3A_665 : i32 to index
    %get3A_667 = arith.constant 112 : index
    %get3A_668 = tpu.vector_load %arg13[%get3A_666, %get3A_667] {strides = array<i32>} : memref<16x320xf32, #tpu.memory_space<vmem>>, vector<16xf32>,
    %add3A_669 = arith.addf %add3A_664, %get3A_668 : vector<16xf32>
    %get3A_670 = arith.constant 5 : i32
    %get3A_671 = arith.index_cast %get3A_670 : i32 to index
    %get3A_672 = arith.constant 112 : index
    %get3A_673 = tpu.vector_load %arg13[%get3A_671, %get3A_672] {strides = array<i32>} : memref<16x320xf32, #tpu.memory_space<vmem>>, vector<16xf32>,
    %add3A_674 = arith.addf %add3A_669, %get3A_673 : vector<16xf32>
    %get3A_675 = arith.constant 6 : i32
    %get3A_676 = arith.index_cast %get3A_675 : i32 to index
    %get3A_677 = arith.constant 112 : index
    %get3A_678 = tpu.vector_load %arg13[%get3A_676, %get3A_677] {strides = array<i32>} : memref<16x320xf32, #tpu.memory_space<vmem>>, vector<16xf32>,
    %add3A_679 = arith.addf %add3A_674, %get3A_678 : vector<16xf32>
    %get3A_680 = arith.constant 7 : i32
    %get3A_681 = arith.index_cast %get3A_680 : i32 to index
    %get3A_682 = arith.constant 112 : index
    %get3A_683 = tpu.vector_load %arg13[%get3A_681, %get3A_682] {strides = array<i32>} : memref<16x320xf32, #tpu.memory_space<vmem>>, vector<16xf32>,
    %add3A_684 = arith.addf %add3A_679, %get3A_683 : vector<16xf32>
    %get3A_685 = arith.constant 8 : i32
    %get3A_686 = arith.index_cast %get3A_685 : i32 to index
    %get3A_687 = arith.constant 112 : index
    %get3A_688 = tpu.vector_load %arg13[%get3A_686, %get3A_687] {strides = array<i32>} : memref<16x320xf32, #tpu.memory_space<vmem>>, vector<16xf32>,
    %add3A_689 = arith.addf %add3A_684, %get3A_688 : vector<16xf32>
    %get3A_690 = arith.constant 9 : i32
    %get3A_691 = arith.index_cast %get3A_690 : i32 to index
    %get3A_692 = arith.constant 112 : index
    %get3A_693 = tpu.vector_load %arg13[%get3A_691, %get3A_692] {strides = array<i32>} : memref<16x320xf32, #tpu.memory_space<vmem>>, vector<16xf32>,
    %add3A_694 = arith.addf %add3A_689, %get3A_693 : vector<16xf32>
    %get3A_695 = arith.constant 10 : i32
    %get3A_696 = arith.index_cast %get3A_695 : i32 to index
    %get3A_697 = arith.constant 112 : index
    %get3A_698 = tpu.vector_load %arg13[%get3A_696, %get3A_697] {strides = array<i32>} : memref<16x320xf32, #tpu.memory_space<vmem>>, vector<16xf32>,
    %add3A_699 = arith.addf %add3A_694, %get3A_698 : vector<16xf32>
    %get3A_700 = arith.constant 11 : i32
    %get3A_701 = arith.index_cast %get3A_700 : i32 to index
    %get3A_702 = arith.constant 112 : index
    %get3A_703 = tpu.vector_load %arg13[%get3A_701, %get3A_702] {strides = array<i32>} : memref<16x320xf32, #tpu.memory_space<vmem>>, vector<16xf32>,
    %add3A_704 = arith.addf %add3A_699, %get3A_703 : vector<16xf32>
    %get3A_705 = arith.constant 12 : i32
    %get3A_706 = arith.index_cast %get3A_705 : i32 to index
    %get3A_707 = arith.constant 112 : index
    %get3A_708 = tpu.vector_load %arg13[%get3A_706, %get3A_707] {strides = array<i32>} : memref<16x320xf32, #tpu.memory_space<vmem>>, vector<16xf32>,
    %add3A_709 = arith.addf %add3A_704, %get3A_708 : vector<16xf32>
    %get3A_710 = arith.constant 13 : i32
    %get3A_711 = arith.index_cast %get3A_710 : i32 to index
    %get3A_712 = arith.constant 112 : index
    %get3A_713 = tpu.vector_load %arg13[%get3A_711, %get3A_712] {strides = array<i32>} : memref<16x320xf32, #tpu.memory_space<vmem>>, vector<16xf32>,
    %add3A_714 = arith.addf %add3A_709, %get3A_713 : vector<16xf32>
    %get3A_715 = arith.constant 14 : i32
    %get3A_716 = arith.index_cast %get3A_715 : i32 to index
    %get3A_717 = arith.constant 112 : index
    %get3A_718 = tpu.vector_load %arg13[%get3A_716, %get3A_717] {strides = array<i32>} : memref<16x320xf32, #tpu.memory_space<vmem>>, vector<16xf32>,
    %add3A_719 = arith.addf %add3A_714, %get3A_718 : vector<16xf32>
    %get3A_720 = arith.constant 15 : i32
    %get3A_721 = arith.index_cast %get3A_720 : i32 to index
    %get3A_722 = arith.constant 112 : index
    %get3A_723 = tpu.vector_load %arg13[%get3A_721, %get3A_722] {strides = array<i32>} : memref<16x320xf32, #tpu.memory_space<vmem>>, vector<16xf32>,
    %add3A_724 = arith.addf %add3A_719, %get3A_723 : vector<16xf32>
    %get3A_725 = arith.constant 112 : index
    %get3A_726 = tpu.vector_load %arg14[%get3A_725] {strides = array<i32>} : memref<320xf32, #tpu.memory_space<vmem>>, vector<16xf32>,
    %mul3A_727 = arith.mulf %add3A_724, %get3A_726 : vector<16xf32>
    %add3A_728 = arith.addf %mul3A_727, %get3A_11 : vector<16xf32>
    %swap3A_729 = arith.constant 112 : index
    %swap3A_730 = tpu.vector_load %arg16[%swap3A_729] {strides = array<i32>} : memref<320xf32, #tpu.memory_space<vmem>>, vector<16xf32>,
    tpu.vector_store %arg16[%swap3A_729], %add3A_728 {strides = array<i32>} : memref<320xf32, #tpu.memory_space<vmem>>, vector<16xf32>,
    %add3A_731 = arith.constant 128 : i32
    %add3A_732 = arith.addi %add3A, %add3A_731 : i32
    %get3A_733 = arith.index_cast %add3A_732 : i32 to index
    %get3A_734 = tpu.vector_load %arg9[%get3A_733] {strides = array<i32>} : memref<10240xf32, #tpu.memory_space<vmem>>, vector<16xf32>,
    %get3A_735 = arith.constant 0 : i32
    %get3A_736 = arith.index_cast %get3A_735 : i32 to index
    %get3A_737 = arith.constant 128 : index
    %get3A_738 = tpu.vector_load %arg13[%get3A_736, %get3A_737] {strides = array<i32>} : memref<16x320xf32, #tpu.memory_space<vmem>>, vector<16xf32>,
    %add3A_739 = arith.addf %get3A_734, %get3A_738 : vector<16xf32>
    %get3A_740 = arith.constant 1 : i32
    %get3A_741 = arith.index_cast %get3A_740 : i32 to index
    %get3A_742 = arith.constant 128 : index
    %get3A_743 = tpu.vector_load %arg13[%get3A_741, %get3A_742] {strides = array<i32>} : memref<16x320xf32, #tpu.memory_space<vmem>>, vector<16xf32>,
    %add3A_744 = arith.addf %add3A_739, %get3A_743 : vector<16xf32>
    %get3A_745 = arith.constant 2 : i32
    %get3A_746 = arith.index_cast %get3A_745 : i32 to index
    %get3A_747 = arith.constant 128 : index
    %get3A_748 = tpu.vector_load %arg13[%get3A_746, %get3A_747] {strides = array<i32>} : memref<16x320xf32, #tpu.memory_space<vmem>>, vector<16xf32>,
    %add3A_749 = arith.addf %add3A_744, %get3A_748 : vector<16xf32>
    %get3A_750 = arith.constant 3 : i32
    %get3A_751 = arith.index_cast %get3A_750 : i32 to index
    %get3A_752 = arith.constant 128 : index
    %get3A_753 = tpu.vector_load %arg13[%get3A_751, %get3A_752] {strides = array<i32>} : memref<16x320xf32, #tpu.memory_space<vmem>>, vector<16xf32>,
    %add3A_754 = arith.addf %add3A_749, %get3A_753 : vector<16xf32>
    %get3A_755 = arith.constant 4 : i32
    %get3A_756 = arith.index_cast %get3A_755 : i32 to index
    %get3A_757 = arith.constant 128 : index
    %get3A_758 = tpu.vector_load %arg13[%get3A_756, %get3A_757] {strides = array<i32>} : memref<16x320xf32, #tpu.memory_space<vmem>>, vector<16xf32>,
    %add3A_759 = arith.addf %add3A_754, %get3A_758 : vector<16xf32>
    %get3A_760 = arith.constant 5 : i32
    %get3A_761 = arith.index_cast %get3A_760 : i32 to index
    %get3A_762 = arith.constant 128 : index
    %get3A_763 = tpu.vector_load %arg13[%get3A_761, %get3A_762] {strides = array<i32>} : memref<16x320xf32, #tpu.memory_space<vmem>>, vector<16xf32>,
    %add3A_764 = arith.addf %add3A_759, %get3A_763 : vector<16xf32>
    %get3A_765 = arith.constant 6 : i32
    %get3A_766 = arith.index_cast %get3A_765 : i32 to index
    %get3A_767 = arith.constant 128 : index
    %get3A_768 = tpu.vector_load %arg13[%get3A_766, %get3A_767] {strides = array<i32>} : memref<16x320xf32, #tpu.memory_space<vmem>>, vector<16xf32>,
    %add3A_769 = arith.addf %add3A_764, %get3A_768 : vector<16xf32>
    %get3A_770 = arith.constant 7 : i32
    %get3A_771 = arith.index_cast %get3A_770 : i32 to index
    %get3A_772 = arith.constant 128 : index
    %get3A_773 = tpu.vector_load %arg13[%get3A_771, %get3A_772] {strides = array<i32>} : memref<16x320xf32, #tpu.memory_space<vmem>>, vector<16xf32>,
    %add3A_774 = arith.addf %add3A_769, %get3A_773 : vector<16xf32>
    %get3A_775 = arith.constant 8 : i32
    %get3A_776 = arith.index_cast %get3A_775 : i32 to index
    %get3A_777 = arith.constant 128 : index
    %get3A_778 = tpu.vector_load %arg13[%get3A_776, %get3A_777] {strides = array<i32>} : memref<16x320xf32, #tpu.memory_space<vmem>>, vector<16xf32>,
    %add3A_779 = arith.addf %add3A_774, %get3A_778 : vector<16xf32>
    %get3A_780 = arith.constant 9 : i32
    %get3A_781 = arith.index_cast %get3A_780 : i32 to index
    %get3A_782 = arith.constant 128 : index
    %get3A_783 = tpu.vector_load %arg13[%get3A_781, %get3A_782] {strides = array<i32>} : memref<16x320xf32, #tpu.memory_space<vmem>>, vector<16xf32>,
    %add3A_784 = arith.addf %add3A_779, %get3A_783 : vector<16xf32>
    %get3A_785 = arith.constant 10 : i32
    %get3A_786 = arith.index_cast %get3A_785 : i32 to index
    %get3A_787 = arith.constant 128 : index
    %get3A_788 = tpu.vector_load %arg13[%get3A_786, %get3A_787] {strides = array<i32>} : memref<16x320xf32, #tpu.memory_space<vmem>>, vector<16xf32>,
    %add3A_789 = arith.addf %add3A_784, %get3A_788 : vector<16xf32>
    %get3A_790 = arith.constant 11 : i32
    %get3A_791 = arith.index_cast %get3A_790 : i32 to index
    %get3A_792 = arith.constant 128 : index
    %get3A_793 = tpu.vector_load %arg13[%get3A_791, %get3A_792] {strides = array<i32>} : memref<16x320xf32, #tpu.memory_space<vmem>>, vector<16xf32>,
    %add3A_794 = arith.addf %add3A_789, %get3A_793 : vector<16xf32>
    %get3A_795 = arith.constant 12 : i32
    %get3A_796 = arith.index_cast %get3A_795 : i32 to index
    %get3A_797 = arith.constant 128 : index
    %get3A_798 = tpu.vector_load %arg13[%get3A_796, %get3A_797] {strides = array<i32>} : memref<16x320xf32, #tpu.memory_space<vmem>>, vector<16xf32>,
    %add3A_799 = arith.addf %add3A_794, %get3A_798 : vector<16xf32>
    %get3A_800 = arith.constant 13 : i32
    %get3A_801 = arith.index_cast %get3A_800 : i32 to index
    %get3A_802 = arith.constant 128 : index
    %get3A_803 = tpu.vector_load %arg13[%get3A_801, %get3A_802] {strides = array<i32>} : memref<16x320xf32, #tpu.memory_space<vmem>>, vector<16xf32>,
    %add3A_804 = arith.addf %add3A_799, %get3A_803 : vector<16xf32>
    %get3A_805 = arith.constant 14 : i32
    %get3A_806 = arith.index_cast %get3A_805 : i32 to index
    %get3A_807 = arith.constant 128 : index
    %get3A_808 = tpu.vector_load %arg13[%get3A_806, %get3A_807] {strides = array<i32>} : memref<16x320xf32, #tpu.memory_space<vmem>>, vector<16xf32>,
    %add3A_809 = arith.addf %add3A_804, %get3A_808 : vector<16xf32>
    %get3A_810 = arith.constant 15 : i32
    %get3A_811 = arith.index_cast %get3A_810 : i32 to index
    %get3A_812 = arith.constant 128 : index
    %get3A_813 = tpu.vector_load %arg13[%get3A_811, %get3A_812] {strides = array<i32>} : memref<16x320xf32, #tpu.memory_space<vmem>>, vector<16xf32>,
    %add3A_814 = arith.addf %add3A_809, %get3A_813 : vector<16xf32>
    %get3A_815 = arith.constant 128 : index
    %get3A_816 = tpu.vector_load %arg14[%get3A_815] {strides = array<i32>} : memref<320xf32, #tpu.memory_space<vmem>>, vector<16xf32>,
    %mul3A_817 = arith.mulf %add3A_814, %get3A_816 : vector<16xf32>
    %add3A_818 = arith.addf %mul3A_817, %get3A_11 : vector<16xf32>
    %swap3A_819 = arith.constant 128 : index
    %swap3A_820 = tpu.vector_load %arg16[%swap3A_819] {strides = array<i32>} : memref<320xf32, #tpu.memory_space<vmem>>, vector<16xf32>,
    tpu.vector_store %arg16[%swap3A_819], %add3A_818 {strides = array<i32>} : memref<320xf32, #tpu.memory_space<vmem>>, vector<16xf32>,
    %add3A_821 = arith.constant 144 : i32
    %add3A_822 = arith.addi %add3A, %add3A_821 : i32
    %get3A_823 = arith.index_cast %add3A_822 : i32 to index
    %get3A_824 = tpu.vector_load %arg9[%get3A_823] {strides = array<i32>} : memref<10240xf32, #tpu.memory_space<vmem>>, vector<16xf32>,
    %get3A_825 = arith.constant 0 : i32
    %get3A_826 = arith.index_cast %get3A_825 : i32 to index
    %get3A_827 = arith.constant 144 : index
    %get3A_828 = tpu.vector_load %arg13[%get3A_826, %get3A_827] {strides = array<i32>} : memref<16x320xf32, #tpu.memory_space<vmem>>, vector<16xf32>,
    %add3A_829 = arith.addf %get3A_824, %get3A_828 : vector<16xf32>
    %get3A_830 = arith.constant 1 : i32
    %get3A_831 = arith.index_cast %get3A_830 : i32 to index
    %get3A_832 = arith.constant 144 : index
    %get3A_833 = tpu.vector_load %arg13[%get3A_831, %get3A_832] {strides = array<i32>} : memref<16x320xf32, #tpu.memory_space<vmem>>, vector<16xf32>,
    %add3A_834 = arith.addf %add3A_829, %get3A_833 : vector<16xf32>
    %get3A_835 = arith.constant 2 : i32
    %get3A_836 = arith.index_cast %get3A_835 : i32 to index
    %get3A_837 = arith.constant 144 : index
    %get3A_838 = tpu.vector_load %arg13[%get3A_836, %get3A_837] {strides = array<i32>} : memref<16x320xf32, #tpu.memory_space<vmem>>, vector<16xf32>,
    %add3A_839 = arith.addf %add3A_834, %get3A_838 : vector<16xf32>
    %get3A_840 = arith.constant 3 : i32
    %get3A_841 = arith.index_cast %get3A_840 : i32 to index
    %get3A_842 = arith.constant 144 : index
    %get3A_843 = tpu.vector_load %arg13[%get3A_841, %get3A_842] {strides = array<i32>} : memref<16x320xf32, #tpu.memory_space<vmem>>, vector<16xf32>,
    %add3A_844 = arith.addf %add3A_839, %get3A_843 : vector<16xf32>
    %get3A_845 = arith.constant 4 : i32
    %get3A_846 = arith.index_cast %get3A_845 : i32 to index
    %get3A_847 = arith.constant 144 : index
    %get3A_848 = tpu.vector_load %arg13[%get3A_846, %get3A_847] {strides = array<i32>} : memref<16x320xf32, #tpu.memory_space<vmem>>, vector<16xf32>,
    %add3A_849 = arith.addf %add3A_844, %get3A_848 : vector<16xf32>
    %get3A_850 = arith.constant 5 : i32
    %get3A_851 = arith.index_cast %get3A_850 : i32 to index
    %get3A_852 = arith.constant 144 : index
    %get3A_853 = tpu.vector_load %arg13[%get3A_851, %get3A_852] {strides = array<i32>} : memref<16x320xf32, #tpu.memory_space<vmem>>, vector<16xf32>,
    %add3A_854 = arith.addf %add3A_849, %get3A_853 : vector<16xf32>
    %get3A_855 = arith.constant 6 : i32
    %get3A_856 = arith.index_cast %get3A_855 : i32 to index
    %get3A_857 = arith.constant 144 : index
    %get3A_858 = tpu.vector_load %arg13[%get3A_856, %get3A_857] {strides = array<i32>} : memref<16x320xf32, #tpu.memory_space<vmem>>, vector<16xf32>,
    %add3A_859 = arith.addf %add3A_854, %get3A_858 : vector<16xf32>
    %get3A_860 = arith.constant 7 : i32
    %get3A_861 = arith.index_cast %get3A_860 : i32 to index
    %get3A_862 = arith.constant 144 : index
    %get3A_863 = tpu.vector_load %arg13[%get3A_861, %get3A_862] {strides = array<i32>} : memref<16x320xf32, #tpu.memory_space<vmem>>, vector<16xf32>,
    %add3A_864 = arith.addf %add3A_859, %get3A_863 : vector<16xf32>
    %get3A_865 = arith.constant 8 : i32
    %get3A_866 = arith.index_cast %get3A_865 : i32 to index
    %get3A_867 = arith.constant 144 : index
    %get3A_868 = tpu.vector_load %arg13[%get3A_866, %get3A_867] {strides = array<i32>} : memref<16x320xf32, #tpu.memory_space<vmem>>, vector<16xf32>,
    %add3A_869 = arith.addf %add3A_864, %get3A_868 : vector<16xf32>
    %get3A_870 = arith.constant 9 : i32
    %get3A_871 = arith.index_cast %get3A_870 : i32 to index
    %get3A_872 = arith.constant 144 : index
    %get3A_873 = tpu.vector_load %arg13[%get3A_871, %get3A_872] {strides = array<i32>} : memref<16x320xf32, #tpu.memory_space<vmem>>, vector<16xf32>,
    %add3A_874 = arith.addf %add3A_869, %get3A_873 : vector<16xf32>
    %get3A_875 = arith.constant 10 : i32
    %get3A_876 = arith.index_cast %get3A_875 : i32 to index
    %get3A_877 = arith.constant 144 : index
    %get3A_878 = tpu.vector_load %arg13[%get3A_876, %get3A_877] {strides = array<i32>} : memref<16x320xf32, #tpu.memory_space<vmem>>, vector<16xf32>,
    %add3A_879 = arith.addf %add3A_874, %get3A_878 : vector<16xf32>
    %get3A_880 = arith.constant 11 : i32
    %get3A_881 = arith.index_cast %get3A_880 : i32 to index
    %get3A_882 = arith.constant 144 : index
    %get3A_883 = tpu.vector_load %arg13[%get3A_881, %get3A_882] {strides = array<i32>} : memref<16x320xf32, #tpu.memory_space<vmem>>, vector<16xf32>,
    %add3A_884 = arith.addf %add3A_879, %get3A_883 : vector<16xf32>
    %get3A_885 = arith.constant 12 : i32
    %get3A_886 = arith.index_cast %get3A_885 : i32 to index
    %get3A_887 = arith.constant 144 : index
    %get3A_888 = tpu.vector_load %arg13[%get3A_886, %get3A_887] {strides = array<i32>} : memref<16x320xf32, #tpu.memory_space<vmem>>, vector<16xf32>,
    %add3A_889 = arith.addf %add3A_884, %get3A_888 : vector<16xf32>
    %get3A_890 = arith.constant 13 : i32
    %get3A_891 = arith.index_cast %get3A_890 : i32 to index
    %get3A_892 = arith.constant 144 : index
    %get3A_893 = tpu.vector_load %arg13[%get3A_891, %get3A_892] {strides = array<i32>} : memref<16x320xf32, #tpu.memory_space<vmem>>, vector<16xf32>,
    %add3A_894 = arith.addf %add3A_889, %get3A_893 : vector<16xf32>
    %get3A_895 = arith.constant 14 : i32
    %get3A_896 = arith.index_cast %get3A_895 : i32 to index
    %get3A_897 = arith.constant 144 : index
    %get3A_898 = tpu.vector_load %arg13[%get3A_896, %get3A_897] {strides = array<i32>} : memref<16x320xf32, #tpu.memory_space<vmem>>, vector<16xf32>,
    %add3A_899 = arith.addf %add3A_894, %get3A_898 : vector<16xf32>
    %get3A_900 = arith.constant 15 : i32
    %get3A_901 = arith.index_cast %get3A_900 : i32 to index
    %get3A_902 = arith.constant 144 : index
    %get3A_903 = tpu.vector_load %arg13[%get3A_901, %get3A_902] {strides = array<i32>} : memref<16x320xf32, #tpu.memory_space<vmem>>, vector<16xf32>,
    %add3A_904 = arith.addf %add3A_899, %get3A_903 : vector<16xf32>
    %get3A_905 = arith.constant 144 : index
    %get3A_906 = tpu.vector_load %arg14[%get3A_905] {strides = array<i32>} : memref<320xf32, #tpu.memory_space<vmem>>, vector<16xf32>,
    %mul3A_907 = arith.mulf %add3A_904, %get3A_906 : vector<16xf32>
    %add3A_908 = arith.addf %mul3A_907, %get3A_11 : vector<16xf32>
    %swap3A_909 = arith.constant 144 : index
    %swap3A_910 = tpu.vector_load %arg16[%swap3A_909] {strides = array<i32>} : memref<320xf32, #tpu.memory_space<vmem>>, vector<16xf32>,
    tpu.vector_store %arg16[%swap3A_909], %add3A_908 {strides = array<i32>} : memref<320xf32, #tpu.memory_space<vmem>>, vector<16xf32>,
    %add3A_911 = arith.constant 160 : i32
    %add3A_912 = arith.addi %add3A, %add3A_911 : i32
    %get3A_913 = arith.index_cast %add3A_912 : i32 to index
    %get3A_914 = tpu.vector_load %arg9[%get3A_913] {strides = array<i32>} : memref<10240xf32, #tpu.memory_space<vmem>>, vector<16xf32>,
    %get3A_915 = arith.constant 0 : i32
    %get3A_916 = arith.index_cast %get3A_915 : i32 to index
    %get3A_917 = arith.constant 160 : index
    %get3A_918 = tpu.vector_load %arg13[%get3A_916, %get3A_917] {strides = array<i32>} : memref<16x320xf32, #tpu.memory_space<vmem>>, vector<16xf32>,
    %add3A_919 = arith.addf %get3A_914, %get3A_918 : vector<16xf32>
    %get3A_920 = arith.constant 1 : i32
    %get3A_921 = arith.index_cast %get3A_920 : i32 to index
    %get3A_922 = arith.constant 160 : index
    %get3A_923 = tpu.vector_load %arg13[%get3A_921, %get3A_922] {strides = array<i32>} : memref<16x320xf32, #tpu.memory_space<vmem>>, vector<16xf32>,
    %add3A_924 = arith.addf %add3A_919, %get3A_923 : vector<16xf32>
    %get3A_925 = arith.constant 2 : i32
    %get3A_926 = arith.index_cast %get3A_925 : i32 to index
    %get3A_927 = arith.constant 160 : index
    %get3A_928 = tpu.vector_load %arg13[%get3A_926, %get3A_927] {strides = array<i32>} : memref<16x320xf32, #tpu.memory_space<vmem>>, vector<16xf32>,
    %add3A_929 = arith.addf %add3A_924, %get3A_928 : vector<16xf32>
    %get3A_930 = arith.constant 3 : i32
    %get3A_931 = arith.index_cast %get3A_930 : i32 to index
    %get3A_932 = arith.constant 160 : index
    %get3A_933 = tpu.vector_load %arg13[%get3A_931, %get3A_932] {strides = array<i32>} : memref<16x320xf32, #tpu.memory_space<vmem>>, vector<16xf32>,
    %add3A_934 = arith.addf %add3A_929, %get3A_933 : vector<16xf32>
    %get3A_935 = arith.constant 4 : i32
    %get3A_936 = arith.index_cast %get3A_935 : i32 to index
    %get3A_937 = arith.constant 160 : index
    %get3A_938 = tpu.vector_load %arg13[%get3A_936, %get3A_937] {strides = array<i32>} : memref<16x320xf32, #tpu.memory_space<vmem>>, vector<16xf32>,
    %add3A_939 = arith.addf %add3A_934, %get3A_938 : vector<16xf32>
    %get3A_940 = arith.constant 5 : i32
    %get3A_941 = arith.index_cast %get3A_940 : i32 to index
    %get3A_942 = arith.constant 160 : index
    %get3A_943 = tpu.vector_load %arg13[%get3A_941, %get3A_942] {strides = array<i32>} : memref<16x320xf32, #tpu.memory_space<vmem>>, vector<16xf32>,
    %add3A_944 = arith.addf %add3A_939, %get3A_943 : vector<16xf32>
    %get3A_945 = arith.constant 6 : i32
    %get3A_946 = arith.index_cast %get3A_945 : i32 to index
    %get3A_947 = arith.constant 160 : index
    %get3A_948 = tpu.vector_load %arg13[%get3A_946, %get3A_947] {strides = array<i32>} : memref<16x320xf32, #tpu.memory_space<vmem>>, vector<16xf32>,
    %add3A_949 = arith.addf %add3A_944, %get3A_948 : vector<16xf32>
    %get3A_950 = arith.constant 7 : i32
    %get3A_951 = arith.index_cast %get3A_950 : i32 to index
    %get3A_952 = arith.constant 160 : index
    %get3A_953 = tpu.vector_load %arg13[%get3A_951, %get3A_952] {strides = array<i32>} : memref<16x320xf32, #tpu.memory_space<vmem>>, vector<16xf32>,
    %add3A_954 = arith.addf %add3A_949, %get3A_953 : vector<16xf32>
    %get3A_955 = arith.constant 8 : i32
    %get3A_956 = arith.index_cast %get3A_955 : i32 to index
    %get3A_957 = arith.constant 160 : index
    %get3A_958 = tpu.vector_load %arg13[%get3A_956, %get3A_957] {strides = array<i32>} : memref<16x320xf32, #tpu.memory_space<vmem>>, vector<16xf32>,
    %add3A_959 = arith.addf %add3A_954, %get3A_958 : vector<16xf32>
    %get3A_960 = arith.constant 9 : i32
    %get3A_961 = arith.index_cast %get3A_960 : i32 to index
    %get3A_962 = arith.constant 160 : index
    %get3A_963 = tpu.vector_load %arg13[%get3A_961, %get3A_962] {strides = array<i32>} : memref<16x320xf32, #tpu.memory_space<vmem>>, vector<16xf32>,
    %add3A_964 = arith.addf %add3A_959, %get3A_963 : vector<16xf32>
    %get3A_965 = arith.constant 10 : i32
    %get3A_966 = arith.index_cast %get3A_965 : i32 to index
    %get3A_967 = arith.constant 160 : index
    %get3A_968 = tpu.vector_load %arg13[%get3A_966, %get3A_967] {strides = array<i32>} : memref<16x320xf32, #tpu.memory_space<vmem>>, vector<16xf32>,
    %add3A_969 = arith.addf %add3A_964, %get3A_968 : vector<16xf32>
    %get3A_970 = arith.constant 11 : i32
    %get3A_971 = arith.index_cast %get3A_970 : i32 to index
    %get3A_972 = arith.constant 160 : index
    %get3A_973 = tpu.vector_load %arg13[%get3A_971, %get3A_972] {strides = array<i32>} : memref<16x320xf32, #tpu.memory_space<vmem>>, vector<16xf32>,
    %add3A_974 = arith.addf %add3A_969, %get3A_973 : vector<16xf32>
    %get3A_975 = arith.constant 12 : i32
    %get3A_976 = arith.index_cast %get3A_975 : i32 to index
    %get3A_977 = arith.constant 160 : index
    %get3A_978 = tpu.vector_load %arg13[%get3A_976, %get3A_977] {strides = array<i32>} : memref<16x320xf32, #tpu.memory_space<vmem>>, vector<16xf32>,
    %add3A_979 = arith.addf %add3A_974, %get3A_978 : vector<16xf32>
    %get3A_980 = arith.constant 13 : i32
    %get3A_981 = arith.index_cast %get3A_980 : i32 to index
    %get3A_982 = arith.constant 160 : index
    %get3A_983 = tpu.vector_load %arg13[%get3A_981, %get3A_982] {strides = array<i32>} : memref<16x320xf32, #tpu.memory_space<vmem>>, vector<16xf32>,
    %add3A_984 = arith.addf %add3A_979, %get3A_983 : vector<16xf32>
    %get3A_985 = arith.constant 14 : i32
    %get3A_986 = arith.index_cast %get3A_985 : i32 to index
    %get3A_987 = arith.constant 160 : index
    %get3A_988 = tpu.vector_load %arg13[%get3A_986, %get3A_987] {strides = array<i32>} : memref<16x320xf32, #tpu.memory_space<vmem>>, vector<16xf32>,
    %add3A_989 = arith.addf %add3A_984, %get3A_988 : vector<16xf32>
    %get3A_990 = arith.constant 15 : i32
    %get3A_991 = arith.index_cast %get3A_990 : i32 to index
    %get3A_992 = arith.constant 160 : index
    %get3A_993 = tpu.vector_load %arg13[%get3A_991, %get3A_992] {strides = array<i32>} : memref<16x320xf32, #tpu.memory_space<vmem>>, vector<16xf32>,
    %add3A_994 = arith.addf %add3A_989, %get3A_993 : vector<16xf32>
    %get3A_995 = arith.constant 160 : index
    %get3A_996 = tpu.vector_load %arg14[%get3A_995] {strides = array<i32>} : memref<320xf32, #tpu.memory_space<vmem>>, vector<16xf32>,
    %mul3A_997 = arith.mulf %add3A_994, %get3A_996 : vector<16xf32>
    %add3A_998 = arith.addf %mul3A_997, %get3A_11 : vector<16xf32>
    %swap3A_999 = arith.constant 160 : index
    %swap3A_1000 = tpu.vector_load %arg16[%swap3A_999] {strides = array<i32>} : memref<320xf32, #tpu.memory_space<vmem>>, vector<16xf32>,
    tpu.vector_store %arg16[%swap3A_999], %add3A_998 {strides = array<i32>} : memref<320xf32, #tpu.memory_space<vmem>>, vector<16xf32>,
    %add3A_1001 = arith.constant 176 : i32
    %add3A_1002 = arith.addi %add3A, %add3A_1001 : i32
    %get3A_1003 = arith.index_cast %add3A_1002 : i32 to index
    %get3A_1004 = tpu.vector_load %arg9[%get3A_1003] {strides = array<i32>} : memref<10240xf32, #tpu.memory_space<vmem>>, vector<16xf32>,
    %get3A_1005 = arith.constant 0 : i32
    %get3A_1006 = arith.index_cast %get3A_1005 : i32 to index
    %get3A_1007 = arith.constant 176 : index
    %get3A_1008 = tpu.vector_load %arg13[%get3A_1006, %get3A_1007] {strides = array<i32>} : memref<16x320xf32, #tpu.memory_space<vmem>>, vector<16xf32>,
    %add3A_1009 = arith.addf %get3A_1004, %get3A_1008 : vector<16xf32>
    %get3A_1010 = arith.constant 1 : i32
    %get3A_1011 = arith.index_cast %get3A_1010 : i32 to index
    %get3A_1012 = arith.constant 176 : index
    %get3A_1013 = tpu.vector_load %arg13[%get3A_1011, %get3A_1012] {strides = array<i32>} : memref<16x320xf32, #tpu.memory_space<vmem>>, vector<16xf32>,
    %add3A_1014 = arith.addf %add3A_1009, %get3A_1013 : vector<16xf32>
    %get3A_1015 = arith.constant 2 : i32
    %get3A_1016 = arith.index_cast %get3A_1015 : i32 to index
    %get3A_1017 = arith.constant 176 : index
    %get3A_1018 = tpu.vector_load %arg13[%get3A_1016, %get3A_1017] {strides = array<i32>} : memref<16x320xf32, #tpu.memory_space<vmem>>, vector<16xf32>,
    %add3A_1019 = arith.addf %add3A_1014, %get3A_1018 : vector<16xf32>
    %get3A_1020 = arith.constant 3 : i32
    %get3A_1021 = arith.index_cast %get3A_1020 : i32 to index
    %get3A_1022 = arith.constant 176 : index
    %get3A_1023 = tpu.vector_load %arg13[%get3A_1021, %get3A_1022] {strides = array<i32>} : memref<16x320xf32, #tpu.memory_space<vmem>>, vector<16xf32>,
    %add3A_1024 = arith.addf %add3A_1019, %get3A_1023 : vector<16xf32>
    %get3A_1025 = arith.constant 4 : i32
    %get3A_1026 = arith.index_cast %get3A_1025 : i32 to index
    %get3A_1027 = arith.constant 176 : index
    %get3A_1028 = tpu.vector_load %arg13[%get3A_1026, %get3A_1027] {strides = array<i32>} : memref<16x320xf32, #tpu.memory_space<vmem>>, vector<16xf32>,
    %add3A_1029 = arith.addf %add3A_1024, %get3A_1028 : vector<16xf32>
    %get3A_1030 = arith.constant 5 : i32
    %get3A_1031 = arith.index_cast %get3A_1030 : i32 to index
    %get3A_1032 = arith.constant 176 : index
    %get3A_1033 = tpu.vector_load %arg13[%get3A_1031, %get3A_1032] {strides = array<i32>} : memref<16x320xf32, #tpu.memory_space<vmem>>, vector<16xf32>,
    %add3A_1034 = arith.addf %add3A_1029, %get3A_1033 : vector<16xf32>
    %get3A_1035 = arith.constant 6 : i32
    %get3A_1036 = arith.index_cast %get3A_1035 : i32 to index
    %get3A_1037 = arith.constant 176 : index
    %get3A_1038 = tpu.vector_load %arg13[%get3A_1036, %get3A_1037] {strides = array<i32>} : memref<16x320xf32, #tpu.memory_space<vmem>>, vector<16xf32>,
    %add3A_1039 = arith.addf %add3A_1034, %get3A_1038 : vector<16xf32>
    %get3A_1040 = arith.constant 7 : i32
    %get3A_1041 = arith.index_cast %get3A_1040 : i32 to index
    %get3A_1042 = arith.constant 176 : index
    %get3A_1043 = tpu.vector_load %arg13[%get3A_1041, %get3A_1042] {strides = array<i32>} : memref<16x320xf32, #tpu.memory_space<vmem>>, vector<16xf32>,
    %add3A_1044 = arith.addf %add3A_1039, %get3A_1043 : vector<16xf32>
    %get3A_1045 = arith.constant 8 : i32
    %get3A_1046 = arith.index_cast %get3A_1045 : i32 to index
    %get3A_1047 = arith.constant 176 : index
    %get3A_1048 = tpu.vector_load %arg13[%get3A_1046, %get3A_1047] {strides = array<i32>} : memref<16x320xf32, #tpu.memory_space<vmem>>, vector<16xf32>,
    %add3A_1049 = arith.addf %add3A_1044, %get3A_1048 : vector<16xf32>
    %get3A_1050 = arith.constant 9 : i32
    %get3A_1051 = arith.index_cast %get3A_1050 : i32 to index
    %get3A_1052 = arith.constant 176 : index
    %get3A_1053 = tpu.vector_load %arg13[%get3A_1051, %get3A_1052] {strides = array<i32>} : memref<16x320xf32, #tpu.memory_space<vmem>>, vector<16xf32>,
    %add3A_1054 = arith.addf %add3A_1049, %get3A_1053 : vector<16xf32>
    %get3A_1055 = arith.constant 10 : i32
    %get3A_1056 = arith.index_cast %get3A_1055 : i32 to index
    %get3A_1057 = arith.constant 176 : index
    %get3A_1058 = tpu.vector_load %arg13[%get3A_1056, %get3A_1057] {strides = array<i32>} : memref<16x320xf32, #tpu.memory_space<vmem>>, vector<16xf32>,
    %add3A_1059 = arith.addf %add3A_1054, %get3A_1058 : vector<16xf32>
    %get3A_1060 = arith.constant 11 : i32
    %get3A_1061 = arith.index_cast %get3A_1060 : i32 to index
    %get3A_1062 = arith.constant 176 : index
    %get3A_1063 = tpu.vector_load %arg13[%get3A_1061, %get3A_1062] {strides = array<i32>} : memref<16x320xf32, #tpu.memory_space<vmem>>, vector<16xf32>,
    %add3A_1064 = arith.addf %add3A_1059, %get3A_1063 : vector<16xf32>
    %get3A_1065 = arith.constant 12 : i32
    %get3A_1066 = arith.index_cast %get3A_1065 : i32 to index
    %get3A_1067 = arith.constant 176 : index
    %get3A_1068 = tpu.vector_load %arg13[%get3A_1066, %get3A_1067] {strides = array<i32>} : memref<16x320xf32, #tpu.memory_space<vmem>>, vector<16xf32>,
    %add3A_1069 = arith.addf %add3A_1064, %get3A_1068 : vector<16xf32>
    %get3A_1070 = arith.constant 13 : i32
    %get3A_1071 = arith.index_cast %get3A_1070 : i32 to index
    %get3A_1072 = arith.constant 176 : index
    %get3A_1073 = tpu.vector_load %arg13[%get3A_1071, %get3A_1072] {strides = array<i32>} : memref<16x320xf32, #tpu.memory_space<vmem>>, vector<16xf32>,
    %add3A_1074 = arith.addf %add3A_1069, %get3A_1073 : vector<16xf32>
    %get3A_1075 = arith.constant 14 : i32
    %get3A_1076 = arith.index_cast %get3A_1075 : i32 to index
    %get3A_1077 = arith.constant 176 : index
    %get3A_1078 = tpu.vector_load %arg13[%get3A_1076, %get3A_1077] {strides = array<i32>} : memref<16x320xf32, #tpu.memory_space<vmem>>, vector<16xf32>,
    %add3A_1079 = arith.addf %add3A_1074, %get3A_1078 : vector<16xf32>
    %get3A_1080 = arith.constant 15 : i32
    %get3A_1081 = arith.index_cast %get3A_1080 : i32 to index
    %get3A_1082 = arith.constant 176 : index
    %get3A_1083 = tpu.vector_load %arg13[%get3A_1081, %get3A_1082] {strides = array<i32>} : memref<16x320xf32, #tpu.memory_space<vmem>>, vector<16xf32>,
    %add3A_1084 = arith.addf %add3A_1079, %get3A_1083 : vector<16xf32>
    %get3A_1085 = arith.constant 176 : index
    %get3A_1086 = tpu.vector_load %arg14[%get3A_1085] {strides = array<i32>} : memref<320xf32, #tpu.memory_space<vmem>>, vector<16xf32>,
    %mul3A_1087 = arith.mulf %add3A_1084, %get3A_1086 : vector<16xf32>
    %add3A_1088 = arith.addf %mul3A_1087, %get3A_11 : vector<16xf32>
    %swap3A_1089 = arith.constant 176 : index
    %swap3A_1090 = tpu.vector_load %arg16[%swap3A_1089] {strides = array<i32>} : memref<320xf32, #tpu.memory_space<vmem>>, vector<16xf32>,
    tpu.vector_store %arg16[%swap3A_1089], %add3A_1088 {strides = array<i32>} : memref<320xf32, #tpu.memory_space<vmem>>, vector<16xf32>,
    %add3A_1091 = arith.constant 192 : i32
    %add3A_1092 = arith.addi %add3A, %add3A_1091 : i32
    %get3A_1093 = arith.index_cast %add3A_1092 : i32 to index
    %get3A_1094 = tpu.vector_load %arg9[%get3A_1093] {strides = array<i32>} : memref<10240xf32, #tpu.memory_space<vmem>>, vector<16xf32>,
    %get3A_1095 = arith.constant 0 : i32
    %get3A_1096 = arith.index_cast %get3A_1095 : i32 to index
    %get3A_1097 = arith.constant 192 : index
    %get3A_1098 = tpu.vector_load %arg13[%get3A_1096, %get3A_1097] {strides = array<i32>} : memref<16x320xf32, #tpu.memory_space<vmem>>, vector<16xf32>,
    %add3A_1099 = arith.addf %get3A_1094, %get3A_1098 : vector<16xf32>
    %get3A_1100 = arith.constant 1 : i32
    %get3A_1101 = arith.index_cast %get3A_1100 : i32 to index
    %get3A_1102 = arith.constant 192 : index
    %get3A_1103 = tpu.vector_load %arg13[%get3A_1101, %get3A_1102] {strides = array<i32>} : memref<16x320xf32, #tpu.memory_space<vmem>>, vector<16xf32>,
    %add3A_1104 = arith.addf %add3A_1099, %get3A_1103 : vector<16xf32>
    %get3A_1105 = arith.constant 2 : i32
    %get3A_1106 = arith.index_cast %get3A_1105 : i32 to index
    %get3A_1107 = arith.constant 192 : index
    %get3A_1108 = tpu.vector_load %arg13[%get3A_1106, %get3A_1107] {strides = array<i32>} : memref<16x320xf32, #tpu.memory_space<vmem>>, vector<16xf32>,
    %add3A_1109 = arith.addf %add3A_1104, %get3A_1108 : vector<16xf32>
    %get3A_1110 = arith.constant 3 : i32
    %get3A_1111 = arith.index_cast %get3A_1110 : i32 to index
    %get3A_1112 = arith.constant 192 : index
    %get3A_1113 = tpu.vector_load %arg13[%get3A_1111, %get3A_1112] {strides = array<i32>} : memref<16x320xf32, #tpu.memory_space<vmem>>, vector<16xf32>,
    %add3A_1114 = arith.addf %add3A_1109, %get3A_1113 : vector<16xf32>
    %get3A_1115 = arith.constant 4 : i32
    %get3A_1116 = arith.index_cast %get3A_1115 : i32 to index
    %get3A_1117 = arith.constant 192 : index
    %get3A_1118 = tpu.vector_load %arg13[%get3A_1116, %get3A_1117] {strides = array<i32>} : memref<16x320xf32, #tpu.memory_space<vmem>>, vector<16xf32>,
    %add3A_1119 = arith.addf %add3A_1114, %get3A_1118 : vector<16xf32>
    %get3A_1120 = arith.constant 5 : i32
    %get3A_1121 = arith.index_cast %get3A_1120 : i32 to index
    %get3A_1122 = arith.constant 192 : index
    %get3A_1123 = tpu.vector_load %arg13[%get3A_1121, %get3A_1122] {strides = array<i32>} : memref<16x320xf32, #tpu.memory_space<vmem>>, vector<16xf32>,
    %add3A_1124 = arith.addf %add3A_1119, %get3A_1123 : vector<16xf32>
    %get3A_1125 = arith.constant 6 : i32
    %get3A_1126 = arith.index_cast %get3A_1125 : i32 to index
    %get3A_1127 = arith.constant 192 : index
    %get3A_1128 = tpu.vector_load %arg13[%get3A_1126, %get3A_1127] {strides = array<i32>} : memref<16x320xf32, #tpu.memory_space<vmem>>, vector<16xf32>,
    %add3A_1129 = arith.addf %add3A_1124, %get3A_1128 : vector<16xf32>
    %get3A_1130 = arith.constant 7 : i32
    %get3A_1131 = arith.index_cast %get3A_1130 : i32 to index
    %get3A_1132 = arith.constant 192 : index
    %get3A_1133 = tpu.vector_load %arg13[%get3A_1131, %get3A_1132] {strides = array<i32>} : memref<16x320xf32, #tpu.memory_space<vmem>>, vector<16xf32>,
    %add3A_1134 = arith.addf %add3A_1129, %get3A_1133 : vector<16xf32>
    %get3A_1135 = arith.constant 8 : i32
    %get3A_1136 = arith.index_cast %get3A_1135 : i32 to index
    %get3A_1137 = arith.constant 192 : index
    %get3A_1138 = tpu.vector_load %arg13[%get3A_1136, %get3A_1137] {strides = array<i32>} : memref<16x320xf32, #tpu.memory_space<vmem>>, vector<16xf32>,
    %add3A_1139 = arith.addf %add3A_1134, %get3A_1138 : vector<16xf32>
    %get3A_1140 = arith.constant 9 : i32
    %get3A_1141 = arith.index_cast %get3A_1140 : i32 to index
    %get3A_1142 = arith.constant 192 : index
    %get3A_1143 = tpu.vector_load %arg13[%get3A_1141, %get3A_1142] {strides = array<i32>} : memref<16x320xf32, #tpu.memory_space<vmem>>, vector<16xf32>,
    %add3A_1144 = arith.addf %add3A_1139, %get3A_1143 : vector<16xf32>
    %get3A_1145 = arith.constant 10 : i32
    %get3A_1146 = arith.index_cast %get3A_1145 : i32 to index
    %get3A_1147 = arith.constant 192 : index
    %get3A_1148 = tpu.vector_load %arg13[%get3A_1146, %get3A_1147] {strides = array<i32>} : memref<16x320xf32, #tpu.memory_space<vmem>>, vector<16xf32>,
    %add3A_1149 = arith.addf %add3A_1144, %get3A_1148 : vector<16xf32>
    %get3A_1150 = arith.constant 11 : i32
    %get3A_1151 = arith.index_cast %get3A_1150 : i32 to index
    %get3A_1152 = arith.constant 192 : index
    %get3A_1153 = tpu.vector_load %arg13[%get3A_1151, %get3A_1152] {strides = array<i32>} : memref<16x320xf32, #tpu.memory_space<vmem>>, vector<16xf32>,
    %add3A_1154 = arith.addf %add3A_1149, %get3A_1153 : vector<16xf32>
    %get3A_1155 = arith.constant 12 : i32
    %get3A_1156 = arith.index_cast %get3A_1155 : i32 to index
    %get3A_1157 = arith.constant 192 : index
    %get3A_1158 = tpu.vector_load %arg13[%get3A_1156, %get3A_1157] {strides = array<i32>} : memref<16x320xf32, #tpu.memory_space<vmem>>, vector<16xf32>,
    %add3A_1159 = arith.addf %add3A_1154, %get3A_1158 : vector<16xf32>
    %get3A_1160 = arith.constant 13 : i32
    %get3A_1161 = arith.index_cast %get3A_1160 : i32 to index
    %get3A_1162 = arith.constant 192 : index
    %get3A_1163 = tpu.vector_load %arg13[%get3A_1161, %get3A_1162] {strides = array<i32>} : memref<16x320xf32, #tpu.memory_space<vmem>>, vector<16xf32>,
    %add3A_1164 = arith.addf %add3A_1159, %get3A_1163 : vector<16xf32>
    %get3A_1165 = arith.constant 14 : i32
    %get3A_1166 = arith.index_cast %get3A_1165 : i32 to index
    %get3A_1167 = arith.constant 192 : index
    %get3A_1168 = tpu.vector_load %arg13[%get3A_1166, %get3A_1167] {strides = array<i32>} : memref<16x320xf32, #tpu.memory_space<vmem>>, vector<16xf32>,
    %add3A_1169 = arith.addf %add3A_1164, %get3A_1168 : vector<16xf32>
    %get3A_1170 = arith.constant 15 : i32
    %get3A_1171 = arith.index_cast %get3A_1170 : i32 to index
    %get3A_1172 = arith.constant 192 : index
    %get3A_1173 = tpu.vector_load %arg13[%get3A_1171, %get3A_1172] {strides = array<i32>} : memref<16x320xf32, #tpu.memory_space<vmem>>, vector<16xf32>,
    %add3A_1174 = arith.addf %add3A_1169, %get3A_1173 : vector<16xf32>
    %get3A_1175 = arith.constant 192 : index
    %get3A_1176 = tpu.vector_load %arg14[%get3A_1175] {strides = array<i32>} : memref<320xf32, #tpu.memory_space<vmem>>, vector<16xf32>,
    %mul3A_1177 = arith.mulf %add3A_1174, %get3A_1176 : vector<16xf32>
    %add3A_1178 = arith.addf %mul3A_1177, %get3A_11 : vector<16xf32>
    %swap3A_1179 = arith.constant 192 : index
    %swap3A_1180 = tpu.vector_load %arg16[%swap3A_1179] {strides = array<i32>} : memref<320xf32, #tpu.memory_space<vmem>>, vector<16xf32>,
    tpu.vector_store %arg16[%swap3A_1179], %add3A_1178 {strides = array<i32>} : memref<320xf32, #tpu.memory_space<vmem>>, vector<16xf32>,
    %add3A_1181 = arith.constant 208 : i32
    %add3A_1182 = arith.addi %add3A, %add3A_1181 : i32
    %get3A_1183 = arith.index_cast %add3A_1182 : i32 to index
    %get3A_1184 = tpu.vector_load %arg9[%get3A_1183] {strides = array<i32>} : memref<10240xf32, #tpu.memory_space<vmem>>, vector<16xf32>,
    %get3A_1185 = arith.constant 0 : i32
    %get3A_1186 = arith.index_cast %get3A_1185 : i32 to index
    %get3A_1187 = arith.constant 208 : index
    %get3A_1188 = tpu.vector_load %arg13[%get3A_1186, %get3A_1187] {strides = array<i32>} : memref<16x320xf32, #tpu.memory_space<vmem>>, vector<16xf32>,
    %add3A_1189 = arith.addf %get3A_1184, %get3A_1188 : vector<16xf32>
    %get3A_1190 = arith.constant 1 : i32
    %get3A_1191 = arith.index_cast %get3A_1190 : i32 to index
    %get3A_1192 = arith.constant 208 : index
    %get3A_1193 = tpu.vector_load %arg13[%get3A_1191, %get3A_1192] {strides = array<i32>} : memref<16x320xf32, #tpu.memory_space<vmem>>, vector<16xf32>,
    %add3A_1194 = arith.addf %add3A_1189, %get3A_1193 : vector<16xf32>
    %get3A_1195 = arith.constant 2 : i32
    %get3A_1196 = arith.index_cast %get3A_1195 : i32 to index
    %get3A_1197 = arith.constant 208 : index
    %get3A_1198 = tpu.vector_load %arg13[%get3A_1196, %get3A_1197] {strides = array<i32>} : memref<16x320xf32, #tpu.memory_space<vmem>>, vector<16xf32>,
    %add3A_1199 = arith.addf %add3A_1194, %get3A_1198 : vector<16xf32>
    %get3A_1200 = arith.constant 3 : i32
    %get3A_1201 = arith.index_cast %get3A_1200 : i32 to index
    %get3A_1202 = arith.constant 208 : index
    %get3A_1203 = tpu.vector_load %arg13[%get3A_1201, %get3A_1202] {strides = array<i32>} : memref<16x320xf32, #tpu.memory_space<vmem>>, vector<16xf32>,
    %add3A_1204 = arith.addf %add3A_1199, %get3A_1203 : vector<16xf32>
    %get3A_1205 = arith.constant 4 : i32
    %get3A_1206 = arith.index_cast %get3A_1205 : i32 to index
    %get3A_1207 = arith.constant 208 : index
    %get3A_1208 = tpu.vector_load %arg13[%get3A_1206, %get3A_1207] {strides = array<i32>} : memref<16x320xf32, #tpu.memory_space<vmem>>, vector<16xf32>,
    %add3A_1209 = arith.addf %add3A_1204, %get3A_1208 : vector<16xf32>
    %get3A_1210 = arith.constant 5 : i32
    %get3A_1211 = arith.index_cast %get3A_1210 : i32 to index
    %get3A_1212 = arith.constant 208 : index
    %get3A_1213 = tpu.vector_load %arg13[%get3A_1211, %get3A_1212] {strides = array<i32>} : memref<16x320xf32, #tpu.memory_space<vmem>>, vector<16xf32>,
    %add3A_1214 = arith.addf %add3A_1209, %get3A_1213 : vector<16xf32>
    %get3A_1215 = arith.constant 6 : i32
    %get3A_1216 = arith.index_cast %get3A_1215 : i32 to index
    %get3A_1217 = arith.constant 208 : index
    %get3A_1218 = tpu.vector_load %arg13[%get3A_1216, %get3A_1217] {strides = array<i32>} : memref<16x320xf32, #tpu.memory_space<vmem>>, vector<16xf32>,
    %add3A_1219 = arith.addf %add3A_1214, %get3A_1218 : vector<16xf32>
    %get3A_1220 = arith.constant 7 : i32
    %get3A_1221 = arith.index_cast %get3A_1220 : i32 to index
    %get3A_1222 = arith.constant 208 : index
    %get3A_1223 = tpu.vector_load %arg13[%get3A_1221, %get3A_1222] {strides = array<i32>} : memref<16x320xf32, #tpu.memory_space<vmem>>, vector<16xf32>,
    %add3A_1224 = arith.addf %add3A_1219, %get3A_1223 : vector<16xf32>
    %get3A_1225 = arith.constant 8 : i32
    %get3A_1226 = arith.index_cast %get3A_1225 : i32 to index
    %get3A_1227 = arith.constant 208 : index
    %get3A_1228 = tpu.vector_load %arg13[%get3A_1226, %get3A_1227] {strides = array<i32>} : memref<16x320xf32, #tpu.memory_space<vmem>>, vector<16xf32>,
    %add3A_1229 = arith.addf %add3A_1224, %get3A_1228 : vector<16xf32>
    %get3A_1230 = arith.constant 9 : i32
    %get3A_1231 = arith.index_cast %get3A_1230 : i32 to index
    %get3A_1232 = arith.constant 208 : index
    %get3A_1233 = tpu.vector_load %arg13[%get3A_1231, %get3A_1232] {strides = array<i32>} : memref<16x320xf32, #tpu.memory_space<vmem>>, vector<16xf32>,
    %add3A_1234 = arith.addf %add3A_1229, %get3A_1233 : vector<16xf32>
    %get3A_1235 = arith.constant 10 : i32
    %get3A_1236 = arith.index_cast %get3A_1235 : i32 to index
    %get3A_1237 = arith.constant 208 : index
    %get3A_1238 = tpu.vector_load %arg13[%get3A_1236, %get3A_1237] {strides = array<i32>} : memref<16x320xf32, #tpu.memory_space<vmem>>, vector<16xf32>,
    %add3A_1239 = arith.addf %add3A_1234, %get3A_1238 : vector<16xf32>
    %get3A_1240 = arith.constant 11 : i32
    %get3A_1241 = arith.index_cast %get3A_1240 : i32 to index
    %get3A_1242 = arith.constant 208 : index
    %get3A_1243 = tpu.vector_load %arg13[%get3A_1241, %get3A_1242] {strides = array<i32>} : memref<16x320xf32, #tpu.memory_space<vmem>>, vector<16xf32>,
    %add3A_1244 = arith.addf %add3A_1239, %get3A_1243 : vector<16xf32>
    %get3A_1245 = arith.constant 12 : i32
    %get3A_1246 = arith.index_cast %get3A_1245 : i32 to index
    %get3A_1247 = arith.constant 208 : index
    %get3A_1248 = tpu.vector_load %arg13[%get3A_1246, %get3A_1247] {strides = array<i32>} : memref<16x320xf32, #tpu.memory_space<vmem>>, vector<16xf32>,
    %add3A_1249 = arith.addf %add3A_1244, %get3A_1248 : vector<16xf32>
    %get3A_1250 = arith.constant 13 : i32
    %get3A_1251 = arith.index_cast %get3A_1250 : i32 to index
    %get3A_1252 = arith.constant 208 : index
    %get3A_1253 = tpu.vector_load %arg13[%get3A_1251, %get3A_1252] {strides = array<i32>} : memref<16x320xf32, #tpu.memory_space<vmem>>, vector<16xf32>,
    %add3A_1254 = arith.addf %add3A_1249, %get3A_1253 : vector<16xf32>
    %get3A_1255 = arith.constant 14 : i32
    %get3A_1256 = arith.index_cast %get3A_1255 : i32 to index
    %get3A_1257 = arith.constant 208 : index
    %get3A_1258 = tpu.vector_load %arg13[%get3A_1256, %get3A_1257] {strides = array<i32>} : memref<16x320xf32, #tpu.memory_space<vmem>>, vector<16xf32>,
    %add3A_1259 = arith.addf %add3A_1254, %get3A_1258 : vector<16xf32>
    %get3A_1260 = arith.constant 15 : i32
    %get3A_1261 = arith.index_cast %get3A_1260 : i32 to index
    %get3A_1262 = arith.constant 208 : index
    %get3A_1263 = tpu.vector_load %arg13[%get3A_1261, %get3A_1262] {strides = array<i32>} : memref<16x320xf32, #tpu.memory_space<vmem>>, vector<16xf32>,
    %add3A_1264 = arith.addf %add3A_1259, %get3A_1263 : vector<16xf32>
    %get3A_1265 = arith.constant 208 : index
    %get3A_1266 = tpu.vector_load %arg14[%get3A_1265] {strides = array<i32>} : memref<320xf32, #tpu.memory_space<vmem>>, vector<16xf32>,
    %mul3A_1267 = arith.mulf %add3A_1264, %get3A_1266 : vector<16xf32>
    %add3A_1268 = arith.addf %mul3A_1267, %get3A_11 : vector<16xf32>
    %swap3A_1269 = arith.constant 208 : index
    %swap3A_1270 = tpu.vector_load %arg16[%swap3A_1269] {strides = array<i32>} : memref<320xf32, #tpu.memory_space<vmem>>, vector<16xf32>,
    tpu.vector_store %arg16[%swap3A_1269], %add3A_1268 {strides = array<i32>} : memref<320xf32, #tpu.memory_space<vmem>>, vector<16xf32>,
    %add3A_1271 = arith.constant 224 : i32
    %add3A_1272 = arith.addi %add3A, %add3A_1271 : i32
    %get3A_1273 = arith.index_cast %add3A_1272 : i32 to index
    %get3A_1274 = tpu.vector_load %arg9[%get3A_1273] {strides = array<i32>} : memref<10240xf32, #tpu.memory_space<vmem>>, vector<16xf32>,
    %get3A_1275 = arith.constant 0 : i32
    %get3A_1276 = arith.index_cast %get3A_1275 : i32 to index
    %get3A_1277 = arith.constant 224 : index
    %get3A_1278 = tpu.vector_load %arg13[%get3A_1276, %get3A_1277] {strides = array<i32>} : memref<16x320xf32, #tpu.memory_space<vmem>>, vector<16xf32>,
    %add3A_1279 = arith.addf %get3A_1274, %get3A_1278 : vector<16xf32>
    %get3A_1280 = arith.constant 1 : i32
    %get3A_1281 = arith.index_cast %get3A_1280 : i32 to index
    %get3A_1282 = arith.constant 224 : index
    %get3A_1283 = tpu.vector_load %arg13[%get3A_1281, %get3A_1282] {strides = array<i32>} : memref<16x320xf32, #tpu.memory_space<vmem>>, vector<16xf32>,
    %add3A_1284 = arith.addf %add3A_1279, %get3A_1283 : vector<16xf32>
    %get3A_1285 = arith.constant 2 : i32
    %get3A_1286 = arith.index_cast %get3A_1285 : i32 to index
    %get3A_1287 = arith.constant 224 : index
    %get3A_1288 = tpu.vector_load %arg13[%get3A_1286, %get3A_1287] {strides = array<i32>} : memref<16x320xf32, #tpu.memory_space<vmem>>, vector<16xf32>,
    %add3A_1289 = arith.addf %add3A_1284, %get3A_1288 : vector<16xf32>
    %get3A_1290 = arith.constant 3 : i32
    %get3A_1291 = arith.index_cast %get3A_1290 : i32 to index
    %get3A_1292 = arith.constant 224 : index
    %get3A_1293 = tpu.vector_load %arg13[%get3A_1291, %get3A_1292] {strides = array<i32>} : memref<16x320xf32, #tpu.memory_space<vmem>>, vector<16xf32>,
    %add3A_1294 = arith.addf %add3A_1289, %get3A_1293 : vector<16xf32>
    %get3A_1295 = arith.constant 4 : i32
    %get3A_1296 = arith.index_cast %get3A_1295 : i32 to index
    %get3A_1297 = arith.constant 224 : index
    %get3A_1298 = tpu.vector_load %arg13[%get3A_1296, %get3A_1297] {strides = array<i32>} : memref<16x320xf32, #tpu.memory_space<vmem>>, vector<16xf32>,
    %add3A_1299 = arith.addf %add3A_1294, %get3A_1298 : vector<16xf32>
    %get3A_1300 = arith.constant 5 : i32
    %get3A_1301 = arith.index_cast %get3A_1300 : i32 to index
    %get3A_1302 = arith.constant 224 : index
    %get3A_1303 = tpu.vector_load %arg13[%get3A_1301, %get3A_1302] {strides = array<i32>} : memref<16x320xf32, #tpu.memory_space<vmem>>, vector<16xf32>,
    %add3A_1304 = arith.addf %add3A_1299, %get3A_1303 : vector<16xf32>
    %get3A_1305 = arith.constant 6 : i32
    %get3A_1306 = arith.index_cast %get3A_1305 : i32 to index
    %get3A_1307 = arith.constant 224 : index
    %get3A_1308 = tpu.vector_load %arg13[%get3A_1306, %get3A_1307] {strides = array<i32>} : memref<16x320xf32, #tpu.memory_space<vmem>>, vector<16xf32>,
    %add3A_1309 = arith.addf %add3A_1304, %get3A_1308 : vector<16xf32>
    %get3A_1310 = arith.constant 7 : i32
    %get3A_1311 = arith.index_cast %get3A_1310 : i32 to index
    %get3A_1312 = arith.constant 224 : index
    %get3A_1313 = tpu.vector_load %arg13[%get3A_1311, %get3A_1312] {strides = array<i32>} : memref<16x320xf32, #tpu.memory_space<vmem>>, vector<16xf32>,
    %add3A_1314 = arith.addf %add3A_1309, %get3A_1313 : vector<16xf32>
    %get3A_1315 = arith.constant 8 : i32
    %get3A_1316 = arith.index_cast %get3A_1315 : i32 to index
    %get3A_1317 = arith.constant 224 : index
    %get3A_1318 = tpu.vector_load %arg13[%get3A_1316, %get3A_1317] {strides = array<i32>} : memref<16x320xf32, #tpu.memory_space<vmem>>, vector<16xf32>,
    %add3A_1319 = arith.addf %add3A_1314, %get3A_1318 : vector<16xf32>
    %get3A_1320 = arith.constant 9 : i32
    %get3A_1321 = arith.index_cast %get3A_1320 : i32 to index
    %get3A_1322 = arith.constant 224 : index
    %get3A_1323 = tpu.vector_load %arg13[%get3A_1321, %get3A_1322] {strides = array<i32>} : memref<16x320xf32, #tpu.memory_space<vmem>>, vector<16xf32>,
    %add3A_1324 = arith.addf %add3A_1319, %get3A_1323 : vector<16xf32>
    %get3A_1325 = arith.constant 10 : i32
    %get3A_1326 = arith.index_cast %get3A_1325 : i32 to index
    %get3A_1327 = arith.constant 224 : index
    %get3A_1328 = tpu.vector_load %arg13[%get3A_1326, %get3A_1327] {strides = array<i32>} : memref<16x320xf32, #tpu.memory_space<vmem>>, vector<16xf32>,
    %add3A_1329 = arith.addf %add3A_1324, %get3A_1328 : vector<16xf32>
    %get3A_1330 = arith.constant 11 : i32
    %get3A_1331 = arith.index_cast %get3A_1330 : i32 to index
    %get3A_1332 = arith.constant 224 : index
    %get3A_1333 = tpu.vector_load %arg13[%get3A_1331, %get3A_1332] {strides = array<i32>} : memref<16x320xf32, #tpu.memory_space<vmem>>, vector<16xf32>,
    %add3A_1334 = arith.addf %add3A_1329, %get3A_1333 : vector<16xf32>
    %get3A_1335 = arith.constant 12 : i32
    %get3A_1336 = arith.index_cast %get3A_1335 : i32 to index
    %get3A_1337 = arith.constant 224 : index
    %get3A_1338 = tpu.vector_load %arg13[%get3A_1336, %get3A_1337] {strides = array<i32>} : memref<16x320xf32, #tpu.memory_space<vmem>>, vector<16xf32>,
    %add3A_1339 = arith.addf %add3A_1334, %get3A_1338 : vector<16xf32>
    %get3A_1340 = arith.constant 13 : i32
    %get3A_1341 = arith.index_cast %get3A_1340 : i32 to index
    %get3A_1342 = arith.constant 224 : index
    %get3A_1343 = tpu.vector_load %arg13[%get3A_1341, %get3A_1342] {strides = array<i32>} : memref<16x320xf32, #tpu.memory_space<vmem>>, vector<16xf32>,
    %add3A_1344 = arith.addf %add3A_1339, %get3A_1343 : vector<16xf32>
    %get3A_1345 = arith.constant 14 : i32
    %get3A_1346 = arith.index_cast %get3A_1345 : i32 to index
    %get3A_1347 = arith.constant 224 : index
    %get3A_1348 = tpu.vector_load %arg13[%get3A_1346, %get3A_1347] {strides = array<i32>} : memref<16x320xf32, #tpu.memory_space<vmem>>, vector<16xf32>,
    %add3A_1349 = arith.addf %add3A_1344, %get3A_1348 : vector<16xf32>
    %get3A_1350 = arith.constant 15 : i32
    %get3A_1351 = arith.index_cast %get3A_1350 : i32 to index
    %get3A_1352 = arith.constant 224 : index
    %get3A_1353 = tpu.vector_load %arg13[%get3A_1351, %get3A_1352] {strides = array<i32>} : memref<16x320xf32, #tpu.memory_space<vmem>>, vector<16xf32>,
    %add3A_1354 = arith.addf %add3A_1349, %get3A_1353 : vector<16xf32>
    %get3A_1355 = arith.constant 224 : index
    %get3A_1356 = tpu.vector_load %arg14[%get3A_1355] {strides = array<i32>} : memref<320xf32, #tpu.memory_space<vmem>>, vector<16xf32>,
    %mul3A_1357 = arith.mulf %add3A_1354, %get3A_1356 : vector<16xf32>
    %add3A_1358 = arith.addf %mul3A_1357, %get3A_11 : vector<16xf32>
    %swap3A_1359 = arith.constant 224 : index
    %swap3A_1360 = tpu.vector_load %arg16[%swap3A_1359] {strides = array<i32>} : memref<320xf32, #tpu.memory_space<vmem>>, vector<16xf32>,
    tpu.vector_store %arg16[%swap3A_1359], %add3A_1358 {strides = array<i32>} : memref<320xf32, #tpu.memory_space<vmem>>, vector<16xf32>,
    %add3A_1361 = arith.constant 240 : i32
    %add3A_1362 = arith.addi %add3A, %add3A_1361 : i32
    %get3A_1363 = arith.index_cast %add3A_1362 : i32 to index
    %get3A_1364 = tpu.vector_load %arg9[%get3A_1363] {strides = array<i32>} : memref<10240xf32, #tpu.memory_space<vmem>>, vector<16xf32>,
    %get3A_1365 = arith.constant 0 : i32
    %get3A_1366 = arith.index_cast %get3A_1365 : i32 to index
    %get3A_1367 = arith.constant 240 : index
    %get3A_1368 = tpu.vector_load %arg13[%get3A_1366, %get3A_1367] {strides = array<i32>} : memref<16x320xf32, #tpu.memory_space<vmem>>, vector<16xf32>,
    %add3A_1369 = arith.addf %get3A_1364, %get3A_1368 : vector<16xf32>
    %get3A_1370 = arith.constant 1 : i32
    %get3A_1371 = arith.index_cast %get3A_1370 : i32 to index
    %get3A_1372 = arith.constant 240 : index
    %get3A_1373 = tpu.vector_load %arg13[%get3A_1371, %get3A_1372] {strides = array<i32>} : memref<16x320xf32, #tpu.memory_space<vmem>>, vector<16xf32>,
    %add3A_1374 = arith.addf %add3A_1369, %get3A_1373 : vector<16xf32>
    %get3A_1375 = arith.constant 2 : i32
    %get3A_1376 = arith.index_cast %get3A_1375 : i32 to index
    %get3A_1377 = arith.constant 240 : index
    %get3A_1378 = tpu.vector_load %arg13[%get3A_1376, %get3A_1377] {strides = array<i32>} : memref<16x320xf32, #tpu.memory_space<vmem>>, vector<16xf32>,
    %add3A_1379 = arith.addf %add3A_1374, %get3A_1378 : vector<16xf32>
    %get3A_1380 = arith.constant 3 : i32
    %get3A_1381 = arith.index_cast %get3A_1380 : i32 to index
    %get3A_1382 = arith.constant 240 : index
    %get3A_1383 = tpu.vector_load %arg13[%get3A_1381, %get3A_1382] {strides = array<i32>} : memref<16x320xf32, #tpu.memory_space<vmem>>, vector<16xf32>,
    %add3A_1384 = arith.addf %add3A_1379, %get3A_1383 : vector<16xf32>
    %get3A_1385 = arith.constant 4 : i32
    %get3A_1386 = arith.index_cast %get3A_1385 : i32 to index
    %get3A_1387 = arith.constant 240 : index
    %get3A_1388 = tpu.vector_load %arg13[%get3A_1386, %get3A_1387] {strides = array<i32>} : memref<16x320xf32, #tpu.memory_space<vmem>>, vector<16xf32>,
    %add3A_1389 = arith.addf %add3A_1384, %get3A_1388 : vector<16xf32>
    %get3A_1390 = arith.constant 5 : i32
    %get3A_1391 = arith.index_cast %get3A_1390 : i32 to index
    %get3A_1392 = arith.constant 240 : index
    %get3A_1393 = tpu.vector_load %arg13[%get3A_1391, %get3A_1392] {strides = array<i32>} : memref<16x320xf32, #tpu.memory_space<vmem>>, vector<16xf32>,
    %add3A_1394 = arith.addf %add3A_1389, %get3A_1393 : vector<16xf32>
    %get3A_1395 = arith.constant 6 : i32
    %get3A_1396 = arith.index_cast %get3A_1395 : i32 to index
    %get3A_1397 = arith.constant 240 : index
    %get3A_1398 = tpu.vector_load %arg13[%get3A_1396, %get3A_1397] {strides = array<i32>} : memref<16x320xf32, #tpu.memory_space<vmem>>, vector<16xf32>,
    %add3A_1399 = arith.addf %add3A_1394, %get3A_1398 : vector<16xf32>
    %get3A_1400 = arith.constant 7 : i32
    %get3A_1401 = arith.index_cast %get3A_1400 : i32 to index
    %get3A_1402 = arith.constant 240 : index
    %get3A_1403 = tpu.vector_load %arg13[%get3A_1401, %get3A_1402] {strides = array<i32>} : memref<16x320xf32, #tpu.memory_space<vmem>>, vector<16xf32>,
    %add3A_1404 = arith.addf %add3A_1399, %get3A_1403 : vector<16xf32>
    %get3A_1405 = arith.constant 8 : i32
    %get3A_1406 = arith.index_cast %get3A_1405 : i32 to index
    %get3A_1407 = arith.constant 240 : index
    %get3A_1408 = tpu.vector_load %arg13[%get3A_1406, %get3A_1407] {strides = array<i32>} : memref<16x320xf32, #tpu.memory_space<vmem>>, vector<16xf32>,
    %add3A_1409 = arith.addf %add3A_1404, %get3A_1408 : vector<16xf32>
    %get3A_1410 = arith.constant 9 : i32
    %get3A_1411 = arith.index_cast %get3A_1410 : i32 to index
    %get3A_1412 = arith.constant 240 : index
    %get3A_1413 = tpu.vector_load %arg13[%get3A_1411, %get3A_1412] {strides = array<i32>} : memref<16x320xf32, #tpu.memory_space<vmem>>, vector<16xf32>,
    %add3A_1414 = arith.addf %add3A_1409, %get3A_1413 : vector<16xf32>
    %get3A_1415 = arith.constant 10 : i32
    %get3A_1416 = arith.index_cast %get3A_1415 : i32 to index
    %get3A_1417 = arith.constant 240 : index
    %get3A_1418 = tpu.vector_load %arg13[%get3A_1416, %get3A_1417] {strides = array<i32>} : memref<16x320xf32, #tpu.memory_space<vmem>>, vector<16xf32>,
    %add3A_1419 = arith.addf %add3A_1414, %get3A_1418 : vector<16xf32>
    %get3A_1420 = arith.constant 11 : i32
    %get3A_1421 = arith.index_cast %get3A_1420 : i32 to index
    %get3A_1422 = arith.constant 240 : index
    %get3A_1423 = tpu.vector_load %arg13[%get3A_1421, %get3A_1422] {strides = array<i32>} : memref<16x320xf32, #tpu.memory_space<vmem>>, vector<16xf32>,
    %add3A_1424 = arith.addf %add3A_1419, %get3A_1423 : vector<16xf32>
    %get3A_1425 = arith.constant 12 : i32
    %get3A_1426 = arith.index_cast %get3A_1425 : i32 to index
    %get3A_1427 = arith.constant 240 : index
    %get3A_1428 = tpu.vector_load %arg13[%get3A_1426, %get3A_1427] {strides = array<i32>} : memref<16x320xf32, #tpu.memory_space<vmem>>, vector<16xf32>,
    %add3A_1429 = arith.addf %add3A_1424, %get3A_1428 : vector<16xf32>
    %get3A_1430 = arith.constant 13 : i32
    %get3A_1431 = arith.index_cast %get3A_1430 : i32 to index
    %get3A_1432 = arith.constant 240 : index
    %get3A_1433 = tpu.vector_load %arg13[%get3A_1431, %get3A_1432] {strides = array<i32>} : memref<16x320xf32, #tpu.memory_space<vmem>>, vector<16xf32>,
    %add3A_1434 = arith.addf %add3A_1429, %get3A_1433 : vector<16xf32>
    %get3A_1435 = arith.constant 14 : i32
    %get3A_1436 = arith.index_cast %get3A_1435 : i32 to index
    %get3A_1437 = arith.constant 240 : index
    %get3A_1438 = tpu.vector_load %arg13[%get3A_1436, %get3A_1437] {strides = array<i32>} : memref<16x320xf32, #tpu.memory_space<vmem>>, vector<16xf32>,
    %add3A_1439 = arith.addf %add3A_1434, %get3A_1438 : vector<16xf32>
    %get3A_1440 = arith.constant 15 : i32
    %get3A_1441 = arith.index_cast %get3A_1440 : i32 to index
    %get3A_1442 = arith.constant 240 : index
    %get3A_1443 = tpu.vector_load %arg13[%get3A_1441, %get3A_1442] {strides = array<i32>} : memref<16x320xf32, #tpu.memory_space<vmem>>, vector<16xf32>,
    %add3A_1444 = arith.addf %add3A_1439, %get3A_1443 : vector<16xf32>
    %get3A_1445 = arith.constant 240 : index
    %get3A_1446 = tpu.vector_load %arg14[%get3A_1445] {strides = array<i32>} : memref<320xf32, #tpu.memory_space<vmem>>, vector<16xf32>,
    %mul3A_1447 = arith.mulf %add3A_1444, %get3A_1446 : vector<16xf32>
    %add3A_1448 = arith.addf %mul3A_1447, %get3A_11 : vector<16xf32>
    %swap3A_1449 = arith.constant 240 : index
    %swap3A_1450 = tpu.vector_load %arg16[%swap3A_1449] {strides = array<i32>} : memref<320xf32, #tpu.memory_space<vmem>>, vector<16xf32>,
    tpu.vector_store %arg16[%swap3A_1449], %add3A_1448 {strides = array<i32>} : memref<320xf32, #tpu.memory_space<vmem>>, vector<16xf32>,
    %add3A_1451 = arith.constant 256 : i32
    %add3A_1452 = arith.addi %add3A, %add3A_1451 : i32
    %get3A_1453 = arith.index_cast %add3A_1452 : i32 to index
    %get3A_1454 = tpu.vector_load %arg9[%get3A_1453] {strides = array<i32>} : memref<10240xf32, #tpu.memory_space<vmem>>, vector<16xf32>,
    %get3A_1455 = arith.constant 0 : i32
    %get3A_1456 = arith.index_cast %get3A_1455 : i32 to index
    %get3A_1457 = arith.constant 256 : index
    %get3A_1458 = tpu.vector_load %arg13[%get3A_1456, %get3A_1457] {strides = array<i32>} : memref<16x320xf32, #tpu.memory_space<vmem>>, vector<16xf32>,
    %add3A_1459 = arith.addf %get3A_1454, %get3A_1458 : vector<16xf32>
    %get3A_1460 = arith.constant 1 : i32
    %get3A_1461 = arith.index_cast %get3A_1460 : i32 to index
    %get3A_1462 = arith.constant 256 : index
    %get3A_1463 = tpu.vector_load %arg13[%get3A_1461, %get3A_1462] {strides = array<i32>} : memref<16x320xf32, #tpu.memory_space<vmem>>, vector<16xf32>,
    %add3A_1464 = arith.addf %add3A_1459, %get3A_1463 : vector<16xf32>
    %get3A_1465 = arith.constant 2 : i32
    %get3A_1466 = arith.index_cast %get3A_1465 : i32 to index
    %get3A_1467 = arith.constant 256 : index
    %get3A_1468 = tpu.vector_load %arg13[%get3A_1466, %get3A_1467] {strides = array<i32>} : memref<16x320xf32, #tpu.memory_space<vmem>>, vector<16xf32>,
    %add3A_1469 = arith.addf %add3A_1464, %get3A_1468 : vector<16xf32>
    %get3A_1470 = arith.constant 3 : i32
    %get3A_1471 = arith.index_cast %get3A_1470 : i32 to index
    %get3A_1472 = arith.constant 256 : index
    %get3A_1473 = tpu.vector_load %arg13[%get3A_1471, %get3A_1472] {strides = array<i32>} : memref<16x320xf32, #tpu.memory_space<vmem>>, vector<16xf32>,
    %add3A_1474 = arith.addf %add3A_1469, %get3A_1473 : vector<16xf32>
    %get3A_1475 = arith.constant 4 : i32
    %get3A_1476 = arith.index_cast %get3A_1475 : i32 to index
    %get3A_1477 = arith.constant 256 : index
    %get3A_1478 = tpu.vector_load %arg13[%get3A_1476, %get3A_1477] {strides = array<i32>} : memref<16x320xf32, #tpu.memory_space<vmem>>, vector<16xf32>,
    %add3A_1479 = arith.addf %add3A_1474, %get3A_1478 : vector<16xf32>
    %get3A_1480 = arith.constant 5 : i32
    %get3A_1481 = arith.index_cast %get3A_1480 : i32 to index
    %get3A_1482 = arith.constant 256 : index
    %get3A_1483 = tpu.vector_load %arg13[%get3A_1481, %get3A_1482] {strides = array<i32>} : memref<16x320xf32, #tpu.memory_space<vmem>>, vector<16xf32>,
    %add3A_1484 = arith.addf %add3A_1479, %get3A_1483 : vector<16xf32>
    %get3A_1485 = arith.constant 6 : i32
    %get3A_1486 = arith.index_cast %get3A_1485 : i32 to index
    %get3A_1487 = arith.constant 256 : index
    %get3A_1488 = tpu.vector_load %arg13[%get3A_1486, %get3A_1487] {strides = array<i32>} : memref<16x320xf32, #tpu.memory_space<vmem>>, vector<16xf32>,
    %add3A_1489 = arith.addf %add3A_1484, %get3A_1488 : vector<16xf32>
    %get3A_1490 = arith.constant 7 : i32
    %get3A_1491 = arith.index_cast %get3A_1490 : i32 to index
    %get3A_1492 = arith.constant 256 : index
    %get3A_1493 = tpu.vector_load %arg13[%get3A_1491, %get3A_1492] {strides = array<i32>} : memref<16x320xf32, #tpu.memory_space<vmem>>, vector<16xf32>,
    %add3A_1494 = arith.addf %add3A_1489, %get3A_1493 : vector<16xf32>
    %get3A_1495 = arith.constant 8 : i32
    %get3A_1496 = arith.index_cast %get3A_1495 : i32 to index
    %get3A_1497 = arith.constant 256 : index
    %get3A_1498 = tpu.vector_load %arg13[%get3A_1496, %get3A_1497] {strides = array<i32>} : memref<16x320xf32, #tpu.memory_space<vmem>>, vector<16xf32>,
    %add3A_1499 = arith.addf %add3A_1494, %get3A_1498 : vector<16xf32>
    %get3A_1500 = arith.constant 9 : i32
    %get3A_1501 = arith.index_cast %get3A_1500 : i32 to index
    %get3A_1502 = arith.constant 256 : index
    %get3A_1503 = tpu.vector_load %arg13[%get3A_1501, %get3A_1502] {strides = array<i32>} : memref<16x320xf32, #tpu.memory_space<vmem>>, vector<16xf32>,
    %add3A_1504 = arith.addf %add3A_1499, %get3A_1503 : vector<16xf32>
    %get3A_1505 = arith.constant 10 : i32
    %get3A_1506 = arith.index_cast %get3A_1505 : i32 to index
    %get3A_1507 = arith.constant 256 : index
    %get3A_1508 = tpu.vector_load %arg13[%get3A_1506, %get3A_1507] {strides = array<i32>} : memref<16x320xf32, #tpu.memory_space<vmem>>, vector<16xf32>,
    %add3A_1509 = arith.addf %add3A_1504, %get3A_1508 : vector<16xf32>
    %get3A_1510 = arith.constant 11 : i32
    %get3A_1511 = arith.index_cast %get3A_1510 : i32 to index
    %get3A_1512 = arith.constant 256 : index
    %get3A_1513 = tpu.vector_load %arg13[%get3A_1511, %get3A_1512] {strides = array<i32>} : memref<16x320xf32, #tpu.memory_space<vmem>>, vector<16xf32>,
    %add3A_1514 = arith.addf %add3A_1509, %get3A_1513 : vector<16xf32>
    %get3A_1515 = arith.constant 12 : i32
    %get3A_1516 = arith.index_cast %get3A_1515 : i32 to index
    %get3A_1517 = arith.constant 256 : index
    %get3A_1518 = tpu.vector_load %arg13[%get3A_1516, %get3A_1517] {strides = array<i32>} : memref<16x320xf32, #tpu.memory_space<vmem>>, vector<16xf32>,
    %add3A_1519 = arith.addf %add3A_1514, %get3A_1518 : vector<16xf32>
    %get3A_1520 = arith.constant 13 : i32
    %get3A_1521 = arith.index_cast %get3A_1520 : i32 to index
    %get3A_1522 = arith.constant 256 : index
    %get3A_1523 = tpu.vector_load %arg13[%get3A_1521, %get3A_1522] {strides = array<i32>} : memref<16x320xf32, #tpu.memory_space<vmem>>, vector<16xf32>,
    %add3A_1524 = arith.addf %add3A_1519, %get3A_1523 : vector<16xf32>
    %get3A_1525 = arith.constant 14 : i32
    %get3A_1526 = arith.index_cast %get3A_1525 : i32 to index
    %get3A_1527 = arith.constant 256 : index
    %get3A_1528 = tpu.vector_load %arg13[%get3A_1526, %get3A_1527] {strides = array<i32>} : memref<16x320xf32, #tpu.memory_space<vmem>>, vector<16xf32>,
    %add3A_1529 = arith.addf %add3A_1524, %get3A_1528 : vector<16xf32>
    %get3A_1530 = arith.constant 15 : i32
    %get3A_1531 = arith.index_cast %get3A_1530 : i32 to index
    %get3A_1532 = arith.constant 256 : index
    %get3A_1533 = tpu.vector_load %arg13[%get3A_1531, %get3A_1532] {strides = array<i32>} : memref<16x320xf32, #tpu.memory_space<vmem>>, vector<16xf32>,
    %add3A_1534 = arith.addf %add3A_1529, %get3A_1533 : vector<16xf32>
    %get3A_1535 = arith.constant 256 : index
    %get3A_1536 = tpu.vector_load %arg14[%get3A_1535] {strides = array<i32>} : memref<320xf32, #tpu.memory_space<vmem>>, vector<16xf32>,
    %mul3A_1537 = arith.mulf %add3A_1534, %get3A_1536 : vector<16xf32>
    %add3A_1538 = arith.addf %mul3A_1537, %get3A_11 : vector<16xf32>
    %swap3A_1539 = arith.constant 256 : index
    %swap3A_1540 = tpu.vector_load %arg16[%swap3A_1539] {strides = array<i32>} : memref<320xf32, #tpu.memory_space<vmem>>, vector<16xf32>,
    tpu.vector_store %arg16[%swap3A_1539], %add3A_1538 {strides = array<i32>} : memref<320xf32, #tpu.memory_space<vmem>>, vector<16xf32>,
    %add3A_1541 = arith.constant 272 : i32
    %add3A_1542 = arith.addi %add3A, %add3A_1541 : i32
    %get3A_1543 = arith.index_cast %add3A_1542 : i32 to index
    %get3A_1544 = tpu.vector_load %arg9[%get3A_1543] {strides = array<i32>} : memref<10240xf32, #tpu.memory_space<vmem>>, vector<16xf32>,
    %get3A_1545 = arith.constant 0 : i32
    %get3A_1546 = arith.index_cast %get3A_1545 : i32 to index
    %get3A_1547 = arith.constant 272 : index
    %get3A_1548 = tpu.vector_load %arg13[%get3A_1546, %get3A_1547] {strides = array<i32>} : memref<16x320xf32, #tpu.memory_space<vmem>>, vector<16xf32>,
    %add3A_1549 = arith.addf %get3A_1544, %get3A_1548 : vector<16xf32>
    %get3A_1550 = arith.constant 1 : i32
    %get3A_1551 = arith.index_cast %get3A_1550 : i32 to index
    %get3A_1552 = arith.constant 272 : index
    %get3A_1553 = tpu.vector_load %arg13[%get3A_1551, %get3A_1552] {strides = array<i32>} : memref<16x320xf32, #tpu.memory_space<vmem>>, vector<16xf32>,
    %add3A_1554 = arith.addf %add3A_1549, %get3A_1553 : vector<16xf32>
    %get3A_1555 = arith.constant 2 : i32
    %get3A_1556 = arith.index_cast %get3A_1555 : i32 to index
    %get3A_1557 = arith.constant 272 : index
    %get3A_1558 = tpu.vector_load %arg13[%get3A_1556, %get3A_1557] {strides = array<i32>} : memref<16x320xf32, #tpu.memory_space<vmem>>, vector<16xf32>,
    %add3A_1559 = arith.addf %add3A_1554, %get3A_1558 : vector<16xf32>
    %get3A_1560 = arith.constant 3 : i32
    %get3A_1561 = arith.index_cast %get3A_1560 : i32 to index
    %get3A_1562 = arith.constant 272 : index
    %get3A_1563 = tpu.vector_load %arg13[%get3A_1561, %get3A_1562] {strides = array<i32>} : memref<16x320xf32, #tpu.memory_space<vmem>>, vector<16xf32>,
    %add3A_1564 = arith.addf %add3A_1559, %get3A_1563 : vector<16xf32>
    %get3A_1565 = arith.constant 4 : i32
    %get3A_1566 = arith.index_cast %get3A_1565 : i32 to index
    %get3A_1567 = arith.constant 272 : index
    %get3A_1568 = tpu.vector_load %arg13[%get3A_1566, %get3A_1567] {strides = array<i32>} : memref<16x320xf32, #tpu.memory_space<vmem>>, vector<16xf32>,
    %add3A_1569 = arith.addf %add3A_1564, %get3A_1568 : vector<16xf32>
    %get3A_1570 = arith.constant 5 : i32
    %get3A_1571 = arith.index_cast %get3A_1570 : i32 to index
    %get3A_1572 = arith.constant 272 : index
    %get3A_1573 = tpu.vector_load %arg13[%get3A_1571, %get3A_1572] {strides = array<i32>} : memref<16x320xf32, #tpu.memory_space<vmem>>, vector<16xf32>,
    %add3A_1574 = arith.addf %add3A_1569, %get3A_1573 : vector<16xf32>
    %get3A_1575 = arith.constant 6 : i32
    %get3A_1576 = arith.index_cast %get3A_1575 : i32 to index
    %get3A_1577 = arith.constant 272 : index
    %get3A_1578 = tpu.vector_load %arg13[%get3A_1576, %get3A_1577] {strides = array<i32>} : memref<16x320xf32, #tpu.memory_space<vmem>>, vector<16xf32>,
    %add3A_1579 = arith.addf %add3A_1574, %get3A_1578 : vector<16xf32>
    %get3A_1580 = arith.constant 7 : i32
    %get3A_1581 = arith.index_cast %get3A_1580 : i32 to index
    %get3A_1582 = arith.constant 272 : index
    %get3A_1583 = tpu.vector_load %arg13[%get3A_1581, %get3A_1582] {strides = array<i32>} : memref<16x320xf32, #tpu.memory_space<vmem>>, vector<16xf32>,
    %add3A_1584 = arith.addf %add3A_1579, %get3A_1583 : vector<16xf32>
    %get3A_1585 = arith.constant 8 : i32
    %get3A_1586 = arith.index_cast %get3A_1585 : i32 to index
    %get3A_1587 = arith.constant 272 : index
    %get3A_1588 = tpu.vector_load %arg13[%get3A_1586, %get3A_1587] {strides = array<i32>} : memref<16x320xf32, #tpu.memory_space<vmem>>, vector<16xf32>,
    %add3A_1589 = arith.addf %add3A_1584, %get3A_1588 : vector<16xf32>
    %get3A_1590 = arith.constant 9 : i32
    %get3A_1591 = arith.index_cast %get3A_1590 : i32 to index
    %get3A_1592 = arith.constant 272 : index
    %get3A_1593 = tpu.vector_load %arg13[%get3A_1591, %get3A_1592] {strides = array<i32>} : memref<16x320xf32, #tpu.memory_space<vmem>>, vector<16xf32>,
    %add3A_1594 = arith.addf %add3A_1589, %get3A_1593 : vector<16xf32>
    %get3A_1595 = arith.constant 10 : i32
    %get3A_1596 = arith.index_cast %get3A_1595 : i32 to index
    %get3A_1597 = arith.constant 272 : index
    %get3A_1598 = tpu.vector_load %arg13[%get3A_1596, %get3A_1597] {strides = array<i32>} : memref<16x320xf32, #tpu.memory_space<vmem>>, vector<16xf32>,
    %add3A_1599 = arith.addf %add3A_1594, %get3A_1598 : vector<16xf32>
    %get3A_1600 = arith.constant 11 : i32
    %get3A_1601 = arith.index_cast %get3A_1600 : i32 to index
    %get3A_1602 = arith.constant 272 : index
    %get3A_1603 = tpu.vector_load %arg13[%get3A_1601, %get3A_1602] {strides = array<i32>} : memref<16x320xf32, #tpu.memory_space<vmem>>, vector<16xf32>,
    %add3A_1604 = arith.addf %add3A_1599, %get3A_1603 : vector<16xf32>
    %get3A_1605 = arith.constant 12 : i32
    %get3A_1606 = arith.index_cast %get3A_1605 : i32 to index
    %get3A_1607 = arith.constant 272 : index
    %get3A_1608 = tpu.vector_load %arg13[%get3A_1606, %get3A_1607] {strides = array<i32>} : memref<16x320xf32, #tpu.memory_space<vmem>>, vector<16xf32>,
    %add3A_1609 = arith.addf %add3A_1604, %get3A_1608 : vector<16xf32>
    %get3A_1610 = arith.constant 13 : i32
    %get3A_1611 = arith.index_cast %get3A_1610 : i32 to index
    %get3A_1612 = arith.constant 272 : index
    %get3A_1613 = tpu.vector_load %arg13[%get3A_1611, %get3A_1612] {strides = array<i32>} : memref<16x320xf32, #tpu.memory_space<vmem>>, vector<16xf32>,
    %add3A_1614 = arith.addf %add3A_1609, %get3A_1613 : vector<16xf32>
    %get3A_1615 = arith.constant 14 : i32
    %get3A_1616 = arith.index_cast %get3A_1615 : i32 to index
    %get3A_1617 = arith.constant 272 : index
    %get3A_1618 = tpu.vector_load %arg13[%get3A_1616, %get3A_1617] {strides = array<i32>} : memref<16x320xf32, #tpu.memory_space<vmem>>, vector<16xf32>,
    %add3A_1619 = arith.addf %add3A_1614, %get3A_1618 : vector<16xf32>
    %get3A_1620 = arith.constant 15 : i32
    %get3A_1621 = arith.index_cast %get3A_1620 : i32 to index
    %get3A_1622 = arith.constant 272 : index
    %get3A_1623 = tpu.vector_load %arg13[%get3A_1621, %get3A_1622] {strides = array<i32>} : memref<16x320xf32, #tpu.memory_space<vmem>>, vector<16xf32>,
    %add3A_1624 = arith.addf %add3A_1619, %get3A_1623 : vector<16xf32>
    %get3A_1625 = arith.constant 272 : index
    %get3A_1626 = tpu.vector_load %arg14[%get3A_1625] {strides = array<i32>} : memref<320xf32, #tpu.memory_space<vmem>>, vector<16xf32>,
    %mul3A_1627 = arith.mulf %add3A_1624, %get3A_1626 : vector<16xf32>
    %add3A_1628 = arith.addf %mul3A_1627, %get3A_11 : vector<16xf32>
    %swap3A_1629 = arith.constant 272 : index
    %swap3A_1630 = tpu.vector_load %arg16[%swap3A_1629] {strides = array<i32>} : memref<320xf32, #tpu.memory_space<vmem>>, vector<16xf32>,
    tpu.vector_store %arg16[%swap3A_1629], %add3A_1628 {strides = array<i32>} : memref<320xf32, #tpu.memory_space<vmem>>, vector<16xf32>,
    %add3A_1631 = arith.constant 288 : i32
    %add3A_1632 = arith.addi %add3A, %add3A_1631 : i32
    %get3A_1633 = arith.index_cast %add3A_1632 : i32 to index
    %get3A_1634 = tpu.vector_load %arg9[%get3A_1633] {strides = array<i32>} : memref<10240xf32, #tpu.memory_space<vmem>>, vector<16xf32>,
    %get3A_1635 = arith.constant 0 : i32
    %get3A_1636 = arith.index_cast %get3A_1635 : i32 to index
    %get3A_1637 = arith.constant 288 : index
    %get3A_1638 = tpu.vector_load %arg13[%get3A_1636, %get3A_1637] {strides = array<i32>} : memref<16x320xf32, #tpu.memory_space<vmem>>, vector<16xf32>,
    %add3A_1639 = arith.addf %get3A_1634, %get3A_1638 : vector<16xf32>
    %get3A_1640 = arith.constant 1 : i32
    %get3A_1641 = arith.index_cast %get3A_1640 : i32 to index
    %get3A_1642 = arith.constant 288 : index
    %get3A_1643 = tpu.vector_load %arg13[%get3A_1641, %get3A_1642] {strides = array<i32>} : memref<16x320xf32, #tpu.memory_space<vmem>>, vector<16xf32>,
    %add3A_1644 = arith.addf %add3A_1639, %get3A_1643 : vector<16xf32>
    %get3A_1645 = arith.constant 2 : i32
    %get3A_1646 = arith.index_cast %get3A_1645 : i32 to index
    %get3A_1647 = arith.constant 288 : index
    %get3A_1648 = tpu.vector_load %arg13[%get3A_1646, %get3A_1647] {strides = array<i32>} : memref<16x320xf32, #tpu.memory_space<vmem>>, vector<16xf32>,
    %add3A_1649 = arith.addf %add3A_1644, %get3A_1648 : vector<16xf32>
    %get3A_1650 = arith.constant 3 : i32
    %get3A_1651 = arith.index_cast %get3A_1650 : i32 to index
    %get3A_1652 = arith.constant 288 : index
    %get3A_1653 = tpu.vector_load %arg13[%get3A_1651, %get3A_1652] {strides = array<i32>} : memref<16x320xf32, #tpu.memory_space<vmem>>, vector<16xf32>,
    %add3A_1654 = arith.addf %add3A_1649, %get3A_1653 : vector<16xf32>
    %get3A_1655 = arith.constant 4 : i32
    %get3A_1656 = arith.index_cast %get3A_1655 : i32 to index
    %get3A_1657 = arith.constant 288 : index
    %get3A_1658 = tpu.vector_load %arg13[%get3A_1656, %get3A_1657] {strides = array<i32>} : memref<16x320xf32, #tpu.memory_space<vmem>>, vector<16xf32>,
    %add3A_1659 = arith.addf %add3A_1654, %get3A_1658 : vector<16xf32>
    %get3A_1660 = arith.constant 5 : i32
    %get3A_1661 = arith.index_cast %get3A_1660 : i32 to index
    %get3A_1662 = arith.constant 288 : index
    %get3A_1663 = tpu.vector_load %arg13[%get3A_1661, %get3A_1662] {strides = array<i32>} : memref<16x320xf32, #tpu.memory_space<vmem>>, vector<16xf32>,
    %add3A_1664 = arith.addf %add3A_1659, %get3A_1663 : vector<16xf32>
    %get3A_1665 = arith.constant 6 : i32
    %get3A_1666 = arith.index_cast %get3A_1665 : i32 to index
    %get3A_1667 = arith.constant 288 : index
    %get3A_1668 = tpu.vector_load %arg13[%get3A_1666, %get3A_1667] {strides = array<i32>} : memref<16x320xf32, #tpu.memory_space<vmem>>, vector<16xf32>,
    %add3A_1669 = arith.addf %add3A_1664, %get3A_1668 : vector<16xf32>
    %get3A_1670 = arith.constant 7 : i32
    %get3A_1671 = arith.index_cast %get3A_1670 : i32 to index
    %get3A_1672 = arith.constant 288 : index
    %get3A_1673 = tpu.vector_load %arg13[%get3A_1671, %get3A_1672] {strides = array<i32>} : memref<16x320xf32, #tpu.memory_space<vmem>>, vector<16xf32>,
    %add3A_1674 = arith.addf %add3A_1669, %get3A_1673 : vector<16xf32>
    %get3A_1675 = arith.constant 8 : i32
    %get3A_1676 = arith.index_cast %get3A_1675 : i32 to index
    %get3A_1677 = arith.constant 288 : index
    %get3A_1678 = tpu.vector_load %arg13[%get3A_1676, %get3A_1677] {strides = array<i32>} : memref<16x320xf32, #tpu.memory_space<vmem>>, vector<16xf32>,
    %add3A_1679 = arith.addf %add3A_1674, %get3A_1678 : vector<16xf32>
    %get3A_1680 = arith.constant 9 : i32
    %get3A_1681 = arith.index_cast %get3A_1680 : i32 to index
    %get3A_1682 = arith.constant 288 : index
    %get3A_1683 = tpu.vector_load %arg13[%get3A_1681, %get3A_1682] {strides = array<i32>} : memref<16x320xf32, #tpu.memory_space<vmem>>, vector<16xf32>,
    %add3A_1684 = arith.addf %add3A_1679, %get3A_1683 : vector<16xf32>
    %get3A_1685 = arith.constant 10 : i32
    %get3A_1686 = arith.index_cast %get3A_1685 : i32 to index
    %get3A_1687 = arith.constant 288 : index
    %get3A_1688 = tpu.vector_load %arg13[%get3A_1686, %get3A_1687] {strides = array<i32>} : memref<16x320xf32, #tpu.memory_space<vmem>>, vector<16xf32>,
    %add3A_1689 = arith.addf %add3A_1684, %get3A_1688 : vector<16xf32>
    %get3A_1690 = arith.constant 11 : i32
    %get3A_1691 = arith.index_cast %get3A_1690 : i32 to index
    %get3A_1692 = arith.constant 288 : index
    %get3A_1693 = tpu.vector_load %arg13[%get3A_1691, %get3A_1692] {strides = array<i32>} : memref<16x320xf32, #tpu.memory_space<vmem>>, vector<16xf32>,
    %add3A_1694 = arith.addf %add3A_1689, %get3A_1693 : vector<16xf32>
    %get3A_1695 = arith.constant 12 : i32
    %get3A_1696 = arith.index_cast %get3A_1695 : i32 to index
    %get3A_1697 = arith.constant 288 : index
    %get3A_1698 = tpu.vector_load %arg13[%get3A_1696, %get3A_1697] {strides = array<i32>} : memref<16x320xf32, #tpu.memory_space<vmem>>, vector<16xf32>,
    %add3A_1699 = arith.addf %add3A_1694, %get3A_1698 : vector<16xf32>
    %get3A_1700 = arith.constant 13 : i32
    %get3A_1701 = arith.index_cast %get3A_1700 : i32 to index
    %get3A_1702 = arith.constant 288 : index
    %get3A_1703 = tpu.vector_load %arg13[%get3A_1701, %get3A_1702] {strides = array<i32>} : memref<16x320xf32, #tpu.memory_space<vmem>>, vector<16xf32>,
    %add3A_1704 = arith.addf %add3A_1699, %get3A_1703 : vector<16xf32>
    %get3A_1705 = arith.constant 14 : i32
    %get3A_1706 = arith.index_cast %get3A_1705 : i32 to index
    %get3A_1707 = arith.constant 288 : index
    %get3A_1708 = tpu.vector_load %arg13[%get3A_1706, %get3A_1707] {strides = array<i32>} : memref<16x320xf32, #tpu.memory_space<vmem>>, vector<16xf32>,
    %add3A_1709 = arith.addf %add3A_1704, %get3A_1708 : vector<16xf32>
    %get3A_1710 = arith.constant 15 : i32
    %get3A_1711 = arith.index_cast %get3A_1710 : i32 to index
    %get3A_1712 = arith.constant 288 : index
    %get3A_1713 = tpu.vector_load %arg13[%get3A_1711, %get3A_1712] {strides = array<i32>} : memref<16x320xf32, #tpu.memory_space<vmem>>, vector<16xf32>,
    %add3A_1714 = arith.addf %add3A_1709, %get3A_1713 : vector<16xf32>
    %get3A_1715 = arith.constant 288 : index
    %get3A_1716 = tpu.vector_load %arg14[%get3A_1715] {strides = array<i32>} : memref<320xf32, #tpu.memory_space<vmem>>, vector<16xf32>,
    %mul3A_1717 = arith.mulf %add3A_1714, %get3A_1716 : vector<16xf32>
    %add3A_1718 = arith.addf %mul3A_1717, %get3A_11 : vector<16xf32>
    %swap3A_1719 = arith.constant 288 : index
    %swap3A_1720 = tpu.vector_load %arg16[%swap3A_1719] {strides = array<i32>} : memref<320xf32, #tpu.memory_space<vmem>>, vector<16xf32>,
    tpu.vector_store %arg16[%swap3A_1719], %add3A_1718 {strides = array<i32>} : memref<320xf32, #tpu.memory_space<vmem>>, vector<16xf32>,
    %add3A_1721 = arith.constant 304 : i32
    %add3A_1722 = arith.addi %add3A, %add3A_1721 : i32
    %get3A_1723 = arith.index_cast %add3A_1722 : i32 to index
    %get3A_1724 = tpu.vector_load %arg9[%get3A_1723] {strides = array<i32>} : memref<10240xf32, #tpu.memory_space<vmem>>, vector<16xf32>,
    %get3A_1725 = arith.constant 0 : i32
    %get3A_1726 = arith.index_cast %get3A_1725 : i32 to index
    %get3A_1727 = arith.constant 304 : index
    %get3A_1728 = tpu.vector_load %arg13[%get3A_1726, %get3A_1727] {strides = array<i32>} : memref<16x320xf32, #tpu.memory_space<vmem>>, vector<16xf32>,
    %add3A_1729 = arith.addf %get3A_1724, %get3A_1728 : vector<16xf32>
    %get3A_1730 = arith.constant 1 : i32
    %get3A_1731 = arith.index_cast %get3A_1730 : i32 to index
    %get3A_1732 = arith.constant 304 : index
    %get3A_1733 = tpu.vector_load %arg13[%get3A_1731, %get3A_1732] {strides = array<i32>} : memref<16x320xf32, #tpu.memory_space<vmem>>, vector<16xf32>,
    %add3A_1734 = arith.addf %add3A_1729, %get3A_1733 : vector<16xf32>
    %get3A_1735 = arith.constant 2 : i32
    %get3A_1736 = arith.index_cast %get3A_1735 : i32 to index
    %get3A_1737 = arith.constant 304 : index
    %get3A_1738 = tpu.vector_load %arg13[%get3A_1736, %get3A_1737] {strides = array<i32>} : memref<16x320xf32, #tpu.memory_space<vmem>>, vector<16xf32>,
    %add3A_1739 = arith.addf %add3A_1734, %get3A_1738 : vector<16xf32>
    %get3A_1740 = arith.constant 3 : i32
    %get3A_1741 = arith.index_cast %get3A_1740 : i32 to index
    %get3A_1742 = arith.constant 304 : index
    %get3A_1743 = tpu.vector_load %arg13[%get3A_1741, %get3A_1742] {strides = array<i32>} : memref<16x320xf32, #tpu.memory_space<vmem>>, vector<16xf32>,
    %add3A_1744 = arith.addf %add3A_1739, %get3A_1743 : vector<16xf32>
    %get3A_1745 = arith.constant 4 : i32
    %get3A_1746 = arith.index_cast %get3A_1745 : i32 to index
    %get3A_1747 = arith.constant 304 : index
    %get3A_1748 = tpu.vector_load %arg13[%get3A_1746, %get3A_1747] {strides = array<i32>} : memref<16x320xf32, #tpu.memory_space<vmem>>, vector<16xf32>,
    %add3A_1749 = arith.addf %add3A_1744, %get3A_1748 : vector<16xf32>
    %get3A_1750 = arith.constant 5 : i32
    %get3A_1751 = arith.index_cast %get3A_1750 : i32 to index
    %get3A_1752 = arith.constant 304 : index
    %get3A_1753 = tpu.vector_load %arg13[%get3A_1751, %get3A_1752] {strides = array<i32>} : memref<16x320xf32, #tpu.memory_space<vmem>>, vector<16xf32>,
    %add3A_1754 = arith.addf %add3A_1749, %get3A_1753 : vector<16xf32>
    %get3A_1755 = arith.constant 6 : i32
    %get3A_1756 = arith.index_cast %get3A_1755 : i32 to index
    %get3A_1757 = arith.constant 304 : index
    %get3A_1758 = tpu.vector_load %arg13[%get3A_1756, %get3A_1757] {strides = array<i32>} : memref<16x320xf32, #tpu.memory_space<vmem>>, vector<16xf32>,
    %add3A_1759 = arith.addf %add3A_1754, %get3A_1758 : vector<16xf32>
    %get3A_1760 = arith.constant 7 : i32
    %get3A_1761 = arith.index_cast %get3A_1760 : i32 to index
    %get3A_1762 = arith.constant 304 : index
    %get3A_1763 = tpu.vector_load %arg13[%get3A_1761, %get3A_1762] {strides = array<i32>} : memref<16x320xf32, #tpu.memory_space<vmem>>, vector<16xf32>,
    %add3A_1764 = arith.addf %add3A_1759, %get3A_1763 : vector<16xf32>
    %get3A_1765 = arith.constant 8 : i32
    %get3A_1766 = arith.index_cast %get3A_1765 : i32 to index
    %get3A_1767 = arith.constant 304 : index
    %get3A_1768 = tpu.vector_load %arg13[%get3A_1766, %get3A_1767] {strides = array<i32>} : memref<16x320xf32, #tpu.memory_space<vmem>>, vector<16xf32>,
    %add3A_1769 = arith.addf %add3A_1764, %get3A_1768 : vector<16xf32>
    %get3A_1770 = arith.constant 9 : i32
    %get3A_1771 = arith.index_cast %get3A_1770 : i32 to index
    %get3A_1772 = arith.constant 304 : index
    %get3A_1773 = tpu.vector_load %arg13[%get3A_1771, %get3A_1772] {strides = array<i32>} : memref<16x320xf32, #tpu.memory_space<vmem>>, vector<16xf32>,
    %add3A_1774 = arith.addf %add3A_1769, %get3A_1773 : vector<16xf32>
    %get3A_1775 = arith.constant 10 : i32
    %get3A_1776 = arith.index_cast %get3A_1775 : i32 to index
    %get3A_1777 = arith.constant 304 : index
    %get3A_1778 = tpu.vector_load %arg13[%get3A_1776, %get3A_1777] {strides = array<i32>} : memref<16x320xf32, #tpu.memory_space<vmem>>, vector<16xf32>,
    %add3A_1779 = arith.addf %add3A_1774, %get3A_1778 : vector<16xf32>
    %get3A_1780 = arith.constant 11 : i32
    %get3A_1781 = arith.index_cast %get3A_1780 : i32 to index
    %get3A_1782 = arith.constant 304 : index
    %get3A_1783 = tpu.vector_load %arg13[%get3A_1781, %get3A_1782] {strides = array<i32>} : memref<16x320xf32, #tpu.memory_space<vmem>>, vector<16xf32>,
    %add3A_1784 = arith.addf %add3A_1779, %get3A_1783 : vector<16xf32>
    %get3A_1785 = arith.constant 12 : i32
    %get3A_1786 = arith.index_cast %get3A_1785 : i32 to index
    %get3A_1787 = arith.constant 304 : index
    %get3A_1788 = tpu.vector_load %arg13[%get3A_1786, %get3A_1787] {strides = array<i32>} : memref<16x320xf32, #tpu.memory_space<vmem>>, vector<16xf32>,
    %add3A_1789 = arith.addf %add3A_1784, %get3A_1788 : vector<16xf32>
    %get3A_1790 = arith.constant 13 : i32
    %get3A_1791 = arith.index_cast %get3A_1790 : i32 to index
    %get3A_1792 = arith.constant 304 : index
    %get3A_1793 = tpu.vector_load %arg13[%get3A_1791, %get3A_1792] {strides = array<i32>} : memref<16x320xf32, #tpu.memory_space<vmem>>, vector<16xf32>,
    %add3A_1794 = arith.addf %add3A_1789, %get3A_1793 : vector<16xf32>
    %get3A_1795 = arith.constant 14 : i32
    %get3A_1796 = arith.index_cast %get3A_1795 : i32 to index
    %get3A_1797 = arith.constant 304 : index
    %get3A_1798 = tpu.vector_load %arg13[%get3A_1796, %get3A_1797] {strides = array<i32>} : memref<16x320xf32, #tpu.memory_space<vmem>>, vector<16xf32>,
    %add3A_1799 = arith.addf %add3A_1794, %get3A_1798 : vector<16xf32>
    %get3A_1800 = arith.constant 15 : i32
    %get3A_1801 = arith.index_cast %get3A_1800 : i32 to index
    %get3A_1802 = arith.constant 304 : index
    %get3A_1803 = tpu.vector_load %arg13[%get3A_1801, %get3A_1802] {strides = array<i32>} : memref<16x320xf32, #tpu.memory_space<vmem>>, vector<16xf32>,
    %add3A_1804 = arith.addf %add3A_1799, %get3A_1803 : vector<16xf32>
    %get3A_1805 = arith.constant 304 : index
    %get3A_1806 = tpu.vector_load %arg14[%get3A_1805] {strides = array<i32>} : memref<320xf32, #tpu.memory_space<vmem>>, vector<16xf32>,
    %mul3A_1807 = arith.mulf %add3A_1804, %get3A_1806 : vector<16xf32>
    %add3A_1808 = arith.addf %mul3A_1807, %get3A_11 : vector<16xf32>
    %swap3A_1809 = arith.constant 304 : index
    %swap3A_1810 = tpu.vector_load %arg16[%swap3A_1809] {strides = array<i32>} : memref<320xf32, #tpu.memory_space<vmem>>, vector<16xf32>,
    tpu.vector_store %arg16[%swap3A_1809], %add3A_1808 {strides = array<i32>} : memref<320xf32, #tpu.memory_space<vmem>>, vector<16xf32>,
    "tpu.region"() ({
      %run_scoped3A = tpu.sem_alloc : memref<!tpu.dma_semaphore, #tpu.memory_space<semaphore_mem>>
      %dma_start3A = tpu.memref_slice %arg8[%add3A] : memref<10240xf32, #tpu.memory_space<hbm>> -> memref<320xf32, #tpu.memory_space<hbm>>
      %dma_start3A_1811 = tpu.memref_slice %arg8[%add3A] : memref<10240xf32, #tpu.memory_space<hbm>> -> memref<320xf32, #tpu.memory_space<hbm>>
      tpu.enqueue_dma source(%arg16 : memref<320xf32, #tpu.memory_space<vmem>>) target(%dma_start3A_1811 : memref<320xf32, #tpu.memory_space<hbm>>) target_semaphore(%run_scoped3A : memref<!tpu.dma_semaphore, #tpu.memory_space<semaphore_mem>>)
      %dma_wait3A = tpu.memref_slice %arg8[%add3A] : memref<10240xf32, #tpu.memory_space<hbm>> -> memref<320xf32, #tpu.memory_space<hbm>>
      %dma_wait3A_1812 = tpu.memref_slice %arg8[%add3A] : memref<10240xf32, #tpu.memory_space<hbm>> -> memref<320xf32, #tpu.memory_space<hbm>>
      tpu.wait_dma2 semaphore(%run_scoped3A : memref<!tpu.dma_semaphore, #tpu.memory_space<semaphore_mem>>) src(%arg16 : memref<320xf32, #tpu.memory_space<vmem>>) dst(%dma_wait3A_1812 : memref<320xf32, #tpu.memory_space<hbm>>)
      tpu.yield
    }) : () -> ()
    return
  }
}

#map = affine_map<(d0, d1) -> (0, 0)>
#map1 = affine_map<(d0, d1) -> (0, 0, 0, 0)>
#map2 = affine_map<(d0, d1) -> (0, 0, 0)>
module attributes {stable_mosaic.version = 14 : i64} {
  func.func @_agg_kernel(%arg0: i32, %arg1: i32, %arg2: memref<20000x64xf32, #tpu.memory_space<hbm>>, %arg3: memref<2x16x160x125xi32, #tpu.memory_space<hbm>>, %arg4: memref<16x160x125xi32, #tpu.memory_space<hbm>>, %arg5: memref<20000x64xf32, #tpu.memory_space<hbm>>, %arg6: memref<160x125xi32, #tpu.memory_space<vmem>>, %arg7: memref<160x125xi32, #tpu.memory_space<vmem>>, %arg8: memref<5x125x64xf32, #tpu.memory_space<vmem>>, %arg9: memref<10000x64xf32, #tpu.memory_space<vmem_shared>>, %arg10: memref<!tpu.dma_semaphore, #tpu.memory_space<semaphore_mem>>, %arg11: memref<!tpu.dma_semaphore, #tpu.memory_space<semaphore_mem>>, %arg12: memref<!tpu.dma_semaphore, #tpu.memory_space<semaphore_mem>>, %arg13: memref<!tpu.dma_semaphore, #tpu.memory_space<semaphore_mem>>, %arg14: memref<!tpu.dma_semaphore, #tpu.memory_space<semaphore_mem>>, %arg15: memref<!tpu.dma_semaphore, #tpu.memory_space<semaphore_mem>>, %arg16: memref<!tpu.dma_semaphore, #tpu.memory_space<semaphore_mem>>, %arg17: memref<!tpu.dma_semaphore, #tpu.memory_space<semaphore_mem>>, %arg18: memref<!tpu.dma_semaphore, #tpu.memory_space<semaphore_mem>>, %arg19: memref<!tpu.dma_semaphore, #tpu.memory_space<semaphore_mem>>) attributes {dimension_semantics = [#tpu.dimension_semantics<core_parallel>, #tpu.dimension_semantics<subcore_parallel>], iteration_bounds = array<i64: 2, 16>, scalar_prefetch = 0 : i64, scratch_operands = 14 : i64, tpu.core_type = #tpu.core_type<sc_vector_subcore>, window_params = [{transform_indices = #map}, {transform_indices = #map1}, {transform_indices = #map2}, {transform_indices = #map}]} {
    "tpu.region"() ({
      %run_scoped3A = tpu.sem_alloc : memref<!tpu.dma_semaphore, #tpu.memory_space<semaphore_mem>>
      %dma_start3A_131 = arith.constant 0 : i32
      %dma_start3A_132 = arith.constant 0 : i32
      %dma_start3A_133 = tpu.memref_slice %arg3[%arg0, %arg1, %dma_start3A_131, %dma_start3A_132] : memref<2x16x160x125xi32, #tpu.memory_space<hbm>> -> memref<1x1x160x125xi32, #tpu.memory_space<hbm>>
      %dma_start3A_134 = tpu.memref_squeeze %dma_start3A_133 : memref<1x1x160x125xi32, #tpu.memory_space<hbm>> -> memref<160x125xi32, #tpu.memory_space<hbm>>
      %dma_start3A_135 = arith.constant 0 : i32
      %dma_start3A_136 = arith.constant 0 : i32
      %dma_start3A_137 = tpu.memref_slice %arg3[%arg0, %arg1, %dma_start3A_135, %dma_start3A_136] : memref<2x16x160x125xi32, #tpu.memory_space<hbm>> -> memref<1x1x160x125xi32, #tpu.memory_space<hbm>>
      %dma_start3A_138 = tpu.memref_squeeze %dma_start3A_137 : memref<1x1x160x125xi32, #tpu.memory_space<hbm>> -> memref<160x125xi32, #tpu.memory_space<hbm>>
      tpu.enqueue_dma source(%dma_start3A_138 : memref<160x125xi32, #tpu.memory_space<hbm>>) target(%arg6 : memref<160x125xi32, #tpu.memory_space<vmem>>) target_semaphore(%run_scoped3A : memref<!tpu.dma_semaphore, #tpu.memory_space<semaphore_mem>>)
      %dma_wait3A_139 = arith.constant 0 : i32
      %dma_wait3A_140 = arith.constant 0 : i32
      %dma_wait3A_141 = tpu.memref_slice %arg3[%arg0, %arg1, %dma_wait3A_139, %dma_wait3A_140] : memref<2x16x160x125xi32, #tpu.memory_space<hbm>> -> memref<1x1x160x125xi32, #tpu.memory_space<hbm>>
      %dma_wait3A_142 = tpu.memref_squeeze %dma_wait3A_141 : memref<1x1x160x125xi32, #tpu.memory_space<hbm>> -> memref<160x125xi32, #tpu.memory_space<hbm>>
      %dma_wait3A_143 = arith.constant 0 : i32
      %dma_wait3A_144 = arith.constant 0 : i32
      %dma_wait3A_145 = tpu.memref_slice %arg3[%arg0, %arg1, %dma_wait3A_143, %dma_wait3A_144] : memref<2x16x160x125xi32, #tpu.memory_space<hbm>> -> memref<1x1x160x125xi32, #tpu.memory_space<hbm>>
      %dma_wait3A_146 = tpu.memref_squeeze %dma_wait3A_145 : memref<1x1x160x125xi32, #tpu.memory_space<hbm>> -> memref<160x125xi32, #tpu.memory_space<hbm>>
      tpu.wait_dma2 semaphore(%run_scoped3A : memref<!tpu.dma_semaphore, #tpu.memory_space<semaphore_mem>>) src(%dma_wait3A_146 : memref<160x125xi32, #tpu.memory_space<hbm>>) dst(%arg6 : memref<160x125xi32, #tpu.memory_space<vmem>>)
      tpu.yield
    }) : () -> ()
    "tpu.region"() ({
      %run_scoped3A = tpu.sem_alloc : memref<!tpu.dma_semaphore, #tpu.memory_space<semaphore_mem>>
      %dma_start3A_131 = arith.constant 0 : i32
      %dma_start3A_132 = arith.constant 0 : i32
      %dma_start3A_133 = tpu.memref_slice %arg4[%arg1, %dma_start3A_131, %dma_start3A_132] : memref<16x160x125xi32, #tpu.memory_space<hbm>> -> memref<1x160x125xi32, #tpu.memory_space<hbm>>
      %dma_start3A_134 = tpu.memref_squeeze %dma_start3A_133 : memref<1x160x125xi32, #tpu.memory_space<hbm>> -> memref<160x125xi32, #tpu.memory_space<hbm>>
      %dma_start3A_135 = arith.constant 0 : i32
      %dma_start3A_136 = arith.constant 0 : i32
      %dma_start3A_137 = tpu.memref_slice %arg4[%arg1, %dma_start3A_135, %dma_start3A_136] : memref<16x160x125xi32, #tpu.memory_space<hbm>> -> memref<1x160x125xi32, #tpu.memory_space<hbm>>
      %dma_start3A_138 = tpu.memref_squeeze %dma_start3A_137 : memref<1x160x125xi32, #tpu.memory_space<hbm>> -> memref<160x125xi32, #tpu.memory_space<hbm>>
      tpu.enqueue_dma source(%dma_start3A_138 : memref<160x125xi32, #tpu.memory_space<hbm>>) target(%arg7 : memref<160x125xi32, #tpu.memory_space<vmem>>) target_semaphore(%run_scoped3A : memref<!tpu.dma_semaphore, #tpu.memory_space<semaphore_mem>>)
      %dma_wait3A_139 = arith.constant 0 : i32
      %dma_wait3A_140 = arith.constant 0 : i32
      %dma_wait3A_141 = tpu.memref_slice %arg4[%arg1, %dma_wait3A_139, %dma_wait3A_140] : memref<16x160x125xi32, #tpu.memory_space<hbm>> -> memref<1x160x125xi32, #tpu.memory_space<hbm>>
      %dma_wait3A_142 = tpu.memref_squeeze %dma_wait3A_141 : memref<1x160x125xi32, #tpu.memory_space<hbm>> -> memref<160x125xi32, #tpu.memory_space<hbm>>
      %dma_wait3A_143 = arith.constant 0 : i32
      %dma_wait3A_144 = arith.constant 0 : i32
      %dma_wait3A_145 = tpu.memref_slice %arg4[%arg1, %dma_wait3A_143, %dma_wait3A_144] : memref<16x160x125xi32, #tpu.memory_space<hbm>> -> memref<1x160x125xi32, #tpu.memory_space<hbm>>
      %dma_wait3A_146 = tpu.memref_squeeze %dma_wait3A_145 : memref<1x160x125xi32, #tpu.memory_space<hbm>> -> memref<160x125xi32, #tpu.memory_space<hbm>>
      tpu.wait_dma2 semaphore(%run_scoped3A : memref<!tpu.dma_semaphore, #tpu.memory_space<semaphore_mem>>) src(%dma_wait3A_146 : memref<160x125xi32, #tpu.memory_space<hbm>>) dst(%arg7 : memref<160x125xi32, #tpu.memory_space<vmem>>)
      tpu.yield
    }) : () -> ()
    %mul3A = arith.constant 625 : i32
    %mul3A_0 = arith.muli %arg1, %mul3A : i32
    %mul3A_1 = arith.constant 10000 : i32
    %mul3A_2 = arith.muli %arg0, %mul3A_1 : i32
    %add3A = arith.addi %mul3A_2, %mul3A_0 : i32
    "tpu.region"() ({
      %run_scoped3A = tpu.sem_alloc : memref<!tpu.dma_semaphore, #tpu.memory_space<semaphore_mem>>
      %dma_start3A_131 = arith.constant 0 : i32
      %dma_start3A_132 = tpu.memref_slice %arg9[%mul3A_0, %dma_start3A_131] : memref<10000x64xf32, #tpu.memory_space<vmem_shared>> -> memref<625x64xf32, #tpu.memory_space<vmem_shared>>
      %dma_start3A_133 = arith.constant 0 : i32
      %dma_start3A_134 = tpu.memref_slice %arg2[%add3A, %dma_start3A_133] : memref<20000x64xf32, #tpu.memory_space<hbm>> -> memref<625x64xf32, #tpu.memory_space<hbm>>
      tpu.enqueue_dma source(%dma_start3A_134 : memref<625x64xf32, #tpu.memory_space<hbm>>) target(%dma_start3A_132 : memref<625x64xf32, #tpu.memory_space<vmem_shared>>) target_semaphore(%run_scoped3A : memref<!tpu.dma_semaphore, #tpu.memory_space<semaphore_mem>>)
      %dma_wait3A_135 = arith.constant 0 : i32
      %dma_wait3A_136 = tpu.memref_slice %arg9[%mul3A_0, %dma_wait3A_135] : memref<10000x64xf32, #tpu.memory_space<vmem_shared>> -> memref<625x64xf32, #tpu.memory_space<vmem_shared>>
      %dma_wait3A_137 = arith.constant 0 : i32
      %dma_wait3A_138 = tpu.memref_slice %arg2[%add3A, %dma_wait3A_137] : memref<20000x64xf32, #tpu.memory_space<hbm>> -> memref<625x64xf32, #tpu.memory_space<hbm>>
      tpu.wait_dma2 semaphore(%run_scoped3A : memref<!tpu.dma_semaphore, #tpu.memory_space<semaphore_mem>>) src(%dma_wait3A_138 : memref<625x64xf32, #tpu.memory_space<hbm>>) dst(%dma_wait3A_136 : memref<625x64xf32, #tpu.memory_space<vmem_shared>>)
      tpu.yield
    }) : () -> ()
    %barrier3A = arith.constant 0 : index
    tpu.barrier barrier_id(%barrier3A)
    %dma_start3A = arith.constant 0 : i32
    %dma_start3A_3 = arith.constant 0 : i32
    %dma_start3A_4 = arith.constant 0 : i32
    %dma_start3A_5 = arith.constant 0 : i32
    %dma_start3A_6 = tpu.memref_slice %arg8[%dma_start3A_3, %dma_start3A_4, %dma_start3A_5] : memref<5x125x64xf32, #tpu.memory_space<vmem>> -> memref<1x125x64xf32, #tpu.memory_space<vmem>>
    %dma_start3A_7 = tpu.memref_squeeze %dma_start3A_6 : memref<1x125x64xf32, #tpu.memory_space<vmem>> -> memref<125x64xf32, #tpu.memory_space<vmem>>
    %dma_start3A_8 = arith.constant 0 : i32
    %dma_start3A_9 = tpu.memref_slice %arg6[%dma_start3A, %dma_start3A_8] : memref<160x125xi32, #tpu.memory_space<vmem>> -> memref<1x125xi32, #tpu.memory_space<vmem>>
    %dma_start3A_10 = tpu.memref_squeeze %dma_start3A_9 : memref<1x125xi32, #tpu.memory_space<vmem>> -> memref<125xi32, #tpu.memory_space<vmem>>
    %dma_start3A_11 = arith.constant 0 : i32
    %dma_start3A_12 = arith.constant 0 : i32
    %dma_start3A_13 = tpu.memref_slice %arg2[%dma_start3A_11, %dma_start3A_12] : memref<20000x64xf32, #tpu.memory_space<hbm>> -> memref<20000x64xf32, #tpu.memory_space<hbm>>
    tpu.enqueue_indirect_dma source(%dma_start3A_13 : memref<20000x64xf32, #tpu.memory_space<hbm>>) target(%dma_start3A_7 : memref<125x64xf32, #tpu.memory_space<vmem>>) offsets(%dma_start3A_10 : memref<125xi32, #tpu.memory_space<vmem>>) semaphore(%arg10 : memref<!tpu.dma_semaphore, #tpu.memory_space<semaphore_mem>>)
    %dma_start3A_14 = arith.constant 1 : i32
    %dma_start3A_15 = arith.constant 1 : i32
    %dma_start3A_16 = arith.constant 0 : i32
    %dma_start3A_17 = arith.constant 0 : i32
    %dma_start3A_18 = tpu.memref_slice %arg8[%dma_start3A_15, %dma_start3A_16, %dma_start3A_17] : memref<5x125x64xf32, #tpu.memory_space<vmem>> -> memref<1x125x64xf32, #tpu.memory_space<vmem>>
    %dma_start3A_19 = tpu.memref_squeeze %dma_start3A_18 : memref<1x125x64xf32, #tpu.memory_space<vmem>> -> memref<125x64xf32, #tpu.memory_space<vmem>>
    %dma_start3A_20 = arith.constant 0 : i32
    %dma_start3A_21 = tpu.memref_slice %arg6[%dma_start3A_14, %dma_start3A_20] : memref<160x125xi32, #tpu.memory_space<vmem>> -> memref<1x125xi32, #tpu.memory_space<vmem>>
    %dma_start3A_22 = tpu.memref_squeeze %dma_start3A_21 : memref<1x125xi32, #tpu.memory_space<vmem>> -> memref<125xi32, #tpu.memory_space<vmem>>
    %dma_start3A_23 = arith.constant 0 : i32
    %dma_start3A_24 = arith.constant 0 : i32
    %dma_start3A_25 = tpu.memref_slice %arg2[%dma_start3A_23, %dma_start3A_24] : memref<20000x64xf32, #tpu.memory_space<hbm>> -> memref<20000x64xf32, #tpu.memory_space<hbm>>
    tpu.enqueue_indirect_dma source(%dma_start3A_25 : memref<20000x64xf32, #tpu.memory_space<hbm>>) target(%dma_start3A_19 : memref<125x64xf32, #tpu.memory_space<vmem>>) offsets(%dma_start3A_22 : memref<125xi32, #tpu.memory_space<vmem>>) semaphore(%arg11 : memref<!tpu.dma_semaphore, #tpu.memory_space<semaphore_mem>>)
    %dma_start3A_26 = arith.constant 2 : i32
    %dma_start3A_27 = arith.constant 2 : i32
    %dma_start3A_28 = arith.constant 0 : i32
    %dma_start3A_29 = arith.constant 0 : i32
    %dma_start3A_30 = tpu.memref_slice %arg8[%dma_start3A_27, %dma_start3A_28, %dma_start3A_29] : memref<5x125x64xf32, #tpu.memory_space<vmem>> -> memref<1x125x64xf32, #tpu.memory_space<vmem>>
    %dma_start3A_31 = tpu.memref_squeeze %dma_start3A_30 : memref<1x125x64xf32, #tpu.memory_space<vmem>> -> memref<125x64xf32, #tpu.memory_space<vmem>>
    %dma_start3A_32 = arith.constant 0 : i32
    %dma_start3A_33 = tpu.memref_slice %arg6[%dma_start3A_26, %dma_start3A_32] : memref<160x125xi32, #tpu.memory_space<vmem>> -> memref<1x125xi32, #tpu.memory_space<vmem>>
    %dma_start3A_34 = tpu.memref_squeeze %dma_start3A_33 : memref<1x125xi32, #tpu.memory_space<vmem>> -> memref<125xi32, #tpu.memory_space<vmem>>
    %dma_start3A_35 = arith.constant 0 : i32
    %dma_start3A_36 = arith.constant 0 : i32
    %dma_start3A_37 = tpu.memref_slice %arg2[%dma_start3A_35, %dma_start3A_36] : memref<20000x64xf32, #tpu.memory_space<hbm>> -> memref<20000x64xf32, #tpu.memory_space<hbm>>
    tpu.enqueue_indirect_dma source(%dma_start3A_37 : memref<20000x64xf32, #tpu.memory_space<hbm>>) target(%dma_start3A_31 : memref<125x64xf32, #tpu.memory_space<vmem>>) offsets(%dma_start3A_34 : memref<125xi32, #tpu.memory_space<vmem>>) semaphore(%arg12 : memref<!tpu.dma_semaphore, #tpu.memory_space<semaphore_mem>>)
    %dma_start3A_38 = arith.constant 3 : i32
    %dma_start3A_39 = arith.constant 3 : i32
    %dma_start3A_40 = arith.constant 0 : i32
    %dma_start3A_41 = arith.constant 0 : i32
    %dma_start3A_42 = tpu.memref_slice %arg8[%dma_start3A_39, %dma_start3A_40, %dma_start3A_41] : memref<5x125x64xf32, #tpu.memory_space<vmem>> -> memref<1x125x64xf32, #tpu.memory_space<vmem>>
    %dma_start3A_43 = tpu.memref_squeeze %dma_start3A_42 : memref<1x125x64xf32, #tpu.memory_space<vmem>> -> memref<125x64xf32, #tpu.memory_space<vmem>>
    %dma_start3A_44 = arith.constant 0 : i32
    %dma_start3A_45 = tpu.memref_slice %arg6[%dma_start3A_38, %dma_start3A_44] : memref<160x125xi32, #tpu.memory_space<vmem>> -> memref<1x125xi32, #tpu.memory_space<vmem>>
    %dma_start3A_46 = tpu.memref_squeeze %dma_start3A_45 : memref<1x125xi32, #tpu.memory_space<vmem>> -> memref<125xi32, #tpu.memory_space<vmem>>
    %dma_start3A_47 = arith.constant 0 : i32
    %dma_start3A_48 = arith.constant 0 : i32
    %dma_start3A_49 = tpu.memref_slice %arg2[%dma_start3A_47, %dma_start3A_48] : memref<20000x64xf32, #tpu.memory_space<hbm>> -> memref<20000x64xf32, #tpu.memory_space<hbm>>
    tpu.enqueue_indirect_dma source(%dma_start3A_49 : memref<20000x64xf32, #tpu.memory_space<hbm>>) target(%dma_start3A_43 : memref<125x64xf32, #tpu.memory_space<vmem>>) offsets(%dma_start3A_46 : memref<125xi32, #tpu.memory_space<vmem>>) semaphore(%arg13 : memref<!tpu.dma_semaphore, #tpu.memory_space<semaphore_mem>>)
    %dma_start3A_50 = arith.constant 4 : i32
    %dma_start3A_51 = arith.constant 4 : i32
    %dma_start3A_52 = arith.constant 0 : i32
    %dma_start3A_53 = arith.constant 0 : i32
    %dma_start3A_54 = tpu.memref_slice %arg8[%dma_start3A_51, %dma_start3A_52, %dma_start3A_53] : memref<5x125x64xf32, #tpu.memory_space<vmem>> -> memref<1x125x64xf32, #tpu.memory_space<vmem>>
    %dma_start3A_55 = tpu.memref_squeeze %dma_start3A_54 : memref<1x125x64xf32, #tpu.memory_space<vmem>> -> memref<125x64xf32, #tpu.memory_space<vmem>>
    %dma_start3A_56 = arith.constant 0 : i32
    %dma_start3A_57 = tpu.memref_slice %arg6[%dma_start3A_50, %dma_start3A_56] : memref<160x125xi32, #tpu.memory_space<vmem>> -> memref<1x125xi32, #tpu.memory_space<vmem>>
    %dma_start3A_58 = tpu.memref_squeeze %dma_start3A_57 : memref<1x125xi32, #tpu.memory_space<vmem>> -> memref<125xi32, #tpu.memory_space<vmem>>
    %dma_start3A_59 = arith.constant 0 : i32
    %dma_start3A_60 = arith.constant 0 : i32
    %dma_start3A_61 = tpu.memref_slice %arg2[%dma_start3A_59, %dma_start3A_60] : memref<20000x64xf32, #tpu.memory_space<hbm>> -> memref<20000x64xf32, #tpu.memory_space<hbm>>
    tpu.enqueue_indirect_dma source(%dma_start3A_61 : memref<20000x64xf32, #tpu.memory_space<hbm>>) target(%dma_start3A_55 : memref<125x64xf32, #tpu.memory_space<vmem>>) offsets(%dma_start3A_58 : memref<125xi32, #tpu.memory_space<vmem>>) semaphore(%arg14 : memref<!tpu.dma_semaphore, #tpu.memory_space<semaphore_mem>>)
    %scan3A = arith.constant 0 : i32
    %scan3A_62 = arith.constant 0 : i32
    %scan3A_63 = arith.constant 32 : i32
    %scan3A_64 = arith.addi %scan3A_62, %scan3A_63 : i32
    %scan3A_65 = arith.constant 1 : i32
    %scan3A_66 = scf.for %scan3A_131 = %scan3A_62 to %scan3A_64 step %scan3A_65 iter_args(%scan3A_132 = %scan3A) -> (i32)  : i32 {
      %mul3A_133 = arith.constant 5 : i32
      %mul3A_134 = arith.muli %scan3A_131, %mul3A_133 : i32
      %add3A_135 = arith.constant 0 : i32
      %add3A_136 = arith.addi %mul3A_134, %add3A_135 : i32
      %dma_wait3A_137 = arith.constant 0 : i32
      %dma_wait3A_138 = arith.constant 0 : i32
      %dma_wait3A_139 = arith.constant 0 : i32
      %dma_wait3A_140 = tpu.memref_slice %arg8[%dma_wait3A_137, %dma_wait3A_138, %dma_wait3A_139] : memref<5x125x64xf32, #tpu.memory_space<vmem>> -> memref<1x125x64xf32, #tpu.memory_space<vmem>>
      %dma_wait3A_141 = tpu.memref_squeeze %dma_wait3A_140 : memref<1x125x64xf32, #tpu.memory_space<vmem>> -> memref<125x64xf32, #tpu.memory_space<vmem>>
      %dma_wait3A_142 = arith.constant 0 : i32
      %dma_wait3A_143 = tpu.memref_slice %arg6[%add3A_136, %dma_wait3A_142] : memref<160x125xi32, #tpu.memory_space<vmem>> -> memref<1x125xi32, #tpu.memory_space<vmem>>
      %dma_wait3A_144 = tpu.memref_squeeze %dma_wait3A_143 : memref<1x125xi32, #tpu.memory_space<vmem>> -> memref<125xi32, #tpu.memory_space<vmem>>
      %dma_wait3A_145 = arith.constant 0 : i32
      %dma_wait3A_146 = arith.constant 0 : i32
      %dma_wait3A_147 = tpu.memref_slice %arg2[%dma_wait3A_145, %dma_wait3A_146] : memref<20000x64xf32, #tpu.memory_space<hbm>> -> memref<20000x64xf32, #tpu.memory_space<hbm>>
      tpu.wait_indirect_dma semaphore(%arg10 : memref<!tpu.dma_semaphore, #tpu.memory_space<semaphore_mem>>) src(%dma_wait3A_147 : memref<20000x64xf32, #tpu.memory_space<hbm>>) dst(%dma_wait3A_141 : memref<125x64xf32, #tpu.memory_space<vmem>>)
      %dma_start3A_148 = arith.constant 0 : i32
      %dma_start3A_149 = arith.constant 0 : i32
      %dma_start3A_150 = arith.constant 0 : i32
      %dma_start3A_151 = tpu.memref_slice %arg8[%dma_start3A_148, %dma_start3A_149, %dma_start3A_150] : memref<5x125x64xf32, #tpu.memory_space<vmem>> -> memref<1x125x64xf32, #tpu.memory_space<vmem>>
      %dma_start3A_152 = tpu.memref_squeeze %dma_start3A_151 : memref<1x125x64xf32, #tpu.memory_space<vmem>> -> memref<125x64xf32, #tpu.memory_space<vmem>>
      %dma_start3A_153 = arith.constant 0 : i32
      %dma_start3A_154 = tpu.memref_slice %arg7[%add3A_136, %dma_start3A_153] : memref<160x125xi32, #tpu.memory_space<vmem>> -> memref<1x125xi32, #tpu.memory_space<vmem>>
      %dma_start3A_155 = tpu.memref_squeeze %dma_start3A_154 : memref<1x125xi32, #tpu.memory_space<vmem>> -> memref<125xi32, #tpu.memory_space<vmem>>
      %dma_start3A_156 = arith.constant 0 : i32
      %dma_start3A_157 = arith.constant 0 : i32
      %dma_start3A_158 = tpu.memref_slice %arg9[%dma_start3A_156, %dma_start3A_157] : memref<10000x64xf32, #tpu.memory_space<vmem_shared>> -> memref<10000x64xf32, #tpu.memory_space<vmem_shared>>
      tpu.enqueue_indirect_dma source(%dma_start3A_152 : memref<125x64xf32, #tpu.memory_space<vmem>>) target(%dma_start3A_158 : memref<10000x64xf32, #tpu.memory_space<vmem_shared>>) offsets(%dma_start3A_155 : memref<125xi32, #tpu.memory_space<vmem>>) semaphore(%arg15 : memref<!tpu.dma_semaphore, #tpu.memory_space<semaphore_mem>>) {add = true}
      %add3A_159 = arith.constant 1 : i32
      %add3A_160 = arith.addi %mul3A_134, %add3A_159 : i32
      %dma_wait3A_161 = arith.constant 1 : i32
      %dma_wait3A_162 = arith.constant 0 : i32
      %dma_wait3A_163 = arith.constant 0 : i32
      %dma_wait3A_164 = tpu.memref_slice %arg8[%dma_wait3A_161, %dma_wait3A_162, %dma_wait3A_163] : memref<5x125x64xf32, #tpu.memory_space<vmem>> -> memref<1x125x64xf32, #tpu.memory_space<vmem>>
      %dma_wait3A_165 = tpu.memref_squeeze %dma_wait3A_164 : memref<1x125x64xf32, #tpu.memory_space<vmem>> -> memref<125x64xf32, #tpu.memory_space<vmem>>
      %dma_wait3A_166 = arith.constant 0 : i32
      %dma_wait3A_167 = tpu.memref_slice %arg6[%add3A_160, %dma_wait3A_166] : memref<160x125xi32, #tpu.memory_space<vmem>> -> memref<1x125xi32, #tpu.memory_space<vmem>>
      %dma_wait3A_168 = tpu.memref_squeeze %dma_wait3A_167 : memref<1x125xi32, #tpu.memory_space<vmem>> -> memref<125xi32, #tpu.memory_space<vmem>>
      %dma_wait3A_169 = arith.constant 0 : i32
      %dma_wait3A_170 = arith.constant 0 : i32
      %dma_wait3A_171 = tpu.memref_slice %arg2[%dma_wait3A_169, %dma_wait3A_170] : memref<20000x64xf32, #tpu.memory_space<hbm>> -> memref<20000x64xf32, #tpu.memory_space<hbm>>
      tpu.wait_indirect_dma semaphore(%arg11 : memref<!tpu.dma_semaphore, #tpu.memory_space<semaphore_mem>>) src(%dma_wait3A_171 : memref<20000x64xf32, #tpu.memory_space<hbm>>) dst(%dma_wait3A_165 : memref<125x64xf32, #tpu.memory_space<vmem>>)
      %dma_start3A_172 = arith.constant 1 : i32
      %dma_start3A_173 = arith.constant 0 : i32
      %dma_start3A_174 = arith.constant 0 : i32
      %dma_start3A_175 = tpu.memref_slice %arg8[%dma_start3A_172, %dma_start3A_173, %dma_start3A_174] : memref<5x125x64xf32, #tpu.memory_space<vmem>> -> memref<1x125x64xf32, #tpu.memory_space<vmem>>
      %dma_start3A_176 = tpu.memref_squeeze %dma_start3A_175 : memref<1x125x64xf32, #tpu.memory_space<vmem>> -> memref<125x64xf32, #tpu.memory_space<vmem>>
      %dma_start3A_177 = arith.constant 0 : i32
      %dma_start3A_178 = tpu.memref_slice %arg7[%add3A_160, %dma_start3A_177] : memref<160x125xi32, #tpu.memory_space<vmem>> -> memref<1x125xi32, #tpu.memory_space<vmem>>
      %dma_start3A_179 = tpu.memref_squeeze %dma_start3A_178 : memref<1x125xi32, #tpu.memory_space<vmem>> -> memref<125xi32, #tpu.memory_space<vmem>>
      %dma_start3A_180 = arith.constant 0 : i32
      %dma_start3A_181 = arith.constant 0 : i32
      %dma_start3A_182 = tpu.memref_slice %arg9[%dma_start3A_180, %dma_start3A_181] : memref<10000x64xf32, #tpu.memory_space<vmem_shared>> -> memref<10000x64xf32, #tpu.memory_space<vmem_shared>>
      tpu.enqueue_indirect_dma source(%dma_start3A_176 : memref<125x64xf32, #tpu.memory_space<vmem>>) target(%dma_start3A_182 : memref<10000x64xf32, #tpu.memory_space<vmem_shared>>) offsets(%dma_start3A_179 : memref<125xi32, #tpu.memory_space<vmem>>) semaphore(%arg16 : memref<!tpu.dma_semaphore, #tpu.memory_space<semaphore_mem>>) {add = true}
      %add3A_183 = arith.constant 2 : i32
      %add3A_184 = arith.addi %mul3A_134, %add3A_183 : i32
      %dma_wait3A_185 = arith.constant 2 : i32
      %dma_wait3A_186 = arith.constant 0 : i32
      %dma_wait3A_187 = arith.constant 0 : i32
      %dma_wait3A_188 = tpu.memref_slice %arg8[%dma_wait3A_185, %dma_wait3A_186, %dma_wait3A_187] : memref<5x125x64xf32, #tpu.memory_space<vmem>> -> memref<1x125x64xf32, #tpu.memory_space<vmem>>
      %dma_wait3A_189 = tpu.memref_squeeze %dma_wait3A_188 : memref<1x125x64xf32, #tpu.memory_space<vmem>> -> memref<125x64xf32, #tpu.memory_space<vmem>>
      %dma_wait3A_190 = arith.constant 0 : i32
      %dma_wait3A_191 = tpu.memref_slice %arg6[%add3A_184, %dma_wait3A_190] : memref<160x125xi32, #tpu.memory_space<vmem>> -> memref<1x125xi32, #tpu.memory_space<vmem>>
      %dma_wait3A_192 = tpu.memref_squeeze %dma_wait3A_191 : memref<1x125xi32, #tpu.memory_space<vmem>> -> memref<125xi32, #tpu.memory_space<vmem>>
      %dma_wait3A_193 = arith.constant 0 : i32
      %dma_wait3A_194 = arith.constant 0 : i32
      %dma_wait3A_195 = tpu.memref_slice %arg2[%dma_wait3A_193, %dma_wait3A_194] : memref<20000x64xf32, #tpu.memory_space<hbm>> -> memref<20000x64xf32, #tpu.memory_space<hbm>>
      tpu.wait_indirect_dma semaphore(%arg12 : memref<!tpu.dma_semaphore, #tpu.memory_space<semaphore_mem>>) src(%dma_wait3A_195 : memref<20000x64xf32, #tpu.memory_space<hbm>>) dst(%dma_wait3A_189 : memref<125x64xf32, #tpu.memory_space<vmem>>)
      %dma_start3A_196 = arith.constant 2 : i32
      %dma_start3A_197 = arith.constant 0 : i32
      %dma_start3A_198 = arith.constant 0 : i32
      %dma_start3A_199 = tpu.memref_slice %arg8[%dma_start3A_196, %dma_start3A_197, %dma_start3A_198] : memref<5x125x64xf32, #tpu.memory_space<vmem>> -> memref<1x125x64xf32, #tpu.memory_space<vmem>>
      %dma_start3A_200 = tpu.memref_squeeze %dma_start3A_199 : memref<1x125x64xf32, #tpu.memory_space<vmem>> -> memref<125x64xf32, #tpu.memory_space<vmem>>
      %dma_start3A_201 = arith.constant 0 : i32
      %dma_start3A_202 = tpu.memref_slice %arg7[%add3A_184, %dma_start3A_201] : memref<160x125xi32, #tpu.memory_space<vmem>> -> memref<1x125xi32, #tpu.memory_space<vmem>>
      %dma_start3A_203 = tpu.memref_squeeze %dma_start3A_202 : memref<1x125xi32, #tpu.memory_space<vmem>> -> memref<125xi32, #tpu.memory_space<vmem>>
      %dma_start3A_204 = arith.constant 0 : i32
      %dma_start3A_205 = arith.constant 0 : i32
      %dma_start3A_206 = tpu.memref_slice %arg9[%dma_start3A_204, %dma_start3A_205] : memref<10000x64xf32, #tpu.memory_space<vmem_shared>> -> memref<10000x64xf32, #tpu.memory_space<vmem_shared>>
      tpu.enqueue_indirect_dma source(%dma_start3A_200 : memref<125x64xf32, #tpu.memory_space<vmem>>) target(%dma_start3A_206 : memref<10000x64xf32, #tpu.memory_space<vmem_shared>>) offsets(%dma_start3A_203 : memref<125xi32, #tpu.memory_space<vmem>>) semaphore(%arg17 : memref<!tpu.dma_semaphore, #tpu.memory_space<semaphore_mem>>) {add = true}
      %add3A_207 = arith.constant 3 : i32
      %add3A_208 = arith.addi %mul3A_134, %add3A_207 : i32
      %dma_wait3A_209 = arith.constant 3 : i32
      %dma_wait3A_210 = arith.constant 0 : i32
      %dma_wait3A_211 = arith.constant 0 : i32
      %dma_wait3A_212 = tpu.memref_slice %arg8[%dma_wait3A_209, %dma_wait3A_210, %dma_wait3A_211] : memref<5x125x64xf32, #tpu.memory_space<vmem>> -> memref<1x125x64xf32, #tpu.memory_space<vmem>>
      %dma_wait3A_213 = tpu.memref_squeeze %dma_wait3A_212 : memref<1x125x64xf32, #tpu.memory_space<vmem>> -> memref<125x64xf32, #tpu.memory_space<vmem>>
      %dma_wait3A_214 = arith.constant 0 : i32
      %dma_wait3A_215 = tpu.memref_slice %arg6[%add3A_208, %dma_wait3A_214] : memref<160x125xi32, #tpu.memory_space<vmem>> -> memref<1x125xi32, #tpu.memory_space<vmem>>
      %dma_wait3A_216 = tpu.memref_squeeze %dma_wait3A_215 : memref<1x125xi32, #tpu.memory_space<vmem>> -> memref<125xi32, #tpu.memory_space<vmem>>
      %dma_wait3A_217 = arith.constant 0 : i32
      %dma_wait3A_218 = arith.constant 0 : i32
      %dma_wait3A_219 = tpu.memref_slice %arg2[%dma_wait3A_217, %dma_wait3A_218] : memref<20000x64xf32, #tpu.memory_space<hbm>> -> memref<20000x64xf32, #tpu.memory_space<hbm>>
      tpu.wait_indirect_dma semaphore(%arg13 : memref<!tpu.dma_semaphore, #tpu.memory_space<semaphore_mem>>) src(%dma_wait3A_219 : memref<20000x64xf32, #tpu.memory_space<hbm>>) dst(%dma_wait3A_213 : memref<125x64xf32, #tpu.memory_space<vmem>>)
      %dma_start3A_220 = arith.constant 3 : i32
      %dma_start3A_221 = arith.constant 0 : i32
      %dma_start3A_222 = arith.constant 0 : i32
      %dma_start3A_223 = tpu.memref_slice %arg8[%dma_start3A_220, %dma_start3A_221, %dma_start3A_222] : memref<5x125x64xf32, #tpu.memory_space<vmem>> -> memref<1x125x64xf32, #tpu.memory_space<vmem>>
      %dma_start3A_224 = tpu.memref_squeeze %dma_start3A_223 : memref<1x125x64xf32, #tpu.memory_space<vmem>> -> memref<125x64xf32, #tpu.memory_space<vmem>>
      %dma_start3A_225 = arith.constant 0 : i32
      %dma_start3A_226 = tpu.memref_slice %arg7[%add3A_208, %dma_start3A_225] : memref<160x125xi32, #tpu.memory_space<vmem>> -> memref<1x125xi32, #tpu.memory_space<vmem>>
      %dma_start3A_227 = tpu.memref_squeeze %dma_start3A_226 : memref<1x125xi32, #tpu.memory_space<vmem>> -> memref<125xi32, #tpu.memory_space<vmem>>
      %dma_start3A_228 = arith.constant 0 : i32
      %dma_start3A_229 = arith.constant 0 : i32
      %dma_start3A_230 = tpu.memref_slice %arg9[%dma_start3A_228, %dma_start3A_229] : memref<10000x64xf32, #tpu.memory_space<vmem_shared>> -> memref<10000x64xf32, #tpu.memory_space<vmem_shared>>
      tpu.enqueue_indirect_dma source(%dma_start3A_224 : memref<125x64xf32, #tpu.memory_space<vmem>>) target(%dma_start3A_230 : memref<10000x64xf32, #tpu.memory_space<vmem_shared>>) offsets(%dma_start3A_227 : memref<125xi32, #tpu.memory_space<vmem>>) semaphore(%arg18 : memref<!tpu.dma_semaphore, #tpu.memory_space<semaphore_mem>>) {add = true}
      %add3A_231 = arith.constant 4 : i32
      %add3A_232 = arith.addi %mul3A_134, %add3A_231 : i32
      %dma_wait3A_233 = arith.constant 4 : i32
      %dma_wait3A_234 = arith.constant 0 : i32
      %dma_wait3A_235 = arith.constant 0 : i32
      %dma_wait3A_236 = tpu.memref_slice %arg8[%dma_wait3A_233, %dma_wait3A_234, %dma_wait3A_235] : memref<5x125x64xf32, #tpu.memory_space<vmem>> -> memref<1x125x64xf32, #tpu.memory_space<vmem>>
      %dma_wait3A_237 = tpu.memref_squeeze %dma_wait3A_236 : memref<1x125x64xf32, #tpu.memory_space<vmem>> -> memref<125x64xf32, #tpu.memory_space<vmem>>
      %dma_wait3A_238 = arith.constant 0 : i32
      %dma_wait3A_239 = tpu.memref_slice %arg6[%add3A_232, %dma_wait3A_238] : memref<160x125xi32, #tpu.memory_space<vmem>> -> memref<1x125xi32, #tpu.memory_space<vmem>>
      %dma_wait3A_240 = tpu.memref_squeeze %dma_wait3A_239 : memref<1x125xi32, #tpu.memory_space<vmem>> -> memref<125xi32, #tpu.memory_space<vmem>>
      %dma_wait3A_241 = arith.constant 0 : i32
      %dma_wait3A_242 = arith.constant 0 : i32
      %dma_wait3A_243 = tpu.memref_slice %arg2[%dma_wait3A_241, %dma_wait3A_242] : memref<20000x64xf32, #tpu.memory_space<hbm>> -> memref<20000x64xf32, #tpu.memory_space<hbm>>
      tpu.wait_indirect_dma semaphore(%arg14 : memref<!tpu.dma_semaphore, #tpu.memory_space<semaphore_mem>>) src(%dma_wait3A_243 : memref<20000x64xf32, #tpu.memory_space<hbm>>) dst(%dma_wait3A_237 : memref<125x64xf32, #tpu.memory_space<vmem>>)
      %dma_start3A_244 = arith.constant 4 : i32
      %dma_start3A_245 = arith.constant 0 : i32
      %dma_start3A_246 = arith.constant 0 : i32
      %dma_start3A_247 = tpu.memref_slice %arg8[%dma_start3A_244, %dma_start3A_245, %dma_start3A_246] : memref<5x125x64xf32, #tpu.memory_space<vmem>> -> memref<1x125x64xf32, #tpu.memory_space<vmem>>
      %dma_start3A_248 = tpu.memref_squeeze %dma_start3A_247 : memref<1x125x64xf32, #tpu.memory_space<vmem>> -> memref<125x64xf32, #tpu.memory_space<vmem>>
      %dma_start3A_249 = arith.constant 0 : i32
      %dma_start3A_250 = tpu.memref_slice %arg7[%add3A_232, %dma_start3A_249] : memref<160x125xi32, #tpu.memory_space<vmem>> -> memref<1x125xi32, #tpu.memory_space<vmem>>
      %dma_start3A_251 = tpu.memref_squeeze %dma_start3A_250 : memref<1x125xi32, #tpu.memory_space<vmem>> -> memref<125xi32, #tpu.memory_space<vmem>>
      %dma_start3A_252 = arith.constant 0 : i32
      %dma_start3A_253 = arith.constant 0 : i32
      %dma_start3A_254 = tpu.memref_slice %arg9[%dma_start3A_252, %dma_start3A_253] : memref<10000x64xf32, #tpu.memory_space<vmem_shared>> -> memref<10000x64xf32, #tpu.memory_space<vmem_shared>>
      tpu.enqueue_indirect_dma source(%dma_start3A_248 : memref<125x64xf32, #tpu.memory_space<vmem>>) target(%dma_start3A_254 : memref<10000x64xf32, #tpu.memory_space<vmem_shared>>) offsets(%dma_start3A_251 : memref<125xi32, #tpu.memory_space<vmem>>) semaphore(%arg19 : memref<!tpu.dma_semaphore, #tpu.memory_space<semaphore_mem>>) {add = true}
      %add3A_255 = arith.constant 0 : i32
      %add3A_256 = arith.addi %mul3A_134, %add3A_255 : i32
      %add3A_257 = arith.constant 5 : i32
      %add3A_258 = arith.addi %add3A_256, %add3A_257 : i32
      %lt3A = arith.constant 160 : i32
      %lt3A_259 = arith.cmpi slt, %add3A_258, %lt3A : i32
      %convert_element_type3A = arith.extui %lt3A_259 : i1 to i32
      %cond3A = arith.constant 0 : i32
      %cond3A_260 = arith.cmpi ne, %convert_element_type3A, %cond3A : i32
      scf.if %cond3A_260 {
        %dma_wait3A_298 = arith.constant 0 : i32
        %dma_wait3A_299 = arith.constant 0 : i32
        %dma_wait3A_300 = arith.constant 0 : i32
        %dma_wait3A_301 = tpu.memref_slice %arg8[%dma_wait3A_298, %dma_wait3A_299, %dma_wait3A_300] : memref<5x125x64xf32, #tpu.memory_space<vmem>> -> memref<1x125x64xf32, #tpu.memory_space<vmem>>
        %dma_wait3A_302 = tpu.memref_squeeze %dma_wait3A_301 : memref<1x125x64xf32, #tpu.memory_space<vmem>> -> memref<125x64xf32, #tpu.memory_space<vmem>>
        %dma_wait3A_303 = arith.constant 0 : i32
        %dma_wait3A_304 = tpu.memref_slice %arg7[%add3A_256, %dma_wait3A_303] : memref<160x125xi32, #tpu.memory_space<vmem>> -> memref<1x125xi32, #tpu.memory_space<vmem>>
        %dma_wait3A_305 = tpu.memref_squeeze %dma_wait3A_304 : memref<1x125xi32, #tpu.memory_space<vmem>> -> memref<125xi32, #tpu.memory_space<vmem>>
        %dma_wait3A_306 = arith.constant 0 : i32
        %dma_wait3A_307 = arith.constant 0 : i32
        %dma_wait3A_308 = tpu.memref_slice %arg9[%dma_wait3A_306, %dma_wait3A_307] : memref<10000x64xf32, #tpu.memory_space<vmem_shared>> -> memref<10000x64xf32, #tpu.memory_space<vmem_shared>>
        tpu.wait_indirect_dma semaphore(%arg15 : memref<!tpu.dma_semaphore, #tpu.memory_space<semaphore_mem>>) src(%dma_wait3A_302 : memref<125x64xf32, #tpu.memory_space<vmem>>) dst(%dma_wait3A_308 : memref<10000x64xf32, #tpu.memory_space<vmem_shared>>)
        %dma_start3A_309 = arith.constant 0 : i32
        %dma_start3A_310 = arith.constant 0 : i32
        %dma_start3A_311 = arith.constant 0 : i32
        %dma_start3A_312 = tpu.memref_slice %arg8[%dma_start3A_309, %dma_start3A_310, %dma_start3A_311] : memref<5x125x64xf32, #tpu.memory_space<vmem>> -> memref<1x125x64xf32, #tpu.memory_space<vmem>>
        %dma_start3A_313 = tpu.memref_squeeze %dma_start3A_312 : memref<1x125x64xf32, #tpu.memory_space<vmem>> -> memref<125x64xf32, #tpu.memory_space<vmem>>
        %dma_start3A_314 = arith.constant 0 : i32
        %dma_start3A_315 = tpu.memref_slice %arg6[%add3A_258, %dma_start3A_314] : memref<160x125xi32, #tpu.memory_space<vmem>> -> memref<1x125xi32, #tpu.memory_space<vmem>>
        %dma_start3A_316 = tpu.memref_squeeze %dma_start3A_315 : memref<1x125xi32, #tpu.memory_space<vmem>> -> memref<125xi32, #tpu.memory_space<vmem>>
        %dma_start3A_317 = arith.constant 0 : i32
        %dma_start3A_318 = arith.constant 0 : i32
        %dma_start3A_319 = tpu.memref_slice %arg2[%dma_start3A_317, %dma_start3A_318] : memref<20000x64xf32, #tpu.memory_space<hbm>> -> memref<20000x64xf32, #tpu.memory_space<hbm>>
        tpu.enqueue_indirect_dma source(%dma_start3A_319 : memref<20000x64xf32, #tpu.memory_space<hbm>>) target(%dma_start3A_313 : memref<125x64xf32, #tpu.memory_space<vmem>>) offsets(%dma_start3A_316 : memref<125xi32, #tpu.memory_space<vmem>>) semaphore(%arg10 : memref<!tpu.dma_semaphore, #tpu.memory_space<semaphore_mem>>)
      } else {
      }
      %add3A_261 = arith.constant 1 : i32
      %add3A_262 = arith.addi %mul3A_134, %add3A_261 : i32
      %add3A_263 = arith.constant 5 : i32
      %add3A_264 = arith.addi %add3A_262, %add3A_263 : i32
      %lt3A_265 = arith.constant 160 : i32
      %lt3A_266 = arith.cmpi slt, %add3A_264, %lt3A_265 : i32
      %convert_element_type3A_267 = arith.extui %lt3A_266 : i1 to i32
      %cond3A_268 = arith.constant 0 : i32
      %cond3A_269 = arith.cmpi ne, %convert_element_type3A_267, %cond3A_268 : i32
      scf.if %cond3A_269 {
        %dma_wait3A_298 = arith.constant 1 : i32
        %dma_wait3A_299 = arith.constant 0 : i32
        %dma_wait3A_300 = arith.constant 0 : i32
        %dma_wait3A_301 = tpu.memref_slice %arg8[%dma_wait3A_298, %dma_wait3A_299, %dma_wait3A_300] : memref<5x125x64xf32, #tpu.memory_space<vmem>> -> memref<1x125x64xf32, #tpu.memory_space<vmem>>
        %dma_wait3A_302 = tpu.memref_squeeze %dma_wait3A_301 : memref<1x125x64xf32, #tpu.memory_space<vmem>> -> memref<125x64xf32, #tpu.memory_space<vmem>>
        %dma_wait3A_303 = arith.constant 0 : i32
        %dma_wait3A_304 = tpu.memref_slice %arg7[%add3A_262, %dma_wait3A_303] : memref<160x125xi32, #tpu.memory_space<vmem>> -> memref<1x125xi32, #tpu.memory_space<vmem>>
        %dma_wait3A_305 = tpu.memref_squeeze %dma_wait3A_304 : memref<1x125xi32, #tpu.memory_space<vmem>> -> memref<125xi32, #tpu.memory_space<vmem>>
        %dma_wait3A_306 = arith.constant 0 : i32
        %dma_wait3A_307 = arith.constant 0 : i32
        %dma_wait3A_308 = tpu.memref_slice %arg9[%dma_wait3A_306, %dma_wait3A_307] : memref<10000x64xf32, #tpu.memory_space<vmem_shared>> -> memref<10000x64xf32, #tpu.memory_space<vmem_shared>>
        tpu.wait_indirect_dma semaphore(%arg16 : memref<!tpu.dma_semaphore, #tpu.memory_space<semaphore_mem>>) src(%dma_wait3A_302 : memref<125x64xf32, #tpu.memory_space<vmem>>) dst(%dma_wait3A_308 : memref<10000x64xf32, #tpu.memory_space<vmem_shared>>)
        %dma_start3A_309 = arith.constant 1 : i32
        %dma_start3A_310 = arith.constant 0 : i32
        %dma_start3A_311 = arith.constant 0 : i32
        %dma_start3A_312 = tpu.memref_slice %arg8[%dma_start3A_309, %dma_start3A_310, %dma_start3A_311] : memref<5x125x64xf32, #tpu.memory_space<vmem>> -> memref<1x125x64xf32, #tpu.memory_space<vmem>>
        %dma_start3A_313 = tpu.memref_squeeze %dma_start3A_312 : memref<1x125x64xf32, #tpu.memory_space<vmem>> -> memref<125x64xf32, #tpu.memory_space<vmem>>
        %dma_start3A_314 = arith.constant 0 : i32
        %dma_start3A_315 = tpu.memref_slice %arg6[%add3A_264, %dma_start3A_314] : memref<160x125xi32, #tpu.memory_space<vmem>> -> memref<1x125xi32, #tpu.memory_space<vmem>>
        %dma_start3A_316 = tpu.memref_squeeze %dma_start3A_315 : memref<1x125xi32, #tpu.memory_space<vmem>> -> memref<125xi32, #tpu.memory_space<vmem>>
        %dma_start3A_317 = arith.constant 0 : i32
        %dma_start3A_318 = arith.constant 0 : i32
        %dma_start3A_319 = tpu.memref_slice %arg2[%dma_start3A_317, %dma_start3A_318] : memref<20000x64xf32, #tpu.memory_space<hbm>> -> memref<20000x64xf32, #tpu.memory_space<hbm>>
        tpu.enqueue_indirect_dma source(%dma_start3A_319 : memref<20000x64xf32, #tpu.memory_space<hbm>>) target(%dma_start3A_313 : memref<125x64xf32, #tpu.memory_space<vmem>>) offsets(%dma_start3A_316 : memref<125xi32, #tpu.memory_space<vmem>>) semaphore(%arg11 : memref<!tpu.dma_semaphore, #tpu.memory_space<semaphore_mem>>)
      } else {
      }
      %add3A_270 = arith.constant 2 : i32
      %add3A_271 = arith.addi %mul3A_134, %add3A_270 : i32
      %add3A_272 = arith.constant 5 : i32
      %add3A_273 = arith.addi %add3A_271, %add3A_272 : i32
      %lt3A_274 = arith.constant 160 : i32
      %lt3A_275 = arith.cmpi slt, %add3A_273, %lt3A_274 : i32
      %convert_element_type3A_276 = arith.extui %lt3A_275 : i1 to i32
      %cond3A_277 = arith.constant 0 : i32
      %cond3A_278 = arith.cmpi ne, %convert_element_type3A_276, %cond3A_277 : i32
      scf.if %cond3A_278 {
        %dma_wait3A_298 = arith.constant 2 : i32
        %dma_wait3A_299 = arith.constant 0 : i32
        %dma_wait3A_300 = arith.constant 0 : i32
        %dma_wait3A_301 = tpu.memref_slice %arg8[%dma_wait3A_298, %dma_wait3A_299, %dma_wait3A_300] : memref<5x125x64xf32, #tpu.memory_space<vmem>> -> memref<1x125x64xf32, #tpu.memory_space<vmem>>
        %dma_wait3A_302 = tpu.memref_squeeze %dma_wait3A_301 : memref<1x125x64xf32, #tpu.memory_space<vmem>> -> memref<125x64xf32, #tpu.memory_space<vmem>>
        %dma_wait3A_303 = arith.constant 0 : i32
        %dma_wait3A_304 = tpu.memref_slice %arg7[%add3A_271, %dma_wait3A_303] : memref<160x125xi32, #tpu.memory_space<vmem>> -> memref<1x125xi32, #tpu.memory_space<vmem>>
        %dma_wait3A_305 = tpu.memref_squeeze %dma_wait3A_304 : memref<1x125xi32, #tpu.memory_space<vmem>> -> memref<125xi32, #tpu.memory_space<vmem>>
        %dma_wait3A_306 = arith.constant 0 : i32
        %dma_wait3A_307 = arith.constant 0 : i32
        %dma_wait3A_308 = tpu.memref_slice %arg9[%dma_wait3A_306, %dma_wait3A_307] : memref<10000x64xf32, #tpu.memory_space<vmem_shared>> -> memref<10000x64xf32, #tpu.memory_space<vmem_shared>>
        tpu.wait_indirect_dma semaphore(%arg17 : memref<!tpu.dma_semaphore, #tpu.memory_space<semaphore_mem>>) src(%dma_wait3A_302 : memref<125x64xf32, #tpu.memory_space<vmem>>) dst(%dma_wait3A_308 : memref<10000x64xf32, #tpu.memory_space<vmem_shared>>)
        %dma_start3A_309 = arith.constant 2 : i32
        %dma_start3A_310 = arith.constant 0 : i32
        %dma_start3A_311 = arith.constant 0 : i32
        %dma_start3A_312 = tpu.memref_slice %arg8[%dma_start3A_309, %dma_start3A_310, %dma_start3A_311] : memref<5x125x64xf32, #tpu.memory_space<vmem>> -> memref<1x125x64xf32, #tpu.memory_space<vmem>>
        %dma_start3A_313 = tpu.memref_squeeze %dma_start3A_312 : memref<1x125x64xf32, #tpu.memory_space<vmem>> -> memref<125x64xf32, #tpu.memory_space<vmem>>
        %dma_start3A_314 = arith.constant 0 : i32
        %dma_start3A_315 = tpu.memref_slice %arg6[%add3A_273, %dma_start3A_314] : memref<160x125xi32, #tpu.memory_space<vmem>> -> memref<1x125xi32, #tpu.memory_space<vmem>>
        %dma_start3A_316 = tpu.memref_squeeze %dma_start3A_315 : memref<1x125xi32, #tpu.memory_space<vmem>> -> memref<125xi32, #tpu.memory_space<vmem>>
        %dma_start3A_317 = arith.constant 0 : i32
        %dma_start3A_318 = arith.constant 0 : i32
        %dma_start3A_319 = tpu.memref_slice %arg2[%dma_start3A_317, %dma_start3A_318] : memref<20000x64xf32, #tpu.memory_space<hbm>> -> memref<20000x64xf32, #tpu.memory_space<hbm>>
        tpu.enqueue_indirect_dma source(%dma_start3A_319 : memref<20000x64xf32, #tpu.memory_space<hbm>>) target(%dma_start3A_313 : memref<125x64xf32, #tpu.memory_space<vmem>>) offsets(%dma_start3A_316 : memref<125xi32, #tpu.memory_space<vmem>>) semaphore(%arg12 : memref<!tpu.dma_semaphore, #tpu.memory_space<semaphore_mem>>)
      } else {
      }
      %add3A_279 = arith.constant 3 : i32
      %add3A_280 = arith.addi %mul3A_134, %add3A_279 : i32
      %add3A_281 = arith.constant 5 : i32
      %add3A_282 = arith.addi %add3A_280, %add3A_281 : i32
      %lt3A_283 = arith.constant 160 : i32
      %lt3A_284 = arith.cmpi slt, %add3A_282, %lt3A_283 : i32
      %convert_element_type3A_285 = arith.extui %lt3A_284 : i1 to i32
      %cond3A_286 = arith.constant 0 : i32
      %cond3A_287 = arith.cmpi ne, %convert_element_type3A_285, %cond3A_286 : i32
      scf.if %cond3A_287 {
        %dma_wait3A_298 = arith.constant 3 : i32
        %dma_wait3A_299 = arith.constant 0 : i32
        %dma_wait3A_300 = arith.constant 0 : i32
        %dma_wait3A_301 = tpu.memref_slice %arg8[%dma_wait3A_298, %dma_wait3A_299, %dma_wait3A_300] : memref<5x125x64xf32, #tpu.memory_space<vmem>> -> memref<1x125x64xf32, #tpu.memory_space<vmem>>
        %dma_wait3A_302 = tpu.memref_squeeze %dma_wait3A_301 : memref<1x125x64xf32, #tpu.memory_space<vmem>> -> memref<125x64xf32, #tpu.memory_space<vmem>>
        %dma_wait3A_303 = arith.constant 0 : i32
        %dma_wait3A_304 = tpu.memref_slice %arg7[%add3A_280, %dma_wait3A_303] : memref<160x125xi32, #tpu.memory_space<vmem>> -> memref<1x125xi32, #tpu.memory_space<vmem>>
        %dma_wait3A_305 = tpu.memref_squeeze %dma_wait3A_304 : memref<1x125xi32, #tpu.memory_space<vmem>> -> memref<125xi32, #tpu.memory_space<vmem>>
        %dma_wait3A_306 = arith.constant 0 : i32
        %dma_wait3A_307 = arith.constant 0 : i32
        %dma_wait3A_308 = tpu.memref_slice %arg9[%dma_wait3A_306, %dma_wait3A_307] : memref<10000x64xf32, #tpu.memory_space<vmem_shared>> -> memref<10000x64xf32, #tpu.memory_space<vmem_shared>>
        tpu.wait_indirect_dma semaphore(%arg18 : memref<!tpu.dma_semaphore, #tpu.memory_space<semaphore_mem>>) src(%dma_wait3A_302 : memref<125x64xf32, #tpu.memory_space<vmem>>) dst(%dma_wait3A_308 : memref<10000x64xf32, #tpu.memory_space<vmem_shared>>)
        %dma_start3A_309 = arith.constant 3 : i32
        %dma_start3A_310 = arith.constant 0 : i32
        %dma_start3A_311 = arith.constant 0 : i32
        %dma_start3A_312 = tpu.memref_slice %arg8[%dma_start3A_309, %dma_start3A_310, %dma_start3A_311] : memref<5x125x64xf32, #tpu.memory_space<vmem>> -> memref<1x125x64xf32, #tpu.memory_space<vmem>>
        %dma_start3A_313 = tpu.memref_squeeze %dma_start3A_312 : memref<1x125x64xf32, #tpu.memory_space<vmem>> -> memref<125x64xf32, #tpu.memory_space<vmem>>
        %dma_start3A_314 = arith.constant 0 : i32
        %dma_start3A_315 = tpu.memref_slice %arg6[%add3A_282, %dma_start3A_314] : memref<160x125xi32, #tpu.memory_space<vmem>> -> memref<1x125xi32, #tpu.memory_space<vmem>>
        %dma_start3A_316 = tpu.memref_squeeze %dma_start3A_315 : memref<1x125xi32, #tpu.memory_space<vmem>> -> memref<125xi32, #tpu.memory_space<vmem>>
        %dma_start3A_317 = arith.constant 0 : i32
        %dma_start3A_318 = arith.constant 0 : i32
        %dma_start3A_319 = tpu.memref_slice %arg2[%dma_start3A_317, %dma_start3A_318] : memref<20000x64xf32, #tpu.memory_space<hbm>> -> memref<20000x64xf32, #tpu.memory_space<hbm>>
        tpu.enqueue_indirect_dma source(%dma_start3A_319 : memref<20000x64xf32, #tpu.memory_space<hbm>>) target(%dma_start3A_313 : memref<125x64xf32, #tpu.memory_space<vmem>>) offsets(%dma_start3A_316 : memref<125xi32, #tpu.memory_space<vmem>>) semaphore(%arg13 : memref<!tpu.dma_semaphore, #tpu.memory_space<semaphore_mem>>)
      } else {
      }
      %add3A_288 = arith.constant 4 : i32
      %add3A_289 = arith.addi %mul3A_134, %add3A_288 : i32
      %add3A_290 = arith.constant 5 : i32
      %add3A_291 = arith.addi %add3A_289, %add3A_290 : i32
      %lt3A_292 = arith.constant 160 : i32
      %lt3A_293 = arith.cmpi slt, %add3A_291, %lt3A_292 : i32
      %convert_element_type3A_294 = arith.extui %lt3A_293 : i1 to i32
      %cond3A_295 = arith.constant 0 : i32
      %cond3A_296 = arith.cmpi ne, %convert_element_type3A_294, %cond3A_295 : i32
      scf.if %cond3A_296 {
        %dma_wait3A_298 = arith.constant 4 : i32
        %dma_wait3A_299 = arith.constant 0 : i32
        %dma_wait3A_300 = arith.constant 0 : i32
        %dma_wait3A_301 = tpu.memref_slice %arg8[%dma_wait3A_298, %dma_wait3A_299, %dma_wait3A_300] : memref<5x125x64xf32, #tpu.memory_space<vmem>> -> memref<1x125x64xf32, #tpu.memory_space<vmem>>
        %dma_wait3A_302 = tpu.memref_squeeze %dma_wait3A_301 : memref<1x125x64xf32, #tpu.memory_space<vmem>> -> memref<125x64xf32, #tpu.memory_space<vmem>>
        %dma_wait3A_303 = arith.constant 0 : i32
        %dma_wait3A_304 = tpu.memref_slice %arg7[%add3A_289, %dma_wait3A_303] : memref<160x125xi32, #tpu.memory_space<vmem>> -> memref<1x125xi32, #tpu.memory_space<vmem>>
        %dma_wait3A_305 = tpu.memref_squeeze %dma_wait3A_304 : memref<1x125xi32, #tpu.memory_space<vmem>> -> memref<125xi32, #tpu.memory_space<vmem>>
        %dma_wait3A_306 = arith.constant 0 : i32
        %dma_wait3A_307 = arith.constant 0 : i32
        %dma_wait3A_308 = tpu.memref_slice %arg9[%dma_wait3A_306, %dma_wait3A_307] : memref<10000x64xf32, #tpu.memory_space<vmem_shared>> -> memref<10000x64xf32, #tpu.memory_space<vmem_shared>>
        tpu.wait_indirect_dma semaphore(%arg19 : memref<!tpu.dma_semaphore, #tpu.memory_space<semaphore_mem>>) src(%dma_wait3A_302 : memref<125x64xf32, #tpu.memory_space<vmem>>) dst(%dma_wait3A_308 : memref<10000x64xf32, #tpu.memory_space<vmem_shared>>)
        %dma_start3A_309 = arith.constant 4 : i32
        %dma_start3A_310 = arith.constant 0 : i32
        %dma_start3A_311 = arith.constant 0 : i32
        %dma_start3A_312 = tpu.memref_slice %arg8[%dma_start3A_309, %dma_start3A_310, %dma_start3A_311] : memref<5x125x64xf32, #tpu.memory_space<vmem>> -> memref<1x125x64xf32, #tpu.memory_space<vmem>>
        %dma_start3A_313 = tpu.memref_squeeze %dma_start3A_312 : memref<1x125x64xf32, #tpu.memory_space<vmem>> -> memref<125x64xf32, #tpu.memory_space<vmem>>
        %dma_start3A_314 = arith.constant 0 : i32
        %dma_start3A_315 = tpu.memref_slice %arg6[%add3A_291, %dma_start3A_314] : memref<160x125xi32, #tpu.memory_space<vmem>> -> memref<1x125xi32, #tpu.memory_space<vmem>>
        %dma_start3A_316 = tpu.memref_squeeze %dma_start3A_315 : memref<1x125xi32, #tpu.memory_space<vmem>> -> memref<125xi32, #tpu.memory_space<vmem>>
        %dma_start3A_317 = arith.constant 0 : i32
        %dma_start3A_318 = arith.constant 0 : i32
        %dma_start3A_319 = tpu.memref_slice %arg2[%dma_start3A_317, %dma_start3A_318] : memref<20000x64xf32, #tpu.memory_space<hbm>> -> memref<20000x64xf32, #tpu.memory_space<hbm>>
        tpu.enqueue_indirect_dma source(%dma_start3A_319 : memref<20000x64xf32, #tpu.memory_space<hbm>>) target(%dma_start3A_313 : memref<125x64xf32, #tpu.memory_space<vmem>>) offsets(%dma_start3A_316 : memref<125xi32, #tpu.memory_space<vmem>>) semaphore(%arg14 : memref<!tpu.dma_semaphore, #tpu.memory_space<semaphore_mem>>)
      } else {
      }
      %scan3A_297 = arith.constant 0 : i32
      scf.yield %scan3A_297 : i32
    }
    %scan3A_67 = arith.constant 32 : i32
    %dma_wait3A = arith.constant 0 : i32
    %dma_wait3A_68 = arith.constant 0 : i32
    %dma_wait3A_69 = arith.constant 0 : i32
    %dma_wait3A_70 = arith.constant 0 : i32
    %dma_wait3A_71 = tpu.memref_slice %arg8[%dma_wait3A, %dma_wait3A_69, %dma_wait3A_70] : memref<5x125x64xf32, #tpu.memory_space<vmem>> -> memref<1x125x64xf32, #tpu.memory_space<vmem>>
    %dma_wait3A_72 = tpu.memref_squeeze %dma_wait3A_71 : memref<1x125x64xf32, #tpu.memory_space<vmem>> -> memref<125x64xf32, #tpu.memory_space<vmem>>
    %dma_wait3A_73 = arith.constant 0 : i32
    %dma_wait3A_74 = tpu.memref_slice %arg7[%dma_wait3A_68, %dma_wait3A_73] : memref<160x125xi32, #tpu.memory_space<vmem>> -> memref<1x125xi32, #tpu.memory_space<vmem>>
    %dma_wait3A_75 = tpu.memref_squeeze %dma_wait3A_74 : memref<1x125xi32, #tpu.memory_space<vmem>> -> memref<125xi32, #tpu.memory_space<vmem>>
    %dma_wait3A_76 = arith.constant 0 : i32
    %dma_wait3A_77 = arith.constant 0 : i32
    %dma_wait3A_78 = tpu.memref_slice %arg9[%dma_wait3A_76, %dma_wait3A_77] : memref<10000x64xf32, #tpu.memory_space<vmem_shared>> -> memref<10000x64xf32, #tpu.memory_space<vmem_shared>>
    tpu.wait_indirect_dma semaphore(%arg15 : memref<!tpu.dma_semaphore, #tpu.memory_space<semaphore_mem>>) src(%dma_wait3A_72 : memref<125x64xf32, #tpu.memory_space<vmem>>) dst(%dma_wait3A_78 : memref<10000x64xf32, #tpu.memory_space<vmem_shared>>)
    %dma_wait3A_79 = arith.constant 1 : i32
    %dma_wait3A_80 = arith.constant 0 : i32
    %dma_wait3A_81 = arith.constant 0 : i32
    %dma_wait3A_82 = arith.constant 0 : i32
    %dma_wait3A_83 = tpu.memref_slice %arg8[%dma_wait3A_79, %dma_wait3A_81, %dma_wait3A_82] : memref<5x125x64xf32, #tpu.memory_space<vmem>> -> memref<1x125x64xf32, #tpu.memory_space<vmem>>
    %dma_wait3A_84 = tpu.memref_squeeze %dma_wait3A_83 : memref<1x125x64xf32, #tpu.memory_space<vmem>> -> memref<125x64xf32, #tpu.memory_space<vmem>>
    %dma_wait3A_85 = arith.constant 0 : i32
    %dma_wait3A_86 = tpu.memref_slice %arg7[%dma_wait3A_80, %dma_wait3A_85] : memref<160x125xi32, #tpu.memory_space<vmem>> -> memref<1x125xi32, #tpu.memory_space<vmem>>
    %dma_wait3A_87 = tpu.memref_squeeze %dma_wait3A_86 : memref<1x125xi32, #tpu.memory_space<vmem>> -> memref<125xi32, #tpu.memory_space<vmem>>
    %dma_wait3A_88 = arith.constant 0 : i32
    %dma_wait3A_89 = arith.constant 0 : i32
    %dma_wait3A_90 = tpu.memref_slice %arg9[%dma_wait3A_88, %dma_wait3A_89] : memref<10000x64xf32, #tpu.memory_space<vmem_shared>> -> memref<10000x64xf32, #tpu.memory_space<vmem_shared>>
    tpu.wait_indirect_dma semaphore(%arg16 : memref<!tpu.dma_semaphore, #tpu.memory_space<semaphore_mem>>) src(%dma_wait3A_84 : memref<125x64xf32, #tpu.memory_space<vmem>>) dst(%dma_wait3A_90 : memref<10000x64xf32, #tpu.memory_space<vmem_shared>>)
    %dma_wait3A_91 = arith.constant 2 : i32
    %dma_wait3A_92 = arith.constant 0 : i32
    %dma_wait3A_93 = arith.constant 0 : i32
    %dma_wait3A_94 = arith.constant 0 : i32
    %dma_wait3A_95 = tpu.memref_slice %arg8[%dma_wait3A_91, %dma_wait3A_93, %dma_wait3A_94] : memref<5x125x64xf32, #tpu.memory_space<vmem>> -> memref<1x125x64xf32, #tpu.memory_space<vmem>>
    %dma_wait3A_96 = tpu.memref_squeeze %dma_wait3A_95 : memref<1x125x64xf32, #tpu.memory_space<vmem>> -> memref<125x64xf32, #tpu.memory_space<vmem>>
    %dma_wait3A_97 = arith.constant 0 : i32
    %dma_wait3A_98 = tpu.memref_slice %arg7[%dma_wait3A_92, %dma_wait3A_97] : memref<160x125xi32, #tpu.memory_space<vmem>> -> memref<1x125xi32, #tpu.memory_space<vmem>>
    %dma_wait3A_99 = tpu.memref_squeeze %dma_wait3A_98 : memref<1x125xi32, #tpu.memory_space<vmem>> -> memref<125xi32, #tpu.memory_space<vmem>>
    %dma_wait3A_100 = arith.constant 0 : i32
    %dma_wait3A_101 = arith.constant 0 : i32
    %dma_wait3A_102 = tpu.memref_slice %arg9[%dma_wait3A_100, %dma_wait3A_101] : memref<10000x64xf32, #tpu.memory_space<vmem_shared>> -> memref<10000x64xf32, #tpu.memory_space<vmem_shared>>
    tpu.wait_indirect_dma semaphore(%arg17 : memref<!tpu.dma_semaphore, #tpu.memory_space<semaphore_mem>>) src(%dma_wait3A_96 : memref<125x64xf32, #tpu.memory_space<vmem>>) dst(%dma_wait3A_102 : memref<10000x64xf32, #tpu.memory_space<vmem_shared>>)
    %dma_wait3A_103 = arith.constant 3 : i32
    %dma_wait3A_104 = arith.constant 0 : i32
    %dma_wait3A_105 = arith.constant 0 : i32
    %dma_wait3A_106 = arith.constant 0 : i32
    %dma_wait3A_107 = tpu.memref_slice %arg8[%dma_wait3A_103, %dma_wait3A_105, %dma_wait3A_106] : memref<5x125x64xf32, #tpu.memory_space<vmem>> -> memref<1x125x64xf32, #tpu.memory_space<vmem>>
    %dma_wait3A_108 = tpu.memref_squeeze %dma_wait3A_107 : memref<1x125x64xf32, #tpu.memory_space<vmem>> -> memref<125x64xf32, #tpu.memory_space<vmem>>
    %dma_wait3A_109 = arith.constant 0 : i32
    %dma_wait3A_110 = tpu.memref_slice %arg7[%dma_wait3A_104, %dma_wait3A_109] : memref<160x125xi32, #tpu.memory_space<vmem>> -> memref<1x125xi32, #tpu.memory_space<vmem>>
    %dma_wait3A_111 = tpu.memref_squeeze %dma_wait3A_110 : memref<1x125xi32, #tpu.memory_space<vmem>> -> memref<125xi32, #tpu.memory_space<vmem>>
    %dma_wait3A_112 = arith.constant 0 : i32
    %dma_wait3A_113 = arith.constant 0 : i32
    %dma_wait3A_114 = tpu.memref_slice %arg9[%dma_wait3A_112, %dma_wait3A_113] : memref<10000x64xf32, #tpu.memory_space<vmem_shared>> -> memref<10000x64xf32, #tpu.memory_space<vmem_shared>>
    tpu.wait_indirect_dma semaphore(%arg18 : memref<!tpu.dma_semaphore, #tpu.memory_space<semaphore_mem>>) src(%dma_wait3A_108 : memref<125x64xf32, #tpu.memory_space<vmem>>) dst(%dma_wait3A_114 : memref<10000x64xf32, #tpu.memory_space<vmem_shared>>)
    %dma_wait3A_115 = arith.constant 4 : i32
    %dma_wait3A_116 = arith.constant 0 : i32
    %dma_wait3A_117 = arith.constant 0 : i32
    %dma_wait3A_118 = arith.constant 0 : i32
    %dma_wait3A_119 = tpu.memref_slice %arg8[%dma_wait3A_115, %dma_wait3A_117, %dma_wait3A_118] : memref<5x125x64xf32, #tpu.memory_space<vmem>> -> memref<1x125x64xf32, #tpu.memory_space<vmem>>
    %dma_wait3A_120 = tpu.memref_squeeze %dma_wait3A_119 : memref<1x125x64xf32, #tpu.memory_space<vmem>> -> memref<125x64xf32, #tpu.memory_space<vmem>>
    %dma_wait3A_121 = arith.constant 0 : i32
    %dma_wait3A_122 = tpu.memref_slice %arg7[%dma_wait3A_116, %dma_wait3A_121] : memref<160x125xi32, #tpu.memory_space<vmem>> -> memref<1x125xi32, #tpu.memory_space<vmem>>
    %dma_wait3A_123 = tpu.memref_squeeze %dma_wait3A_122 : memref<1x125xi32, #tpu.memory_space<vmem>> -> memref<125xi32, #tpu.memory_space<vmem>>
    %dma_wait3A_124 = arith.constant 0 : i32
    %dma_wait3A_125 = arith.constant 0 : i32
    %dma_wait3A_126 = tpu.memref_slice %arg9[%dma_wait3A_124, %dma_wait3A_125] : memref<10000x64xf32, #tpu.memory_space<vmem_shared>> -> memref<10000x64xf32, #tpu.memory_space<vmem_shared>>
    tpu.wait_indirect_dma semaphore(%arg19 : memref<!tpu.dma_semaphore, #tpu.memory_space<semaphore_mem>>) src(%dma_wait3A_120 : memref<125x64xf32, #tpu.memory_space<vmem>>) dst(%dma_wait3A_126 : memref<10000x64xf32, #tpu.memory_space<vmem_shared>>)
    %barrier3A_127 = arith.constant 0 : index
    tpu.barrier barrier_id(%barrier3A_127)
    %mul3A_128 = arith.constant 10000 : i32
    %mul3A_129 = arith.muli %arg0, %mul3A_128 : i32
    %add3A_130 = arith.addi %mul3A_129, %mul3A_0 : i32
    "tpu.region"() ({
      %run_scoped3A = tpu.sem_alloc : memref<!tpu.dma_semaphore, #tpu.memory_space<semaphore_mem>>
      %dma_start3A_131 = arith.constant 0 : i32
      %dma_start3A_132 = tpu.memref_slice %arg5[%add3A_130, %dma_start3A_131] : memref<20000x64xf32, #tpu.memory_space<hbm>> -> memref<625x64xf32, #tpu.memory_space<hbm>>
      %dma_start3A_133 = arith.constant 0 : i32
      %dma_start3A_134 = tpu.memref_slice %arg9[%mul3A_0, %dma_start3A_133] : memref<10000x64xf32, #tpu.memory_space<vmem_shared>> -> memref<625x64xf32, #tpu.memory_space<vmem_shared>>
      tpu.enqueue_dma source(%dma_start3A_134 : memref<625x64xf32, #tpu.memory_space<vmem_shared>>) target(%dma_start3A_132 : memref<625x64xf32, #tpu.memory_space<hbm>>) target_semaphore(%run_scoped3A : memref<!tpu.dma_semaphore, #tpu.memory_space<semaphore_mem>>)
      %dma_wait3A_135 = arith.constant 0 : i32
      %dma_wait3A_136 = tpu.memref_slice %arg5[%add3A_130, %dma_wait3A_135] : memref<20000x64xf32, #tpu.memory_space<hbm>> -> memref<625x64xf32, #tpu.memory_space<hbm>>
      %dma_wait3A_137 = arith.constant 0 : i32
      %dma_wait3A_138 = tpu.memref_slice %arg9[%mul3A_0, %dma_wait3A_137] : memref<10000x64xf32, #tpu.memory_space<vmem_shared>> -> memref<625x64xf32, #tpu.memory_space<vmem_shared>>
      tpu.wait_dma2 semaphore(%run_scoped3A : memref<!tpu.dma_semaphore, #tpu.memory_space<semaphore_mem>>) src(%dma_wait3A_138 : memref<625x64xf32, #tpu.memory_space<vmem_shared>>) dst(%dma_wait3A_136 : memref<625x64xf32, #tpu.memory_space<hbm>>)
      tpu.yield
    }) : () -> ()
    return
  }
}

module attributes {stable_mosaic.version = 14 : i64} {
  func.func @_tc1_body(%arg0: i32, %arg1: i32, %arg2: memref<1x1000x128xf32, #tpu.memory_space<vmem>>, %arg3: memref<1x128x64xf32, #tpu.memory_space<vmem>>, %arg4: memref<1x32x1000xf32, #tpu.memory_space<vmem>>, %arg5: memref<1000x64xf32, #tpu.memory_space<vmem>>, %arg6: memref<1x1x1000xf32, #tpu.memory_space<vmem>>) attributes {dimension_semantics = [#tpu.dimension_semantics<arbitrary>, #tpu.dimension_semantics<arbitrary>], iteration_bounds = array<i64: 10, 2>, scalar_prefetch = 0 : i64, scratch_operands = 0 : i64, tpu.core_type = #tpu.core_type<tc>, window_params = [{transform_indices = @transform_0, window_bounds = array<i64: 1, 1000, 128>}, {transform_indices = @transform_1, window_bounds = array<i64: 1, 128, 64>}, {transform_indices = @transform_2, window_bounds = array<i64: 1, 32, 1000>}, {transform_indices = @transform_3, window_bounds = array<i64: 1000, 64>}, {transform_indices = @transform_4, window_bounds = array<i64: 1, 1, 1000>}]} {
    %get3A = arith.constant 0 : index
    %get3A_0 = arith.constant 0 : index
    %get3A_1 = arith.constant 0 : index
    %get3A_2 = vector.load %arg4[%get3A, %get3A_0, %get3A_1] : memref<1x32x1000xf32, #tpu.memory_space<vmem>>, vector<1x32x1000xf32>
    %get3A_3 = vector.shape_cast %get3A_2 : vector<1x32x1000xf32> to vector<32x1000xf32>
    %reduce_sum3A = arith.constant dense<0.000000e+00> : vector<1000xf32>
    %reduce_sum3A_4 = vector.multi_reduction <add>, %get3A_3, %reduce_sum3A [0] : vector<32x1000xf32> to vector<1000xf32>
    %add3A = arith.constant 1.000000e+00 : f32
    %add3A_5 = vector.broadcast %add3A : f32 to vector<1000xf32>
    %add3A_6 = arith.addf %reduce_sum3A_4, %add3A_5 : vector<1000xf32>
    %rsqrt3A = math.rsqrt %add3A_6 : vector<1000xf32>
    %get3A_7 = arith.constant 0 : index
    %get3A_8 = arith.constant 0 : index
    %get3A_9 = arith.constant 0 : index
    %get3A_10 = vector.load %arg2[%get3A_7, %get3A_8, %get3A_9] : memref<1x1000x128xf32, #tpu.memory_space<vmem>>, vector<1x1000x128xf32>
    %get3A_11 = vector.shape_cast %get3A_10 : vector<1x1000x128xf32> to vector<1000x128xf32>
    %get3A_12 = arith.constant 0 : index
    %get3A_13 = arith.constant 0 : index
    %get3A_14 = arith.constant 0 : index
    %get3A_15 = vector.load %arg3[%get3A_12, %get3A_13, %get3A_14] : memref<1x128x64xf32, #tpu.memory_space<vmem>>, vector<1x128x64xf32>
    %get3A_16 = vector.shape_cast %get3A_15 : vector<1x128x64xf32> to vector<128x64xf32>
    %dot_general3A = arith.constant dense<0.000000e+00> : vector<1000x64xf32>
    %dot_general3A_17 = tpu.matmul %get3A_11, %get3A_16, %dot_general3A {dimension_numbers = #tpu.dot_dimension_numbers<[1], [0], [0], [1], [0, 0, 1, 1], [], []>, transpose_lhs_hint = false} : vector<1000x128xf32>, vector<128x64xf32>, vector<1000x64xf32> -> vector<1000x64xf32>
    %broadcast_in_dim3A = vector.shape_cast %rsqrt3A : vector<1000xf32> to vector<1000x1xf32>
    %mul3A = vector.broadcast %broadcast_in_dim3A : vector<1000x1xf32> to vector<1000x64xf32>
    %mul3A_18 = arith.mulf %dot_general3A_17, %mul3A : vector<1000x64xf32>
    %swap3A = arith.constant 0 : index
    %swap3A_19 = arith.constant 0 : index
    %swap3A_20 = vector.load %arg5[%swap3A, %swap3A_19] : memref<1000x64xf32, #tpu.memory_space<vmem>>, vector<1000x64xf32>
    tpu.vector_store %arg5[%swap3A, %swap3A_19], %mul3A_18 {strides = array<i32>} : memref<1000x64xf32, #tpu.memory_space<vmem>>, vector<1000x64xf32>,
    %swap3A_21 = arith.constant 0 : index
    %swap3A_22 = arith.constant 0 : index
    %swap3A_23 = arith.constant 0 : index
    %swap3A_24 = vector.load %arg6[%swap3A_21, %swap3A_22, %swap3A_23] : memref<1x1x1000xf32, #tpu.memory_space<vmem>>, vector<1x1x1000xf32>
    %swap3A_25 = vector.shape_cast %swap3A_24 : vector<1x1x1000xf32> to vector<1000xf32>
    %swap3A_26 = vector.shape_cast %rsqrt3A : vector<1000xf32> to vector<1x1x1000xf32>
    tpu.vector_store %arg6[%swap3A_21, %swap3A_22, %swap3A_23], %swap3A_26 {strides = array<i32>} : memref<1x1x1000xf32, #tpu.memory_space<vmem>>, vector<1x1x1000xf32>,
    return
  }
  func.func @transform_0(%arg0: i32, %arg1: i32) -> (i32, i32, i32) {
    %c0_i32 = arith.constant 0 : i32
    %c0_i32_0 = arith.constant 0 : i32
    %c0_i32_1 = arith.constant 0 : i32
    return %arg0, %c0_i32, %c0_i32_0 : i32, i32, i32
  }
  func.func @transform_1(%arg0: i32, %arg1: i32) -> (i32, i32, i32) {
    %c0_i32 = arith.constant 0 : i32
    %c0_i32_0 = arith.constant 0 : i32
    %c0_i32_1 = arith.constant 0 : i32
    return %arg1, %c0_i32, %c0_i32_0 : i32, i32, i32
  }
  func.func @transform_2(%arg0: i32, %arg1: i32) -> (i32, i32, i32) {
    %c0_i32 = arith.constant 0 : i32
    %c0_i32_0 = arith.constant 0 : i32
    %c0_i32_1 = arith.constant 0 : i32
    return %arg0, %c0_i32, %c0_i32_0 : i32, i32, i32
  }
  func.func @transform_3(%arg0: i32, %arg1: i32) -> (i32, i32) {
    %mul3A = arith.constant 10 : i32
    %mul3A_0 = arith.muli %arg1, %mul3A : i32
    %add3A = arith.addi %mul3A_0, %arg0 : i32
    %c0_i32 = arith.constant 0 : i32
    %c0_i32_1 = arith.constant 0 : i32
    return %add3A, %c0_i32 : i32, i32
  }
  func.func @transform_4(%arg0: i32, %arg1: i32) -> (i32, i32, i32) {
    %c0_i32 = arith.constant 0 : i32
    %c0_i32_0 = arith.constant 0 : i32
    %c0_i32_1 = arith.constant 0 : i32
    return %arg0, %c0_i32, %c0_i32_0 : i32, i32, i32
  }
}

module attributes {stable_mosaic.version = 14 : i64} {
  func.func @_tc2_body(%arg0: i32, %arg1: memref<1000x64xf32, #tpu.memory_space<vmem>>, %arg2: memref<1000x64xf32, #tpu.memory_space<vmem>>, %arg3: memref<1x1x1000xf32, #tpu.memory_space<vmem>>, %arg4: memref<128xf32, #tpu.memory_space<vmem>>, %arg5: memref<128x128xf32, #tpu.memory_space<vmem>>, %arg6: memref<128x1xf32, #tpu.memory_space<vmem>>, %arg7: memref<128xf32, #tpu.memory_space<vmem>>, %arg8: memref<1xf32, #tpu.memory_space<vmem>>, %arg9: memref<1x1x1000xf32, #tpu.memory_space<vmem>>, %arg10: memref<128xf32, #tpu.memory_space<vmem>>) attributes {dimension_semantics = [#tpu.dimension_semantics<arbitrary>], iteration_bounds = array<i64: 10>, scalar_prefetch = 0 : i64, scratch_operands = 0 : i64, tpu.core_type = #tpu.core_type<tc>, window_params = [{transform_indices = @transform_0, window_bounds = array<i64: 1000, 64>}, {transform_indices = @transform_1, window_bounds = array<i64: 1000, 64>}, {transform_indices = @transform_2, window_bounds = array<i64: 1, 1, 1000>}, {pipeline_mode = #tpu.pipeline_mode<synchronous>, transform_indices = @transform_3, window_bounds = array<i64: 128>}, {pipeline_mode = #tpu.pipeline_mode<synchronous>, transform_indices = @transform_4, window_bounds = array<i64: 128, 128>}, {pipeline_mode = #tpu.pipeline_mode<synchronous>, transform_indices = @transform_5, window_bounds = array<i64: 128, 1>}, {pipeline_mode = #tpu.pipeline_mode<synchronous>, transform_indices = @transform_6, window_bounds = array<i64: 128>}, {pipeline_mode = #tpu.pipeline_mode<synchronous>, transform_indices = @transform_7, window_bounds = array<i64: 1>}, {transform_indices = @transform_8, window_bounds = array<i64: 1, 1, 1000>}, {pipeline_mode = #tpu.pipeline_mode<synchronous>, transform_indices = @transform_9, window_bounds = array<i64: 128>}]} {
    %get3A = arith.constant 0 : index
    %get3A_0 = arith.constant 0 : index
    %get3A_1 = arith.constant 0 : index
    %get3A_2 = vector.load %arg3[%get3A, %get3A_0, %get3A_1] : memref<1x1x1000xf32, #tpu.memory_space<vmem>>, vector<1x1x1000xf32>
    %get3A_3 = vector.shape_cast %get3A_2 : vector<1x1x1000xf32> to vector<1000xf32>
    %get3A_4 = arith.constant 0 : index
    %get3A_5 = vector.load %arg4[%get3A_4] : memref<128xf32, #tpu.memory_space<vmem>>, vector<128xf32>
    %get3A_6 = arith.constant 0 : index
    %get3A_7 = arith.constant 0 : index
    %get3A_8 = vector.load %arg1[%get3A_6, %get3A_7] : memref<1000x64xf32, #tpu.memory_space<vmem>>, vector<1000x64xf32>
    %broadcast_in_dim3A = vector.shape_cast %get3A_3 : vector<1000xf32> to vector<1000x1xf32>
    %mul3A = vector.broadcast %broadcast_in_dim3A : vector<1000x1xf32> to vector<1000x64xf32>
    %mul3A_9 = arith.mulf %get3A_8, %mul3A : vector<1000x64xf32>
    %slice3A = vector.extract_strided_slice %get3A_5 {offsets = [0], sizes = [64], strides = [1]} : vector<128xf32> to vector<64xf32>
    %broadcast_in_dim3A_10 = vector.shape_cast %slice3A : vector<64xf32> to vector<1x64xf32>
    %add3A = vector.broadcast %broadcast_in_dim3A_10 : vector<1x64xf32> to vector<1000x64xf32>
    %add3A_11 = arith.addf %mul3A_9, %add3A : vector<1000x64xf32>
    %max3A = arith.constant 0.000000e+00 : f32
    %max3A_12 = vector.broadcast %max3A : f32 to vector<1000x64xf32>
    %max3A_13 = arith.maximumf %add3A_11, %max3A_12 : vector<1000x64xf32>
    %get3A_14 = arith.constant 0 : index
    %get3A_15 = arith.constant 0 : index
    %get3A_16 = vector.load %arg2[%get3A_14, %get3A_15] : memref<1000x64xf32, #tpu.memory_space<vmem>>, vector<1000x64xf32>
    %broadcast_in_dim3A_17 = vector.shape_cast %get3A_3 : vector<1000xf32> to vector<1000x1xf32>
    %mul3A_18 = vector.broadcast %broadcast_in_dim3A_17 : vector<1000x1xf32> to vector<1000x64xf32>
    %mul3A_19 = arith.mulf %get3A_16, %mul3A_18 : vector<1000x64xf32>
    %slice3A_20 = vector.extract_strided_slice %get3A_5 {offsets = [64], sizes = [64], strides = [1]} : vector<128xf32> to vector<64xf32>
    %broadcast_in_dim3A_21 = vector.shape_cast %slice3A_20 : vector<64xf32> to vector<1x64xf32>
    %add3A_22 = vector.broadcast %broadcast_in_dim3A_21 : vector<1x64xf32> to vector<1000x64xf32>
    %add3A_23 = arith.addf %mul3A_19, %add3A_22 : vector<1000x64xf32>
    %max3A_24 = arith.constant 0.000000e+00 : f32
    %max3A_25 = vector.broadcast %max3A_24 : f32 to vector<1000x64xf32>
    %max3A_26 = arith.maximumf %add3A_23, %max3A_25 : vector<1000x64xf32>
    %get3A_27 = arith.constant 0 : index
    %get3A_28 = arith.constant 0 : index
    %get3A_29 = vector.load %arg6[%get3A_27, %get3A_28] : memref<128x1xf32, #tpu.memory_space<vmem>>, vector<128x1xf32>
    %squeeze3A = vector.shape_cast %get3A_29 : vector<128x1xf32> to vector<128xf32>
    %get3A_30 = arith.constant 0 : index
    %get3A_31 = arith.constant 0 : index
    %get3A_32 = vector.load %arg5[%get3A_30, %get3A_31] : memref<128x128xf32, #tpu.memory_space<vmem>>, vector<128x128xf32>
    %broadcast_in_dim3A_33 = vector.shape_cast %squeeze3A : vector<128xf32> to vector<1x128xf32>
    %mul3A_34 = vector.broadcast %broadcast_in_dim3A_33 : vector<1x128xf32> to vector<128x128xf32>
    %mul3A_35 = arith.mulf %get3A_32, %mul3A_34 : vector<128x128xf32>
    %reduce_sum3A = arith.constant dense<0.000000e+00> : vector<128xf32>
    %reduce_sum3A_36 = vector.multi_reduction <add>, %mul3A_35, %reduce_sum3A [1] : vector<128x128xf32> to vector<128xf32>
    %slice3A_37 = vector.extract_strided_slice %reduce_sum3A_36 {offsets = [0], sizes = [64], strides = [1]} : vector<128xf32> to vector<64xf32>
    %broadcast_in_dim3A_38 = vector.shape_cast %slice3A_37 : vector<64xf32> to vector<1x64xf32>
    %mul3A_39 = vector.broadcast %broadcast_in_dim3A_38 : vector<1x64xf32> to vector<1000x64xf32>
    %mul3A_40 = arith.mulf %max3A_13, %mul3A_39 : vector<1000x64xf32>
    %reduce_sum3A_41 = arith.constant dense<0.000000e+00> : vector<1000xf32>
    %reduce_sum3A_42 = vector.multi_reduction <add>, %mul3A_40, %reduce_sum3A_41 [1] : vector<1000x64xf32> to vector<1000xf32>
    %slice3A_43 = vector.extract_strided_slice %reduce_sum3A_36 {offsets = [64], sizes = [64], strides = [1]} : vector<128xf32> to vector<64xf32>
    %broadcast_in_dim3A_44 = vector.shape_cast %slice3A_43 : vector<64xf32> to vector<1x64xf32>
    %mul3A_45 = vector.broadcast %broadcast_in_dim3A_44 : vector<1x64xf32> to vector<1000x64xf32>
    %mul3A_46 = arith.mulf %max3A_26, %mul3A_45 : vector<1000x64xf32>
    %reduce_sum3A_47 = arith.constant dense<0.000000e+00> : vector<1000xf32>
    %reduce_sum3A_48 = vector.multi_reduction <add>, %mul3A_46, %reduce_sum3A_47 [1] : vector<1000x64xf32> to vector<1000xf32>
    %add3A_49 = arith.addf %reduce_sum3A_42, %reduce_sum3A_48 : vector<1000xf32>
    %mul3A_50 = arith.mulf %add3A_49, %get3A_3 : vector<1000xf32>
    %swap3A = arith.constant 0 : index
    %swap3A_51 = arith.constant 0 : index
    %swap3A_52 = arith.constant 0 : index
    %swap3A_53 = vector.load %arg9[%swap3A, %swap3A_51, %swap3A_52] : memref<1x1x1000xf32, #tpu.memory_space<vmem>>, vector<1x1x1000xf32>
    %swap3A_54 = vector.shape_cast %swap3A_53 : vector<1x1x1000xf32> to vector<1000xf32>
    %swap3A_55 = vector.shape_cast %mul3A_50 : vector<1000xf32> to vector<1x1x1000xf32>
    tpu.vector_store %arg9[%swap3A, %swap3A_51, %swap3A_52], %swap3A_55 {strides = array<i32>} : memref<1x1x1000xf32, #tpu.memory_space<vmem>>, vector<1x1x1000xf32>,
    %get3A_56 = arith.constant 0 : index
    %get3A_57 = vector.load %arg7[%get3A_56] : memref<128xf32, #tpu.memory_space<vmem>>, vector<128xf32>
    %mul3A_58 = arith.mulf %get3A_57, %squeeze3A : vector<128xf32>
    %reduce_sum3A_59 = vector.shape_cast %mul3A_58 : vector<128xf32> to vector<1x128xf32>
    %reduce_sum3A_60 = arith.constant dense<0.000000e+00> : vector<1xf32>
    %reduce_sum3A_61 = vector.multi_reduction <add>, %reduce_sum3A_59, %reduce_sum3A_60 [1] : vector<1x128xf32> to vector<1xf32>
    %reduce_sum3A_62 = vector.shape_cast %reduce_sum3A_61 : vector<1xf32> to vector<1x1xf32>
    %reduce_sum3A_63 = vector.extract %reduce_sum3A_62[0, 0] : f32 from vector<1x1xf32>
    %get3A_64 = arith.constant 0 : index
    %get3A_65 = vector.load %arg8[%get3A_64] : memref<1xf32, #tpu.memory_space<vmem>>, vector<1xf32>
    %get3A_66 = vector.extract %get3A_65[0] : f32 from vector<1xf32>
    %add3A_67 = arith.addf %reduce_sum3A_63, %get3A_66 : f32
    %broadcast_in_dim3A_68 = vector.broadcast %add3A_67 : f32 to vector<128xf32>
    %swap3A_69 = arith.constant 0 : index
    %swap3A_70 = vector.load %arg10[%swap3A_69] : memref<128xf32, #tpu.memory_space<vmem>>, vector<128xf32>
    tpu.vector_store %arg10[%swap3A_69], %broadcast_in_dim3A_68 {strides = array<i32>} : memref<128xf32, #tpu.memory_space<vmem>>, vector<128xf32>,
    return
  }
  func.func @transform_0(%arg0: i32) -> (i32, i32) {
    %c0_i32 = arith.constant 0 : i32
    %c0_i32_0 = arith.constant 0 : i32
    return %arg0, %c0_i32 : i32, i32
  }
  func.func @transform_1(%arg0: i32) -> (i32, i32) {
    %add3A = arith.constant 10 : i32
    %add3A_0 = arith.addi %add3A, %arg0 : i32
    %c0_i32 = arith.constant 0 : i32
    %c0_i32_1 = arith.constant 0 : i32
    return %add3A_0, %c0_i32 : i32, i32
  }
  func.func @transform_2(%arg0: i32) -> (i32, i32, i32) {
    %c0_i32 = arith.constant 0 : i32
    %c0_i32_0 = arith.constant 0 : i32
    %c0_i32_1 = arith.constant 0 : i32
    return %arg0, %c0_i32, %c0_i32_0 : i32, i32, i32
  }
  func.func @transform_3(%arg0: i32) -> i32 {
    %c0_i32 = arith.constant 0 : i32
    %c0_i32_0 = arith.constant 0 : i32
    return %c0_i32 : i32
  }
  func.func @transform_4(%arg0: i32) -> (i32, i32) {
    %c0_i32 = arith.constant 0 : i32
    %c0_i32_0 = arith.constant 0 : i32
    %c0_i32_1 = arith.constant 0 : i32
    return %c0_i32, %c0_i32_0 : i32, i32
  }
  func.func @transform_5(%arg0: i32) -> (i32, i32) {
    %c0_i32 = arith.constant 0 : i32
    %c0_i32_0 = arith.constant 0 : i32
    %c0_i32_1 = arith.constant 0 : i32
    return %c0_i32, %c0_i32_0 : i32, i32
  }
  func.func @transform_6(%arg0: i32) -> i32 {
    %c0_i32 = arith.constant 0 : i32
    %c0_i32_0 = arith.constant 0 : i32
    return %c0_i32 : i32
  }
  func.func @transform_7(%arg0: i32) -> i32 {
    %c0_i32 = arith.constant 0 : i32
    %c0_i32_0 = arith.constant 0 : i32
    return %c0_i32 : i32
  }
  func.func @transform_8(%arg0: i32) -> (i32, i32, i32) {
    %c0_i32 = arith.constant 0 : i32
    %c0_i32_0 = arith.constant 0 : i32
    %c0_i32_1 = arith.constant 0 : i32
    return %arg0, %c0_i32, %c0_i32_0 : i32, i32, i32
  }
  func.func @transform_9(%arg0: i32) -> i32 {
    %c0_i32 = arith.constant 0 : i32
    %c0_i32_0 = arith.constant 0 : i32
    return %c0_i32 : i32
  }
}

</mosaic_0001>

<sc_bundles>
// kernel: kernel.10.cloned.1.call-start
scs
__scs_entry_jumppad:
0x0: {  	(pc) =	sbr.rel $0x88, $3  }
0x1: {  	(tag) =	ssettag $0x0;
	lr =	simm.s32 $0x1  }
0x2: {  	[smem:$0x3F99] =	sst lr;
	_ =	strace $0xD0000000  }
0x3: {  	_ = 	snop  }
0x4: {  	_ = 	snop  }
0x5: {  	_ = 	snop  }
0x6: {  	_ = 	snop  }
0x7: {  	_ = 	snop  }
__scs_overlays_trampoline_lowered:
0x8: {  	[smem:$0x3FA8] =	sst s0  }
0x9: {  	[smem:$0x3FA9] =	sst s1  }
0xa: {  	[smem:$0x3FAA] =	sst s2  }
0xb: {  	[smem:$0x3FAB] =	sst s3  }
0xc: {  	[smem:$0x3FAC] =	sst s4  }
0xd: {  	[smem:$0x3FAD] =	sst s5  }
0xe: {  	[smem:$0x3FAE] =	sst s6  }
0xf: {  	[smem:$0x3FAF] =	sst s7  }
0x10: {  	[smem:$0x3FB0] =	sst s8  }
0x11: {  	[smem:$0x3FB1] =	sst s9;
	s0 =	simm.s32 @!p0 $0x0  }
0x12: {  	s1 =	sld [smem:$0x3F97];
	s0 =	simm.s32 @p0 $0x1  }
0x13: {  	[smem:$0x3FB2] =	sst s0;
	s0 =	simm.s32 @!p1 $0x0  }
0x14: {  	s2 =	sld [smem:$0x3F96];
	s0 =	simm.s32 @p1 $0x1  }
0x15: {  	[smem:$0x3FB3] =	sst s0;
	s0 =	simm.s32 @!p2 $0x0  }
0x16: {  	s3 =	sld [smem:$0x3FDB];
	s0 =	simm.s32 @p2 $0x1  }
0x17: {  	s4 =	simm.s32 $0x1BF5;
	[smem:$0x3FB5] =	sst s0  }
0x18: {  	s0 =	sld [smem:$0x3F98];
	_ =	swait.ge [sflag:s4], $0x0  }
0x19: {  	s7 =	sld [smem:$0x3F99]  }
0x1a: {  	s8 =	sadd.s32 $0xFFFFE003, lr  }
0x1b: {  	s9 =	sadd.s32 $0xFFFFFEF7, lr;
	s5 =	simm.s32 $0xFFFFFFFF;
	p2 =	slt.u32 s8, $0xFFFFF086  }
0x1c: {  	p1 =	slt.u32 s9, $0xF7A;
	s5 =	simm.s32 @!p2 $0x0  }
0x1d: {  	s5 =	simm.s32 @p1 $0x1;
	p0 =	seq.s32 s7, s2  }
0x1e: {  	s7 =	smul.u32 @!p0 $0xF7A, s2;
	p2 =	seq.s32 @!p0 s5, $0x0  }
0x1f: {  	s9 =	smul.u32 $0xF7A, s1;
	s8 =	simm.s32 @!p0 $0x1BF5;
	p2 =	por !p2, p0  }
0x20: {  	[sflag:s8] =	ssyncset.s32 @!p0 $0xFFFFF086;
	s6 =	sadd.s32 @!p0 s3, s7;
	s7 =	simm.s32 @!p0 $0x108  }
0x21: {  	s3 =	sadd.s32 s3, s9;
	s6 =	sadd.s32 @!p0 $0x88, s6;
	s7 =	simm.s32 @p2 $0x1082  }
0x22: {  	[simem:s7], [sflag:s8] =	dma.local @!p0 [hbm:s6], $0xF7A  }
0x23: {  	s9 =	sor.u32 $0xD0000000, s2;
	s6 =	simm.s32 $0x108;
	_ =	swait.ge @!p0 [sflag:s8], $0x0  }
0x24: {  	s3 =	sadd.s32 $0x88, s3;
	s6 =	simm.s32 @!p1 $0x1082;
	[sflag:s4] =	ssyncset.s32 $0xFFFFF086  }
0x25: {  	[simem:s6], [sflag:s4] =	dma.local [hbm:s3], $0xF7A  }
0x26: {  	[smem:$0x3F99] =	sst s1;
	(tag) =	ssettag s2;
	_ =	strace s9  }
0x27: {  	s1 =	sld [smem:$0x3FA9]  }
0x28: {  	s2 =	sld [smem:$0x3FAA]  }
0x29: {  	s4 =	sld [smem:$0x3FAC]  }
0x2a: {  	p0 =	seq.s32 s5, $0x0;
	s5 =	sld [smem:$0x3FAD]  }
0x2b: {  	s6 =	sld [smem:$0x3FAE]  }
0x2c: {  	s7 =	sld [smem:$0x3FAF]  }
0x2d: {  	s3 =	simm.s32 $0x108;
	s8 =	sld [smem:$0x3FB0]  }
0x2e: {  	s3 =	simm.s32 @!p0 $0x1082;
	s9 =	sld [smem:$0x3FB1]  }
0x2f: {  	lr =	sadd.s32 s0, s3;
	s0 =	sld [smem:$0x3FA8]  }
0x30: {  	s3 =	sld [smem:$0x3FAB]  }
0x31: {  	[smem:$0x3FB4] =	sst s10  }
0x32: {  	s10 =	sld [smem:$0x3FB2];
	_ =	sdelay $0x3  }
0x33: {  	p0 =	seq.s32 s10, $0x1;
	s10 =	sld [smem:$0x3FB4];
	_ =	sdelay $0x3  }
0x34: {  	[smem:$0x3FB4] =	sst s10  }
0x35: {  	s10 =	sld [smem:$0x3FB3];
	_ =	sdelay $0x3  }
0x36: {  	p1 =	seq.s32 s10, $0x1;
	s10 =	sld [smem:$0x3FB4];
	_ =	sdelay $0x3  }
0x37: {  	[smem:$0x3FB4] =	sst s10  }
0x38: {  	s10 =	sld [smem:$0x3FB5]  }
0x39: {  	_ = 	snop;
	(pc) =	sbr.ind lr, $3  }
0x3a: {  	_ = 	snop  }
0x3b: {  	_ = 	snop  }
0x3c: {  	p2 =	seq.s32 s10, $0x1;
	s10 =	sld [smem:$0x3FB4]  }
0x3d: {  	_ =	shalt  }
0x3e: {  	_ =	shalt  }
0x3f: {  	_ =	shalt  }
0x40: {  	_ =	shalt  }
0x41: {  	_ =	shalt  }
0x42: {  	_ =	shalt  }
0x43: {  	_ =	shalt  }
0x44: {  	_ =	shalt  }
0x45: {  	_ =	shalt  }
0x46: {  	_ =	shalt  }
0x47: {  	_ =	shalt  }
0x48: {  	_ =	shalt  }
0x49: {  	_ =	shalt  }
0x4a: {  	_ =	shalt  }
0x4b: {  	_ =	shalt  }
0x4c: {  	_ =	shalt  }
0x4d: {  	_ =	shalt  }
0x4e: {  	_ =	shalt  }
0x4f: {  	_ =	shalt  }
0x50: {  	_ =	shalt  }
0x51: {  	_ =	shalt  }
0x52: {  	_ =	shalt  }
0x53: {  	_ =	shalt  }
0x54: {  	_ =	shalt  }
0x55: {  	_ =	shalt  }
0x56: {  	_ =	shalt  }
0x57: {  	_ =	shalt  }
0x58: {  	_ =	shalt  }
0x59: {  	_ =	shalt  }
0x5a: {  	_ =	shalt  }
0x5b: {  	_ =	shalt  }
0x5c: {  	_ =	shalt  }
0x5d: {  	_ =	shalt  }
0x5e: {  	_ =	shalt  }
0x5f: {  	_ =	shalt  }
0x60: {  	_ =	shalt  }
0x61: {  	_ =	shalt  }
0x62: {  	_ =	shalt  }
0x63: {  	_ =	shalt  }
0x64: {  	_ =	shalt  }
0x65: {  	_ =	shalt  }
0x66: {  	_ =	shalt  }
0x67: {  	_ =	shalt  }
0x68: {  	_ =	shalt  }
0x69: {  	_ =	shalt  }
0x6a: {  	_ =	shalt  }
0x6b: {  	_ =	shalt  }
0x6c: {  	_ =	shalt  }
0x6d: {  	_ =	shalt  }
0x6e: {  	_ =	shalt  }
0x6f: {  	_ =	shalt  }
0x70: {  	_ =	shalt  }
0x71: {  	_ =	shalt  }
0x72: {  	_ =	shalt  }
0x73: {  	_ =	shalt  }
0x74: {  	_ =	shalt  }
0x75: {  	_ =	shalt  }
0x76: {  	_ =	shalt  }
0x77: {  	_ =	shalt  }
0x78: {  	_ =	shalt  }
0x79: {  	_ =	shalt  }
0x7a: {  	_ =	shalt  }
0x7b: {  	_ =	shalt  }
0x7c: {  	_ =	shalt  }
0x7d: {  	_ =	shalt  }
0x7e: {  	_ =	shalt  }
0x7f: {  	_ =	shalt  }
0x80: {  	_ =	shalt  }
0x81: {  	_ =	shalt  }
0x82: {  	_ =	shalt  }
0x83: {  	_ =	shalt  }
0x84: {  	_ =	shalt  }
0x85: {  	_ =	shalt  }
0x86: {  	_ =	shalt  }
0x87: {  	_ =	shalt  }
.Lfunc_end0:
.L_simem_size_0:
called_computation.1_lowered:
.L_overlay_start_0:
0x88: {  	s2 =	sld [smem:$0x3FD9]  }
0x89: {  	s3 =	sld [smem:$0x3FFE];
	_ =	sdelay $0x1  }
0x8a: {  	s1 =	srdreg.scid  }
0x8b: {  	s0 =	sand.u32 $0x1, s1  }
0x8c: {  	s16 =	sshll.u32 s0, $0xA;
	s2 =	sadd.s32 s3, s2  }
0x8d: {  	s2 =	sadd.s32 s2, s16  }
0x8e: {  	[smem:$0x3FC0] =	sst s2  }
0x8f: {  	_ = 	snop  }
0x90: {  	(tm) =	ssettm $0x1  }
0x91: {  	s17 =	sld [smem:$0x3FFB];
	_ =	sdelay $0x3  }
0x92: {  	_ =	strace s17  }
0x93: {  	s2 =	sld [smem:$0x3FFC];
	_ =	sdelay $0x3  }
0x94: {  	_ =	strace s2  }
0x95: {  	s2 =	sld [smem:$0x3FFD];
	_ =	sdelay $0x3  }
0x96: {  	_ =	strace s2  }
0x97: {  	_ =	strace $0x8FFFFFFF  }
0x98: {  	s18 =	sld [smem:$0x3FDB];
	_ =	sdelay $0x1  }
0x99: {  	s19 =	simm.s32 $_scs_section_size  }
0x9a: {  	s4 =	simm.s32 $_size__tile_overlayer_lowered;
	s5 =	simm.s32 $_tile_overlayer_lowered  }
0x9b: {  	s22 =	simm.s32 $0x1BFF;
	s21 =	sshll.u32 s5, $0x1;
	s2 =	sadd.s32 s19, s18  }
0x9c: {  	s6 =	simm.s32 $0x0;
	s20 =	sshll.u32 s4, $0x1;
	s4 =	sadd.s32 s21, s2  }
0x9d: {  	[timem:s6], [sflag:s22] =	dma.local [hbm:s4], s20  }
0x9e: {  	_ =	swait.ge [sflag:s22], s20  }
0x9f: {  	s3 =	ssub.s32 $0x0, s20;
	[sflag:s22] =	ssyncset.done $0x0  }
0xa0: {  	[sflag:s22] =	ssyncadd.s32 s3;
	_ =	sdelay $0x1  }
0xa1: {  	s23 =	simm.s32 $0x1B8B  }
0xa2: {  	_ =	swait.ge [sflag:s23], $0x1  }
0xa3: {  	[sflag:s23] =	ssyncset.done $0x0  }
0xa4: {  	s25 =	simm.s32 $0x1B8E;
	s24 =	sld [smem:$0x3FFE];
	[sflag:s23] =	ssyncadd.s32 $0xFFFFFFFF  }
0xa5: {  	s26 =	simm.s32 $execute0_lowered;
	[smem:$0x3FD2] =	sst s25  }
0xa6: {  	s4 =	sshll.u32 s26, $0x1;
	_ =	strace $0x80000049;
	[dreg:$0x1] =	wrdreg $0xFFFFFFFF  }
0xa7: {  	s28 =	simm.s32 $_size_execute0_lowered;
	s2 =	sadd.s32 s2, s4;
	[dreg:$0x0] =	wrdreg $0x0  }
0xa8: {  	s4 =	sshll.u32 s28, $0x1;
	[dreg:$0x2] =	wrdreg s2  }
0xa9: {  	[dreg:$0x3] =	wrdreg s4  }
0xaa: {  	[dreg:$0x4] =	wrdreg $0xC0  }
0xab: {  	_ =	task [dreg:s6], $0x5FFFF  }
0xac: {  	[dreg:$0x1] =	wrdreg $0xFFFFFFFF  }
0xad: {  	[dreg:$0x0] =	wrdreg $0x60  }
0xae: {  	[dreg:$0x2] =	wrdreg s24  }
0xaf: {  	[dreg:$0x3] =	wrdreg $0x13C400  }
0xb0: {  	[dreg:$0x4] =	wrdreg $0x9  }
0xb1: {  	_ =	task.clear_ibuf [dreg:s6], $0x5FFFF;
	_ =	strace $0x90000049  }
0xb2: {  	s29 =	simm.s32 $0x9;
	_ =	strace $0x8000004B  }
0xb3: {  	_ =	swait.ge [sflag:s29], $0x1  }
0xb4: {  	[sflag:s29] =	ssyncadd.s32 $0xFFFFFFFF  }
0xb5: {  	_ =	strace $0x9000004B  }
0xb6: {  	_ =	sfence  }
0xb7: {  	s30 =	sld [smem:$0x0];
	_ =	sdelay $0x2  }
0xb8: {  	s31 =	sshll.u32 s1, $0xD;
	s1 =	sshrl.u32 s1, $0x2  }
0xb9: {  	s3 =	sand.u32 $0x4000, s31;
	s1 =	sadd.s32 s1, s30  }
0xba: {  	s0 =	sor.u32 s3, s0;
	s1 =	sshll.u32 s1, $0x11  }
0xbb: {  	s0 =	sor.u32 s1, s0  }
0xbc: {  	s0 =	sadd.s32 $0x8F2B, s0  }
0xbd: {  	[sflag:s0] =	ssyncadd.remote.s32 $0x1  }
0xbe: {  	_ =	sfence.sel $0xFFFF  }
0xbf: {  	[dreg:$0x0] =	wrdreg $0xFFFFFFFF;
	(pc) =	sbr.abs _section_cstart, $3  }
0xc0: {  	[dreg:$0x1] =	wrdreg $0xFFFFFFFF  }
0xc1: {  	_ =	task.clear_ibuf [dreg:s6], $0x2FFFF;
	_ =	strace $0x9FFFFFFF  }
0xc2: {  	(tm) =	ssettm $0x7FFFFFFF  }
0xc3: {  	_ =	shalt  }
tec
execute0_lowered:
.L_overlay_start_1:
0x0: {  	(tag) =	ssettag $0x1  }
0x1: {  	s0 =	srdreg.scid;
	s1 =	rddreg [dreg:$0x0]  }
0x2: {  	s10 =	stileid.u32;
	s2 =	rddreg [dreg:$0x1];
	s3 =	simm.s32 $0x0  }
0x3: {  	s14 =	simm.s32 $0x7D;
	s15 =	simm.s32 $0xA000;
	s17 =	simm.s32 $0xBF40  }
0x4: {  	s19 =	simm.s32 $0xDE80;
	s21 =	simm.s32 $0xFDC0;
	s28 =	simm.s32 $0x4  }
0x5: {  	s29 =	simm.s32 $0x5;
	s30 =	simm.s32 $0x6;
	s5 =	smul.u32 $0x5000, s10  }
0x6: {  	s31 =	simm.s32 $0x7;
	s18 =	simm.s32 $0x0;
	s8 =	smul.u32 $0x271, s10  }
0x7: {  	s0 =	sand.u32 $0x1, s0;
	[smem:$0x7FF] =	sst s3;
	s23 =	smul.u32 $0x27100, s10  }
0x8: {  	s26 =	sshll.u32 s10, $0x6;
	s10 =	simm.s32 $0xB;
	s4 =	smul.u32 $0x50000, s0  }
0x9: {  	s6 =	smul.u32 $0x2710, s0;
	_ =	strace $0x8000004A;
	s0 =	ssub.s32 $0x2, s0  }
0xa: {  	s12 =	sor.u32 $0x1C0B, s26;
	s26 =	simm.s32 $0x3;
	s24 =	sshrl.u32 s0, $0x1  }
0xb: {  	s25 =	sshrl.u32 s23, $0x2;
	s23 =	simm.s32 $0x11D00;
	s7 =	sadd.s32 s5, s4  }
0xc: {  	s4 =	sadd.s32 $0x3C800, s1;
	s5 =	sshrl.u32 s5, $0x3;
	s6 =	sadd.s32 s8, s6  }
0xd: {  	s0 =	ssub.s32 s0, s24;
	s11 =	sadd.s32 s25, s2;
	s24 =	simm.s32 $0x1  }
0xe: {  	s25 =	simm.s32 $0x2;
	s7 =	sshrl.u32 s7, $0x3;
	s8 =	sshll.u32 s6, $0x3  }
0xf: {  	s9 =	sadd.s32 s5, s1;
	s13 =	sshrl.u32 s11, $0x3;
	s11 =	simm.s32 $0xA  }
0x10: {  	s7 =	sadd.s32 s7, s1;
	s1 =	sadd.s32 s8, s1;
	s6 =	sadd.s32 $0x32800, s9  }
0x11: {  	s9 =	smax.u32 s0, $0x1;
	s0 =	simm.s32 $0x9;
	s5 =	sadd.s32 $0x1E800, s7  }
0x12: {  	s7 =	sadd.s32 s4, s8;
	s8 =	sadd.s32 $0x63A00, s1;
	s1 =	simm.s32 $0x8  }
.LBB2_1:
0x13: {  	[tilespmem:s3], [sflag:$0xB] =	stream.linear.gather [hbm4b:s5+s3], $0x5000, $0x38;
	[tilespmem:$0x1D880] =	vst v63  }
0x14: {  	_ =	swait.ge [sflag:s10], $0x5000  }
0x15: {  	[sflag:s10] =	ssyncset.done $0x0  }
0x16: {  	s16 =	simm.s32 $0x5000;
	[sflag:s10] =	ssyncadd.s32 $0xFFFFB000  }
0x17: {  	[tilespmem:s16], [sflag:$0xB] =	stream.linear.gather [hbm4b:s6+s3], $0x5000, $0x38;
	[tilespmem:$0x1D880] =	vst v63  }
0x18: {  	_ =	swait.ge [sflag:s10], $0x5000  }
0x19: {  	[sflag:s10] =	ssyncset.done $0x0  }
0x1a: {  	[sflag:s10] =	ssyncadd.s32 $0xFFFFB000  }
0x1b: {  	[spmem:s13], [sflag:s12] =	dma.local [hbm:s7], $0x1388  }
0x1c: {  	_ =	swait.ge [sflag:s10], $0x1388  }
0x1d: {  	[sflag:s10] =	ssyncset.done $0x0  }
0x1e: {  	[sflag:s10] =	ssyncadd.s32 $0xFFFFEC78  }
0x1f: {  	[bflag:$0x0] =	sbarrier.arrive $0xFFFF  }
0x20: {  	[tilespmem:s15], [sflag:$0x1] =	stream.indirect.gather [hbm4b:s4+s14], $0x40, s3, s14, $0xb8;
	[tilespmem:$0x1D880] =	vst v63  }
0x21: {  	s20 =	simm.s32 $0x80  }
0x22: {  	[tilespmem:s17], [sflag:$0x2] =	stream.indirect.gather [hbm4b:s4+s14], $0x40, s20, s14, $0xb8;
	[tilespmem:$0x1D880] =	vst v63  }
0x23: {  	s22 =	simm.s32 $0x100  }
0x24: {  	[tilespmem:s19], [sflag:$0x3] =	stream.indirect.gather [hbm4b:s4+s14], $0x40, s22, s14, $0xb8;
	[tilespmem:$0x1D880] =	vst v63  }
0x25: {  	s20 =	simm.s32 $0x180  }
0x26: {  	[tilespmem:s21], [sflag:$0x4] =	stream.indirect.gather [hbm4b:s4+s14], $0x40, s20, s14, $0xb8;
	[tilespmem:$0x1D880] =	vst v63  }
0x27: {  	s22 =	simm.s32 $0x200  }
0x28: {  	[tilespmem:s23], [sflag:$0x5] =	stream.indirect.gather [hbm4b:s4+s14], $0x40, s22, s14, $0xb8;
	[tilespmem:$0x1D880] =	vst v63  }
0x29: {  	_ =	swait.ge [sflag:s24], $0x1F40  }
0x2a: {  	[sflag:s24] =	ssyncset.done $0x0  }
0x2b: {  	s20 =	simm.s32 $0x5000;
	[sflag:s24] =	ssyncadd.s32 $0xFFFFE0C0  }
0x2c: {  	[spmem:s2] =	stream.indirect.scatter.add.f32 [tilespmem:s15], [sflag:$0x6], $0x40, s20, s14, $0xb8;
	[tilespmem:$0x1D880] =	vst v63  }
0x2d: {  	_ =	swait.ge [sflag:s25], $0x1F40  }
0x2e: {  	[sflag:s25] =	ssyncset.done $0x0  }
0x2f: {  	s16 =	simm.s32 $0x5080;
	[sflag:s25] =	ssyncadd.s32 $0xFFFFE0C0  }
0x30: {  	[spmem:s2] =	stream.indirect.scatter.add.f32 [tilespmem:s17], [sflag:$0x7], $0x40, s16, s14, $0xb8;
	[tilespmem:$0x1D880] =	vst v63  }
0x31: {  	_ =	swait.ge [sflag:s26], $0x1F40  }
0x32: {  	[sflag:s26] =	ssyncset.done $0x0  }
0x33: {  	s22 =	simm.s32 $0x5100;
	[sflag:s26] =	ssyncadd.s32 $0xFFFFE0C0  }
0x34: {  	[spmem:s2] =	stream.indirect.scatter.add.f32 [tilespmem:s19], [sflag:$0x8], $0x40, s22, s14, $0xb8;
	[tilespmem:$0x1D880] =	vst v63  }
0x35: {  	_ =	swait.ge [sflag:s28], $0x1F40  }
0x36: {  	[sflag:s28] =	ssyncset.done $0x0  }
0x37: {  	s16 =	simm.s32 $0x5180;
	[sflag:s28] =	ssyncadd.s32 $0xFFFFE0C0  }
0x38: {  	[spmem:s2] =	stream.indirect.scatter.add.f32 [tilespmem:s21], [sflag:$0x9], $0x40, s16, s14, $0xb8;
	[tilespmem:$0x1D880] =	vst v63  }
0x39: {  	_ =	swait.ge [sflag:s29], $0x1F40  }
0x3a: {  	[sflag:s29] =	ssyncset.done $0x0  }
0x3b: {  	s22 =	simm.s32 $0x5200;
	[sflag:s29] =	ssyncadd.s32 $0xFFFFE0C0  }
0x3c: {  	[spmem:s2] =	stream.indirect.scatter.add.f32 [tilespmem:s23], [sflag:$0xA], $0x40, s22, s14, $0xb8;
	[tilespmem:$0x1D880] =	vst v63  }
0x3d: {  	_ =	swait.ge [sflag:s30], $0x1F40  }
0x3e: {  	[sflag:s30] =	ssyncset.done $0x0  }
0x3f: {  	s16 =	simm.s32 $0x280;
	[sflag:s30] =	ssyncadd.s32 $0xFFFFE0C0  }
0x40: {  	[tilespmem:s15], [sflag:$0x1] =	stream.indirect.gather [hbm4b:s4+s14], $0x40, s16, s14, $0xb8;
	[tilespmem:$0x1D880] =	vst v63  }
0x41: {  	_ =	swait.ge [sflag:s31], $0x1F40  }
0x42: {  	[sflag:s31] =	ssyncset.done $0x0  }
0x43: {  	s22 =	simm.s32 $0x300;
	[sflag:s31] =	ssyncadd.s32 $0xFFFFE0C0  }
0x44: {  	[tilespmem:s17], [sflag:$0x2] =	stream.indirect.gather [hbm4b:s4+s14], $0x40, s22, s14, $0xb8;
	[tilespmem:$0x1D880] =	vst v63  }
0x45: {  	_ =	swait.ge [sflag:s1], $0x1F40  }
0x46: {  	[sflag:s1] =	ssyncset.done $0x0  }
0x47: {  	s16 =	simm.s32 $0x380;
	[sflag:s1] =	ssyncadd.s32 $0xFFFFE0C0  }
0x48: {  	[tilespmem:s19], [sflag:$0x3] =	stream.indirect.gather [hbm4b:s4+s14], $0x40, s16, s14, $0xb8;
	[tilespmem:$0x1D880] =	vst v63  }
0x49: {  	_ =	swait.ge [sflag:s0], $0x1F40  }
0x4a: {  	[sflag:s0] =	ssyncset.done $0x0  }
0x4b: {  	s22 =	simm.s32 $0x400;
	[sflag:s0] =	ssyncadd.s32 $0xFFFFE0C0  }
0x4c: {  	[tilespmem:s21], [sflag:$0x4] =	stream.indirect.gather [hbm4b:s4+s14], $0x40, s22, s14, $0xb8;
	[tilespmem:$0x1D880] =	vst v63  }
0x4d: {  	_ =	swait.ge [sflag:s11], $0x1F40  }
0x4e: {  	[sflag:s11] =	ssyncset.done $0x0  }
0x4f: {  	s20 =	simm.s32 $0xA00;
	s22 =	simm.s32 $0x480;
	[sflag:s11] =	ssyncadd.s32 $0xFFFFE0C0  }
.LBB2_2:
0x50: {  	[tilespmem:s23], [sflag:$0x5] =	stream.indirect.gather [hbm4b:s4+s14], $0x40, s22, s14, $0xb8;
	[tilespmem:$0x1D880] =	vst v63  }
0x51: {  	s22 =	smov.u32 s20  }
0x52: {  	p0 =	sne.s32 s20, $0x12C00;
	s20 =	sadd.s32 $0xA00, s20;
	_ =	swait.ge [sflag:s24], $0x1F40  }
0x53: {  	s22 =	sshra.s32 s22, $0x2;
	[sflag:s24] =	ssyncset.done $0x0  }
0x54: {  	s16 =	sadd.s32 $0x5000, s22;
	[sflag:s24] =	ssyncadd.s32 $0xFFFFE0C0  }
0x55: {  	[spmem:s2] =	stream.indirect.scatter.add.f32 [tilespmem:s15], [sflag:$0x6], $0x40, s16, s14, $0xb8;
	[tilespmem:$0x1D880] =	vst v63  }
0x56: {  	_ =	swait.ge [sflag:s25], $0x1F40  }
0x57: {  	[sflag:s25] =	ssyncset.done $0x0  }
0x58: {  	s16 =	sadd.s32 $0x5080, s22;
	[sflag:s25] =	ssyncadd.s32 $0xFFFFE0C0  }
0x59: {  	[spmem:s2] =	stream.indirect.scatter.add.f32 [tilespmem:s17], [sflag:$0x7], $0x40, s16, s14, $0xb8;
	[tilespmem:$0x1D880] =	vst v63  }
0x5a: {  	_ =	swait.ge [sflag:s26], $0x1F40  }
0x5b: {  	[sflag:s26] =	ssyncset.done $0x0  }
0x5c: {  	s16 =	sadd.s32 $0x5100, s22;
	[sflag:s26] =	ssyncadd.s32 $0xFFFFE0C0  }
0x5d: {  	[spmem:s2] =	stream.indirect.scatter.add.f32 [tilespmem:s19], [sflag:$0x8], $0x40, s16, s14, $0xb8;
	[tilespmem:$0x1D880] =	vst v63  }
0x5e: {  	_ =	swait.ge [sflag:s28], $0x1F40  }
0x5f: {  	[sflag:s28] =	ssyncset.done $0x0  }
0x60: {  	s16 =	sadd.s32 $0x5180, s22;
	[sflag:s28] =	ssyncadd.s32 $0xFFFFE0C0  }
0x61: {  	[spmem:s2] =	stream.indirect.scatter.add.f32 [tilespmem:s21], [sflag:$0x9], $0x40, s16, s14, $0xb8;
	[tilespmem:$0x1D880] =	vst v63  }
0x62: {  	_ =	swait.ge [sflag:s29], $0x1F40  }
0x63: {  	[sflag:s29] =	ssyncset.done $0x0  }
0x64: {  	s16 =	sadd.s32 $0x5200, s22;
	[sflag:s29] =	ssyncadd.s32 $0xFFFFE0C0  }
0x65: {  	[spmem:s2] =	stream.indirect.scatter.add.f32 [tilespmem:s23], [sflag:$0xA], $0x40, s16, s14, $0xb8;
	[tilespmem:$0x1D880] =	vst v63  }
0x66: {  	_ =	swait.ge [sflag:s30], $0x1F40  }
0x67: {  	[sflag:s30] =	ssyncset.done $0x0  }
0x68: {  	s16 =	sadd.s32 $0x280, s22;
	[sflag:s30] =	ssyncadd.s32 $0xFFFFE0C0  }
0x69: {  	[tilespmem:s15], [sflag:$0x1] =	stream.indirect.gather [hbm4b:s4+s14], $0x40, s16, s14, $0xb8;
	[tilespmem:$0x1D880] =	vst v63  }
0x6a: {  	_ =	swait.ge [sflag:s31], $0x1F40  }
0x6b: {  	[sflag:s31] =	ssyncset.done $0x0  }
0x6c: {  	s16 =	sadd.s32 $0x300, s22;
	[sflag:s31] =	ssyncadd.s32 $0xFFFFE0C0  }
0x6d: {  	[tilespmem:s17], [sflag:$0x2] =	stream.indirect.gather [hbm4b:s4+s14], $0x40, s16, s14, $0xb8;
	[tilespmem:$0x1D880] =	vst v63  }
0x6e: {  	_ =	swait.ge [sflag:s1], $0x1F40  }
0x6f: {  	[sflag:s1] =	ssyncset.done $0x0  }
0x70: {  	s16 =	sadd.s32 $0x380, s22;
	[sflag:s1] =	ssyncadd.s32 $0xFFFFE0C0  }
0x71: {  	[tilespmem:s19], [sflag:$0x3] =	stream.indirect.gather [hbm4b:s4+s14], $0x40, s16, s14, $0xb8;
	[tilespmem:$0x1D880] =	vst v63  }
0x72: {  	_ =	swait.ge [sflag:s0], $0x1F40  }
0x73: {  	[sflag:s0] =	ssyncset.done $0x0  }
.Ltmp0:
0x74: {  	s16 =	sadd.s32 $0x400, s22;
	[sflag:s0] =	ssyncadd.s32 $0xFFFFE0C0;
	(pc) =	sbr.rel @p0 .LBB2_2-.Ltmp0, $4  }
0x75: {  	[tilespmem:s21], [sflag:$0x4] =	stream.indirect.gather [hbm4b:s4+s14], $0x40, s16, s14, $0xb8;
	[tilespmem:$0x1D880] =	vst v63  }
0x76: {  	_ =	swait.ge [sflag:s11], $0x1F40  }
0x77: {  	[sflag:s11] =	ssyncset.done $0x0  }
0x78: {  	s22 =	sadd.s32 $0x480, s22;
	[sflag:s11] =	ssyncadd.s32 $0xFFFFE0C0  }
0x79: {  	[tilespmem:s23], [sflag:$0x5] =	stream.indirect.gather [hbm4b:s4+s14], $0x40, s22, s14, $0xb8;
	[tilespmem:$0x1D880] =	vst v63  }
0x7a: {  	_ =	swait.ge [sflag:s24], $0x1F40  }
0x7b: {  	[sflag:s24] =	ssyncset.done $0x0  }
0x7c: {  	s16 =	simm.s32 $0x9D80;
	[sflag:s24] =	ssyncadd.s32 $0xFFFFE0C0  }
0x7d: {  	[spmem:s2] =	stream.indirect.scatter.add.f32 [tilespmem:s15], [sflag:$0x6], $0x40, s16, s14, $0xb8;
	[tilespmem:$0x1D880] =	vst v63  }
0x7e: {  	_ =	swait.ge [sflag:s25], $0x1F40  }
0x7f: {  	[sflag:s25] =	ssyncset.done $0x0  }
0x80: {  	s20 =	simm.s32 $0x9E00;
	[sflag:s25] =	ssyncadd.s32 $0xFFFFE0C0  }
0x81: {  	[spmem:s2] =	stream.indirect.scatter.add.f32 [tilespmem:s17], [sflag:$0x7], $0x40, s20, s14, $0xb8;
	[tilespmem:$0x1D880] =	vst v63  }
0x82: {  	_ =	swait.ge [sflag:s26], $0x1F40  }
0x83: {  	[sflag:s26] =	ssyncset.done $0x0  }
0x84: {  	s22 =	simm.s32 $0x9E80;
	[sflag:s26] =	ssyncadd.s32 $0xFFFFE0C0  }
0x85: {  	[spmem:s2] =	stream.indirect.scatter.add.f32 [tilespmem:s19], [sflag:$0x8], $0x40, s22, s14, $0xb8;
	[tilespmem:$0x1D880] =	vst v63  }
0x86: {  	_ =	swait.ge [sflag:s28], $0x1F40  }
0x87: {  	[sflag:s28] =	ssyncset.done $0x0  }
0x88: {  	s20 =	simm.s32 $0x9F00;
	[sflag:s28] =	ssyncadd.s32 $0xFFFFE0C0  }
0x89: {  	[spmem:s2] =	stream.indirect.scatter.add.f32 [tilespmem:s21], [sflag:$0x9], $0x40, s20, s14, $0xb8;
	[tilespmem:$0x1D880] =	vst v63  }
0x8a: {  	_ =	swait.ge [sflag:s29], $0x1F40  }
0x8b: {  	[sflag:s29] =	ssyncset.done $0x0  }
0x8c: {  	s22 =	simm.s32 $0x9F80;
	[sflag:s29] =	ssyncadd.s32 $0xFFFFE0C0  }
0x8d: {  	[spmem:s2] =	stream.indirect.scatter.add.f32 [tilespmem:s23], [sflag:$0xA], $0x40, s22, s14, $0xb8;
	[tilespmem:$0x1D880] =	vst v63  }
0x8e: {  	_ =	swait.ge [sflag:s30], $0x1F40  }
0x8f: {  	[sflag:s30] =	ssyncset.done $0x0  }
0x90: {  	[sflag:s30] =	ssyncadd.s32 $0xFFFFE0C0  }
0x91: {  	_ =	swait.ge [sflag:s31], $0x1F40  }
0x92: {  	[sflag:s31] =	ssyncset.done $0x0  }
0x93: {  	[sflag:s31] =	ssyncadd.s32 $0xFFFFE0C0  }
0x94: {  	_ =	swait.ge [sflag:s1], $0x1F40  }
0x95: {  	[sflag:s1] =	ssyncset.done $0x0  }
0x96: {  	[sflag:s1] =	ssyncadd.s32 $0xFFFFE0C0  }
0x97: {  	_ =	swait.ge [sflag:s0], $0x1F40  }
0x98: {  	[sflag:s0] =	ssyncset.done $0x0  }
0x99: {  	[sflag:s0] =	ssyncadd.s32 $0xFFFFE0C0  }
0x9a: {  	_ =	swait.ge [sflag:s11], $0x1F40  }
0x9b: {  	s18 =	sadd.s32 $0x1, s18;
	[sflag:s11] =	ssyncset.done $0x0  }
0x9c: {  	p0 =	sne.s32 s18, s9;
	[sflag:s11] =	ssyncadd.s32 $0xFFFFE0C0  }
.Ltmp1:
0x9d: {  	[bflag:$0x0] =	sbarrier.arrive $0xFFFF;
	(pc) =	sbr.rel @p0 .LBB2_1-.Ltmp1, $4  }
0x9e: {  	[hbm:s8], [sflag:s12] =	dma.local [spmem:s13], $0x1388  }
0x9f: {  	_ =	swait.ge [sflag:s10], $0x1388  }
0xa0: {  	[sflag:s10] =	ssyncset.done $0x0  }
0xa1: {  	[sflag:s10] =	ssyncadd.s32 $0xFFFFEC78  }
0xa2: {  	_ =	sfence.sel $0x180000  }
0xa3: {  	[bflag:$0x0] =	sbarrier.arrive $0xFFFF  }
0xa4: {  	_ =	strace $0x9000004A  }
0xa5: {  	s0 =	stileid.u32;
	[bflag:$0x2] =	sbarrier.arrive $0xFFFF  }
0xa6: {  	p0 =	sne.s32 s0, $0x0;
	s0 =	rddreg [dreg:$0x2]  }
0xa7: {  	s0 =	sadd.s32 @!p0 $0x100000, s0  }
0xa8: {  	[sflag:s0] =	ssyncadd.tile.s32 @!p0 $0x1;
	_ =	shalt  }
.Lfunc_end2:
_tile_overlayer_lowered:
.L_overlay_start_2:
0xa9: {  	(tag) =	ssettag $0x2  }
0xaa: {  	s0 =	rddreg [dreg:$0x0];
	s2 =	stileid.u32  }
0xab: {  	s1 =	rddreg [dreg:$0x1];
	p0 =	sne.s32 s2, $0x0  }
0xac: {  	s3 =	rddreg [dreg:$0x2];
	[bflag:$0x3] =	sbarrier.arrive $0xFFFF;
	s2 =	simm.s32 @!p0 $0x1C0B  }
0xad: {  	[timem:s3], [sflag:s2] =	dma.local @!p0 [hbm:s0], s1  }
0xae: {  	s0 =	simm.s32 @!p0 $0xB  }
0xaf: {  	_ =	swait.ge @!p0 [sflag:s0], s1  }
0xb0: {  	s1 =	ssub.s32 @!p0 $0x0, s1;
	[sflag:s0] =	ssyncset.done @!p0 $0x0  }
0xb1: {  	[sflag:s0] =	ssyncadd.s32 @!p0 s1  }
0xb2: {  	[bflag:$0x3] =	sbarrier.arrive $0xFFFF  }
0xb3: {  	_ =	shalt  }

// kernel: kernel.13.cloned.1.call-start
scs
__scs_entry_jumppad:
0x0: {  	(pc) =	sbr.rel $0x88, $3  }
0x1: {  	(tag) =	ssettag $0x0;
	lr =	simm.s32 $0x1  }
0x2: {  	[smem:$0x3F99] =	sst lr;
	_ =	strace $0xD0000000  }
0x3: {  	_ = 	snop  }
0x4: {  	_ = 	snop  }
0x5: {  	_ = 	snop  }
0x6: {  	_ = 	snop  }
0x7: {  	_ = 	snop  }
__scs_overlays_trampoline_lowered:
0x8: {  	[smem:$0x3FA8] =	sst s0  }
0x9: {  	[smem:$0x3FA9] =	sst s1  }
0xa: {  	[smem:$0x3FAA] =	sst s2  }
0xb: {  	[smem:$0x3FAB] =	sst s3  }
0xc: {  	[smem:$0x3FAC] =	sst s4  }
0xd: {  	[smem:$0x3FAD] =	sst s5  }
0xe: {  	[smem:$0x3FAE] =	sst s6  }
0xf: {  	[smem:$0x3FAF] =	sst s7  }
0x10: {  	[smem:$0x3FB0] =	sst s8  }
0x11: {  	[smem:$0x3FB1] =	sst s9;
	s0 =	simm.s32 @!p0 $0x0  }
0x12: {  	s1 =	sld [smem:$0x3F97];
	s0 =	simm.s32 @p0 $0x1  }
0x13: {  	[smem:$0x3FB2] =	sst s0;
	s0 =	simm.s32 @!p1 $0x0  }
0x14: {  	s2 =	sld [smem:$0x3F96];
	s0 =	simm.s32 @p1 $0x1  }
0x15: {  	[smem:$0x3FB3] =	sst s0;
	s0 =	simm.s32 @!p2 $0x0  }
0x16: {  	s3 =	sld [smem:$0x3FDB];
	s0 =	simm.s32 @p2 $0x1  }
0x17: {  	s4 =	simm.s32 $0x1BF5;
	[smem:$0x3FB5] =	sst s0  }
0x18: {  	s0 =	sld [smem:$0x3F98];
	_ =	swait.ge [sflag:s4], $0x0  }
0x19: {  	s7 =	sld [smem:$0x3F99]  }
0x1a: {  	s8 =	sadd.s32 $0xFFFFE003, lr  }
0x1b: {  	s9 =	sadd.s32 $0xFFFFFEF7, lr;
	s5 =	simm.s32 $0xFFFFFFFF;
	p2 =	slt.u32 s8, $0xFFFFF086  }
0x1c: {  	p1 =	slt.u32 s9, $0xF7A;
	s5 =	simm.s32 @!p2 $0x0  }
0x1d: {  	s5 =	simm.s32 @p1 $0x1;
	p0 =	seq.s32 s7, s2  }
0x1e: {  	s7 =	smul.u32 @!p0 $0xF7A, s2;
	p2 =	seq.s32 @!p0 s5, $0x0  }
0x1f: {  	s9 =	smul.u32 $0xF7A, s1;
	s8 =	simm.s32 @!p0 $0x1BF5;
	p2 =	por !p2, p0  }
0x20: {  	[sflag:s8] =	ssyncset.s32 @!p0 $0xFFFFF086;
	s6 =	sadd.s32 @!p0 s3, s7;
	s7 =	simm.s32 @!p0 $0x108  }
0x21: {  	s3 =	sadd.s32 s3, s9;
	s6 =	sadd.s32 @!p0 $0x88, s6;
	s7 =	simm.s32 @p2 $0x1082  }
0x22: {  	[simem:s7], [sflag:s8] =	dma.local @!p0 [hbm:s6], $0xF7A  }
0x23: {  	s9 =	sor.u32 $0xD0000000, s2;
	s6 =	simm.s32 $0x108;
	_ =	swait.ge @!p0 [sflag:s8], $0x0  }
0x24: {  	s3 =	sadd.s32 $0x88, s3;
	s6 =	simm.s32 @!p1 $0x1082;
	[sflag:s4] =	ssyncset.s32 $0xFFFFF086  }
0x25: {  	[simem:s6], [sflag:s4] =	dma.local [hbm:s3], $0xF7A  }
0x26: {  	[smem:$0x3F99] =	sst s1;
	(tag) =	ssettag s2;
	_ =	strace s9  }
0x27: {  	s1 =	sld [smem:$0x3FA9]  }
0x28: {  	s2 =	sld [smem:$0x3FAA]  }
0x29: {  	s4 =	sld [smem:$0x3FAC]  }
0x2a: {  	p0 =	seq.s32 s5, $0x0;
	s5 =	sld [smem:$0x3FAD]  }
0x2b: {  	s6 =	sld [smem:$0x3FAE]  }
0x2c: {  	s7 =	sld [smem:$0x3FAF]  }
0x2d: {  	s3 =	simm.s32 $0x108;
	s8 =	sld [smem:$0x3FB0]  }
0x2e: {  	s3 =	simm.s32 @!p0 $0x1082;
	s9 =	sld [smem:$0x3FB1]  }
0x2f: {  	lr =	sadd.s32 s0, s3;
	s0 =	sld [smem:$0x3FA8]  }
0x30: {  	s3 =	sld [smem:$0x3FAB]  }
0x31: {  	[smem:$0x3FB4] =	sst s10  }
0x32: {  	s10 =	sld [smem:$0x3FB2];
	_ =	sdelay $0x3  }
0x33: {  	p0 =	seq.s32 s10, $0x1;
	s10 =	sld [smem:$0x3FB4];
	_ =	sdelay $0x3  }
0x34: {  	[smem:$0x3FB4] =	sst s10  }
0x35: {  	s10 =	sld [smem:$0x3FB3];
	_ =	sdelay $0x3  }
0x36: {  	p1 =	seq.s32 s10, $0x1;
	s10 =	sld [smem:$0x3FB4];
	_ =	sdelay $0x3  }
0x37: {  	[smem:$0x3FB4] =	sst s10  }
0x38: {  	s10 =	sld [smem:$0x3FB5]  }
0x39: {  	_ = 	snop;
	(pc) =	sbr.ind lr, $3  }
0x3a: {  	_ = 	snop  }
0x3b: {  	_ = 	snop  }
0x3c: {  	p2 =	seq.s32 s10, $0x1;
	s10 =	sld [smem:$0x3FB4]  }
0x3d: {  	_ =	shalt  }
0x3e: {  	_ =	shalt  }
0x3f: {  	_ =	shalt  }
0x40: {  	_ =	shalt  }
0x41: {  	_ =	shalt  }
0x42: {  	_ =	shalt  }
0x43: {  	_ =	shalt  }
0x44: {  	_ =	shalt  }
0x45: {  	_ =	shalt  }
0x46: {  	_ =	shalt  }
0x47: {  	_ =	shalt  }
0x48: {  	_ =	shalt  }
0x49: {  	_ =	shalt  }
0x4a: {  	_ =	shalt  }
0x4b: {  	_ =	shalt  }
0x4c: {  	_ =	shalt  }
0x4d: {  	_ =	shalt  }
0x4e: {  	_ =	shalt  }
0x4f: {  	_ =	shalt  }
0x50: {  	_ =	shalt  }
0x51: {  	_ =	shalt  }
0x52: {  	_ =	shalt  }
0x53: {  	_ =	shalt  }
0x54: {  	_ =	shalt  }
0x55: {  	_ =	shalt  }
0x56: {  	_ =	shalt  }
0x57: {  	_ =	shalt  }
0x58: {  	_ =	shalt  }
0x59: {  	_ =	shalt  }
0x5a: {  	_ =	shalt  }
0x5b: {  	_ =	shalt  }
0x5c: {  	_ =	shalt  }
0x5d: {  	_ =	shalt  }
0x5e: {  	_ =	shalt  }
0x5f: {  	_ =	shalt  }
0x60: {  	_ =	shalt  }
0x61: {  	_ =	shalt  }
0x62: {  	_ =	shalt  }
0x63: {  	_ =	shalt  }
0x64: {  	_ =	shalt  }
0x65: {  	_ =	shalt  }
0x66: {  	_ =	shalt  }
0x67: {  	_ =	shalt  }
0x68: {  	_ =	shalt  }
0x69: {  	_ =	shalt  }
0x6a: {  	_ =	shalt  }
0x6b: {  	_ =	shalt  }
0x6c: {  	_ =	shalt  }
0x6d: {  	_ =	shalt  }
0x6e: {  	_ =	shalt  }
0x6f: {  	_ =	shalt  }
0x70: {  	_ =	shalt  }
0x71: {  	_ =	shalt  }
0x72: {  	_ =	shalt  }
0x73: {  	_ =	shalt  }
0x74: {  	_ =	shalt  }
0x75: {  	_ =	shalt  }
0x76: {  	_ =	shalt  }
0x77: {  	_ =	shalt  }
0x78: {  	_ =	shalt  }
0x79: {  	_ =	shalt  }
0x7a: {  	_ =	shalt  }
0x7b: {  	_ =	shalt  }
0x7c: {  	_ =	shalt  }
0x7d: {  	_ =	shalt  }
0x7e: {  	_ =	shalt  }
0x7f: {  	_ =	shalt  }
0x80: {  	_ =	shalt  }
0x81: {  	_ =	shalt  }
0x82: {  	_ =	shalt  }
0x83: {  	_ =	shalt  }
0x84: {  	_ =	shalt  }
0x85: {  	_ =	shalt  }
0x86: {  	_ =	shalt  }
0x87: {  	_ =	shalt  }
.Lfunc_end0:
.L_simem_size_0:
called_computation.2_lowered:
.L_overlay_start_0:
0x88: {  	s2 =	sld [smem:$0x3FD9]  }
0x89: {  	s3 =	sld [smem:$0x3FFE];
	_ =	sdelay $0x1  }
0x8a: {  	s1 =	srdreg.scid  }
0x8b: {  	s0 =	sand.u32 $0x1, s1  }
0x8c: {  	s17 =	sshll.u32 s0, $0xA;
	s2 =	sadd.s32 s3, s2  }
0x8d: {  	s2 =	sadd.s32 s2, s17  }
0x8e: {  	[smem:$0x3FC0] =	sst s2  }
0x8f: {  	_ = 	snop  }
0x90: {  	s2 =	sld [smem:$0x3FD0];
	(tm) =	ssettm $0x1  }
0x91: {  	s18 =	sld [smem:$0x3FFB];
	_ =	sdelay $0x3  }
0x92: {  	_ =	strace s18  }
0x93: {  	s3 =	sld [smem:$0x3FFC];
	_ =	sdelay $0x3  }
0x94: {  	_ =	strace s3  }
0x95: {  	s3 =	sld [smem:$0x3FFD];
	_ =	sdelay $0x3  }
0x96: {  	_ =	strace s3  }
0x97: {  	_ =	strace $0x8FFFFFFF  }
0x98: {  	s19 =	sld [smem:$0x3FDB];
	_ =	sdelay $0x1  }
0x99: {  	s4 =	simm.s32 $_scs_section_size  }
0x9a: {  	s5 =	simm.s32 $_size__tile_overlayer_lowered;
	s6 =	simm.s32 $_tile_overlayer_lowered  }
0x9b: {  	s22 =	simm.s32 $0x1BFF;
	s21 =	sshll.u32 s6, $0x1;
	s3 =	sadd.s32 s4, s19  }
0x9c: {  	s7 =	simm.s32 $0x0;
	s20 =	sshll.u32 s5, $0x1;
	s5 =	sadd.s32 s21, s3  }
0x9d: {  	[timem:s7], [sflag:s22] =	dma.local [hbm:s5], s20  }
0x9e: {  	_ =	swait.ge [sflag:s22], s20  }
0x9f: {  	s4 =	ssub.s32 $0x0, s20;
	[sflag:s22] =	ssyncset.done $0x0  }
0xa0: {  	[sflag:s22] =	ssyncadd.s32 s4;
	_ =	sdelay $0x1  }
0xa1: {  	s23 =	simm.s32 $0x1B8B  }
0xa2: {  	_ =	swait.ge [sflag:s23], $0x1  }
0xa3: {  	[sflag:s23] =	ssyncset.done $0x0  }
0xa4: {  	s25 =	simm.s32 $0x1B8E;
	s24 =	sld [smem:$0x3FFE];
	[sflag:s23] =	ssyncadd.s32 $0xFFFFFFFF  }
0xa5: {  	s26 =	simm.s32 $execute0_lowered;
	[smem:$0x3FD2] =	sst s25  }
0xa6: {  	s5 =	sshll.u32 s26, $0x1;
	_ =	strace $0x8000004C;
	[dreg:$0x1] =	wrdreg $0xFFFFFFFF  }
0xa7: {  	s28 =	simm.s32 $_size_execute0_lowered;
	s3 =	sadd.s32 s3, s5;
	[dreg:$0x0] =	wrdreg $0x0  }
0xa8: {  	s5 =	sshll.u32 s28, $0x1;
	[dreg:$0x2] =	wrdreg s3  }
0xa9: {  	[dreg:$0x3] =	wrdreg s5  }
0xaa: {  	[dreg:$0x4] =	wrdreg $0xC0  }
0xab: {  	_ =	task [dreg:s7], $0x5FFFF  }
0xac: {  	[dreg:$0x1] =	wrdreg $0xFFFFFFFF  }
0xad: {  	[dreg:$0x0] =	wrdreg $0x60  }
0xae: {  	[dreg:$0x2] =	wrdreg s24  }
0xaf: {  	[dreg:$0x3] =	wrdreg s2  }
0xb0: {  	[dreg:$0x4] =	wrdreg $0x102D00  }
0xb1: {  	[dreg:$0x5] =	wrdreg $0x9  }
0xb2: {  	_ =	task.clear_ibuf [dreg:s7], $0x6FFFF;
	_ =	strace $0x9000004C  }
0xb3: {  	s29 =	simm.s32 $0x9;
	_ =	strace $0x8000004E  }
0xb4: {  	_ =	swait.ge [sflag:s29], $0x1  }
0xb5: {  	[sflag:s29] =	ssyncadd.s32 $0xFFFFFFFF  }
0xb6: {  	_ =	strace $0x9000004E  }
0xb7: {  	_ =	sfence  }
0xb8: {  	s30 =	sld [smem:$0x0];
	_ =	sdelay $0x2  }
0xb9: {  	s31 =	sshll.u32 s1, $0xD;
	s1 =	sshrl.u32 s1, $0x2  }
0xba: {  	s3 =	sand.u32 $0x4000, s31;
	s1 =	sadd.s32 s1, s30  }
0xbb: {  	s0 =	sor.u32 s3, s0;
	s1 =	sshll.u32 s1, $0x11  }
0xbc: {  	s0 =	sor.u32 s1, s0  }
0xbd: {  	s0 =	sadd.s32 $0x8F2B, s0  }
0xbe: {  	[sflag:s0] =	ssyncadd.remote.s32 $0x1  }
0xbf: {  	_ =	sfence.sel $0xFFFF  }
0xc0: {  	[dreg:$0x0] =	wrdreg $0xFFFFFFFF;
	(pc) =	sbr.abs _section_cstart, $3  }
0xc1: {  	[dreg:$0x1] =	wrdreg $0xFFFFFFFF  }
0xc2: {  	_ =	task.clear_ibuf [dreg:s7], $0x2FFFF;
	_ =	strace $0x9FFFFFFF  }
0xc3: {  	(tm) =	ssettm $0x7FFFFFFF  }
tec
execute0_lowered:
.L_overlay_start_1:
0x0: {  	(tag) =	ssettag $0x1  }
0x1: {  	s6 =	rddreg [dreg:$0x0]  }
0x2: {  	s12 =	rddreg [dreg:$0x1];
	s0 =	stileid.u32  }
0x3: {  	s1 =	srdreg.scid;
	s10 =	rddreg [dreg:$0x2];
	s2 =	simm.s32 $0x0  }
0x4: {  	s16 =	simm.s32 $0x2800;
	s17 =	simm.s32 $0x7620;
	s18 =	simm.s32 $0x140  }
0x5: {  	s19 =	simm.s32 $0xEC40;
	s20 =	simm.s32 $0x10040;
	s21 =	simm.s32 $0x10180  }
0x6: {  	s22 =	simm.s32 $0x10190;
	s23 =	simm.s32 $0x0;
	s4 =	smul.u32 $0x9C4, s0  }
0x7: {  	s7 =	sand.u32 $0x1, s1;
	s1 =	rddreg [dreg:$0x3];
	s8 =	smul.u32 $0x140, s0  }
0x8: {  	[smem:$0x7FF] =	sst s2;
	s3 =	sadd.s32 $0x15200, s6;
	s11 =	smul.u32 $0xA000, s0  }
0x9: {  	s5 =	smul.u32 $0x1400, s7;
	_ =	strace $0x8000004D;
	s7 =	ssub.s32 $0x2, s7  }
0xa: {  	s9 =	sadd.s32 s4, s6;
	s4 =	sadd.s32 $0x15800, s6;
	s30 =	sshrl.u32 s7, $0x1  }
0xb: {  	s31 =	sshrl.u32 s11, $0x2;
	s5 =	sadd.s32 s8, s5;
	s15 =	ssub.s32 s7, s30  }
0xc: {  	s7 =	sadd.s32 $0xAC00, s9;
	s8 =	sadd.s32 $0xE00, s9;
	s13 =	sshrl.u32 s5, $0x3  }
0xd: {  	s9 =	sadd.s32 s31, s10;
	s10 =	sadd.s32 s5, s10;
	s14 =	sadd.s32 s13, s6  }
0xe: {  	s6 =	sadd.s32 $0x15000, s6;
	s12 =	sadd.s32 s12, s13;
	s13 =	smax.u32 s15, $0x1  }
0xf: {  	s15 =	simm.s32 $0x1;
	s11 =	sadd.s32 $0x14A00, s14;
	s14 =	simm.s32 $0xC440  }
.LBB2_1:
0x10: {  	[tilespmem:s14], [sflag:$0x1] =	stream.linear.gather [hbm4b:s4+s2], $0x2800, $0x38;
	[tilespmem:$0x12AD0] =	vst v63  }
0x11: {  	_ =	swait.ge [sflag:s15], $0x2800  }
0x12: {  	[sflag:s15] =	ssyncset.done $0x0  }
0x13: {  	[sflag:s15] =	ssyncadd.s32 $0xFFFFD800  }
0x14: {  	[tilespmem:s2], [sflag:$0x1] =	stream.linear.gather [hbm4b:s3+s2], $0x2800, $0x38;
	[tilespmem:$0x12AD0] =	vst v63  }
0x15: {  	_ =	swait.ge [sflag:s15], $0x2800  }
0x16: {  	[sflag:s15] =	ssyncset.done $0x0  }
0x17: {  	[sflag:s15] =	ssyncadd.s32 $0xFFFFD800  }
0x18: {  	[tilespmem:s16], [sflag:$0x1] =	stream.linear.gather [hbm4b:s7+s2], $0x4E20, $0x38;
	[tilespmem:$0x12AD0] =	vst v63  }
0x19: {  	_ =	swait.ge [sflag:s15], $0x4E20  }
0x1a: {  	[sflag:s15] =	ssyncset.done $0x0  }
0x1b: {  	[sflag:s15] =	ssyncadd.s32 $0xFFFFB1E0  }
0x1c: {  	[tilespmem:s17], [sflag:$0x1] =	stream.linear.gather [hbm4b:s8+s2], $0x4E20, $0x38;
	[tilespmem:$0x12AD0] =	vst v63  }
0x1d: {  	_ =	swait.ge [sflag:s15], $0x4E20  }
0x1e: {  	[sflag:s15] =	ssyncset.done $0x0  }
0x1f: {  	s25 =	simm.s32 $0x0;
	s24 =	simm.s32 $0x40;
	[sflag:s15] =	ssyncadd.s32 $0xFFFFB1E0  }
.LBB2_2:
0x20: {  	p0 =	sne.s32 s24, $0x13840;
	v0 =	vld [tilespmem:s25+$0x2800];
	_ =	sdelay $0x5  }
0x21: {  	v1 =	vld [tilespmem:s25+$0x7620];
	_ =	sdelay $0x1  }
0x22: {  	v0 =	vld.idx.msk [tilespmem:v0+s2+$0x0], $0xffff;
	_ =	sdelay $0x1  }
.Ltmp0:
0x23: {  	(pc) =	sbr.rel @p0 .LBB2_2-.Ltmp0, $2  }
0x24: {  	_ =	sdelay $0x2  }
0x25: {  	s25 =	sshra.s32 s24, $0x2;
	s24 =	sadd.s32 $0x40, s24;
	[tilespmem:v1+s14+$0x0] =	vst.idx.add.f32.msk $0xffff, v0  }
0x26: {  	v0 =	vld [tilespmem:s25+$0x2800];
	_ =	sdelay $0x4  }
0x27: {  	v1 =	vld [tilespmem:s25+$0x7620];
	_ =	sdelay $0x2  }
0x28: {  	v0 =	vld.idx.msk [tilespmem:v0+s2+$0x0], $0xffff;
	_ =	sdelay $0x4  }
0x29: {  	[tilespmem:v1+s14+$0x0] =	vst.idx.add.f32.msk $0xffff, v0  }
0x2a: {  	[spmem:s9] =	stream.linear.scatter [tilespmem:s14], [sflag:$0x1], $0x2800, $0x38;
	[tilespmem:$0x12AD0] =	vst v63  }
0x2b: {  	_ =	swait.ge [sflag:s15], $0x2800  }
0x2c: {  	[sflag:s15] =	ssyncset.done $0x0  }
0x2d: {  	[sflag:s15] =	ssyncadd.s32 $0xFFFFD800  }
0x2e: {  	[bflag:$0x0] =	sbarrier.arrive $0xFFFF  }
0x2f: {  	[tilespmem:s19], [sflag:$0x1] =	stream.strided.gather [spmem:s10], $0x1400, s16, s18, $0x38;
	[tilespmem:$0x12AD0] =	vst v63  }
0x30: {  	_ =	swait.ge [sflag:s15], $0x1400  }
0x31: {  	[sflag:s15] =	ssyncset.done $0x0  }
0x32: {  	[sflag:s15] =	ssyncadd.s32 $0xFFFFEC00  }
0x33: {  	[tilespmem:s20], [sflag:$0x1] =	stream.linear.gather [hbm4b:s11+s2], $0x140, $0x38;
	[tilespmem:$0x12AD0] =	vst v63  }
0x34: {  	_ =	swait.ge [sflag:s15], $0x140  }
0x35: {  	[sflag:s15] =	ssyncset.done $0x0  }
0x36: {  	[sflag:s15] =	ssyncadd.s32 $0xFFFFFEC0  }
0x37: {  	[tilespmem:s21], [sflag:$0x1] =	stream.linear.gather [hbm4b:s6+s2], $0x10, $0x38;
	[tilespmem:$0x12AD0] =	vst v63  }
0x38: {  	_ =	swait.ge [sflag:s15], $0x10  }
0x39: {  	[sflag:s15] =	ssyncset.done $0x0  }
0x3a: {  	[sflag:s15] =	ssyncadd.s32 $0xFFFFFFF0  }
0x3b: {  	v6 =	vld [tilespmem:s5+$0x0]  }
0x3c: {  	v7 =	vld [tilespmem:$0xEC40];
	_ =	sdelay $0x1  }
0x3d: {  	v2 =	vld [tilespmem:$0xED80];
	_ =	sdelay $0x1  }
0x3e: {  	v3 =	vld [tilespmem:$0xEEC0]  }
0x3f: {  	v0 =	vadd.f32 v7, v6  }
0x40: {  	v8 =	vld [tilespmem:$0xF000]  }
0x41: {  	v0 =	vadd.f32 v2, v0  }
0x42: {  	v9 =	vld [tilespmem:$0xF140]  }
0x43: {  	v0 =	vadd.f32 v3, v0  }
0x44: {  	v10 =	vld [tilespmem:$0xF280]  }
0x45: {  	v0 =	vadd.f32 v8, v0  }
0x46: {  	v11 =	vld [tilespmem:$0xF3C0]  }
0x47: {  	v0 =	vadd.f32 v9, v0  }
0x48: {  	v12 =	vld [tilespmem:$0xF500]  }
0x49: {  	v0 =	vadd.f32 v10, v0  }
0x4a: {  	v13 =	vld [tilespmem:$0xF640]  }
0x4b: {  	v0 =	vadd.f32 v11, v0  }
0x4c: {  	v14 =	vld [tilespmem:$0xF780]  }
0x4d: {  	v0 =	vadd.f32 v12, v0  }
0x4e: {  	v15 =	vld [tilespmem:$0xF8C0]  }
0x4f: {  	v0 =	vadd.f32 v13, v0  }
0x50: {  	v16 =	vld [tilespmem:$0xFA00]  }
0x51: {  	v0 =	vadd.f32 v14, v0  }
0x52: {  	v17 =	vld [tilespmem:$0xFB40]  }
0x53: {  	v0 =	vadd.f32 v15, v0  }
0x54: {  	v18 =	vld [tilespmem:$0xFC80]  }
0x55: {  	v0 =	vadd.f32 v16, v0  }
0x56: {  	v19 =	vld [tilespmem:$0xFDC0]  }
0x57: {  	v0 =	vadd.f32 v17, v0  }
0x58: {  	v20 =	vld [tilespmem:$0xFF00]  }
0x59: {  	v0 =	vadd.f32 v18, v0  }
0x5a: {  	v21 =	vld [tilespmem:$0x10040]  }
0x5b: {  	v3 =	vadd.f32 v19, v0  }
0x5c: {  	v0 =	vld [tilespmem:$0x10180]  }
0x5d: {  	v1 =	vadd.f32 v20, v3;
	_ =	sdelay $0x1  }
0x5e: {  	v1 =	vmul.f32 v21, v1;
	_ =	sdelay $0x1  }
0x5f: {  	v1 =	vadd.f32 v1, v0;
	_ =	sdelay $0x1  }
0x60: {  	v22 =	vld [tilespmem:$0xEC50];
	[tilespmem:$0x10190] =	vst v1  }
0x61: {  	v1 =	vld [tilespmem:s5+$0x10];
	_ =	sdelay $0x1  }
0x62: {  	v23 =	vld [tilespmem:$0xED90];
	_ =	sdelay $0x1  }
0x63: {  	v4 =	vld [tilespmem:$0xEED0]  }
0x64: {  	v1 =	vadd.f32 v22, v1  }
0x65: {  	v24 =	vld [tilespmem:$0xF010]  }
0x66: {  	v1 =	vadd.f32 v23, v1  }
0x67: {  	v25 =	vld [tilespmem:$0xF150]  }
0x68: {  	v1 =	vadd.f32 v4, v1  }
0x69: {  	v26 =	vld [tilespmem:$0xF290]  }
0x6a: {  	v1 =	vadd.f32 v24, v1  }
0x6b: {  	v27 =	vld [tilespmem:$0xF3D0]  }
0x6c: {  	v1 =	vadd.f32 v25, v1  }
0x6d: {  	v28 =	vld [tilespmem:$0xF510]  }
0x6e: {  	v1 =	vadd.f32 v26, v1  }
0x6f: {  	v29 =	vld [tilespmem:$0xF650]  }
0x70: {  	v1 =	vadd.f32 v27, v1  }
0x71: {  	v30 =	vld [tilespmem:$0xF790]  }
0x72: {  	v1 =	vadd.f32 v28, v1  }
0x73: {  	v31 =	vld [tilespmem:$0xF8D0]  }
0x74: {  	v1 =	vadd.f32 v29, v1  }
0x75: {  	v32 =	vld [tilespmem:$0xFA10]  }
0x76: {  	v1 =	vadd.f32 v30, v1  }
0x77: {  	v33 =	vld [tilespmem:$0xFB50]  }
0x78: {  	v1 =	vadd.f32 v31, v1  }
0x79: {  	v34 =	vld [tilespmem:$0xFC90]  }
0x7a: {  	v1 =	vadd.f32 v32, v1  }
0x7b: {  	v35 =	vld [tilespmem:$0xFDD0]  }
0x7c: {  	v1 =	vadd.f32 v33, v1  }
0x7d: {  	v36 =	vld [tilespmem:$0xFF10]  }
0x7e: {  	v1 =	vadd.f32 v34, v1  }
0x7f: {  	v37 =	vld [tilespmem:$0x10050]  }
0x80: {  	v1 =	vadd.f32 v35, v1;
	_ =	sdelay $0x1  }
0x81: {  	v1 =	vadd.f32 v36, v1;
	_ =	sdelay $0x1  }
0x82: {  	v1 =	vmul.f32 v37, v1;
	_ =	sdelay $0x1  }
0x83: {  	v1 =	vadd.f32 v1, v0;
	_ =	sdelay $0x1  }
0x84: {  	v38 =	vld [tilespmem:$0xEC60];
	[tilespmem:$0x101A0] =	vst v1  }
0x85: {  	v1 =	vld [tilespmem:s5+$0x20];
	_ =	sdelay $0x1  }
0x86: {  	v39 =	vld [tilespmem:$0xEDA0];
	_ =	sdelay $0x1  }
0x87: {  	v40 =	vld [tilespmem:$0xEEE0]  }
0x88: {  	v1 =	vadd.f32 v38, v1  }
0x89: {  	v41 =	vld [tilespmem:$0xF020]  }
0x8a: {  	v1 =	vadd.f32 v39, v1  }
0x8b: {  	v42 =	vld [tilespmem:$0xF160]  }
0x8c: {  	v1 =	vadd.f32 v40, v1  }
0x8d: {  	v43 =	vld [tilespmem:$0xF2A0]  }
0x8e: {  	v1 =	vadd.f32 v41, v1  }
0x8f: {  	v44 =	vld [tilespmem:$0xF3E0]  }
0x90: {  	v1 =	vadd.f32 v42, v1  }
0x91: {  	v45 =	vld [tilespmem:$0xF520]  }
0x92: {  	v1 =	vadd.f32 v43, v1  }
0x93: {  	v46 =	vld [tilespmem:$0xF660]  }
0x94: {  	v1 =	vadd.f32 v44, v1  }
0x95: {  	v47 =	vld [tilespmem:$0xF7A0]  }
0x96: {  	v1 =	vadd.f32 v45, v1  }
0x97: {  	v48 =	vld [tilespmem:$0xF8E0]  }
0x98: {  	v1 =	vadd.f32 v46, v1  }
0x99: {  	v49 =	vld [tilespmem:$0xFA20]  }
0x9a: {  	v1 =	vadd.f32 v47, v1  }
0x9b: {  	v50 =	vld [tilespmem:$0xFB60]  }
0x9c: {  	v1 =	vadd.f32 v48, v1  }
0x9d: {  	v51 =	vld [tilespmem:$0xFCA0]  }
0x9e: {  	v1 =	vadd.f32 v49, v1  }
0x9f: {  	v52 =	vld [tilespmem:$0xFDE0]  }
0xa0: {  	v1 =	vadd.f32 v50, v1  }
0xa1: {  	v53 =	vld [tilespmem:$0xFF20]  }
0xa2: {  	v1 =	vadd.f32 v51, v1  }
0xa3: {  	v54 =	vld [tilespmem:$0x10060]  }
0xa4: {  	v1 =	vadd.f32 v52, v1;
	_ =	sdelay $0x1  }
0xa5: {  	v1 =	vadd.f32 v53, v1;
	_ =	sdelay $0x1  }
0xa6: {  	v1 =	vmul.f32 v54, v1;
	_ =	sdelay $0x1  }
0xa7: {  	v1 =	vadd.f32 v1, v0;
	_ =	sdelay $0x1  }
0xa8: {  	v55 =	vld [tilespmem:$0xEC70];
	[tilespmem:$0x101B0] =	vst v1  }
0xa9: {  	v1 =	vld [tilespmem:s5+$0x30];
	_ =	sdelay $0x1  }
0xaa: {  	v56 =	vld [tilespmem:$0xEDB0];
	_ =	sdelay $0x1  }
0xab: {  	v57 =	vld [tilespmem:$0xEEF0]  }
0xac: {  	v1 =	vadd.f32 v55, v1  }
0xad: {  	v58 =	vld [tilespmem:$0xF030]  }
0xae: {  	v1 =	vadd.f32 v56, v1  }
0xaf: {  	v59 =	vld [tilespmem:$0xF170]  }
0xb0: {  	v1 =	vadd.f32 v57, v1  }
0xb1: {  	v60 =	vld [tilespmem:$0xF2B0]  }
0xb2: {  	v1 =	vadd.f32 v58, v1  }
0xb3: {  	v61 =	vld [tilespmem:$0xF3F0]  }
0xb4: {  	v1 =	vadd.f32 v59, v1  }
0xb5: {  	v62 =	vld [tilespmem:$0xF530]  }
0xb6: {  	v1 =	vadd.f32 v60, v1  }
0xb7: {  	v63 =	vld [tilespmem:$0xF670]  }
0xb8: {  	v1 =	vadd.f32 v61, v1  }
0xb9: {  	v8 =	vld [tilespmem:$0xF7B0]  }
0xba: {  	v1 =	vadd.f32 v62, v1  }
0xbb: {  	v9 =	vld [tilespmem:$0xF8F0]  }
0xbc: {  	v1 =	vadd.f32 v63, v1  }
0xbd: {  	v10 =	vld [tilespmem:$0xFA30]  }
0xbe: {  	v1 =	vadd.f32 v8, v1  }
0xbf: {  	v11 =	vld [tilespmem:$0xFB70]  }
0xc0: {  	v1 =	vadd.f32 v9, v1  }
0xc1: {  	v12 =	vld [tilespmem:$0xFCB0]  }
0xc2: {  	v1 =	vadd.f32 v10, v1  }
0xc3: {  	v13 =	vld [tilespmem:$0xFDF0]  }
0xc4: {  	v1 =	vadd.f32 v11, v1  }
0xc5: {  	v14 =	vld [tilespmem:$0xFF30]  }
0xc6: {  	v1 =	vadd.f32 v12, v1  }
0xc7: {  	v15 =	vld [tilespmem:$0x10070]  }
0xc8: {  	v1 =	vadd.f32 v13, v1;
	_ =	sdelay $0x1  }
0xc9: {  	v1 =	vadd.f32 v14, v1;
	_ =	sdelay $0x1  }
0xca: {  	v1 =	vmul.f32 v15, v1;
	_ =	sdelay $0x1  }
0xcb: {  	v1 =	vadd.f32 v1, v0;
	_ =	sdelay $0x1  }
0xcc: {  	v16 =	vld [tilespmem:$0xEC80];
	[tilespmem:$0x101C0] =	vst v1  }
0xcd: {  	v1 =	vld [tilespmem:s5+$0x40];
	_ =	sdelay $0x1  }
0xce: {  	v17 =	vld [tilespmem:$0xEDC0];
	_ =	sdelay $0x1  }
0xcf: {  	v18 =	vld [tilespmem:$0xEF00]  }
0xd0: {  	v1 =	vadd.f32 v16, v1  }
0xd1: {  	v19 =	vld [tilespmem:$0xF040]  }
0xd2: {  	v1 =	vadd.f32 v17, v1  }
0xd3: {  	v20 =	vld [tilespmem:$0xF180]  }
0xd4: {  	v1 =	vadd.f32 v18, v1  }
0xd5: {  	v21 =	vld [tilespmem:$0xF2C0]  }
0xd6: {  	v1 =	vadd.f32 v19, v1  }
0xd7: {  	v22 =	vld [tilespmem:$0xF400]  }
0xd8: {  	v1 =	vadd.f32 v20, v1  }
0xd9: {  	v23 =	vld [tilespmem:$0xF540]  }
0xda: {  	v1 =	vadd.f32 v21, v1  }
0xdb: {  	v24 =	vld [tilespmem:$0xF680]  }
0xdc: {  	v1 =	vadd.f32 v22, v1  }
0xdd: {  	v25 =	vld [tilespmem:$0xF7C0]  }
0xde: {  	v1 =	vadd.f32 v23, v1  }
0xdf: {  	v26 =	vld [tilespmem:$0xF900]  }
0xe0: {  	v1 =	vadd.f32 v24, v1  }
0xe1: {  	v27 =	vld [tilespmem:$0xFA40]  }
0xe2: {  	v1 =	vadd.f32 v25, v1  }
0xe3: {  	v28 =	vld [tilespmem:$0xFB80]  }
0xe4: {  	v1 =	vadd.f32 v26, v1  }
0xe5: {  	v29 =	vld [tilespmem:$0xFCC0]  }
0xe6: {  	v1 =	vadd.f32 v27, v1  }
0xe7: {  	v30 =	vld [tilespmem:$0xFE00]  }
0xe8: {  	v1 =	vadd.f32 v28, v1  }
0xe9: {  	v31 =	vld [tilespmem:$0xFF40]  }
0xea: {  	v1 =	vadd.f32 v29, v1  }
0xeb: {  	v32 =	vld [tilespmem:$0x10080]  }
0xec: {  	v1 =	vadd.f32 v30, v1;
	_ =	sdelay $0x1  }
0xed: {  	v1 =	vadd.f32 v31, v1;
	_ =	sdelay $0x1  }
0xee: {  	v1 =	vmul.f32 v32, v1;
	_ =	sdelay $0x1  }
0xef: {  	v1 =	vadd.f32 v1, v0;
	_ =	sdelay $0x1  }
0xf0: {  	v33 =	vld [tilespmem:$0xEC90];
	[tilespmem:$0x101D0] =	vst v1  }
0xf1: {  	v1 =	vld [tilespmem:s5+$0x50];
	_ =	sdelay $0x1  }
0xf2: {  	v34 =	vld [tilespmem:$0xEDD0];
	_ =	sdelay $0x1  }
0xf3: {  	v35 =	vld [tilespmem:$0xEF10]  }
0xf4: {  	v1 =	vadd.f32 v33, v1  }
0xf5: {  	v36 =	vld [tilespmem:$0xF050]  }
0xf6: {  	v1 =	vadd.f32 v34, v1  }
0xf7: {  	v37 =	vld [tilespmem:$0xF190]  }
0xf8: {  	v1 =	vadd.f32 v35, v1  }
0xf9: {  	v38 =	vld [tilespmem:$0xF2D0]  }
0xfa: {  	v1 =	vadd.f32 v36, v1  }
0xfb: {  	v39 =	vld [tilespmem:$0xF410]  }
0xfc: {  	v1 =	vadd.f32 v37, v1  }
0xfd: {  	v40 =	vld [tilespmem:$0xF550]  }
0xfe: {  	v1 =	vadd.f32 v38, v1  }
0xff: {  	v41 =	vld [tilespmem:$0xF690]  }
0x100: {  	v1 =	vadd.f32 v39, v1  }
0x101: {  	v42 =	vld [tilespmem:$0xF7D0]  }
0x102: {  	v1 =	vadd.f32 v40, v1  }
0x103: {  	v43 =	vld [tilespmem:$0xF910]  }
0x104: {  	v1 =	vadd.f32 v41, v1  }
0x105: {  	v44 =	vld [tilespmem:$0xFA50]  }
0x106: {  	v1 =	vadd.f32 v42, v1  }
0x107: {  	v45 =	vld [tilespmem:$0xFB90]  }
0x108: {  	v1 =	vadd.f32 v43, v1  }
0x109: {  	v46 =	vld [tilespmem:$0xFCD0]  }
0x10a: {  	v1 =	vadd.f32 v44, v1  }
0x10b: {  	v47 =	vld [tilespmem:$0xFE10]  }
0x10c: {  	v1 =	vadd.f32 v45, v1  }
0x10d: {  	v48 =	vld [tilespmem:$0xFF50]  }
0x10e: {  	v1 =	vadd.f32 v46, v1  }
0x10f: {  	v49 =	vld [tilespmem:$0x10090]  }
0x110: {  	v1 =	vadd.f32 v47, v1;
	_ =	sdelay $0x1  }
0x111: {  	v1 =	vadd.f32 v48, v1;
	_ =	sdelay $0x1  }
0x112: {  	v1 =	vmul.f32 v49, v1;
	_ =	sdelay $0x1  }
0x113: {  	v1 =	vadd.f32 v1, v0;
	_ =	sdelay $0x1  }
0x114: {  	v50 =	vld [tilespmem:$0xECA0];
	[tilespmem:$0x101E0] =	vst v1  }
0x115: {  	v1 =	vld [tilespmem:s5+$0x60];
	_ =	sdelay $0x1  }
0x116: {  	v51 =	vld [tilespmem:$0xEDE0];
	_ =	sdelay $0x1  }
0x117: {  	v52 =	vld [tilespmem:$0xEF20]  }
0x118: {  	v1 =	vadd.f32 v50, v1  }
0x119: {  	v53 =	vld [tilespmem:$0xF060]  }
0x11a: {  	v1 =	vadd.f32 v51, v1  }
0x11b: {  	v54 =	vld [tilespmem:$0xF1A0]  }
0x11c: {  	v1 =	vadd.f32 v52, v1  }
0x11d: {  	v55 =	vld [tilespmem:$0xF2E0]  }
0x11e: {  	v1 =	vadd.f32 v53, v1  }
0x11f: {  	v56 =	vld [tilespmem:$0xF420]  }
0x120: {  	v1 =	vadd.f32 v54, v1  }
0x121: {  	v57 =	vld [tilespmem:$0xF560]  }
0x122: {  	v1 =	vadd.f32 v55, v1  }
0x123: {  	v58 =	vld [tilespmem:$0xF6A0]  }
0x124: {  	v1 =	vadd.f32 v56, v1  }
0x125: {  	v59 =	vld [tilespmem:$0xF7E0]  }
0x126: {  	v1 =	vadd.f32 v57, v1  }
0x127: {  	v60 =	vld [tilespmem:$0xF920]  }
0x128: {  	v1 =	vadd.f32 v58, v1  }
0x129: {  	v61 =	vld [tilespmem:$0xFA60]  }
0x12a: {  	v1 =	vadd.f32 v59, v1  }
0x12b: {  	v62 =	vld [tilespmem:$0xFBA0]  }
0x12c: {  	v1 =	vadd.f32 v60, v1  }
0x12d: {  	v63 =	vld [tilespmem:$0xFCE0]  }
0x12e: {  	v1 =	vadd.f32 v61, v1  }
0x12f: {  	v8 =	vld [tilespmem:$0xFE20]  }
0x130: {  	v1 =	vadd.f32 v62, v1  }
0x131: {  	v9 =	vld [tilespmem:$0xFF60]  }
0x132: {  	v1 =	vadd.f32 v63, v1  }
0x133: {  	v10 =	vld [tilespmem:$0x100A0]  }
0x134: {  	v1 =	vadd.f32 v8, v1;
	_ =	sdelay $0x1  }
0x135: {  	v1 =	vadd.f32 v9, v1;
	_ =	sdelay $0x1  }
0x136: {  	v1 =	vmul.f32 v10, v1;
	_ =	sdelay $0x1  }
0x137: {  	v1 =	vadd.f32 v1, v0;
	_ =	sdelay $0x1  }
0x138: {  	v11 =	vld [tilespmem:$0xECB0];
	[tilespmem:$0x101F0] =	vst v1  }
0x139: {  	v1 =	vld [tilespmem:s5+$0x70];
	_ =	sdelay $0x1  }
0x13a: {  	v12 =	vld [tilespmem:$0xEDF0];
	_ =	sdelay $0x1  }
0x13b: {  	v13 =	vld [tilespmem:$0xEF30]  }
0x13c: {  	v1 =	vadd.f32 v11, v1  }
0x13d: {  	v14 =	vld [tilespmem:$0xF070]  }
0x13e: {  	v1 =	vadd.f32 v12, v1  }
0x13f: {  	v15 =	vld [tilespmem:$0xF1B0]  }
0x140: {  	v1 =	vadd.f32 v13, v1  }
0x141: {  	v16 =	vld [tilespmem:$0xF2F0]  }
0x142: {  	v1 =	vadd.f32 v14, v1  }
0x143: {  	v17 =	vld [tilespmem:$0xF430]  }
0x144: {  	v1 =	vadd.f32 v15, v1  }
0x145: {  	v18 =	vld [tilespmem:$0xF570]  }
0x146: {  	v1 =	vadd.f32 v16, v1  }
0x147: {  	v19 =	vld [tilespmem:$0xF6B0]  }
0x148: {  	v1 =	vadd.f32 v17, v1  }
0x149: {  	v20 =	vld [tilespmem:$0xF7F0]  }
0x14a: {  	v1 =	vadd.f32 v18, v1  }
0x14b: {  	v21 =	vld [tilespmem:$0xF930]  }
0x14c: {  	v1 =	vadd.f32 v19, v1  }
0x14d: {  	v22 =	vld [tilespmem:$0xFA70]  }
0x14e: {  	v1 =	vadd.f32 v20, v1  }
0x14f: {  	v23 =	vld [tilespmem:$0xFBB0]  }
0x150: {  	v1 =	vadd.f32 v21, v1  }
0x151: {  	v24 =	vld [tilespmem:$0xFCF0]  }
0x152: {  	v1 =	vadd.f32 v22, v1  }
0x153: {  	v25 =	vld [tilespmem:$0xFE30]  }
0x154: {  	v1 =	vadd.f32 v23, v1  }
0x155: {  	v26 =	vld [tilespmem:$0xFF70]  }
0x156: {  	v1 =	vadd.f32 v24, v1  }
0x157: {  	v27 =	vld [tilespmem:$0x100B0]  }
0x158: {  	v1 =	vadd.f32 v25, v1;
	_ =	sdelay $0x1  }
0x159: {  	v1 =	vadd.f32 v26, v1;
	_ =	sdelay $0x1  }
0x15a: {  	v1 =	vmul.f32 v27, v1;
	_ =	sdelay $0x1  }
0x15b: {  	v1 =	vadd.f32 v1, v0;
	_ =	sdelay $0x1  }
0x15c: {  	v28 =	vld [tilespmem:$0xECC0];
	[tilespmem:$0x10200] =	vst v1  }
0x15d: {  	v1 =	vld [tilespmem:s5+$0x80];
	_ =	sdelay $0x1  }
0x15e: {  	v29 =	vld [tilespmem:$0xEE00];
	_ =	sdelay $0x1  }
0x15f: {  	v30 =	vld [tilespmem:$0xEF40]  }
0x160: {  	v1 =	vadd.f32 v28, v1  }
0x161: {  	v31 =	vld [tilespmem:$0xF080]  }
0x162: {  	v1 =	vadd.f32 v29, v1  }
0x163: {  	v32 =	vld [tilespmem:$0xF1C0]  }
0x164: {  	v1 =	vadd.f32 v30, v1  }
0x165: {  	v33 =	vld [tilespmem:$0xF300]  }
0x166: {  	v1 =	vadd.f32 v31, v1  }
0x167: {  	v34 =	vld [tilespmem:$0xF440]  }
0x168: {  	v1 =	vadd.f32 v32, v1  }
0x169: {  	v35 =	vld [tilespmem:$0xF580]  }
0x16a: {  	v1 =	vadd.f32 v33, v1  }
0x16b: {  	v36 =	vld [tilespmem:$0xF6C0]  }
0x16c: {  	v1 =	vadd.f32 v34, v1  }
0x16d: {  	v37 =	vld [tilespmem:$0xF800]  }
0x16e: {  	v1 =	vadd.f32 v35, v1  }
0x16f: {  	v38 =	vld [tilespmem:$0xF940]  }
0x170: {  	v1 =	vadd.f32 v36, v1  }
0x171: {  	v39 =	vld [tilespmem:$0xFA80]  }
0x172: {  	v1 =	vadd.f32 v37, v1  }
0x173: {  	v40 =	vld [tilespmem:$0xFBC0]  }
0x174: {  	v1 =	vadd.f32 v38, v1  }
0x175: {  	v41 =	vld [tilespmem:$0xFD00]  }
0x176: {  	v1 =	vadd.f32 v39, v1  }
0x177: {  	v42 =	vld [tilespmem:$0xFE40]  }
0x178: {  	v1 =	vadd.f32 v40, v1  }
0x179: {  	v43 =	vld [tilespmem:$0xFF80]  }
0x17a: {  	v1 =	vadd.f32 v41, v1  }
0x17b: {  	v44 =	vld [tilespmem:$0x100C0]  }
0x17c: {  	v1 =	vadd.f32 v42, v1;
	_ =	sdelay $0x1  }
0x17d: {  	v1 =	vadd.f32 v43, v1;
	_ =	sdelay $0x1  }
0x17e: {  	v1 =	vmul.f32 v44, v1;
	_ =	sdelay $0x1  }
0x17f: {  	v1 =	vadd.f32 v1, v0;
	_ =	sdelay $0x1  }
0x180: {  	v45 =	vld [tilespmem:$0xECD0];
	[tilespmem:$0x10210] =	vst v1  }
0x181: {  	v1 =	vld [tilespmem:s5+$0x90];
	_ =	sdelay $0x1  }
0x182: {  	v46 =	vld [tilespmem:$0xEE10];
	_ =	sdelay $0x1  }
0x183: {  	v47 =	vld [tilespmem:$0xEF50]  }
0x184: {  	v1 =	vadd.f32 v45, v1  }
0x185: {  	v48 =	vld [tilespmem:$0xF090]  }
0x186: {  	v1 =	vadd.f32 v46, v1  }
0x187: {  	v49 =	vld [tilespmem:$0xF1D0]  }
0x188: {  	v1 =	vadd.f32 v47, v1  }
0x189: {  	v50 =	vld [tilespmem:$0xF310]  }
0x18a: {  	v1 =	vadd.f32 v48, v1  }
0x18b: {  	v51 =	vld [tilespmem:$0xF450]  }
0x18c: {  	v1 =	vadd.f32 v49, v1  }
0x18d: {  	v52 =	vld [tilespmem:$0xF590]  }
0x18e: {  	v1 =	vadd.f32 v50, v1  }
0x18f: {  	v53 =	vld [tilespmem:$0xF6D0]  }
0x190: {  	v1 =	vadd.f32 v51, v1  }
0x191: {  	v54 =	vld [tilespmem:$0xF810]  }
0x192: {  	v1 =	vadd.f32 v52, v1  }
0x193: {  	v55 =	vld [tilespmem:$0xF950]  }
0x194: {  	v1 =	vadd.f32 v53, v1  }
0x195: {  	v56 =	vld [tilespmem:$0xFA90]  }
0x196: {  	v1 =	vadd.f32 v54, v1  }
0x197: {  	v57 =	vld [tilespmem:$0xFBD0]  }
0x198: {  	v1 =	vadd.f32 v55, v1  }
0x199: {  	v58 =	vld [tilespmem:$0xFD10]  }
0x19a: {  	v1 =	vadd.f32 v56, v1  }
0x19b: {  	v59 =	vld [tilespmem:$0xFE50]  }
0x19c: {  	v1 =	vadd.f32 v57, v1  }
0x19d: {  	v60 =	vld [tilespmem:$0xFF90]  }
0x19e: {  	v1 =	vadd.f32 v58, v1  }
0x19f: {  	v61 =	vld [tilespmem:$0x100D0]  }
0x1a0: {  	v1 =	vadd.f32 v59, v1;
	_ =	sdelay $0x1  }
0x1a1: {  	v1 =	vadd.f32 v60, v1;
	_ =	sdelay $0x1  }
0x1a2: {  	v1 =	vmul.f32 v61, v1;
	_ =	sdelay $0x1  }
0x1a3: {  	v1 =	vadd.f32 v1, v0;
	_ =	sdelay $0x1  }
0x1a4: {  	v62 =	vld [tilespmem:$0xECE0];
	[tilespmem:$0x10220] =	vst v1  }
0x1a5: {  	v1 =	vld [tilespmem:s5+$0xA0];
	_ =	sdelay $0x1  }
0x1a6: {  	v63 =	vld [tilespmem:$0xEE20];
	_ =	sdelay $0x1  }
0x1a7: {  	v8 =	vld [tilespmem:$0xEF60]  }
0x1a8: {  	v1 =	vadd.f32 v62, v1  }
0x1a9: {  	v9 =	vld [tilespmem:$0xF0A0]  }
0x1aa: {  	v1 =	vadd.f32 v63, v1  }
0x1ab: {  	v10 =	vld [tilespmem:$0xF1E0]  }
0x1ac: {  	v1 =	vadd.f32 v8, v1  }
0x1ad: {  	v11 =	vld [tilespmem:$0xF320]  }
0x1ae: {  	v1 =	vadd.f32 v9, v1  }
0x1af: {  	v12 =	vld [tilespmem:$0xF460]  }
0x1b0: {  	v1 =	vadd.f32 v10, v1  }
0x1b1: {  	v13 =	vld [tilespmem:$0xF5A0]  }
0x1b2: {  	v1 =	vadd.f32 v11, v1  }
0x1b3: {  	v14 =	vld [tilespmem:$0xF6E0]  }
0x1b4: {  	v1 =	vadd.f32 v12, v1  }
0x1b5: {  	v15 =	vld [tilespmem:$0xF820]  }
0x1b6: {  	v1 =	vadd.f32 v13, v1  }
0x1b7: {  	v16 =	vld [tilespmem:$0xF960]  }
0x1b8: {  	v1 =	vadd.f32 v14, v1  }
0x1b9: {  	v17 =	vld [tilespmem:$0xFAA0]  }
0x1ba: {  	v1 =	vadd.f32 v15, v1  }
0x1bb: {  	v18 =	vld [tilespmem:$0xFBE0]  }
0x1bc: {  	v1 =	vadd.f32 v16, v1  }
0x1bd: {  	v19 =	vld [tilespmem:$0xFD20]  }
0x1be: {  	v1 =	vadd.f32 v17, v1  }
0x1bf: {  	v20 =	vld [tilespmem:$0xFE60]  }
0x1c0: {  	v1 =	vadd.f32 v18, v1  }
0x1c1: {  	v21 =	vld [tilespmem:$0xFFA0]  }
0x1c2: {  	v1 =	vadd.f32 v19, v1  }
0x1c3: {  	v22 =	vld [tilespmem:$0x100E0]  }
0x1c4: {  	v1 =	vadd.f32 v20, v1;
	_ =	sdelay $0x1  }
0x1c5: {  	v1 =	vadd.f32 v21, v1;
	_ =	sdelay $0x1  }
0x1c6: {  	v1 =	vmul.f32 v22, v1;
	_ =	sdelay $0x1  }
0x1c7: {  	v1 =	vadd.f32 v1, v0;
	_ =	sdelay $0x1  }
0x1c8: {  	v23 =	vld [tilespmem:$0xECF0];
	[tilespmem:$0x10230] =	vst v1  }
0x1c9: {  	v1 =	vld [tilespmem:s5+$0xB0];
	_ =	sdelay $0x1  }
0x1ca: {  	v24 =	vld [tilespmem:$0xEE30];
	_ =	sdelay $0x1  }
0x1cb: {  	v25 =	vld [tilespmem:$0xEF70]  }
0x1cc: {  	v1 =	vadd.f32 v23, v1  }
0x1cd: {  	v26 =	vld [tilespmem:$0xF0B0]  }
0x1ce: {  	v1 =	vadd.f32 v24, v1  }
0x1cf: {  	v27 =	vld [tilespmem:$0xF1F0]  }
0x1d0: {  	v1 =	vadd.f32 v25, v1  }
0x1d1: {  	v28 =	vld [tilespmem:$0xF330]  }
0x1d2: {  	v1 =	vadd.f32 v26, v1  }
0x1d3: {  	v29 =	vld [tilespmem:$0xF470]  }
0x1d4: {  	v1 =	vadd.f32 v27, v1  }
0x1d5: {  	v30 =	vld [tilespmem:$0xF5B0]  }
0x1d6: {  	v1 =	vadd.f32 v28, v1  }
0x1d7: {  	v31 =	vld [tilespmem:$0xF6F0]  }
0x1d8: {  	v1 =	vadd.f32 v29, v1  }
0x1d9: {  	v32 =	vld [tilespmem:$0xF830]  }
0x1da: {  	v1 =	vadd.f32 v30, v1  }
0x1db: {  	v33 =	vld [tilespmem:$0xF970]  }
0x1dc: {  	v1 =	vadd.f32 v31, v1  }
0x1dd: {  	v34 =	vld [tilespmem:$0xFAB0]  }
0x1de: {  	v1 =	vadd.f32 v32, v1  }
0x1df: {  	v35 =	vld [tilespmem:$0xFBF0]  }
0x1e0: {  	v1 =	vadd.f32 v33, v1  }
0x1e1: {  	v36 =	vld [tilespmem:$0xFD30]  }
0x1e2: {  	v1 =	vadd.f32 v34, v1  }
0x1e3: {  	v37 =	vld [tilespmem:$0xFE70]  }
0x1e4: {  	v1 =	vadd.f32 v35, v1  }
0x1e5: {  	v38 =	vld [tilespmem:$0xFFB0]  }
0x1e6: {  	v1 =	vadd.f32 v36, v1  }
0x1e7: {  	v39 =	vld [tilespmem:$0x100F0]  }
0x1e8: {  	v1 =	vadd.f32 v37, v1;
	_ =	sdelay $0x1  }
0x1e9: {  	v1 =	vadd.f32 v38, v1;
	_ =	sdelay $0x1  }
0x1ea: {  	v1 =	vmul.f32 v39, v1;
	_ =	sdelay $0x1  }
0x1eb: {  	v1 =	vadd.f32 v1, v0;
	_ =	sdelay $0x1  }
0x1ec: {  	v40 =	vld [tilespmem:$0xED00];
	[tilespmem:$0x10240] =	vst v1  }
0x1ed: {  	v1 =	vld [tilespmem:s5+$0xC0];
	_ =	sdelay $0x1  }
0x1ee: {  	v41 =	vld [tilespmem:$0xEE40];
	_ =	sdelay $0x1  }
0x1ef: {  	v42 =	vld [tilespmem:$0xEF80]  }
0x1f0: {  	v1 =	vadd.f32 v40, v1  }
0x1f1: {  	v43 =	vld [tilespmem:$0xF0C0]  }
0x1f2: {  	v1 =	vadd.f32 v41, v1  }
0x1f3: {  	v44 =	vld [tilespmem:$0xF200]  }
0x1f4: {  	v1 =	vadd.f32 v42, v1  }
0x1f5: {  	v45 =	vld [tilespmem:$0xF340]  }
0x1f6: {  	v1 =	vadd.f32 v43, v1  }
0x1f7: {  	v46 =	vld [tilespmem:$0xF480]  }
0x1f8: {  	v1 =	vadd.f32 v44, v1  }
0x1f9: {  	v47 =	vld [tilespmem:$0xF5C0]  }
0x1fa: {  	v1 =	vadd.f32 v45, v1  }
0x1fb: {  	v48 =	vld [tilespmem:$0xF700]  }
0x1fc: {  	v1 =	vadd.f32 v46, v1  }
0x1fd: {  	v49 =	vld [tilespmem:$0xF840]  }
0x1fe: {  	v1 =	vadd.f32 v47, v1  }
0x1ff: {  	v50 =	vld [tilespmem:$0xF980]  }
0x200: {  	v1 =	vadd.f32 v48, v1  }
0x201: {  	v51 =	vld [tilespmem:$0xFAC0]  }
0x202: {  	v1 =	vadd.f32 v49, v1  }
0x203: {  	v52 =	vld [tilespmem:$0xFC00]  }
0x204: {  	v1 =	vadd.f32 v50, v1  }
0x205: {  	v53 =	vld [tilespmem:$0xFD40]  }
0x206: {  	v1 =	vadd.f32 v51, v1  }
0x207: {  	v54 =	vld [tilespmem:$0xFE80]  }
0x208: {  	v1 =	vadd.f32 v52, v1  }
0x209: {  	v55 =	vld [tilespmem:$0xFFC0]  }
0x20a: {  	v1 =	vadd.f32 v53, v1  }
0x20b: {  	v56 =	vld [tilespmem:$0x10100]  }
0x20c: {  	v1 =	vadd.f32 v54, v1;
	_ =	sdelay $0x1  }
0x20d: {  	v1 =	vadd.f32 v55, v1;
	_ =	sdelay $0x1  }
0x20e: {  	v1 =	vmul.f32 v56, v1;
	_ =	sdelay $0x1  }
0x20f: {  	v1 =	vadd.f32 v1, v0;
	_ =	sdelay $0x1  }
0x210: {  	v57 =	vld [tilespmem:$0xED10];
	[tilespmem:$0x10250] =	vst v1  }
0x211: {  	v1 =	vld [tilespmem:s5+$0xD0];
	_ =	sdelay $0x1  }
0x212: {  	v58 =	vld [tilespmem:$0xEE50];
	_ =	sdelay $0x1  }
0x213: {  	v59 =	vld [tilespmem:$0xEF90]  }
0x214: {  	v1 =	vadd.f32 v57, v1  }
0x215: {  	v60 =	vld [tilespmem:$0xF0D0]  }
0x216: {  	v1 =	vadd.f32 v58, v1  }
0x217: {  	v61 =	vld [tilespmem:$0xF210]  }
0x218: {  	v1 =	vadd.f32 v59, v1  }
0x219: {  	v62 =	vld [tilespmem:$0xF350]  }
0x21a: {  	v1 =	vadd.f32 v60, v1  }
0x21b: {  	v63 =	vld [tilespmem:$0xF490]  }
0x21c: {  	v1 =	vadd.f32 v61, v1  }
0x21d: {  	v8 =	vld [tilespmem:$0xF5D0]  }
0x21e: {  	v1 =	vadd.f32 v62, v1  }
0x21f: {  	v9 =	vld [tilespmem:$0xF710]  }
0x220: {  	v1 =	vadd.f32 v63, v1  }
0x221: {  	v10 =	vld [tilespmem:$0xF850]  }
0x222: {  	v1 =	vadd.f32 v8, v1  }
0x223: {  	v11 =	vld [tilespmem:$0xF990]  }
0x224: {  	v1 =	vadd.f32 v9, v1  }
0x225: {  	v12 =	vld [tilespmem:$0xFAD0]  }
0x226: {  	v1 =	vadd.f32 v10, v1  }
0x227: {  	v13 =	vld [tilespmem:$0xFC10]  }
0x228: {  	v1 =	vadd.f32 v11, v1  }
0x229: {  	v14 =	vld [tilespmem:$0xFD50]  }
0x22a: {  	v1 =	vadd.f32 v12, v1  }
0x22b: {  	v15 =	vld [tilespmem:$0xFE90]  }
0x22c: {  	v1 =	vadd.f32 v13, v1  }
0x22d: {  	v16 =	vld [tilespmem:$0xFFD0]  }
0x22e: {  	v1 =	vadd.f32 v14, v1  }
0x22f: {  	v17 =	vld [tilespmem:$0x10110]  }
0x230: {  	v1 =	vadd.f32 v15, v1;
	_ =	sdelay $0x1  }
0x231: {  	v1 =	vadd.f32 v16, v1;
	_ =	sdelay $0x1  }
0x232: {  	v1 =	vmul.f32 v17, v1;
	_ =	sdelay $0x1  }
0x233: {  	v1 =	vadd.f32 v1, v0;
	_ =	sdelay $0x1  }
0x234: {  	v18 =	vld [tilespmem:$0xED20];
	[tilespmem:$0x10260] =	vst v1  }
0x235: {  	v1 =	vld [tilespmem:s5+$0xE0];
	_ =	sdelay $0x1  }
0x236: {  	v19 =	vld [tilespmem:$0xEE60];
	_ =	sdelay $0x1  }
0x237: {  	v20 =	vld [tilespmem:$0xEFA0]  }
0x238: {  	v1 =	vadd.f32 v18, v1  }
0x239: {  	v21 =	vld [tilespmem:$0xF0E0]  }
0x23a: {  	v1 =	vadd.f32 v19, v1  }
0x23b: {  	v22 =	vld [tilespmem:$0xF220]  }
0x23c: {  	v1 =	vadd.f32 v20, v1  }
0x23d: {  	v23 =	vld [tilespmem:$0xF360]  }
0x23e: {  	v1 =	vadd.f32 v21, v1  }
0x23f: {  	v24 =	vld [tilespmem:$0xF4A0]  }
0x240: {  	v1 =	vadd.f32 v22, v1  }
0x241: {  	v25 =	vld [tilespmem:$0xF5E0]  }
0x242: {  	v1 =	vadd.f32 v23, v1  }
0x243: {  	v26 =	vld [tilespmem:$0xF720]  }
0x244: {  	v1 =	vadd.f32 v24, v1  }
0x245: {  	v27 =	vld [tilespmem:$0xF860]  }
0x246: {  	v1 =	vadd.f32 v25, v1  }
0x247: {  	v28 =	vld [tilespmem:$0xF9A0]  }
0x248: {  	v1 =	vadd.f32 v26, v1  }
0x249: {  	v29 =	vld [tilespmem:$0xFAE0]  }
0x24a: {  	v1 =	vadd.f32 v27, v1  }
0x24b: {  	v30 =	vld [tilespmem:$0xFC20]  }
0x24c: {  	v1 =	vadd.f32 v28, v1  }
0x24d: {  	v31 =	vld [tilespmem:$0xFD60]  }
0x24e: {  	v1 =	vadd.f32 v29, v1  }
0x24f: {  	v32 =	vld [tilespmem:$0xFEA0]  }
0x250: {  	v1 =	vadd.f32 v30, v1  }
0x251: {  	v33 =	vld [tilespmem:$0xFFE0]  }
0x252: {  	v1 =	vadd.f32 v31, v1  }
0x253: {  	v34 =	vld [tilespmem:$0x10120]  }
0x254: {  	v1 =	vadd.f32 v32, v1;
	_ =	sdelay $0x1  }
0x255: {  	v1 =	vadd.f32 v33, v1;
	_ =	sdelay $0x1  }
0x256: {  	v1 =	vmul.f32 v34, v1;
	_ =	sdelay $0x1  }
0x257: {  	v1 =	vadd.f32 v1, v0;
	_ =	sdelay $0x1  }
0x258: {  	v35 =	vld [tilespmem:$0xED30];
	[tilespmem:$0x10270] =	vst v1  }
0x259: {  	v1 =	vld [tilespmem:s5+$0xF0];
	_ =	sdelay $0x1  }
0x25a: {  	v36 =	vld [tilespmem:$0xEE70];
	_ =	sdelay $0x1  }
0x25b: {  	v37 =	vld [tilespmem:$0xEFB0]  }
0x25c: {  	v1 =	vadd.f32 v35, v1  }
0x25d: {  	v38 =	vld [tilespmem:$0xF0F0]  }
0x25e: {  	v1 =	vadd.f32 v36, v1  }
0x25f: {  	v39 =	vld [tilespmem:$0xF230]  }
0x260: {  	v1 =	vadd.f32 v37, v1  }
0x261: {  	v40 =	vld [tilespmem:$0xF370]  }
0x262: {  	v1 =	vadd.f32 v38, v1  }
0x263: {  	v41 =	vld [tilespmem:$0xF4B0]  }
0x264: {  	v1 =	vadd.f32 v39, v1  }
0x265: {  	v42 =	vld [tilespmem:$0xF5F0]  }
0x266: {  	v1 =	vadd.f32 v40, v1  }
0x267: {  	v43 =	vld [tilespmem:$0xF730]  }
0x268: {  	v1 =	vadd.f32 v41, v1  }
0x269: {  	v44 =	vld [tilespmem:$0xF870]  }
0x26a: {  	v1 =	vadd.f32 v42, v1  }
0x26b: {  	v45 =	vld [tilespmem:$0xF9B0]  }
0x26c: {  	v1 =	vadd.f32 v43, v1  }
0x26d: {  	v46 =	vld [tilespmem:$0xFAF0]  }
0x26e: {  	v1 =	vadd.f32 v44, v1  }
0x26f: {  	v47 =	vld [tilespmem:$0xFC30]  }
0x270: {  	v1 =	vadd.f32 v45, v1  }
0x271: {  	v48 =	vld [tilespmem:$0xFD70]  }
0x272: {  	v1 =	vadd.f32 v46, v1  }
0x273: {  	v49 =	vld [tilespmem:$0xFEB0]  }
0x274: {  	v1 =	vadd.f32 v47, v1  }
0x275: {  	v50 =	vld [tilespmem:$0xFFF0]  }
0x276: {  	v1 =	vadd.f32 v48, v1  }
0x277: {  	v51 =	vld [tilespmem:$0x10130]  }
0x278: {  	v1 =	vadd.f32 v49, v1;
	_ =	sdelay $0x1  }
0x279: {  	v1 =	vadd.f32 v50, v1;
	_ =	sdelay $0x1  }
0x27a: {  	v1 =	vmul.f32 v51, v1;
	_ =	sdelay $0x1  }
0x27b: {  	v1 =	vadd.f32 v1, v0;
	_ =	sdelay $0x1  }
0x27c: {  	v52 =	vld [tilespmem:$0xED40];
	[tilespmem:$0x10280] =	vst v1  }
0x27d: {  	v1 =	vld [tilespmem:s5+$0x100];
	_ =	sdelay $0x1  }
0x27e: {  	v53 =	vld [tilespmem:$0xEE80];
	_ =	sdelay $0x1  }
0x27f: {  	v54 =	vld [tilespmem:$0xEFC0]  }
0x280: {  	v1 =	vadd.f32 v52, v1  }
0x281: {  	v55 =	vld [tilespmem:$0xF100]  }
0x282: {  	v1 =	vadd.f32 v53, v1  }
0x283: {  	v56 =	vld [tilespmem:$0xF240]  }
0x284: {  	v1 =	vadd.f32 v54, v1  }
0x285: {  	v57 =	vld [tilespmem:$0xF380]  }
0x286: {  	v1 =	vadd.f32 v55, v1  }
0x287: {  	v58 =	vld [tilespmem:$0xF4C0]  }
0x288: {  	v1 =	vadd.f32 v56, v1  }
0x289: {  	v59 =	vld [tilespmem:$0xF600]  }
0x28a: {  	v1 =	vadd.f32 v57, v1  }
0x28b: {  	v60 =	vld [tilespmem:$0xF740]  }
0x28c: {  	v1 =	vadd.f32 v58, v1  }
0x28d: {  	v61 =	vld [tilespmem:$0xF880]  }
0x28e: {  	v1 =	vadd.f32 v59, v1  }
0x28f: {  	v62 =	vld [tilespmem:$0xF9C0]  }
0x290: {  	v1 =	vadd.f32 v60, v1  }
0x291: {  	v63 =	vld [tilespmem:$0xFB00]  }
0x292: {  	v1 =	vadd.f32 v61, v1  }
0x293: {  	v8 =	vld [tilespmem:$0xFC40]  }
0x294: {  	v1 =	vadd.f32 v62, v1  }
0x295: {  	v9 =	vld [tilespmem:$0xFD80]  }
0x296: {  	v1 =	vadd.f32 v63, v1  }
0x297: {  	v10 =	vld [tilespmem:$0xFEC0]  }
0x298: {  	v1 =	vadd.f32 v8, v1  }
0x299: {  	v11 =	vld [tilespmem:$0x10000]  }
0x29a: {  	v1 =	vadd.f32 v9, v1  }
0x29b: {  	v12 =	vld [tilespmem:$0x10140]  }
0x29c: {  	v1 =	vadd.f32 v10, v1;
	_ =	sdelay $0x1  }
0x29d: {  	v1 =	vadd.f32 v11, v1;
	_ =	sdelay $0x1  }
0x29e: {  	v1 =	vmul.f32 v12, v1;
	_ =	sdelay $0x1  }
0x29f: {  	v1 =	vadd.f32 v1, v0;
	_ =	sdelay $0x1  }
0x2a0: {  	v13 =	vld [tilespmem:$0xED50];
	[tilespmem:$0x10290] =	vst v1  }
0x2a1: {  	v1 =	vld [tilespmem:s5+$0x110];
	_ =	sdelay $0x1  }
0x2a2: {  	v14 =	vld [tilespmem:$0xEE90];
	_ =	sdelay $0x1  }
0x2a3: {  	v15 =	vld [tilespmem:$0xEFD0]  }
0x2a4: {  	v1 =	vadd.f32 v13, v1  }
0x2a5: {  	v16 =	vld [tilespmem:$0xF110]  }
0x2a6: {  	v1 =	vadd.f32 v14, v1  }
0x2a7: {  	v17 =	vld [tilespmem:$0xF250]  }
0x2a8: {  	v1 =	vadd.f32 v15, v1  }
0x2a9: {  	v18 =	vld [tilespmem:$0xF390]  }
0x2aa: {  	v1 =	vadd.f32 v16, v1  }
0x2ab: {  	v19 =	vld [tilespmem:$0xF4D0]  }
0x2ac: {  	v1 =	vadd.f32 v17, v1  }
0x2ad: {  	v20 =	vld [tilespmem:$0xF610]  }
0x2ae: {  	v1 =	vadd.f32 v18, v1  }
0x2af: {  	v21 =	vld [tilespmem:$0xF750]  }
0x2b0: {  	v1 =	vadd.f32 v19, v1  }
0x2b1: {  	v22 =	vld [tilespmem:$0xF890]  }
0x2b2: {  	v1 =	vadd.f32 v20, v1  }
0x2b3: {  	v23 =	vld [tilespmem:$0xF9D0]  }
0x2b4: {  	v1 =	vadd.f32 v21, v1  }
0x2b5: {  	v24 =	vld [tilespmem:$0xFB10]  }
0x2b6: {  	v1 =	vadd.f32 v22, v1  }
0x2b7: {  	v25 =	vld [tilespmem:$0xFC50]  }
0x2b8: {  	v1 =	vadd.f32 v23, v1  }
0x2b9: {  	v26 =	vld [tilespmem:$0xFD90]  }
0x2ba: {  	v1 =	vadd.f32 v24, v1  }
0x2bb: {  	v27 =	vld [tilespmem:$0xFED0]  }
0x2bc: {  	v1 =	vadd.f32 v25, v1  }
0x2bd: {  	v28 =	vld [tilespmem:$0x10010]  }
0x2be: {  	v1 =	vadd.f32 v26, v1  }
0x2bf: {  	v29 =	vld [tilespmem:$0x10150]  }
0x2c0: {  	v1 =	vadd.f32 v27, v1;
	_ =	sdelay $0x1  }
0x2c1: {  	v1 =	vadd.f32 v28, v1;
	_ =	sdelay $0x1  }
0x2c2: {  	v1 =	vmul.f32 v29, v1;
	_ =	sdelay $0x1  }
0x2c3: {  	v1 =	vadd.f32 v1, v0;
	_ =	sdelay $0x1  }
0x2c4: {  	v30 =	vld [tilespmem:$0xED60];
	[tilespmem:$0x102A0] =	vst v1  }
0x2c5: {  	v1 =	vld [tilespmem:s5+$0x120];
	_ =	sdelay $0x1  }
0x2c6: {  	v31 =	vld [tilespmem:$0xEEA0];
	_ =	sdelay $0x1  }
0x2c7: {  	v32 =	vld [tilespmem:$0xEFE0]  }
0x2c8: {  	v1 =	vadd.f32 v30, v1  }
0x2c9: {  	v33 =	vld [tilespmem:$0xF120]  }
0x2ca: {  	v1 =	vadd.f32 v31, v1  }
0x2cb: {  	v34 =	vld [tilespmem:$0xF260]  }
0x2cc: {  	v1 =	vadd.f32 v32, v1  }
0x2cd: {  	v35 =	vld [tilespmem:$0xF3A0]  }
0x2ce: {  	v1 =	vadd.f32 v33, v1  }
0x2cf: {  	v36 =	vld [tilespmem:$0xF4E0]  }
0x2d0: {  	v1 =	vadd.f32 v34, v1  }
0x2d1: {  	v37 =	vld [tilespmem:$0xF620]  }
0x2d2: {  	v1 =	vadd.f32 v35, v1  }
0x2d3: {  	v38 =	vld [tilespmem:$0xF760]  }
0x2d4: {  	v1 =	vadd.f32 v36, v1  }
0x2d5: {  	v39 =	vld [tilespmem:$0xF8A0]  }
0x2d6: {  	v1 =	vadd.f32 v37, v1  }
0x2d7: {  	v40 =	vld [tilespmem:$0xF9E0]  }
0x2d8: {  	v1 =	vadd.f32 v38, v1  }
0x2d9: {  	v41 =	vld [tilespmem:$0xFB20]  }
0x2da: {  	v1 =	vadd.f32 v39, v1  }
0x2db: {  	v42 =	vld [tilespmem:$0xFC60]  }
0x2dc: {  	v1 =	vadd.f32 v40, v1  }
0x2dd: {  	v43 =	vld [tilespmem:$0xFDA0]  }
0x2de: {  	v1 =	vadd.f32 v41, v1  }
0x2df: {  	v44 =	vld [tilespmem:$0xFEE0]  }
0x2e0: {  	v1 =	vadd.f32 v42, v1  }
0x2e1: {  	v45 =	vld [tilespmem:$0x10020]  }
0x2e2: {  	v1 =	vadd.f32 v43, v1  }
0x2e3: {  	v46 =	vld [tilespmem:$0x10160]  }
0x2e4: {  	v1 =	vadd.f32 v44, v1;
	_ =	sdelay $0x1  }
0x2e5: {  	v1 =	vadd.f32 v45, v1;
	_ =	sdelay $0x1  }
0x2e6: {  	v1 =	vmul.f32 v46, v1;
	_ =	sdelay $0x1  }
0x2e7: {  	v1 =	vadd.f32 v1, v0;
	_ =	sdelay $0x1  }
0x2e8: {  	v47 =	vld [tilespmem:$0xED70];
	[tilespmem:$0x102B0] =	vst v1  }
0x2e9: {  	v1 =	vld [tilespmem:s5+$0x130];
	_ =	sdelay $0x1  }
0x2ea: {  	v48 =	vld [tilespmem:$0xEEB0];
	_ =	sdelay $0x1  }
0x2eb: {  	v49 =	vld [tilespmem:$0xEFF0]  }
0x2ec: {  	v1 =	vadd.f32 v47, v1  }
0x2ed: {  	v50 =	vld [tilespmem:$0xF130]  }
0x2ee: {  	v1 =	vadd.f32 v48, v1  }
0x2ef: {  	v51 =	vld [tilespmem:$0xF270]  }
0x2f0: {  	v1 =	vadd.f32 v49, v1  }
0x2f1: {  	v52 =	vld [tilespmem:$0xF3B0]  }
0x2f2: {  	v1 =	vadd.f32 v50, v1  }
0x2f3: {  	v53 =	vld [tilespmem:$0xF4F0]  }
0x2f4: {  	v1 =	vadd.f32 v51, v1  }
0x2f5: {  	v54 =	vld [tilespmem:$0xF630]  }
0x2f6: {  	v1 =	vadd.f32 v52, v1  }
0x2f7: {  	v55 =	vld [tilespmem:$0xF770]  }
0x2f8: {  	v1 =	vadd.f32 v53, v1  }
0x2f9: {  	v56 =	vld [tilespmem:$0xF8B0]  }
0x2fa: {  	v1 =	vadd.f32 v54, v1  }
0x2fb: {  	v57 =	vld [tilespmem:$0xF9F0]  }
0x2fc: {  	v1 =	vadd.f32 v55, v1  }
0x2fd: {  	v58 =	vld [tilespmem:$0xFB30]  }
0x2fe: {  	v1 =	vadd.f32 v56, v1  }
0x2ff: {  	v59 =	vld [tilespmem:$0xFC70]  }
0x300: {  	v1 =	vadd.f32 v57, v1  }
0x301: {  	v60 =	vld [tilespmem:$0xFDB0]  }
0x302: {  	v1 =	vadd.f32 v58, v1  }
0x303: {  	v61 =	vld [tilespmem:$0xFEF0]  }
0x304: {  	v1 =	vadd.f32 v59, v1  }
0x305: {  	v62 =	vld [tilespmem:$0x10030]  }
0x306: {  	v1 =	vadd.f32 v60, v1  }
0x307: {  	v63 =	vld [tilespmem:$0x10170]  }
0x308: {  	v1 =	vadd.f32 v61, v1;
	_ =	sdelay $0x1  }
0x309: {  	v1 =	vadd.f32 v62, v1;
	_ =	sdelay $0x1  }
0x30a: {  	v1 =	vmul.f32 v63, v1;
	_ =	sdelay $0x1  }
0x30b: {  	s23 =	sadd.s32 $0x1, s23;
	v0 =	vadd.f32 v1, v0  }
0x30c: {  	p0 =	sne.s32 s23, s13  }
.Ltmp1:
0x30d: {  	[tilespmem:$0x102C0] =	vst v0;
	(pc) =	sbr.rel @p0 .LBB2_1-.Ltmp1, $4  }
0x30e: {  	[hbm4b:s12+s2] =	stream.linear.scatter [tilespmem:s22], [sflag:$0x1], $0x140, $0x38;
	[tilespmem:$0x12AD0] =	vst v63  }
0x30f: {  	_ =	swait.ge [sflag:s15], $0x140  }
0x310: {  	[sflag:s15] =	ssyncset.done $0x0  }
0x311: {  	[sflag:s15] =	ssyncadd.s32 $0xFFFFFEC0  }
0x312: {  	_ =	sfence.sel $0x180000  }
0x313: {  	[bflag:$0x0] =	sbarrier.arrive $0xFFFF  }
0x314: {  	p0 =	sne.s32 s0, $0x0;
	_ =	strace $0x9000004D  }
0x315: {  	s0 =	sadd.s32 @!p0 $0x100000, s1;
	[bflag:$0x2] =	sbarrier.arrive $0xFFFF  }
0x316: {  	[sflag:s0] =	ssyncadd.tile.s32 @!p0 $0x1;
	_ =	shalt  }
.Lfunc_end2:
_tile_overlayer_lowered:
.L_overlay_start_2:
0x317: {  	(tag) =	ssettag $0x2  }
0x318: {  	s0 =	rddreg [dreg:$0x0];
	s2 =	stileid.u32  }
0x319: {  	s1 =	rddreg [dreg:$0x1];
	p0 =	sne.s32 s2, $0x0  }
0x31a: {  	s3 =	rddreg [dreg:$0x2];
	[bflag:$0x3] =	sbarrier.arrive $0xFFFF;
	s2 =	simm.s32 @!p0 $0x1C01  }
0x31b: {  	[timem:s3], [sflag:s2] =	dma.local @!p0 [hbm:s0], s1  }
0x31c: {  	s0 =	simm.s32 @!p0 $0x1  }
0x31d: {  	_ =	swait.ge @!p0 [sflag:s0], s1  }
0x31e: {  	s1 =	ssub.s32 @!p0 $0x0, s1;
	[sflag:s0] =	ssyncset.done @!p0 $0x0  }
0x31f: {  	[sflag:s0] =	ssyncadd.s32 @!p0 s1  }
0x320: {  	[bflag:$0x3] =	sbarrier.arrive $0xFFFF  }
0x321: {  	_ =	shalt  }

// kernel: kernel.7.cloned.1.call-start
scs
__scs_entry_jumppad:
0x0: {  	(pc) =	sbr.rel $0x88, $3  }
0x1: {  	(tag) =	ssettag $0x0;
	lr =	simm.s32 $0x1  }
0x2: {  	[smem:$0x3F99] =	sst lr;
	_ =	strace $0xD0000000  }
0x3: {  	_ = 	snop  }
0x4: {  	_ = 	snop  }
0x5: {  	_ = 	snop  }
0x6: {  	_ = 	snop  }
0x7: {  	_ = 	snop  }
__scs_overlays_trampoline_lowered:
0x8: {  	[smem:$0x3FA8] =	sst s0  }
0x9: {  	[smem:$0x3FA9] =	sst s1  }
0xa: {  	[smem:$0x3FAA] =	sst s2  }
0xb: {  	[smem:$0x3FAB] =	sst s3  }
0xc: {  	[smem:$0x3FAC] =	sst s4  }
0xd: {  	[smem:$0x3FAD] =	sst s5  }
0xe: {  	[smem:$0x3FAE] =	sst s6  }
0xf: {  	[smem:$0x3FAF] =	sst s7  }
0x10: {  	[smem:$0x3FB0] =	sst s8  }
0x11: {  	[smem:$0x3FB1] =	sst s9;
	s0 =	simm.s32 @!p0 $0x0  }
0x12: {  	s1 =	sld [smem:$0x3F97];
	s0 =	simm.s32 @p0 $0x1  }
0x13: {  	[smem:$0x3FB2] =	sst s0;
	s0 =	simm.s32 @!p1 $0x0  }
0x14: {  	s2 =	sld [smem:$0x3F96];
	s0 =	simm.s32 @p1 $0x1  }
0x15: {  	[smem:$0x3FB3] =	sst s0;
	s0 =	simm.s32 @!p2 $0x0  }
0x16: {  	s3 =	sld [smem:$0x3FDB];
	s0 =	simm.s32 @p2 $0x1  }
0x17: {  	s4 =	simm.s32 $0x1BF5;
	[smem:$0x3FB5] =	sst s0  }
0x18: {  	s0 =	sld [smem:$0x3F98];
	_ =	swait.ge [sflag:s4], $0x0  }
0x19: {  	s7 =	sld [smem:$0x3F99]  }
0x1a: {  	s8 =	sadd.s32 $0xFFFFE003, lr  }
0x1b: {  	s9 =	sadd.s32 $0xFFFFFEF7, lr;
	s5 =	simm.s32 $0xFFFFFFFF;
	p2 =	slt.u32 s8, $0xFFFFF086  }
0x1c: {  	p1 =	slt.u32 s9, $0xF7A;
	s5 =	simm.s32 @!p2 $0x0  }
0x1d: {  	s5 =	simm.s32 @p1 $0x1;
	p0 =	seq.s32 s7, s2  }
0x1e: {  	s7 =	smul.u32 @!p0 $0xF7A, s2;
	p2 =	seq.s32 @!p0 s5, $0x0  }
0x1f: {  	s9 =	smul.u32 $0xF7A, s1;
	s8 =	simm.s32 @!p0 $0x1BF5;
	p2 =	por !p2, p0  }
0x20: {  	[sflag:s8] =	ssyncset.s32 @!p0 $0xFFFFF086;
	s6 =	sadd.s32 @!p0 s3, s7;
	s7 =	simm.s32 @!p0 $0x108  }
0x21: {  	s3 =	sadd.s32 s3, s9;
	s6 =	sadd.s32 @!p0 $0x88, s6;
	s7 =	simm.s32 @p2 $0x1082  }
0x22: {  	[simem:s7], [sflag:s8] =	dma.local @!p0 [hbm:s6], $0xF7A  }
0x23: {  	s9 =	sor.u32 $0xD0000000, s2;
	s6 =	simm.s32 $0x108;
	_ =	swait.ge @!p0 [sflag:s8], $0x0  }
0x24: {  	s3 =	sadd.s32 $0x88, s3;
	s6 =	simm.s32 @!p1 $0x1082;
	[sflag:s4] =	ssyncset.s32 $0xFFFFF086  }
0x25: {  	[simem:s6], [sflag:s4] =	dma.local [hbm:s3], $0xF7A  }
0x26: {  	[smem:$0x3F99] =	sst s1;
	(tag) =	ssettag s2;
	_ =	strace s9  }
0x27: {  	s1 =	sld [smem:$0x3FA9]  }
0x28: {  	s2 =	sld [smem:$0x3FAA]  }
0x29: {  	s4 =	sld [smem:$0x3FAC]  }
0x2a: {  	p0 =	seq.s32 s5, $0x0;
	s5 =	sld [smem:$0x3FAD]  }
0x2b: {  	s6 =	sld [smem:$0x3FAE]  }
0x2c: {  	s7 =	sld [smem:$0x3FAF]  }
0x2d: {  	s3 =	simm.s32 $0x108;
	s8 =	sld [smem:$0x3FB0]  }
0x2e: {  	s3 =	simm.s32 @!p0 $0x1082;
	s9 =	sld [smem:$0x3FB1]  }
0x2f: {  	lr =	sadd.s32 s0, s3;
	s0 =	sld [smem:$0x3FA8]  }
0x30: {  	s3 =	sld [smem:$0x3FAB]  }
0x31: {  	[smem:$0x3FB4] =	sst s10  }
0x32: {  	s10 =	sld [smem:$0x3FB2];
	_ =	sdelay $0x3  }
0x33: {  	p0 =	seq.s32 s10, $0x1;
	s10 =	sld [smem:$0x3FB4];
	_ =	sdelay $0x3  }
0x34: {  	[smem:$0x3FB4] =	sst s10  }
0x35: {  	s10 =	sld [smem:$0x3FB3];
	_ =	sdelay $0x3  }
0x36: {  	p1 =	seq.s32 s10, $0x1;
	s10 =	sld [smem:$0x3FB4];
	_ =	sdelay $0x3  }
0x37: {  	[smem:$0x3FB4] =	sst s10  }
0x38: {  	s10 =	sld [smem:$0x3FB5]  }
0x39: {  	_ = 	snop;
	(pc) =	sbr.ind lr, $3  }
0x3a: {  	_ = 	snop  }
0x3b: {  	_ = 	snop  }
0x3c: {  	p2 =	seq.s32 s10, $0x1;
	s10 =	sld [smem:$0x3FB4]  }
0x3d: {  	_ =	shalt  }
0x3e: {  	_ =	shalt  }
0x3f: {  	_ =	shalt  }
0x40: {  	_ =	shalt  }
0x41: {  	_ =	shalt  }
0x42: {  	_ =	shalt  }
0x43: {  	_ =	shalt  }
0x44: {  	_ =	shalt  }
0x45: {  	_ =	shalt  }
0x46: {  	_ =	shalt  }
0x47: {  	_ =	shalt  }
0x48: {  	_ =	shalt  }
0x49: {  	_ =	shalt  }
0x4a: {  	_ =	shalt  }
0x4b: {  	_ =	shalt  }
0x4c: {  	_ =	shalt  }
0x4d: {  	_ =	shalt  }
0x4e: {  	_ =	shalt  }
0x4f: {  	_ =	shalt  }
0x50: {  	_ =	shalt  }
0x51: {  	_ =	shalt  }
0x52: {  	_ =	shalt  }
0x53: {  	_ =	shalt  }
0x54: {  	_ =	shalt  }
0x55: {  	_ =	shalt  }
0x56: {  	_ =	shalt  }
0x57: {  	_ =	shalt  }
0x58: {  	_ =	shalt  }
0x59: {  	_ =	shalt  }
0x5a: {  	_ =	shalt  }
0x5b: {  	_ =	shalt  }
0x5c: {  	_ =	shalt  }
0x5d: {  	_ =	shalt  }
0x5e: {  	_ =	shalt  }
0x5f: {  	_ =	shalt  }
0x60: {  	_ =	shalt  }
0x61: {  	_ =	shalt  }
0x62: {  	_ =	shalt  }
0x63: {  	_ =	shalt  }
0x64: {  	_ =	shalt  }
0x65: {  	_ =	shalt  }
0x66: {  	_ =	shalt  }
0x67: {  	_ =	shalt  }
0x68: {  	_ =	shalt  }
0x69: {  	_ =	shalt  }
0x6a: {  	_ =	shalt  }
0x6b: {  	_ =	shalt  }
0x6c: {  	_ =	shalt  }
0x6d: {  	_ =	shalt  }
0x6e: {  	_ =	shalt  }
0x6f: {  	_ =	shalt  }
0x70: {  	_ =	shalt  }
0x71: {  	_ =	shalt  }
0x72: {  	_ =	shalt  }
0x73: {  	_ =	shalt  }
0x74: {  	_ =	shalt  }
0x75: {  	_ =	shalt  }
0x76: {  	_ =	shalt  }
0x77: {  	_ =	shalt  }
0x78: {  	_ =	shalt  }
0x79: {  	_ =	shalt  }
0x7a: {  	_ =	shalt  }
0x7b: {  	_ =	shalt  }
0x7c: {  	_ =	shalt  }
0x7d: {  	_ =	shalt  }
0x7e: {  	_ =	shalt  }
0x7f: {  	_ =	shalt  }
0x80: {  	_ =	shalt  }
0x81: {  	_ =	shalt  }
0x82: {  	_ =	shalt  }
0x83: {  	_ =	shalt  }
0x84: {  	_ =	shalt  }
0x85: {  	_ =	shalt  }
0x86: {  	_ =	shalt  }
0x87: {  	_ =	shalt  }
.Lfunc_end0:
.L_simem_size_0:
called_computation_lowered:
.L_overlay_start_0:
0x88: {  	s2 =	sld [smem:$0x3FD9]  }
0x89: {  	s3 =	sld [smem:$0x3FFE];
	_ =	sdelay $0x1  }
0x8a: {  	s1 =	srdreg.scid  }
0x8b: {  	s0 =	sand.u32 $0x1, s1  }
0x8c: {  	s17 =	sshll.u32 s0, $0xA;
	s2 =	sadd.s32 s3, s2  }
0x8d: {  	s2 =	sadd.s32 s2, s17  }
0x8e: {  	[smem:$0x3FC0] =	sst s2  }
0x8f: {  	_ = 	snop  }
0x90: {  	s2 =	sld [smem:$0x3FD0];
	(tm) =	ssettm $0x1  }
0x91: {  	s18 =	sld [smem:$0x3FFB];
	_ =	sdelay $0x3  }
0x92: {  	_ =	strace s18  }
0x93: {  	s3 =	sld [smem:$0x3FFC];
	_ =	sdelay $0x3  }
0x94: {  	_ =	strace s3  }
0x95: {  	s3 =	sld [smem:$0x3FFD];
	_ =	sdelay $0x3  }
0x96: {  	_ =	strace s3  }
0x97: {  	_ =	strace $0x8FFFFFFF  }
0x98: {  	s19 =	sld [smem:$0x3FDB];
	_ =	sdelay $0x1  }
0x99: {  	s4 =	simm.s32 $_scs_section_size  }
0x9a: {  	s5 =	simm.s32 $_size__tile_overlayer_lowered;
	s6 =	simm.s32 $_tile_overlayer_lowered  }
0x9b: {  	s22 =	simm.s32 $0x1BFF;
	s21 =	sshll.u32 s6, $0x1;
	s3 =	sadd.s32 s4, s19  }
0x9c: {  	s7 =	simm.s32 $0x0;
	s20 =	sshll.u32 s5, $0x1;
	s5 =	sadd.s32 s21, s3  }
0x9d: {  	[timem:s7], [sflag:s22] =	dma.local [hbm:s5], s20  }
0x9e: {  	_ =	swait.ge [sflag:s22], s20  }
0x9f: {  	s4 =	ssub.s32 $0x0, s20;
	[sflag:s22] =	ssyncset.done $0x0  }
0xa0: {  	[sflag:s22] =	ssyncadd.s32 s4;
	_ =	sdelay $0x1  }
0xa1: {  	s23 =	simm.s32 $0x1B8B  }
0xa2: {  	_ =	swait.ge [sflag:s23], $0x1  }
0xa3: {  	[sflag:s23] =	ssyncset.done $0x0  }
0xa4: {  	s25 =	simm.s32 $0x1B8E;
	s24 =	sld [smem:$0x3FFE];
	[sflag:s23] =	ssyncadd.s32 $0xFFFFFFFF  }
0xa5: {  	s26 =	simm.s32 $execute0_lowered;
	[smem:$0x3FD2] =	sst s25  }
0xa6: {  	s5 =	sshll.u32 s26, $0x1;
	_ =	strace $0x80000046;
	[dreg:$0x1] =	wrdreg $0xFFFFFFFF  }
0xa7: {  	s28 =	simm.s32 $_size_execute0_lowered;
	s3 =	sadd.s32 s3, s5;
	[dreg:$0x0] =	wrdreg $0x0  }
0xa8: {  	s5 =	sshll.u32 s28, $0x1;
	[dreg:$0x2] =	wrdreg s3  }
0xa9: {  	[dreg:$0x3] =	wrdreg s5  }
0xaa: {  	[dreg:$0x4] =	wrdreg $0xC0  }
0xab: {  	_ =	task [dreg:s7], $0x5FFFF  }
0xac: {  	[dreg:$0x1] =	wrdreg $0xFFFFFFFF  }
0xad: {  	[dreg:$0x0] =	wrdreg $0x60  }
0xae: {  	[dreg:$0x2] =	wrdreg s24  }
0xaf: {  	[dreg:$0x3] =	wrdreg s2  }
0xb0: {  	[dreg:$0x4] =	wrdreg $0x9  }
0xb1: {  	_ =	task.clear_ibuf [dreg:s7], $0x5FFFF;
	_ =	strace $0x90000046  }
0xb2: {  	s29 =	simm.s32 $0x9;
	_ =	strace $0x80000048  }
0xb3: {  	_ =	swait.ge [sflag:s29], $0x1  }
0xb4: {  	[sflag:s29] =	ssyncadd.s32 $0xFFFFFFFF  }
0xb5: {  	_ =	strace $0x90000048  }
0xb6: {  	_ =	sfence  }
0xb7: {  	s30 =	sld [smem:$0x0];
	_ =	sdelay $0x2  }
0xb8: {  	s31 =	sshll.u32 s1, $0xD;
	s1 =	sshrl.u32 s1, $0x2  }
0xb9: {  	s3 =	sand.u32 $0x4000, s31;
	s1 =	sadd.s32 s1, s30  }
0xba: {  	s0 =	sor.u32 s3, s0;
	s1 =	sshll.u32 s1, $0x11  }
0xbb: {  	s0 =	sor.u32 s1, s0  }
0xbc: {  	s0 =	sadd.s32 $0x8F2B, s0  }
0xbd: {  	[sflag:s0] =	ssyncadd.remote.s32 $0x1  }
0xbe: {  	_ =	sfence.sel $0xFFFF  }
0xbf: {  	[dreg:$0x0] =	wrdreg $0xFFFFFFFF;
	(pc) =	sbr.abs _section_cstart, $3  }
0xc0: {  	[dreg:$0x1] =	wrdreg $0xFFFFFFFF  }
0xc1: {  	_ =	task.clear_ibuf [dreg:s7], $0x2FFFF;
	_ =	strace $0x9FFFFFFF  }
0xc2: {  	(tm) =	ssettm $0x7FFFFFFF  }
0xc3: {  	_ =	shalt  }
tec
execute0_lowered:
.L_overlay_start_1:
0x0: {  	(tag) =	ssettag $0x1  }
0x1: {  	s1 =	srdreg.scid;
	s0 =	stileid.u32  }
0x2: {  	s4 =	rddreg [dreg:$0x0];
	s5 =	sand.u32 $0x1, s1;
	s3 =	sshll.u32 s0, $0x1  }
0x3: {  	s2 =	rddreg [dreg:$0x1];
	s6 =	sor.u32 s5, s3  }
0x4: {  	s8 =	simm.s32 $0x1;
	s9 =	simm.s32 $0x0;
	s6 =	smul.u32 $0x4E2, s6  }
0x5: {  	s1 =	rddreg [dreg:$0x2];
	s3 =	simm.s32 $0x0;
	s5 =	ssub.s32 $0x2, s5  }
0x6: {  	[smem:$0x7FF] =	sst s3;
	s7 =	sshrl.u32 s5, $0x1;
	s6 =	sadd.s32 s6, s4  }
0x7: {  	_ =	strace $0x80000047;
	s7 =	ssub.s32 s5, s7;
	s4 =	sadd.s32 $0xE00, s6  }
0x8: {  	v0 =	vimm.f32 $1.000000000e+00;
	s5 =	sadd.s32 $0x14A00, s6;
	s6 =	smax.u32 s7, $0x1;
	s7 =	simm.s32 $0x2710  }
.LBB2_1:
0x9: {  	[tilespmem:s7], [sflag:$0x1] =	stream.linear.gather [hbm4b:s2+s3], $0x2710, $0x38;
	[tilespmem:$0x4E20] =	vst v63  }
0xa: {  	_ =	swait.ge [sflag:s8], $0x2710  }
0xb: {  	[sflag:s8] =	ssyncset.done $0x0  }
0xc: {  	[sflag:s8] =	ssyncadd.s32 $0xFFFFD8F0  }
0xd: {  	[tilespmem:s3], [sflag:$0x1] =	stream.linear.gather [hbm4b:s4+s3], $0x2710, $0x38;
	[tilespmem:$0x4E20] =	vst v63  }
0xe: {  	_ =	swait.ge [sflag:s8], $0x2710  }
0xf: {  	[sflag:s8] =	ssyncset.done $0x0  }
0x10: {  	s11 =	simm.s32 $0x0;
	s10 =	simm.s32 $0x40;
	[sflag:s8] =	ssyncadd.s32 $0xFFFFD8F0  }
.LBB2_2:
0x11: {  	p0 =	sne.s32 s10, $0x9C00;
	v1 =	vld [tilespmem:s11+$0x0];
	_ =	sdelay $0x3  }
.Ltmp0:
0x12: {  	(pc) =	sbr.rel @p0 .LBB2_2-.Ltmp0, $2  }
0x13: {  	_ =	sdelay $0x2  }
0x14: {  	s11 =	sshra.s32 s10, $0x2;
	s10 =	sadd.s32 $0x40, s10;
	[tilespmem:v1+s7+$0x0] =	vst.idx.add.f32.msk $0xffff, v0  }
0x15: {  	v1 =	vld [tilespmem:s11+$0x0];
	_ =	sdelay $0x5  }
0x16: {  	s9 =	sadd.s32 $0x1, s9  }
0x17: {  	p0 =	sne.s32 s9, s6  }
.Ltmp1:
0x18: {  	[tilespmem:v1+s7+$0x0] =	vst.idx.add.f32.msk $0xffff, v0;
	(pc) =	sbr.rel @p0 .LBB2_1-.Ltmp1, $4  }
0x19: {  	[hbm4b:s5+s3] =	stream.linear.scatter [tilespmem:s7], [sflag:$0x1], $0x2710, $0x38;
	[tilespmem:$0x4E20] =	vst v63  }
0x1a: {  	_ =	swait.ge [sflag:s8], $0x2710  }
0x1b: {  	[sflag:s8] =	ssyncset.done $0x0  }
0x1c: {  	[sflag:s8] =	ssyncadd.s32 $0xFFFFD8F0  }
0x1d: {  	_ =	sfence.sel $0x180000  }
0x1e: {  	[bflag:$0x0] =	sbarrier.arrive $0xFFFF  }
0x1f: {  	p0 =	sne.s32 s0, $0x0;
	_ =	strace $0x90000047  }
0x20: {  	s0 =	sadd.s32 @!p0 $0x100000, s1;
	[bflag:$0x2] =	sbarrier.arrive $0xFFFF  }
0x21: {  	[sflag:s0] =	ssyncadd.tile.s32 @!p0 $0x1;
	_ =	shalt  }
.Lfunc_end2:
_tile_overlayer_lowered:
.L_overlay_start_2:
0x22: {  	(tag) =	ssettag $0x2  }
0x23: {  	s0 =	rddreg [dreg:$0x0];
	s2 =	stileid.u32  }
0x24: {  	s1 =	rddreg [dreg:$0x1];
	p0 =	sne.s32 s2, $0x0  }
0x25: {  	s3 =	rddreg [dreg:$0x2];
	[bflag:$0x3] =	sbarrier.arrive $0xFFFF;
	s2 =	simm.s32 @!p0 $0x1C01  }
0x26: {  	[timem:s3], [sflag:s2] =	dma.local @!p0 [hbm:s0], s1  }
0x27: {  	s0 =	simm.s32 @!p0 $0x1  }
0x28: {  	_ =	swait.ge @!p0 [sflag:s0], s1  }
0x29: {  	s1 =	ssub.s32 @!p0 $0x0, s1;
	[sflag:s0] =	ssyncset.done @!p0 $0x0  }
0x2a: {  	[sflag:s0] =	ssyncadd.s32 @!p0 s1  }
0x2b: {  	[bflag:$0x3] =	sbarrier.arrive $0xFFFF  }
0x2c: {  	_ =	shalt  }

</sc_bundles>
